<compile_context>
chip_gen: v7x
topology: tpu7x:2x2x1
jax: 0.10.2.dev20260603
libtpu: 0.0.44.dev20260713+nightly
codegen_flags: <defaults>
</compile_context>

<pallas_src>
import functools

import jax
import jax.numpy as jnp
from jax.experimental import pallas as pl
from jax.experimental.pallas import tpu as pltpu
from jax.experimental.pallas import tpu_sc as plsc

RAD = 40
RAD2 = RAD * RAD
KWIN = 2 * RAD + 1
WG = 128
NSUB = 16
NCORE = 2


def _bce_body(lx_ref, ly_ref, fm_ref, out_ref, acc_ref, *, B, P, H, W, RB, NB):
    b = pl.program_id(0)
    blk = pl.program_id(1)
    CH = 16
    col = jax.lax.broadcasted_iota(jnp.int32, (CH, W), 1).astype(jnp.float32)
    riota = jax.lax.broadcasted_iota(jnp.int32, (CH, 1), 0).astype(jnp.float32)
    base = blk * RB

    def chunk_body(ci, acc):
        r0 = base + ci * CH
        pch = jax.lax.div(r0, H)
        i0 = r0 - pch * H
        xf = lx_ref[b, pch].astype(jnp.float32)
        yf = ly_ref[b, pch].astype(jnp.float32)
        ph = fm_ref[pl.ds(ci * CH, CH), :]
        dx = col - xf
        dyc = riota + (i0.astype(jnp.float32) - yf)
        inside = dyc * dyc + dx * dx <= float(RAD2)
        return acc + (jnp.maximum(ph, 0.0)
                      + jnp.log1p(jnp.exp(-jnp.abs(ph)))
                      - jnp.where(inside, ph, 0.0))

    acc = jax.lax.fori_loop(0, RB // CH, chunk_body,
                            jnp.zeros((CH, W), jnp.float32))
    bce_sum = jnp.sum(acc)

    @pl.when(jnp.logical_and(b == 0, blk == 0))
    def _init():
        acc_ref[0] = 0.0

    acc_ref[0] += bce_sum

    @pl.when(jnp.logical_and(b == B - 1, blk == NB - 1))
    def _fin():
        out_ref[0, 0] = acc_ref[0]


def _sc_body(fm_hbm, idx_hbm, aux_hbm, out_hbm, idx_vmem, aux_vmem, gbuf, acc,
             *, n_blocks, W):
    acc[...] = jnp.zeros((16,), jnp.float32)
    j_base = jax.lax.iota(jnp.int32, 16)
    c = jax.lax.axis_index("c")
    s = jax.lax.axis_index("s")
    inst = c * NSUB + s
    n_inst = NCORE * NSUB
    rounds = (n_blocks + n_inst - 1) // n_inst

    @pl.loop(0, rounds)
    def _(rd):
        i = inst + rd * n_inst

        @pl.when(i < n_blocks)
        def _blk():
            base = i * WG
            pltpu.sync_copy(idx_hbm.at[0, pl.ds(base, WG)], idx_vmem)
            pltpu.sync_copy(aux_hbm.at[:, pl.ds(base, WG)], aux_vmem)
            pltpu.sync_copy(fm_hbm.at[idx_vmem], gbuf)

            @pl.loop(0, WG // 16)
            def _(g):
                a_v = aux_vmem[0, pl.ds(g * 16, 16)]
                b_v = aux_vmem[1, pl.ds(g * 16, 16)]
                lo_v = aux_vmem[2, pl.ds(g * 16, 16)].astype(jnp.int32)
                hi_v = aux_vmem[3, pl.ds(g * 16, 16)].astype(jnp.int32)
                for r16 in range(16):
                    a_s = a_v[r16]
                    b_s = b_v[r16]
                    jlo_s = lo_v[r16]
                    jhi_s = hi_v[r16]
                    r = g * 16 + r16
                    vlo = jnp.minimum(jlo_s >> 4, (W >> 4) - 6)
                    for u in range(6):
                        v0 = (vlo + u) * 16
                        pred = gbuf[r, pl.ds(v0, 16)]
                        j = v0 + j_base
                        mask = (j >= jlo_s) & (j <= jhi_s)
                        tgt = a_s - b_s * j.astype(jnp.float32)
                        d = jnp.abs(pred - tgt)
                        acc[...] += jnp.where(mask, d, 0.0)

    rowi = c * NSUB + s
    pltpu.sync_copy(acc, out_hbm.at[rowi])


def _combine_body(bce_ref, sc_ref, aux_ref, out_ref, *, total, B):
    s_l1 = jnp.sum(sc_ref[...])
    widths = jnp.maximum(aux_ref[3, :] - aux_ref[2, :] + 1.0, 0.0)
    s_cnt = jnp.sum(widths) * 0.5
    s_bce = bce_ref[0, 0]
    out_ref[0, 0] = 2.0 * s_bce / total + s_l1 / s_cnt


def _sc_setup(feature_maps, lx, ly):
    B, C, H, W = feature_maps.shape
    P = C // 3
    k = jnp.arange(KWIN)
    dyk = k - RAD
    wk = jnp.floor(jnp.sqrt((RAD2 - dyk * dyk).astype(jnp.float32))
                   ).astype(jnp.int32)
    i_row = ly[..., None] - RAD + k
    valid = (i_row >= 0) & (i_row <= H - 1)
    i_clip = jnp.clip(i_row, 0, H - 1)
    jlo = jnp.clip(lx[..., None] - wk, 0, W - 1)
    jhi = jnp.where(valid, jnp.clip(lx[..., None] + wk, 0, W - 1), -1)

    bidx = jnp.arange(B)[:, None, None]
    pidx = jnp.arange(P)[None, :, None]
    rowx = (bidx * C + P + pidx) * H + i_clip
    rowy = (bidx * C + 2 * P + pidx) * H + i_clip
    a_x = (ly[..., None] - i_clip).astype(jnp.float32)
    a_y = jnp.broadcast_to(lx[..., None].astype(jnp.float32),
                           (B, P, KWIN))

    idx = jnp.concatenate([rowx.reshape(-1), rowy.reshape(-1)])
    a_c = jnp.concatenate([a_x.reshape(-1), a_y.reshape(-1)]) / 40.0
    b_c = jnp.concatenate([jnp.zeros(B * P * KWIN, jnp.float32),
                           jnp.full((B * P * KWIN,), 1.0 / 40.0,
                                    jnp.float32)])
    jlo2 = jnp.tile(jlo.reshape(-1), 2).astype(jnp.float32)
    jhi2 = jnp.tile(jhi.reshape(-1), 2).astype(jnp.float32)

    t_rows = 2 * B * P * KWIN
    t_pad = ((t_rows + WG - 1) // WG) * WG
    pad = t_pad - t_rows
    idx = jnp.pad(idx, (0, pad)).reshape(1, t_pad)
    aux = jnp.stack([
        jnp.pad(a_c, (0, pad)),
        jnp.pad(b_c, (0, pad)),
        jnp.pad(jlo2, (0, pad)),
        jnp.pad(jhi2, (0, pad), constant_values=-1.0),
    ])

    fm2d = feature_maps.reshape(B * C * H, W)
    return fm2d, idx, aux, t_pad // WG


def _sc_gather_l1(fm2d, idx, aux, n_blocks, W):
    sc_kernel = pl.kernel(
        functools.partial(_sc_body, n_blocks=n_blocks, W=W),
        out_type=jax.ShapeDtypeStruct((NCORE * NSUB, 16), jnp.float32),
        mesh=plsc.VectorSubcoreMesh(core_axis_name="c", subcore_axis_name="s",
                                    num_cores=NCORE, num_subcores=NSUB),
        scratch_types=[
            pltpu.VMEM((WG,), jnp.int32),
            pltpu.VMEM((4, WG), jnp.float32),
            pltpu.VMEM((WG, W), jnp.float32),
            pltpu.VMEM((16,), jnp.float32),
        ],
    )
    return sc_kernel(fm2d, idx, aux)


@jax.jit
def kernel(feature_maps, landmarks):
    B, C, H, W = feature_maps.shape
    P = C // 3
    lm = landmarks.astype(jnp.int32)
    lx = jnp.clip(lm[..., 0], 1, W - 1)
    ly = jnp.clip(lm[..., 1], 1, H - 1)

    fm2d, idx, aux, n_blocks = _sc_setup(feature_maps, lx, ly)
    sc_out = _sc_gather_l1(fm2d, idx, aux, n_blocks, W)

    NB = 4
    RB = P * H // NB
    stride = C * H // RB
    bce_out = pl.pallas_call(
        functools.partial(_bce_body, B=B, P=P, H=H, W=W, RB=RB, NB=NB),
        grid=(B, NB),
        in_specs=[
            pl.BlockSpec(memory_space=pltpu.SMEM),
            pl.BlockSpec(memory_space=pltpu.SMEM),
            pl.BlockSpec((RB, W), lambda b, r: (b * stride + r, 0)),
        ],
        out_specs=pl.BlockSpec(memory_space=pltpu.SMEM),
        out_shape=jax.ShapeDtypeStruct((1, 1), jnp.float32),
        scratch_shapes=[pltpu.SMEM((1,), jnp.float32)],
        compiler_params=pltpu.CompilerParams(
            dimension_semantics=("arbitrary", "arbitrary")),
    )(lx, ly, fm2d)

    out = pl.pallas_call(
        functools.partial(_combine_body, total=float(B * P * H * W), B=B),
        in_specs=[
            pl.BlockSpec(memory_space=pltpu.SMEM),
            pl.BlockSpec(memory_space=pltpu.VMEM),
            pl.BlockSpec(memory_space=pltpu.VMEM),
        ],
        out_specs=pl.BlockSpec(memory_space=pltpu.SMEM),
        out_shape=jax.ShapeDtypeStruct((1, 1), jnp.float32),
    )(bce_out, sc_out, aux)
    return out[0, 0]

# --- scband reference (transcript-rebuilt; emitter-appended) ---
"""Pipeline reference for scband-heatmap-offsetmap-loss-41412074668387 (READ-ONLY COPY).

The authoritative reference and input builder live on the scoring server;
editing this copy changes nothing except your own understanding.
"""

import jax, jax.numpy as jnp
import numpy as np

HEIGHT, WIDTH = 384, 384
HEATMAP_RADIUS = 40
OFFSETMAP_RADIUS = 40


def _general_maps(height, width):
    y_grid, x_grid = jnp.meshgrid(jnp.arange(2 * height), jnp.arange(2 * width), indexing='ij')
    dist = jnp.sqrt(((y_grid - height) ** 2 + (x_grid - width) ** 2).astype(jnp.float32))
    general_heatmap = (dist <= HEATMAP_RADIUS).astype(jnp.float32)
    off_x = (height - jnp.arange(2 * height, dtype=jnp.float32))[:, None] / OFFSETMAP_RADIUS
    general_offsetmap_x = jnp.broadcast_to(off_x, (2 * height, 2 * width))
    off_y = (width - jnp.arange(2 * width, dtype=jnp.float32))[None, :] / OFFSETMAP_RADIUS
    general_offsetmap_y = jnp.broadcast_to(off_y, (2 * height, 2 * width))
    return general_heatmap, general_offsetmap_x, general_offsetmap_y


def _cut_out_rectangles(source, points, height, width):
    # points: int [B, P, 2] (x, y)
    x = jnp.clip(points[:, :, 0], 0, width - 1)
    y = jnp.clip(points[:, :, 1], 0, height - 1)
    x_start = (width - x)[:, :, None, None]   # [B, P, 1, 1]
    y_start = (height - y)[:, :, None, None]  # [B, P, 1, 1]
    x_idx = x_start + jnp.arange(width)[None, None, None, :]   # [B, P, 1, W]
    y_idx = y_start + jnp.arange(height)[None, None, :, None]  # [B, P, H, 1]
    # advanced indexing broadcasts to [B, P, H, W] (gather)
    return source[y_idx, x_idx]


def setup_inputs(seed: int = 0) -> dict:
    key = jax.random.key(seed)
    k1, k2 = jax.random.split(key)
    feature_maps = jax.random.normal(k1, (2, 57, HEIGHT, WIDTH), dtype=jnp.float32)
    landmarks = jax.random.randint(k2, (2, 19, 2), 0, 384, dtype=jnp.int32)
    return {"feature_maps": feature_maps, "landmarks": landmarks}


def reference(feature_maps, landmarks):
    batch_size, num_maps, height, width = feature_maps.shape
    num_points = num_maps // 3
    lm = landmarks.astype(jnp.int32)
    lx = jnp.clip(lm[..., 0], 1, width - 1)
    ly = jnp.clip(lm[..., 1], 1, height - 1)
    lm = jnp.stack([lx, ly], axis=-1)
    general_heatmap, general_off_x, general_off_y = _general_maps(height, width)
    heatmaps = _cut_out_rectangles(general_heatmap, lm, height, width)
    offsetmap_x = _cut_out_rectangles(general_off_x, lm, height, width)
    offsetmap_y = _cut_out_rectangles(general_off_y, lm, height, width)
    mask = (lm > 0).prod(-1).astype(jnp.float32)[:, :, None, None]
    pred_h = feature_maps[:, :num_points] * mask
    heatmaps = heatmaps * mask
    pred_ox = feature_maps[:, num_points:2 * num_points] * mask
    offsetmap_x = offsetmap_x * mask
    pred_oy = feature_maps[:, 2 * num_points:] * mask
    offsetmap_y = offsetmap_y * mask
    # binary_cross_entropy_with_logits, mean reduction
    p, t = pred_h, heatmaps
    heatmap_loss = jnp.mean(jnp.maximum(p, 0.0) - p * t + jnp.log1p(jnp.exp(-jnp.abs(p))))
    # L1 over elements where heatmaps > 0 (masked mean, equivalent to x[indices] mean)
    sel = (heatmaps > 0).astype(jnp.float32)
    denom = sel.sum()
    offsetmap_x_loss = (jnp.abs(pred_ox - offsetmap_x) * sel).sum() / denom
    offsetmap_y_loss = (jnp.abs(pred_oy - offsetmap_y) * sel).sum() / denom
    return 2.0 * heatmap_loss + offsetmap_x_loss + offsetmap_y_loss

if __name__ == "__main__":
    import jax
    _d = setup_inputs()
    print(jax.jit(kernel)(*tuple(_d.values())))

</pallas_src>

<mosaic_0001>
#map = affine_map<(d0, d1) -> (0, 0)>
module attributes {stable_mosaic.version = 14 : i64} {
  func.func @_sc_body(%arg0: i32, %arg1: i32, %arg2: memref<43776x384xf32, #tpu.memory_space<hbm>>, %arg3: memref<1x6272xi32, #tpu.memory_space<hbm>>, %arg4: memref<4x6272xf32, #tpu.memory_space<hbm>>, %arg5: memref<32x16xf32, #tpu.memory_space<hbm>>, %arg6: memref<128xi32, #tpu.memory_space<vmem>>, %arg7: memref<4x128xf32, #tpu.memory_space<vmem>>, %arg8: memref<128x384xf32, #tpu.memory_space<vmem>>, %arg9: memref<16xf32, #tpu.memory_space<vmem>>) attributes {dimension_semantics = [#tpu.dimension_semantics<core_parallel>, #tpu.dimension_semantics<subcore_parallel>], iteration_bounds = array<i64: 2, 16>, scalar_prefetch = 0 : i64, scratch_operands = 4 : i64, tpu.core_type = #tpu.core_type<sc_vector_subcore>, window_params = [{transform_indices = #map}, {transform_indices = #map}, {transform_indices = #map}, {transform_indices = #map}]} {
    %broadcast_in_dim3A = arith.constant 0.000000e+00 : f32
    %broadcast_in_dim3A_0 = vector.broadcast %broadcast_in_dim3A : f32 to vector<16xf32>
    %swap3A = arith.constant 0 : index
    %swap3A_1 = tpu.vector_load %arg9[%swap3A] {strides = array<i32>} : memref<16xf32, #tpu.memory_space<vmem>>, vector<16xf32>,
    %swap3A_2 = vector.shape_cast %swap3A_1 : vector<16xf32> to vector<16xf32>
    %swap3A_3 = vector.shape_cast %broadcast_in_dim3A_0 : vector<16xf32> to vector<16xf32>
    tpu.vector_store %arg9[%swap3A], %swap3A_3 {strides = array<i32>} : memref<16xf32, #tpu.memory_space<vmem>>, vector<16xf32>,
    %iota3A = tpu.iota {dimensions = array<i32: 0>} : vector<16xi32>
    %mul3A = arith.constant 16 : i32
    %mul3A_4 = arith.muli %arg0, %mul3A : i32
    %add3A = arith.addi %mul3A_4, %arg1 : i32
    %scan3A = arith.constant 0 : i32
    %scan3A_5 = arith.constant 2 : i32
    %scan3A_6 = arith.addi %scan3A, %scan3A_5 : i32
    %scan3A_7 = arith.constant 1 : i32
    scf.for %scan3A_12 = %scan3A to %scan3A_6 step %scan3A_7  : i32 {
      %mul3A_13 = arith.constant 1 : i32
      %mul3A_14 = arith.muli %scan3A_12, %mul3A_13 : i32
      %add3A_15 = arith.constant 0 : i32
      %add3A_16 = arith.addi %add3A_15, %mul3A_14 : i32
      %mul3A_17 = arith.constant 32 : i32
      %mul3A_18 = arith.muli %add3A_16, %mul3A_17 : i32
      %add3A_19 = arith.addi %add3A, %mul3A_18 : i32
      %lt3A = arith.constant 49 : i32
      %lt3A_20 = arith.cmpi slt, %add3A_19, %lt3A : i32
      %convert_element_type3A = arith.extui %lt3A_20 : i1 to i32
      %cond3A = arith.constant 0 : i32
      %cond3A_21 = arith.cmpi ne, %convert_element_type3A, %cond3A : i32
      scf.if %cond3A_21 {
        %mul3A_22 = arith.constant 128 : i32
        %mul3A_23 = arith.muli %add3A_19, %mul3A_22 : i32
        %run_scoped3A = arith.constant 0 : i32
        "tpu.region"() ({
          %run_scoped3A_29 = tpu.sem_alloc : memref<!tpu.dma_semaphore, #tpu.memory_space<semaphore_mem>>
          %dma_start3A = tpu.memref_slice %arg3[%run_scoped3A, %mul3A_23] : memref<1x6272xi32, #tpu.memory_space<hbm>> -> memref<1x128xi32, #tpu.memory_space<hbm>>
          %dma_start3A_30 = tpu.memref_squeeze %dma_start3A : memref<1x128xi32, #tpu.memory_space<hbm>> -> memref<128xi32, #tpu.memory_space<hbm>>
          %dma_start3A_31 = tpu.memref_slice %arg3[%run_scoped3A, %mul3A_23] : memref<1x6272xi32, #tpu.memory_space<hbm>> -> memref<1x128xi32, #tpu.memory_space<hbm>>
          %dma_start3A_32 = tpu.memref_squeeze %dma_start3A_31 : memref<1x128xi32, #tpu.memory_space<hbm>> -> memref<128xi32, #tpu.memory_space<hbm>>
          tpu.enqueue_dma source(%dma_start3A_32 : memref<128xi32, #tpu.memory_space<hbm>>) target(%arg6 : memref<128xi32, #tpu.memory_space<vmem>>) target_semaphore(%run_scoped3A_29 : memref<!tpu.dma_semaphore, #tpu.memory_space<semaphore_mem>>)
          %dma_wait3A = tpu.memref_slice %arg3[%run_scoped3A, %mul3A_23] : memref<1x6272xi32, #tpu.memory_space<hbm>> -> memref<1x128xi32, #tpu.memory_space<hbm>>
          %dma_wait3A_33 = tpu.memref_squeeze %dma_wait3A : memref<1x128xi32, #tpu.memory_space<hbm>> -> memref<128xi32, #tpu.memory_space<hbm>>
          %dma_wait3A_34 = tpu.memref_slice %arg3[%run_scoped3A, %mul3A_23] : memref<1x6272xi32, #tpu.memory_space<hbm>> -> memref<1x128xi32, #tpu.memory_space<hbm>>
          %dma_wait3A_35 = tpu.memref_squeeze %dma_wait3A_34 : memref<1x128xi32, #tpu.memory_space<hbm>> -> memref<128xi32, #tpu.memory_space<hbm>>
          tpu.wait_dma2 semaphore(%run_scoped3A_29 : memref<!tpu.dma_semaphore, #tpu.memory_space<semaphore_mem>>) src(%dma_wait3A_35 : memref<128xi32, #tpu.memory_space<hbm>>) dst(%arg6 : memref<128xi32, #tpu.memory_space<vmem>>)
          tpu.yield
        }) : () -> ()
        "tpu.region"() ({
          %run_scoped3A_29 = tpu.sem_alloc : memref<!tpu.dma_semaphore, #tpu.memory_space<semaphore_mem>>
          %dma_start3A = arith.constant 0 : i32
          %dma_start3A_30 = tpu.memref_slice %arg4[%dma_start3A, %mul3A_23] : memref<4x6272xf32, #tpu.memory_space<hbm>> -> memref<4x128xf32, #tpu.memory_space<hbm>>
          %dma_start3A_31 = arith.constant 0 : i32
          %dma_start3A_32 = tpu.memref_slice %arg4[%dma_start3A_31, %mul3A_23] : memref<4x6272xf32, #tpu.memory_space<hbm>> -> memref<4x128xf32, #tpu.memory_space<hbm>>
          tpu.enqueue_dma source(%dma_start3A_32 : memref<4x128xf32, #tpu.memory_space<hbm>>) target(%arg7 : memref<4x128xf32, #tpu.memory_space<vmem>>) target_semaphore(%run_scoped3A_29 : memref<!tpu.dma_semaphore, #tpu.memory_space<semaphore_mem>>)
          %dma_wait3A = arith.constant 0 : i32
          %dma_wait3A_33 = tpu.memref_slice %arg4[%dma_wait3A, %mul3A_23] : memref<4x6272xf32, #tpu.memory_space<hbm>> -> memref<4x128xf32, #tpu.memory_space<hbm>>
          %dma_wait3A_34 = arith.constant 0 : i32
          %dma_wait3A_35 = tpu.memref_slice %arg4[%dma_wait3A_34, %mul3A_23] : memref<4x6272xf32, #tpu.memory_space<hbm>> -> memref<4x128xf32, #tpu.memory_space<hbm>>
          tpu.wait_dma2 semaphore(%run_scoped3A_29 : memref<!tpu.dma_semaphore, #tpu.memory_space<semaphore_mem>>) src(%dma_wait3A_35 : memref<4x128xf32, #tpu.memory_space<hbm>>) dst(%arg7 : memref<4x128xf32, #tpu.memory_space<vmem>>)
          tpu.yield
        }) : () -> ()
        "tpu.region"() ({
          %run_scoped3A_29 = tpu.sem_alloc : memref<!tpu.dma_semaphore, #tpu.memory_space<semaphore_mem>>
          %dma_start3A = arith.constant 0 : i32
          %dma_start3A_30 = arith.constant 0 : i32
          %dma_start3A_31 = tpu.memref_slice %arg2[%dma_start3A, %dma_start3A_30] : memref<43776x384xf32, #tpu.memory_space<hbm>> -> memref<43776x384xf32, #tpu.memory_space<hbm>>
          tpu.enqueue_indirect_dma source(%dma_start3A_31 : memref<43776x384xf32, #tpu.memory_space<hbm>>) target(%arg8 : memref<128x384xf32, #tpu.memory_space<vmem>>) offsets(%arg6 : memref<128xi32, #tpu.memory_space<vmem>>) semaphore(%run_scoped3A_29 : memref<!tpu.dma_semaphore, #tpu.memory_space<semaphore_mem>>)
          %dma_wait3A = arith.constant 0 : i32
          %dma_wait3A_32 = arith.constant 0 : i32
          %dma_wait3A_33 = tpu.memref_slice %arg2[%dma_wait3A, %dma_wait3A_32] : memref<43776x384xf32, #tpu.memory_space<hbm>> -> memref<43776x384xf32, #tpu.memory_space<hbm>>
          tpu.wait_indirect_dma semaphore(%run_scoped3A_29 : memref<!tpu.dma_semaphore, #tpu.memory_space<semaphore_mem>>) src(%dma_wait3A_33 : memref<43776x384xf32, #tpu.memory_space<hbm>>) dst(%arg8 : memref<128x384xf32, #tpu.memory_space<vmem>>)
          tpu.yield
        }) : () -> ()
        %scan3A_24 = arith.constant 0 : i32
        %scan3A_25 = arith.constant 8 : i32
        %scan3A_26 = arith.addi %scan3A_24, %scan3A_25 : i32
        %scan3A_27 = arith.constant 1 : i32
        scf.for %scan3A_29 = %scan3A_24 to %scan3A_26 step %scan3A_27  : i32 {
          %mul3A_30 = arith.constant 1 : i32
          %mul3A_31 = arith.muli %scan3A_29, %mul3A_30 : i32
          %add3A_32 = arith.constant 0 : i32
          %add3A_33 = arith.addi %add3A_32, %mul3A_31 : i32
          %mul3A_34 = arith.constant 16 : i32
          %mul3A_35 = arith.muli %add3A_33, %mul3A_34 : i32
          %get3A = arith.constant 0 : i32
          %get3A_36 = arith.index_cast %get3A : i32 to index
          %get3A_37 = arith.index_cast %mul3A_35 : i32 to index
          %get3A_38 = tpu.vector_load %arg7[%get3A_36, %get3A_37] {strides = array<i32>} : memref<4x128xf32, #tpu.memory_space<vmem>>, vector<1x16xf32>,
          %get3A_39 = vector.shape_cast %get3A_38 : vector<1x16xf32> to vector<16xf32>
          %mul3A_40 = arith.constant 16 : i32
          %mul3A_41 = arith.muli %add3A_33, %mul3A_40 : i32
          %get3A_42 = arith.constant 1 : i32
          %get3A_43 = arith.index_cast %get3A_42 : i32 to index
          %get3A_44 = arith.index_cast %mul3A_41 : i32 to index
          %get3A_45 = tpu.vector_load %arg7[%get3A_43, %get3A_44] {strides = array<i32>} : memref<4x128xf32, #tpu.memory_space<vmem>>, vector<1x16xf32>,
          %get3A_46 = vector.shape_cast %get3A_45 : vector<1x16xf32> to vector<16xf32>
          %mul3A_47 = arith.constant 16 : i32
          %mul3A_48 = arith.muli %add3A_33, %mul3A_47 : i32
          %get3A_49 = arith.constant 2 : i32
          %get3A_50 = arith.index_cast %get3A_49 : i32 to index
          %get3A_51 = arith.index_cast %mul3A_48 : i32 to index
          %get3A_52 = tpu.vector_load %arg7[%get3A_50, %get3A_51] {strides = array<i32>} : memref<4x128xf32, #tpu.memory_space<vmem>>, vector<1x16xf32>,
          %get3A_53 = vector.shape_cast %get3A_52 : vector<1x16xf32> to vector<16xf32>
          %convert_element_type3A_54 = arith.fptosi %get3A_53 : vector<16xf32> to vector<16xi32>
          %mul3A_55 = arith.constant 16 : i32
          %mul3A_56 = arith.muli %add3A_33, %mul3A_55 : i32
          %get3A_57 = arith.constant 3 : i32
          %get3A_58 = arith.index_cast %get3A_57 : i32 to index
          %get3A_59 = arith.index_cast %mul3A_56 : i32 to index
          %get3A_60 = tpu.vector_load %arg7[%get3A_58, %get3A_59] {strides = array<i32>} : memref<4x128xf32, #tpu.memory_space<vmem>>, vector<1x16xf32>,
          %get3A_61 = vector.shape_cast %get3A_60 : vector<1x16xf32> to vector<16xf32>
          %convert_element_type3A_62 = arith.fptosi %get3A_61 : vector<16xf32> to vector<16xi32>
          %slice3A = vector.extract_strided_slice %get3A_39 {offsets = [0], sizes = [1], strides = [1]} : vector<16xf32> to vector<1xf32>
          %squeeze3A = vector.extract %slice3A[0] : f32 from vector<1xf32>
          %slice3A_63 = vector.extract_strided_slice %get3A_46 {offsets = [0], sizes = [1], strides = [1]} : vector<16xf32> to vector<1xf32>
          %squeeze3A_64 = vector.extract %slice3A_63[0] : f32 from vector<1xf32>
          %slice3A_65 = vector.extract_strided_slice %convert_element_type3A_54 {offsets = [0], sizes = [1], strides = [1]} : vector<16xi32> to vector<1xi32>
          %squeeze3A_66 = vector.extract %slice3A_65[0] : i32 from vector<1xi32>
          %slice3A_67 = vector.extract_strided_slice %convert_element_type3A_62 {offsets = [0], sizes = [1], strides = [1]} : vector<16xi32> to vector<1xi32>
          %squeeze3A_68 = vector.extract %slice3A_67[0] : i32 from vector<1xi32>
          %mul3A_69 = arith.constant 16 : i32
          %mul3A_70 = arith.muli %add3A_33, %mul3A_69 : i32
          %add3A_71 = arith.constant 0 : i32
          %add3A_72 = arith.addi %mul3A_70, %add3A_71 : i32
          %shift_right_arithmetic3A = arith.constant 4 : i32
          %shift_right_arithmetic3A_73 = arith.shrsi %squeeze3A_66, %shift_right_arithmetic3A : i32
          %min3A = arith.constant 18 : i32
          %min3A_74 = arith.minsi %shift_right_arithmetic3A_73, %min3A : i32
          %add3A_75 = arith.constant 0 : i32
          %add3A_76 = arith.addi %min3A_74, %add3A_75 : i32
          %mul3A_77 = arith.constant 16 : i32
          %mul3A_78 = arith.muli %add3A_76, %mul3A_77 : i32
          %get3A_79 = arith.index_cast %add3A_72 : i32 to index
          %get3A_80 = arith.index_cast %mul3A_78 : i32 to index
          %get3A_81 = tpu.vector_load %arg8[%get3A_79, %get3A_80] {strides = array<i32>} : memref<128x384xf32, #tpu.memory_space<vmem>>, vector<1x16xf32>,
          %get3A_82 = vector.shape_cast %get3A_81 : vector<1x16xf32> to vector<16xf32>
          %add3A_83 = vector.broadcast %mul3A_78 : i32 to vector<16xi32>
          %add3A_84 = arith.addi %add3A_83, %iota3A : vector<16xi32>
          %ge3A = vector.broadcast %squeeze3A_66 : i32 to vector<16xi32>
          %ge3A_85 = arith.cmpi sge, %add3A_84, %ge3A : vector<16xi32>
          %le3A = vector.broadcast %squeeze3A_68 : i32 to vector<16xi32>
          %le3A_86 = arith.cmpi sle, %add3A_84, %le3A : vector<16xi32>
          %and3A = arith.andi %ge3A_85, %le3A_86 : vector<16xi1>
          %convert_element_type3A_87 = arith.sitofp %add3A_84 : vector<16xi32> to vector<16xf32>
          %mul3A_88 = vector.broadcast %squeeze3A_64 : f32 to vector<16xf32>
          %mul3A_89 = arith.mulf %mul3A_88, %convert_element_type3A_87 : vector<16xf32>
          %sub3A = vector.broadcast %squeeze3A : f32 to vector<16xf32>
          %sub3A_90 = arith.subf %sub3A, %mul3A_89 : vector<16xf32>
          %sub3A_91 = arith.subf %get3A_82, %sub3A_90 : vector<16xf32>
          %abs3A = math.absf %sub3A_91 : vector<16xf32>
          %get3A_92 = arith.constant 0 : index
          %get3A_93 = tpu.vector_load %arg9[%get3A_92] {strides = array<i32>} : memref<16xf32, #tpu.memory_space<vmem>>, vector<16xf32>,
          %get3A_94 = vector.shape_cast %get3A_93 : vector<16xf32> to vector<16xf32>
          %jit3A = arith.constant 0.000000e+00 : f32
          %broadcast_in_dim3A_95 = vector.broadcast %jit3A : f32 to vector<16xf32>
          %select_n3A = arith.select %and3A, %abs3A, %broadcast_in_dim3A_95 : vector<16xi1>, vector<16xf32>
          %add3A_96 = arith.addf %get3A_94, %select_n3A : vector<16xf32>
          %swap3A_97 = arith.constant 0 : index
          %swap3A_98 = tpu.vector_load %arg9[%swap3A_97] {strides = array<i32>} : memref<16xf32, #tpu.memory_space<vmem>>, vector<16xf32>,
          %swap3A_99 = vector.shape_cast %swap3A_98 : vector<16xf32> to vector<16xf32>
          %swap3A_100 = vector.shape_cast %add3A_96 : vector<16xf32> to vector<16xf32>
          tpu.vector_store %arg9[%swap3A_97], %swap3A_100 {strides = array<i32>} : memref<16xf32, #tpu.memory_space<vmem>>, vector<16xf32>,
          %add3A_101 = arith.constant 1 : i32
          %add3A_102 = arith.addi %min3A_74, %add3A_101 : i32
          %mul3A_103 = arith.constant 16 : i32
          %mul3A_104 = arith.muli %add3A_102, %mul3A_103 : i32
          %get3A_105 = arith.index_cast %add3A_72 : i32 to index
          %get3A_106 = arith.index_cast %mul3A_104 : i32 to index
          %get3A_107 = tpu.vector_load %arg8[%get3A_105, %get3A_106] {strides = array<i32>} : memref<128x384xf32, #tpu.memory_space<vmem>>, vector<1x16xf32>,
          %get3A_108 = vector.shape_cast %get3A_107 : vector<1x16xf32> to vector<16xf32>
          %add3A_109 = vector.broadcast %mul3A_104 : i32 to vector<16xi32>
          %add3A_110 = arith.addi %add3A_109, %iota3A : vector<16xi32>
          %ge3A_111 = vector.broadcast %squeeze3A_66 : i32 to vector<16xi32>
          %ge3A_112 = arith.cmpi sge, %add3A_110, %ge3A_111 : vector<16xi32>
          %le3A_113 = vector.broadcast %squeeze3A_68 : i32 to vector<16xi32>
          %le3A_114 = arith.cmpi sle, %add3A_110, %le3A_113 : vector<16xi32>
          %and3A_115 = arith.andi %ge3A_112, %le3A_114 : vector<16xi1>
          %convert_element_type3A_116 = arith.sitofp %add3A_110 : vector<16xi32> to vector<16xf32>
          %mul3A_117 = vector.broadcast %squeeze3A_64 : f32 to vector<16xf32>
          %mul3A_118 = arith.mulf %mul3A_117, %convert_element_type3A_116 : vector<16xf32>
          %sub3A_119 = vector.broadcast %squeeze3A : f32 to vector<16xf32>
          %sub3A_120 = arith.subf %sub3A_119, %mul3A_118 : vector<16xf32>
          %sub3A_121 = arith.subf %get3A_108, %sub3A_120 : vector<16xf32>
          %abs3A_122 = math.absf %sub3A_121 : vector<16xf32>
          %get3A_123 = arith.constant 0 : index
          %get3A_124 = tpu.vector_load %arg9[%get3A_123] {strides = array<i32>} : memref<16xf32, #tpu.memory_space<vmem>>, vector<16xf32>,
          %get3A_125 = vector.shape_cast %get3A_124 : vector<16xf32> to vector<16xf32>
          %jit3A_126 = arith.constant 0.000000e+00 : f32
          %broadcast_in_dim3A_127 = vector.broadcast %jit3A_126 : f32 to vector<16xf32>
          %select_n3A_128 = arith.select %and3A_115, %abs3A_122, %broadcast_in_dim3A_127 : vector<16xi1>, vector<16xf32>
          %add3A_129 = arith.addf %get3A_125, %select_n3A_128 : vector<16xf32>
          %swap3A_130 = arith.constant 0 : index
          %swap3A_131 = tpu.vector_load %arg9[%swap3A_130] {strides = array<i32>} : memref<16xf32, #tpu.memory_space<vmem>>, vector<16xf32>,
          %swap3A_132 = vector.shape_cast %swap3A_131 : vector<16xf32> to vector<16xf32>
          %swap3A_133 = vector.shape_cast %add3A_129 : vector<16xf32> to vector<16xf32>
          tpu.vector_store %arg9[%swap3A_130], %swap3A_133 {strides = array<i32>} : memref<16xf32, #tpu.memory_space<vmem>>, vector<16xf32>,
          %add3A_134 = arith.constant 2 : i32
          %add3A_135 = arith.addi %min3A_74, %add3A_134 : i32
          %mul3A_136 = arith.constant 16 : i32
          %mul3A_137 = arith.muli %add3A_135, %mul3A_136 : i32
          %get3A_138 = arith.index_cast %add3A_72 : i32 to index
          %get3A_139 = arith.index_cast %mul3A_137 : i32 to index
          %get3A_140 = tpu.vector_load %arg8[%get3A_138, %get3A_139] {strides = array<i32>} : memref<128x384xf32, #tpu.memory_space<vmem>>, vector<1x16xf32>,
          %get3A_141 = vector.shape_cast %get3A_140 : vector<1x16xf32> to vector<16xf32>
          %add3A_142 = vector.broadcast %mul3A_137 : i32 to vector<16xi32>
          %add3A_143 = arith.addi %add3A_142, %iota3A : vector<16xi32>
          %ge3A_144 = vector.broadcast %squeeze3A_66 : i32 to vector<16xi32>
          %ge3A_145 = arith.cmpi sge, %add3A_143, %ge3A_144 : vector<16xi32>
          %le3A_146 = vector.broadcast %squeeze3A_68 : i32 to vector<16xi32>
          %le3A_147 = arith.cmpi sle, %add3A_143, %le3A_146 : vector<16xi32>
          %and3A_148 = arith.andi %ge3A_145, %le3A_147 : vector<16xi1>
          %convert_element_type3A_149 = arith.sitofp %add3A_143 : vector<16xi32> to vector<16xf32>
          %mul3A_150 = vector.broadcast %squeeze3A_64 : f32 to vector<16xf32>
          %mul3A_151 = arith.mulf %mul3A_150, %convert_element_type3A_149 : vector<16xf32>
          %sub3A_152 = vector.broadcast %squeeze3A : f32 to vector<16xf32>
          %sub3A_153 = arith.subf %sub3A_152, %mul3A_151 : vector<16xf32>
          %sub3A_154 = arith.subf %get3A_141, %sub3A_153 : vector<16xf32>
          %abs3A_155 = math.absf %sub3A_154 : vector<16xf32>
          %get3A_156 = arith.constant 0 : index
          %get3A_157 = tpu.vector_load %arg9[%get3A_156] {strides = array<i32>} : memref<16xf32, #tpu.memory_space<vmem>>, vector<16xf32>,
          %get3A_158 = vector.shape_cast %get3A_157 : vector<16xf32> to vector<16xf32>
          %jit3A_159 = arith.constant 0.000000e+00 : f32
          %broadcast_in_dim3A_160 = vector.broadcast %jit3A_159 : f32 to vector<16xf32>
          %select_n3A_161 = arith.select %and3A_148, %abs3A_155, %broadcast_in_dim3A_160 : vector<16xi1>, vector<16xf32>
          %add3A_162 = arith.addf %get3A_158, %select_n3A_161 : vector<16xf32>
          %swap3A_163 = arith.constant 0 : index
          %swap3A_164 = tpu.vector_load %arg9[%swap3A_163] {strides = array<i32>} : memref<16xf32, #tpu.memory_space<vmem>>, vector<16xf32>,
          %swap3A_165 = vector.shape_cast %swap3A_164 : vector<16xf32> to vector<16xf32>
          %swap3A_166 = vector.shape_cast %add3A_162 : vector<16xf32> to vector<16xf32>
          tpu.vector_store %arg9[%swap3A_163], %swap3A_166 {strides = array<i32>} : memref<16xf32, #tpu.memory_space<vmem>>, vector<16xf32>,
          %add3A_167 = arith.constant 3 : i32
          %add3A_168 = arith.addi %min3A_74, %add3A_167 : i32
          %mul3A_169 = arith.constant 16 : i32
          %mul3A_170 = arith.muli %add3A_168, %mul3A_169 : i32
          %get3A_171 = arith.index_cast %add3A_72 : i32 to index
          %get3A_172 = arith.index_cast %mul3A_170 : i32 to index
          %get3A_173 = tpu.vector_load %arg8[%get3A_171, %get3A_172] {strides = array<i32>} : memref<128x384xf32, #tpu.memory_space<vmem>>, vector<1x16xf32>,
          %get3A_174 = vector.shape_cast %get3A_173 : vector<1x16xf32> to vector<16xf32>
          %add3A_175 = vector.broadcast %mul3A_170 : i32 to vector<16xi32>
          %add3A_176 = arith.addi %add3A_175, %iota3A : vector<16xi32>
          %ge3A_177 = vector.broadcast %squeeze3A_66 : i32 to vector<16xi32>
          %ge3A_178 = arith.cmpi sge, %add3A_176, %ge3A_177 : vector<16xi32>
          %le3A_179 = vector.broadcast %squeeze3A_68 : i32 to vector<16xi32>
          %le3A_180 = arith.cmpi sle, %add3A_176, %le3A_179 : vector<16xi32>
          %and3A_181 = arith.andi %ge3A_178, %le3A_180 : vector<16xi1>
          %convert_element_type3A_182 = arith.sitofp %add3A_176 : vector<16xi32> to vector<16xf32>
          %mul3A_183 = vector.broadcast %squeeze3A_64 : f32 to vector<16xf32>
          %mul3A_184 = arith.mulf %mul3A_183, %convert_element_type3A_182 : vector<16xf32>
          %sub3A_185 = vector.broadcast %squeeze3A : f32 to vector<16xf32>
          %sub3A_186 = arith.subf %sub3A_185, %mul3A_184 : vector<16xf32>
          %sub3A_187 = arith.subf %get3A_174, %sub3A_186 : vector<16xf32>
          %abs3A_188 = math.absf %sub3A_187 : vector<16xf32>
          %get3A_189 = arith.constant 0 : index
          %get3A_190 = tpu.vector_load %arg9[%get3A_189] {strides = array<i32>} : memref<16xf32, #tpu.memory_space<vmem>>, vector<16xf32>,
          %get3A_191 = vector.shape_cast %get3A_190 : vector<16xf32> to vector<16xf32>
          %jit3A_192 = arith.constant 0.000000e+00 : f32
          %broadcast_in_dim3A_193 = vector.broadcast %jit3A_192 : f32 to vector<16xf32>
          %select_n3A_194 = arith.select %and3A_181, %abs3A_188, %broadcast_in_dim3A_193 : vector<16xi1>, vector<16xf32>
          %add3A_195 = arith.addf %get3A_191, %select_n3A_194 : vector<16xf32>
          %swap3A_196 = arith.constant 0 : index
          %swap3A_197 = tpu.vector_load %arg9[%swap3A_196] {strides = array<i32>} : memref<16xf32, #tpu.memory_space<vmem>>, vector<16xf32>,
          %swap3A_198 = vector.shape_cast %swap3A_197 : vector<16xf32> to vector<16xf32>
          %swap3A_199 = vector.shape_cast %add3A_195 : vector<16xf32> to vector<16xf32>
          tpu.vector_store %arg9[%swap3A_196], %swap3A_199 {strides = array<i32>} : memref<16xf32, #tpu.memory_space<vmem>>, vector<16xf32>,
          %add3A_200 = arith.constant 4 : i32
          %add3A_201 = arith.addi %min3A_74, %add3A_200 : i32
          %mul3A_202 = arith.constant 16 : i32
          %mul3A_203 = arith.muli %add3A_201, %mul3A_202 : i32
          %get3A_204 = arith.index_cast %add3A_72 : i32 to index
          %get3A_205 = arith.index_cast %mul3A_203 : i32 to index
          %get3A_206 = tpu.vector_load %arg8[%get3A_204, %get3A_205] {strides = array<i32>} : memref<128x384xf32, #tpu.memory_space<vmem>>, vector<1x16xf32>,
          %get3A_207 = vector.shape_cast %get3A_206 : vector<1x16xf32> to vector<16xf32>
          %add3A_208 = vector.broadcast %mul3A_203 : i32 to vector<16xi32>
          %add3A_209 = arith.addi %add3A_208, %iota3A : vector<16xi32>
          %ge3A_210 = vector.broadcast %squeeze3A_66 : i32 to vector<16xi32>
          %ge3A_211 = arith.cmpi sge, %add3A_209, %ge3A_210 : vector<16xi32>
          %le3A_212 = vector.broadcast %squeeze3A_68 : i32 to vector<16xi32>
          %le3A_213 = arith.cmpi sle, %add3A_209, %le3A_212 : vector<16xi32>
          %and3A_214 = arith.andi %ge3A_211, %le3A_213 : vector<16xi1>
          %convert_element_type3A_215 = arith.sitofp %add3A_209 : vector<16xi32> to vector<16xf32>
          %mul3A_216 = vector.broadcast %squeeze3A_64 : f32 to vector<16xf32>
          %mul3A_217 = arith.mulf %mul3A_216, %convert_element_type3A_215 : vector<16xf32>
          %sub3A_218 = vector.broadcast %squeeze3A : f32 to vector<16xf32>
          %sub3A_219 = arith.subf %sub3A_218, %mul3A_217 : vector<16xf32>
          %sub3A_220 = arith.subf %get3A_207, %sub3A_219 : vector<16xf32>
          %abs3A_221 = math.absf %sub3A_220 : vector<16xf32>
          %get3A_222 = arith.constant 0 : index
          %get3A_223 = tpu.vector_load %arg9[%get3A_222] {strides = array<i32>} : memref<16xf32, #tpu.memory_space<vmem>>, vector<16xf32>,
          %get3A_224 = vector.shape_cast %get3A_223 : vector<16xf32> to vector<16xf32>
          %jit3A_225 = arith.constant 0.000000e+00 : f32
          %broadcast_in_dim3A_226 = vector.broadcast %jit3A_225 : f32 to vector<16xf32>
          %select_n3A_227 = arith.select %and3A_214, %abs3A_221, %broadcast_in_dim3A_226 : vector<16xi1>, vector<16xf32>
          %add3A_228 = arith.addf %get3A_224, %select_n3A_227 : vector<16xf32>
          %swap3A_229 = arith.constant 0 : index
          %swap3A_230 = tpu.vector_load %arg9[%swap3A_229] {strides = array<i32>} : memref<16xf32, #tpu.memory_space<vmem>>, vector<16xf32>,
          %swap3A_231 = vector.shape_cast %swap3A_230 : vector<16xf32> to vector<16xf32>
          %swap3A_232 = vector.shape_cast %add3A_228 : vector<16xf32> to vector<16xf32>
          tpu.vector_store %arg9[%swap3A_229], %swap3A_232 {strides = array<i32>} : memref<16xf32, #tpu.memory_space<vmem>>, vector<16xf32>,
          %add3A_233 = arith.constant 5 : i32
          %add3A_234 = arith.addi %min3A_74, %add3A_233 : i32
          %mul3A_235 = arith.constant 16 : i32
          %mul3A_236 = arith.muli %add3A_234, %mul3A_235 : i32
          %get3A_237 = arith.index_cast %add3A_72 : i32 to index
          %get3A_238 = arith.index_cast %mul3A_236 : i32 to index
          %get3A_239 = tpu.vector_load %arg8[%get3A_237, %get3A_238] {strides = array<i32>} : memref<128x384xf32, #tpu.memory_space<vmem>>, vector<1x16xf32>,
          %get3A_240 = vector.shape_cast %get3A_239 : vector<1x16xf32> to vector<16xf32>
          %add3A_241 = vector.broadcast %mul3A_236 : i32 to vector<16xi32>
          %add3A_242 = arith.addi %add3A_241, %iota3A : vector<16xi32>
          %ge3A_243 = vector.broadcast %squeeze3A_66 : i32 to vector<16xi32>
          %ge3A_244 = arith.cmpi sge, %add3A_242, %ge3A_243 : vector<16xi32>
          %le3A_245 = vector.broadcast %squeeze3A_68 : i32 to vector<16xi32>
          %le3A_246 = arith.cmpi sle, %add3A_242, %le3A_245 : vector<16xi32>
          %and3A_247 = arith.andi %ge3A_244, %le3A_246 : vector<16xi1>
          %convert_element_type3A_248 = arith.sitofp %add3A_242 : vector<16xi32> to vector<16xf32>
          %mul3A_249 = vector.broadcast %squeeze3A_64 : f32 to vector<16xf32>
          %mul3A_250 = arith.mulf %mul3A_249, %convert_element_type3A_248 : vector<16xf32>
          %sub3A_251 = vector.broadcast %squeeze3A : f32 to vector<16xf32>
          %sub3A_252 = arith.subf %sub3A_251, %mul3A_250 : vector<16xf32>
          %sub3A_253 = arith.subf %get3A_240, %sub3A_252 : vector<16xf32>
          %abs3A_254 = math.absf %sub3A_253 : vector<16xf32>
          %get3A_255 = arith.constant 0 : index
          %get3A_256 = tpu.vector_load %arg9[%get3A_255] {strides = array<i32>} : memref<16xf32, #tpu.memory_space<vmem>>, vector<16xf32>,
          %get3A_257 = vector.shape_cast %get3A_256 : vector<16xf32> to vector<16xf32>
          %jit3A_258 = arith.constant 0.000000e+00 : f32
          %broadcast_in_dim3A_259 = vector.broadcast %jit3A_258 : f32 to vector<16xf32>
          %select_n3A_260 = arith.select %and3A_247, %abs3A_254, %broadcast_in_dim3A_259 : vector<16xi1>, vector<16xf32>
          %add3A_261 = arith.addf %get3A_257, %select_n3A_260 : vector<16xf32>
          %swap3A_262 = arith.constant 0 : index
          %swap3A_263 = tpu.vector_load %arg9[%swap3A_262] {strides = array<i32>} : memref<16xf32, #tpu.memory_space<vmem>>, vector<16xf32>,
          %swap3A_264 = vector.shape_cast %swap3A_263 : vector<16xf32> to vector<16xf32>
          %swap3A_265 = vector.shape_cast %add3A_261 : vector<16xf32> to vector<16xf32>
          tpu.vector_store %arg9[%swap3A_262], %swap3A_265 {strides = array<i32>} : memref<16xf32, #tpu.memory_space<vmem>>, vector<16xf32>,
          %slice3A_266 = vector.extract_strided_slice %get3A_39 {offsets = [1], sizes = [1], strides = [1]} : vector<16xf32> to vector<1xf32>
          %squeeze3A_267 = vector.extract %slice3A_266[0] : f32 from vector<1xf32>
          %slice3A_268 = vector.extract_strided_slice %get3A_46 {offsets = [1], sizes = [1], strides = [1]} : vector<16xf32> to vector<1xf32>
          %squeeze3A_269 = vector.extract %slice3A_268[0] : f32 from vector<1xf32>
          %slice3A_270 = vector.extract_strided_slice %convert_element_type3A_54 {offsets = [1], sizes = [1], strides = [1]} : vector<16xi32> to vector<1xi32>
          %squeeze3A_271 = vector.extract %slice3A_270[0] : i32 from vector<1xi32>
          %slice3A_272 = vector.extract_strided_slice %convert_element_type3A_62 {offsets = [1], sizes = [1], strides = [1]} : vector<16xi32> to vector<1xi32>
          %squeeze3A_273 = vector.extract %slice3A_272[0] : i32 from vector<1xi32>
          %mul3A_274 = arith.constant 16 : i32
          %mul3A_275 = arith.muli %add3A_33, %mul3A_274 : i32
          %add3A_276 = arith.constant 1 : i32
          %add3A_277 = arith.addi %mul3A_275, %add3A_276 : i32
          %shift_right_arithmetic3A_278 = arith.constant 4 : i32
          %shift_right_arithmetic3A_279 = arith.shrsi %squeeze3A_271, %shift_right_arithmetic3A_278 : i32
          %min3A_280 = arith.constant 18 : i32
          %min3A_281 = arith.minsi %shift_right_arithmetic3A_279, %min3A_280 : i32
          %add3A_282 = arith.constant 0 : i32
          %add3A_283 = arith.addi %min3A_281, %add3A_282 : i32
          %mul3A_284 = arith.constant 16 : i32
          %mul3A_285 = arith.muli %add3A_283, %mul3A_284 : i32
          %get3A_286 = arith.index_cast %add3A_277 : i32 to index
          %get3A_287 = arith.index_cast %mul3A_285 : i32 to index
          %get3A_288 = tpu.vector_load %arg8[%get3A_286, %get3A_287] {strides = array<i32>} : memref<128x384xf32, #tpu.memory_space<vmem>>, vector<1x16xf32>,
          %get3A_289 = vector.shape_cast %get3A_288 : vector<1x16xf32> to vector<16xf32>
          %add3A_290 = vector.broadcast %mul3A_285 : i32 to vector<16xi32>
          %add3A_291 = arith.addi %add3A_290, %iota3A : vector<16xi32>
          %ge3A_292 = vector.broadcast %squeeze3A_271 : i32 to vector<16xi32>
          %ge3A_293 = arith.cmpi sge, %add3A_291, %ge3A_292 : vector<16xi32>
          %le3A_294 = vector.broadcast %squeeze3A_273 : i32 to vector<16xi32>
          %le3A_295 = arith.cmpi sle, %add3A_291, %le3A_294 : vector<16xi32>
          %and3A_296 = arith.andi %ge3A_293, %le3A_295 : vector<16xi1>
          %convert_element_type3A_297 = arith.sitofp %add3A_291 : vector<16xi32> to vector<16xf32>
          %mul3A_298 = vector.broadcast %squeeze3A_269 : f32 to vector<16xf32>
          %mul3A_299 = arith.mulf %mul3A_298, %convert_element_type3A_297 : vector<16xf32>
          %sub3A_300 = vector.broadcast %squeeze3A_267 : f32 to vector<16xf32>
          %sub3A_301 = arith.subf %sub3A_300, %mul3A_299 : vector<16xf32>
          %sub3A_302 = arith.subf %get3A_289, %sub3A_301 : vector<16xf32>
          %abs3A_303 = math.absf %sub3A_302 : vector<16xf32>
          %get3A_304 = arith.constant 0 : index
          %get3A_305 = tpu.vector_load %arg9[%get3A_304] {strides = array<i32>} : memref<16xf32, #tpu.memory_space<vmem>>, vector<16xf32>,
          %get3A_306 = vector.shape_cast %get3A_305 : vector<16xf32> to vector<16xf32>
          %jit3A_307 = arith.constant 0.000000e+00 : f32
          %broadcast_in_dim3A_308 = vector.broadcast %jit3A_307 : f32 to vector<16xf32>
          %select_n3A_309 = arith.select %and3A_296, %abs3A_303, %broadcast_in_dim3A_308 : vector<16xi1>, vector<16xf32>
          %add3A_310 = arith.addf %get3A_306, %select_n3A_309 : vector<16xf32>
          %swap3A_311 = arith.constant 0 : index
          %swap3A_312 = tpu.vector_load %arg9[%swap3A_311] {strides = array<i32>} : memref<16xf32, #tpu.memory_space<vmem>>, vector<16xf32>,
          %swap3A_313 = vector.shape_cast %swap3A_312 : vector<16xf32> to vector<16xf32>
          %swap3A_314 = vector.shape_cast %add3A_310 : vector<16xf32> to vector<16xf32>
          tpu.vector_store %arg9[%swap3A_311], %swap3A_314 {strides = array<i32>} : memref<16xf32, #tpu.memory_space<vmem>>, vector<16xf32>,
          %add3A_315 = arith.constant 1 : i32
          %add3A_316 = arith.addi %min3A_281, %add3A_315 : i32
          %mul3A_317 = arith.constant 16 : i32
          %mul3A_318 = arith.muli %add3A_316, %mul3A_317 : i32
          %get3A_319 = arith.index_cast %add3A_277 : i32 to index
          %get3A_320 = arith.index_cast %mul3A_318 : i32 to index
          %get3A_321 = tpu.vector_load %arg8[%get3A_319, %get3A_320] {strides = array<i32>} : memref<128x384xf32, #tpu.memory_space<vmem>>, vector<1x16xf32>,
          %get3A_322 = vector.shape_cast %get3A_321 : vector<1x16xf32> to vector<16xf32>
          %add3A_323 = vector.broadcast %mul3A_318 : i32 to vector<16xi32>
          %add3A_324 = arith.addi %add3A_323, %iota3A : vector<16xi32>
          %ge3A_325 = vector.broadcast %squeeze3A_271 : i32 to vector<16xi32>
          %ge3A_326 = arith.cmpi sge, %add3A_324, %ge3A_325 : vector<16xi32>
          %le3A_327 = vector.broadcast %squeeze3A_273 : i32 to vector<16xi32>
          %le3A_328 = arith.cmpi sle, %add3A_324, %le3A_327 : vector<16xi32>
          %and3A_329 = arith.andi %ge3A_326, %le3A_328 : vector<16xi1>
          %convert_element_type3A_330 = arith.sitofp %add3A_324 : vector<16xi32> to vector<16xf32>
          %mul3A_331 = vector.broadcast %squeeze3A_269 : f32 to vector<16xf32>
          %mul3A_332 = arith.mulf %mul3A_331, %convert_element_type3A_330 : vector<16xf32>
          %sub3A_333 = vector.broadcast %squeeze3A_267 : f32 to vector<16xf32>
          %sub3A_334 = arith.subf %sub3A_333, %mul3A_332 : vector<16xf32>
          %sub3A_335 = arith.subf %get3A_322, %sub3A_334 : vector<16xf32>
          %abs3A_336 = math.absf %sub3A_335 : vector<16xf32>
          %get3A_337 = arith.constant 0 : index
          %get3A_338 = tpu.vector_load %arg9[%get3A_337] {strides = array<i32>} : memref<16xf32, #tpu.memory_space<vmem>>, vector<16xf32>,
          %get3A_339 = vector.shape_cast %get3A_338 : vector<16xf32> to vector<16xf32>
          %jit3A_340 = arith.constant 0.000000e+00 : f32
          %broadcast_in_dim3A_341 = vector.broadcast %jit3A_340 : f32 to vector<16xf32>
          %select_n3A_342 = arith.select %and3A_329, %abs3A_336, %broadcast_in_dim3A_341 : vector<16xi1>, vector<16xf32>
          %add3A_343 = arith.addf %get3A_339, %select_n3A_342 : vector<16xf32>
          %swap3A_344 = arith.constant 0 : index
          %swap3A_345 = tpu.vector_load %arg9[%swap3A_344] {strides = array<i32>} : memref<16xf32, #tpu.memory_space<vmem>>, vector<16xf32>,
          %swap3A_346 = vector.shape_cast %swap3A_345 : vector<16xf32> to vector<16xf32>
          %swap3A_347 = vector.shape_cast %add3A_343 : vector<16xf32> to vector<16xf32>
          tpu.vector_store %arg9[%swap3A_344], %swap3A_347 {strides = array<i32>} : memref<16xf32, #tpu.memory_space<vmem>>, vector<16xf32>,
          %add3A_348 = arith.constant 2 : i32
          %add3A_349 = arith.addi %min3A_281, %add3A_348 : i32
          %mul3A_350 = arith.constant 16 : i32
          %mul3A_351 = arith.muli %add3A_349, %mul3A_350 : i32
          %get3A_352 = arith.index_cast %add3A_277 : i32 to index
          %get3A_353 = arith.index_cast %mul3A_351 : i32 to index
          %get3A_354 = tpu.vector_load %arg8[%get3A_352, %get3A_353] {strides = array<i32>} : memref<128x384xf32, #tpu.memory_space<vmem>>, vector<1x16xf32>,
          %get3A_355 = vector.shape_cast %get3A_354 : vector<1x16xf32> to vector<16xf32>
          %add3A_356 = vector.broadcast %mul3A_351 : i32 to vector<16xi32>
          %add3A_357 = arith.addi %add3A_356, %iota3A : vector<16xi32>
          %ge3A_358 = vector.broadcast %squeeze3A_271 : i32 to vector<16xi32>
          %ge3A_359 = arith.cmpi sge, %add3A_357, %ge3A_358 : vector<16xi32>
          %le3A_360 = vector.broadcast %squeeze3A_273 : i32 to vector<16xi32>
          %le3A_361 = arith.cmpi sle, %add3A_357, %le3A_360 : vector<16xi32>
          %and3A_362 = arith.andi %ge3A_359, %le3A_361 : vector<16xi1>
          %convert_element_type3A_363 = arith.sitofp %add3A_357 : vector<16xi32> to vector<16xf32>
          %mul3A_364 = vector.broadcast %squeeze3A_269 : f32 to vector<16xf32>
          %mul3A_365 = arith.mulf %mul3A_364, %convert_element_type3A_363 : vector<16xf32>
          %sub3A_366 = vector.broadcast %squeeze3A_267 : f32 to vector<16xf32>
          %sub3A_367 = arith.subf %sub3A_366, %mul3A_365 : vector<16xf32>
          %sub3A_368 = arith.subf %get3A_355, %sub3A_367 : vector<16xf32>
          %abs3A_369 = math.absf %sub3A_368 : vector<16xf32>
          %get3A_370 = arith.constant 0 : index
          %get3A_371 = tpu.vector_load %arg9[%get3A_370] {strides = array<i32>} : memref<16xf32, #tpu.memory_space<vmem>>, vector<16xf32>,
          %get3A_372 = vector.shape_cast %get3A_371 : vector<16xf32> to vector<16xf32>
          %jit3A_373 = arith.constant 0.000000e+00 : f32
          %broadcast_in_dim3A_374 = vector.broadcast %jit3A_373 : f32 to vector<16xf32>
          %select_n3A_375 = arith.select %and3A_362, %abs3A_369, %broadcast_in_dim3A_374 : vector<16xi1>, vector<16xf32>
          %add3A_376 = arith.addf %get3A_372, %select_n3A_375 : vector<16xf32>
          %swap3A_377 = arith.constant 0 : index
          %swap3A_378 = tpu.vector_load %arg9[%swap3A_377] {strides = array<i32>} : memref<16xf32, #tpu.memory_space<vmem>>, vector<16xf32>,
          %swap3A_379 = vector.shape_cast %swap3A_378 : vector<16xf32> to vector<16xf32>
          %swap3A_380 = vector.shape_cast %add3A_376 : vector<16xf32> to vector<16xf32>
          tpu.vector_store %arg9[%swap3A_377], %swap3A_380 {strides = array<i32>} : memref<16xf32, #tpu.memory_space<vmem>>, vector<16xf32>,
          %add3A_381 = arith.constant 3 : i32
          %add3A_382 = arith.addi %min3A_281, %add3A_381 : i32
          %mul3A_383 = arith.constant 16 : i32
          %mul3A_384 = arith.muli %add3A_382, %mul3A_383 : i32
          %get3A_385 = arith.index_cast %add3A_277 : i32 to index
          %get3A_386 = arith.index_cast %mul3A_384 : i32 to index
          %get3A_387 = tpu.vector_load %arg8[%get3A_385, %get3A_386] {strides = array<i32>} : memref<128x384xf32, #tpu.memory_space<vmem>>, vector<1x16xf32>,
          %get3A_388 = vector.shape_cast %get3A_387 : vector<1x16xf32> to vector<16xf32>
          %add3A_389 = vector.broadcast %mul3A_384 : i32 to vector<16xi32>
          %add3A_390 = arith.addi %add3A_389, %iota3A : vector<16xi32>
          %ge3A_391 = vector.broadcast %squeeze3A_271 : i32 to vector<16xi32>
          %ge3A_392 = arith.cmpi sge, %add3A_390, %ge3A_391 : vector<16xi32>
          %le3A_393 = vector.broadcast %squeeze3A_273 : i32 to vector<16xi32>
          %le3A_394 = arith.cmpi sle, %add3A_390, %le3A_393 : vector<16xi32>
          %and3A_395 = arith.andi %ge3A_392, %le3A_394 : vector<16xi1>
          %convert_element_type3A_396 = arith.sitofp %add3A_390 : vector<16xi32> to vector<16xf32>
          %mul3A_397 = vector.broadcast %squeeze3A_269 : f32 to vector<16xf32>
          %mul3A_398 = arith.mulf %mul3A_397, %convert_element_type3A_396 : vector<16xf32>
          %sub3A_399 = vector.broadcast %squeeze3A_267 : f32 to vector<16xf32>
          %sub3A_400 = arith.subf %sub3A_399, %mul3A_398 : vector<16xf32>
          %sub3A_401 = arith.subf %get3A_388, %sub3A_400 : vector<16xf32>
          %abs3A_402 = math.absf %sub3A_401 : vector<16xf32>
          %get3A_403 = arith.constant 0 : index
          %get3A_404 = tpu.vector_load %arg9[%get3A_403] {strides = array<i32>} : memref<16xf32, #tpu.memory_space<vmem>>, vector<16xf32>,
          %get3A_405 = vector.shape_cast %get3A_404 : vector<16xf32> to vector<16xf32>
          %jit3A_406 = arith.constant 0.000000e+00 : f32
          %broadcast_in_dim3A_407 = vector.broadcast %jit3A_406 : f32 to vector<16xf32>
          %select_n3A_408 = arith.select %and3A_395, %abs3A_402, %broadcast_in_dim3A_407 : vector<16xi1>, vector<16xf32>
          %add3A_409 = arith.addf %get3A_405, %select_n3A_408 : vector<16xf32>
          %swap3A_410 = arith.constant 0 : index
          %swap3A_411 = tpu.vector_load %arg9[%swap3A_410] {strides = array<i32>} : memref<16xf32, #tpu.memory_space<vmem>>, vector<16xf32>,
          %swap3A_412 = vector.shape_cast %swap3A_411 : vector<16xf32> to vector<16xf32>
          %swap3A_413 = vector.shape_cast %add3A_409 : vector<16xf32> to vector<16xf32>
          tpu.vector_store %arg9[%swap3A_410], %swap3A_413 {strides = array<i32>} : memref<16xf32, #tpu.memory_space<vmem>>, vector<16xf32>,
          %add3A_414 = arith.constant 4 : i32
          %add3A_415 = arith.addi %min3A_281, %add3A_414 : i32
          %mul3A_416 = arith.constant 16 : i32
          %mul3A_417 = arith.muli %add3A_415, %mul3A_416 : i32
          %get3A_418 = arith.index_cast %add3A_277 : i32 to index
          %get3A_419 = arith.index_cast %mul3A_417 : i32 to index
          %get3A_420 = tpu.vector_load %arg8[%get3A_418, %get3A_419] {strides = array<i32>} : memref<128x384xf32, #tpu.memory_space<vmem>>, vector<1x16xf32>,
          %get3A_421 = vector.shape_cast %get3A_420 : vector<1x16xf32> to vector<16xf32>
          %add3A_422 = vector.broadcast %mul3A_417 : i32 to vector<16xi32>
          %add3A_423 = arith.addi %add3A_422, %iota3A : vector<16xi32>
          %ge3A_424 = vector.broadcast %squeeze3A_271 : i32 to vector<16xi32>
          %ge3A_425 = arith.cmpi sge, %add3A_423, %ge3A_424 : vector<16xi32>
          %le3A_426 = vector.broadcast %squeeze3A_273 : i32 to vector<16xi32>
          %le3A_427 = arith.cmpi sle, %add3A_423, %le3A_426 : vector<16xi32>
          %and3A_428 = arith.andi %ge3A_425, %le3A_427 : vector<16xi1>
          %convert_element_type3A_429 = arith.sitofp %add3A_423 : vector<16xi32> to vector<16xf32>
          %mul3A_430 = vector.broadcast %squeeze3A_269 : f32 to vector<16xf32>
          %mul3A_431 = arith.mulf %mul3A_430, %convert_element_type3A_429 : vector<16xf32>
          %sub3A_432 = vector.broadcast %squeeze3A_267 : f32 to vector<16xf32>
          %sub3A_433 = arith.subf %sub3A_432, %mul3A_431 : vector<16xf32>
          %sub3A_434 = arith.subf %get3A_421, %sub3A_433 : vector<16xf32>
          %abs3A_435 = math.absf %sub3A_434 : vector<16xf32>
          %get3A_436 = arith.constant 0 : index
          %get3A_437 = tpu.vector_load %arg9[%get3A_436] {strides = array<i32>} : memref<16xf32, #tpu.memory_space<vmem>>, vector<16xf32>,
          %get3A_438 = vector.shape_cast %get3A_437 : vector<16xf32> to vector<16xf32>
          %jit3A_439 = arith.constant 0.000000e+00 : f32
          %broadcast_in_dim3A_440 = vector.broadcast %jit3A_439 : f32 to vector<16xf32>
          %select_n3A_441 = arith.select %and3A_428, %abs3A_435, %broadcast_in_dim3A_440 : vector<16xi1>, vector<16xf32>
          %add3A_442 = arith.addf %get3A_438, %select_n3A_441 : vector<16xf32>
          %swap3A_443 = arith.constant 0 : index
          %swap3A_444 = tpu.vector_load %arg9[%swap3A_443] {strides = array<i32>} : memref<16xf32, #tpu.memory_space<vmem>>, vector<16xf32>,
          %swap3A_445 = vector.shape_cast %swap3A_444 : vector<16xf32> to vector<16xf32>
          %swap3A_446 = vector.shape_cast %add3A_442 : vector<16xf32> to vector<16xf32>
          tpu.vector_store %arg9[%swap3A_443], %swap3A_446 {strides = array<i32>} : memref<16xf32, #tpu.memory_space<vmem>>, vector<16xf32>,
          %add3A_447 = arith.constant 5 : i32
          %add3A_448 = arith.addi %min3A_281, %add3A_447 : i32
          %mul3A_449 = arith.constant 16 : i32
          %mul3A_450 = arith.muli %add3A_448, %mul3A_449 : i32
          %get3A_451 = arith.index_cast %add3A_277 : i32 to index
          %get3A_452 = arith.index_cast %mul3A_450 : i32 to index
          %get3A_453 = tpu.vector_load %arg8[%get3A_451, %get3A_452] {strides = array<i32>} : memref<128x384xf32, #tpu.memory_space<vmem>>, vector<1x16xf32>,
          %get3A_454 = vector.shape_cast %get3A_453 : vector<1x16xf32> to vector<16xf32>
          %add3A_455 = vector.broadcast %mul3A_450 : i32 to vector<16xi32>
          %add3A_456 = arith.addi %add3A_455, %iota3A : vector<16xi32>
          %ge3A_457 = vector.broadcast %squeeze3A_271 : i32 to vector<16xi32>
          %ge3A_458 = arith.cmpi sge, %add3A_456, %ge3A_457 : vector<16xi32>
          %le3A_459 = vector.broadcast %squeeze3A_273 : i32 to vector<16xi32>
          %le3A_460 = arith.cmpi sle, %add3A_456, %le3A_459 : vector<16xi32>
          %and3A_461 = arith.andi %ge3A_458, %le3A_460 : vector<16xi1>
          %convert_element_type3A_462 = arith.sitofp %add3A_456 : vector<16xi32> to vector<16xf32>
          %mul3A_463 = vector.broadcast %squeeze3A_269 : f32 to vector<16xf32>
          %mul3A_464 = arith.mulf %mul3A_463, %convert_element_type3A_462 : vector<16xf32>
          %sub3A_465 = vector.broadcast %squeeze3A_267 : f32 to vector<16xf32>
          %sub3A_466 = arith.subf %sub3A_465, %mul3A_464 : vector<16xf32>
          %sub3A_467 = arith.subf %get3A_454, %sub3A_466 : vector<16xf32>
          %abs3A_468 = math.absf %sub3A_467 : vector<16xf32>
          %get3A_469 = arith.constant 0 : index
          %get3A_470 = tpu.vector_load %arg9[%get3A_469] {strides = array<i32>} : memref<16xf32, #tpu.memory_space<vmem>>, vector<16xf32>,
          %get3A_471 = vector.shape_cast %get3A_470 : vector<16xf32> to vector<16xf32>
          %jit3A_472 = arith.constant 0.000000e+00 : f32
          %broadcast_in_dim3A_473 = vector.broadcast %jit3A_472 : f32 to vector<16xf32>
          %select_n3A_474 = arith.select %and3A_461, %abs3A_468, %broadcast_in_dim3A_473 : vector<16xi1>, vector<16xf32>
          %add3A_475 = arith.addf %get3A_471, %select_n3A_474 : vector<16xf32>
          %swap3A_476 = arith.constant 0 : index
          %swap3A_477 = tpu.vector_load %arg9[%swap3A_476] {strides = array<i32>} : memref<16xf32, #tpu.memory_space<vmem>>, vector<16xf32>,
          %swap3A_478 = vector.shape_cast %swap3A_477 : vector<16xf32> to vector<16xf32>
          %swap3A_479 = vector.shape_cast %add3A_475 : vector<16xf32> to vector<16xf32>
          tpu.vector_store %arg9[%swap3A_476], %swap3A_479 {strides = array<i32>} : memref<16xf32, #tpu.memory_space<vmem>>, vector<16xf32>,
          %slice3A_480 = vector.extract_strided_slice %get3A_39 {offsets = [2], sizes = [1], strides = [1]} : vector<16xf32> to vector<1xf32>
          %squeeze3A_481 = vector.extract %slice3A_480[0] : f32 from vector<1xf32>
          %slice3A_482 = vector.extract_strided_slice %get3A_46 {offsets = [2], sizes = [1], strides = [1]} : vector<16xf32> to vector<1xf32>
          %squeeze3A_483 = vector.extract %slice3A_482[0] : f32 from vector<1xf32>
          %slice3A_484 = vector.extract_strided_slice %convert_element_type3A_54 {offsets = [2], sizes = [1], strides = [1]} : vector<16xi32> to vector<1xi32>
          %squeeze3A_485 = vector.extract %slice3A_484[0] : i32 from vector<1xi32>
          %slice3A_486 = vector.extract_strided_slice %convert_element_type3A_62 {offsets = [2], sizes = [1], strides = [1]} : vector<16xi32> to vector<1xi32>
          %squeeze3A_487 = vector.extract %slice3A_486[0] : i32 from vector<1xi32>
          %mul3A_488 = arith.constant 16 : i32
          %mul3A_489 = arith.muli %add3A_33, %mul3A_488 : i32
          %add3A_490 = arith.constant 2 : i32
          %add3A_491 = arith.addi %mul3A_489, %add3A_490 : i32
          %shift_right_arithmetic3A_492 = arith.constant 4 : i32
          %shift_right_arithmetic3A_493 = arith.shrsi %squeeze3A_485, %shift_right_arithmetic3A_492 : i32
          %min3A_494 = arith.constant 18 : i32
          %min3A_495 = arith.minsi %shift_right_arithmetic3A_493, %min3A_494 : i32
          %add3A_496 = arith.constant 0 : i32
          %add3A_497 = arith.addi %min3A_495, %add3A_496 : i32
          %mul3A_498 = arith.constant 16 : i32
          %mul3A_499 = arith.muli %add3A_497, %mul3A_498 : i32
          %get3A_500 = arith.index_cast %add3A_491 : i32 to index
          %get3A_501 = arith.index_cast %mul3A_499 : i32 to index
          %get3A_502 = tpu.vector_load %arg8[%get3A_500, %get3A_501] {strides = array<i32>} : memref<128x384xf32, #tpu.memory_space<vmem>>, vector<1x16xf32>,
          %get3A_503 = vector.shape_cast %get3A_502 : vector<1x16xf32> to vector<16xf32>
          %add3A_504 = vector.broadcast %mul3A_499 : i32 to vector<16xi32>
          %add3A_505 = arith.addi %add3A_504, %iota3A : vector<16xi32>
          %ge3A_506 = vector.broadcast %squeeze3A_485 : i32 to vector<16xi32>
          %ge3A_507 = arith.cmpi sge, %add3A_505, %ge3A_506 : vector<16xi32>
          %le3A_508 = vector.broadcast %squeeze3A_487 : i32 to vector<16xi32>
          %le3A_509 = arith.cmpi sle, %add3A_505, %le3A_508 : vector<16xi32>
          %and3A_510 = arith.andi %ge3A_507, %le3A_509 : vector<16xi1>
          %convert_element_type3A_511 = arith.sitofp %add3A_505 : vector<16xi32> to vector<16xf32>
          %mul3A_512 = vector.broadcast %squeeze3A_483 : f32 to vector<16xf32>
          %mul3A_513 = arith.mulf %mul3A_512, %convert_element_type3A_511 : vector<16xf32>
          %sub3A_514 = vector.broadcast %squeeze3A_481 : f32 to vector<16xf32>
          %sub3A_515 = arith.subf %sub3A_514, %mul3A_513 : vector<16xf32>
          %sub3A_516 = arith.subf %get3A_503, %sub3A_515 : vector<16xf32>
          %abs3A_517 = math.absf %sub3A_516 : vector<16xf32>
          %get3A_518 = arith.constant 0 : index
          %get3A_519 = tpu.vector_load %arg9[%get3A_518] {strides = array<i32>} : memref<16xf32, #tpu.memory_space<vmem>>, vector<16xf32>,
          %get3A_520 = vector.shape_cast %get3A_519 : vector<16xf32> to vector<16xf32>
          %jit3A_521 = arith.constant 0.000000e+00 : f32
          %broadcast_in_dim3A_522 = vector.broadcast %jit3A_521 : f32 to vector<16xf32>
          %select_n3A_523 = arith.select %and3A_510, %abs3A_517, %broadcast_in_dim3A_522 : vector<16xi1>, vector<16xf32>
          %add3A_524 = arith.addf %get3A_520, %select_n3A_523 : vector<16xf32>
          %swap3A_525 = arith.constant 0 : index
          %swap3A_526 = tpu.vector_load %arg9[%swap3A_525] {strides = array<i32>} : memref<16xf32, #tpu.memory_space<vmem>>, vector<16xf32>,
          %swap3A_527 = vector.shape_cast %swap3A_526 : vector<16xf32> to vector<16xf32>
          %swap3A_528 = vector.shape_cast %add3A_524 : vector<16xf32> to vector<16xf32>
          tpu.vector_store %arg9[%swap3A_525], %swap3A_528 {strides = array<i32>} : memref<16xf32, #tpu.memory_space<vmem>>, vector<16xf32>,
          %add3A_529 = arith.constant 1 : i32
          %add3A_530 = arith.addi %min3A_495, %add3A_529 : i32
          %mul3A_531 = arith.constant 16 : i32
          %mul3A_532 = arith.muli %add3A_530, %mul3A_531 : i32
          %get3A_533 = arith.index_cast %add3A_491 : i32 to index
          %get3A_534 = arith.index_cast %mul3A_532 : i32 to index
          %get3A_535 = tpu.vector_load %arg8[%get3A_533, %get3A_534] {strides = array<i32>} : memref<128x384xf32, #tpu.memory_space<vmem>>, vector<1x16xf32>,
          %get3A_536 = vector.shape_cast %get3A_535 : vector<1x16xf32> to vector<16xf32>
          %add3A_537 = vector.broadcast %mul3A_532 : i32 to vector<16xi32>
          %add3A_538 = arith.addi %add3A_537, %iota3A : vector<16xi32>
          %ge3A_539 = vector.broadcast %squeeze3A_485 : i32 to vector<16xi32>
          %ge3A_540 = arith.cmpi sge, %add3A_538, %ge3A_539 : vector<16xi32>
          %le3A_541 = vector.broadcast %squeeze3A_487 : i32 to vector<16xi32>
          %le3A_542 = arith.cmpi sle, %add3A_538, %le3A_541 : vector<16xi32>
          %and3A_543 = arith.andi %ge3A_540, %le3A_542 : vector<16xi1>
          %convert_element_type3A_544 = arith.sitofp %add3A_538 : vector<16xi32> to vector<16xf32>
          %mul3A_545 = vector.broadcast %squeeze3A_483 : f32 to vector<16xf32>
          %mul3A_546 = arith.mulf %mul3A_545, %convert_element_type3A_544 : vector<16xf32>
          %sub3A_547 = vector.broadcast %squeeze3A_481 : f32 to vector<16xf32>
          %sub3A_548 = arith.subf %sub3A_547, %mul3A_546 : vector<16xf32>
          %sub3A_549 = arith.subf %get3A_536, %sub3A_548 : vector<16xf32>
          %abs3A_550 = math.absf %sub3A_549 : vector<16xf32>
          %get3A_551 = arith.constant 0 : index
          %get3A_552 = tpu.vector_load %arg9[%get3A_551] {strides = array<i32>} : memref<16xf32, #tpu.memory_space<vmem>>, vector<16xf32>,
          %get3A_553 = vector.shape_cast %get3A_552 : vector<16xf32> to vector<16xf32>
          %jit3A_554 = arith.constant 0.000000e+00 : f32
          %broadcast_in_dim3A_555 = vector.broadcast %jit3A_554 : f32 to vector<16xf32>
          %select_n3A_556 = arith.select %and3A_543, %abs3A_550, %broadcast_in_dim3A_555 : vector<16xi1>, vector<16xf32>
          %add3A_557 = arith.addf %get3A_553, %select_n3A_556 : vector<16xf32>
          %swap3A_558 = arith.constant 0 : index
          %swap3A_559 = tpu.vector_load %arg9[%swap3A_558] {strides = array<i32>} : memref<16xf32, #tpu.memory_space<vmem>>, vector<16xf32>,
          %swap3A_560 = vector.shape_cast %swap3A_559 : vector<16xf32> to vector<16xf32>
          %swap3A_561 = vector.shape_cast %add3A_557 : vector<16xf32> to vector<16xf32>
          tpu.vector_store %arg9[%swap3A_558], %swap3A_561 {strides = array<i32>} : memref<16xf32, #tpu.memory_space<vmem>>, vector<16xf32>,
          %add3A_562 = arith.constant 2 : i32
          %add3A_563 = arith.addi %min3A_495, %add3A_562 : i32
          %mul3A_564 = arith.constant 16 : i32
          %mul3A_565 = arith.muli %add3A_563, %mul3A_564 : i32
          %get3A_566 = arith.index_cast %add3A_491 : i32 to index
          %get3A_567 = arith.index_cast %mul3A_565 : i32 to index
          %get3A_568 = tpu.vector_load %arg8[%get3A_566, %get3A_567] {strides = array<i32>} : memref<128x384xf32, #tpu.memory_space<vmem>>, vector<1x16xf32>,
          %get3A_569 = vector.shape_cast %get3A_568 : vector<1x16xf32> to vector<16xf32>
          %add3A_570 = vector.broadcast %mul3A_565 : i32 to vector<16xi32>
          %add3A_571 = arith.addi %add3A_570, %iota3A : vector<16xi32>
          %ge3A_572 = vector.broadcast %squeeze3A_485 : i32 to vector<16xi32>
          %ge3A_573 = arith.cmpi sge, %add3A_571, %ge3A_572 : vector<16xi32>
          %le3A_574 = vector.broadcast %squeeze3A_487 : i32 to vector<16xi32>
          %le3A_575 = arith.cmpi sle, %add3A_571, %le3A_574 : vector<16xi32>
          %and3A_576 = arith.andi %ge3A_573, %le3A_575 : vector<16xi1>
          %convert_element_type3A_577 = arith.sitofp %add3A_571 : vector<16xi32> to vector<16xf32>
          %mul3A_578 = vector.broadcast %squeeze3A_483 : f32 to vector<16xf32>
          %mul3A_579 = arith.mulf %mul3A_578, %convert_element_type3A_577 : vector<16xf32>
          %sub3A_580 = vector.broadcast %squeeze3A_481 : f32 to vector<16xf32>
          %sub3A_581 = arith.subf %sub3A_580, %mul3A_579 : vector<16xf32>
          %sub3A_582 = arith.subf %get3A_569, %sub3A_581 : vector<16xf32>
          %abs3A_583 = math.absf %sub3A_582 : vector<16xf32>
          %get3A_584 = arith.constant 0 : index
          %get3A_585 = tpu.vector_load %arg9[%get3A_584] {strides = array<i32>} : memref<16xf32, #tpu.memory_space<vmem>>, vector<16xf32>,
          %get3A_586 = vector.shape_cast %get3A_585 : vector<16xf32> to vector<16xf32>
          %jit3A_587 = arith.constant 0.000000e+00 : f32
          %broadcast_in_dim3A_588 = vector.broadcast %jit3A_587 : f32 to vector<16xf32>
          %select_n3A_589 = arith.select %and3A_576, %abs3A_583, %broadcast_in_dim3A_588 : vector<16xi1>, vector<16xf32>
          %add3A_590 = arith.addf %get3A_586, %select_n3A_589 : vector<16xf32>
          %swap3A_591 = arith.constant 0 : index
          %swap3A_592 = tpu.vector_load %arg9[%swap3A_591] {strides = array<i32>} : memref<16xf32, #tpu.memory_space<vmem>>, vector<16xf32>,
          %swap3A_593 = vector.shape_cast %swap3A_592 : vector<16xf32> to vector<16xf32>
          %swap3A_594 = vector.shape_cast %add3A_590 : vector<16xf32> to vector<16xf32>
          tpu.vector_store %arg9[%swap3A_591], %swap3A_594 {strides = array<i32>} : memref<16xf32, #tpu.memory_space<vmem>>, vector<16xf32>,
          %add3A_595 = arith.constant 3 : i32
          %add3A_596 = arith.addi %min3A_495, %add3A_595 : i32
          %mul3A_597 = arith.constant 16 : i32
          %mul3A_598 = arith.muli %add3A_596, %mul3A_597 : i32
          %get3A_599 = arith.index_cast %add3A_491 : i32 to index
          %get3A_600 = arith.index_cast %mul3A_598 : i32 to index
          %get3A_601 = tpu.vector_load %arg8[%get3A_599, %get3A_600] {strides = array<i32>} : memref<128x384xf32, #tpu.memory_space<vmem>>, vector<1x16xf32>,
          %get3A_602 = vector.shape_cast %get3A_601 : vector<1x16xf32> to vector<16xf32>
          %add3A_603 = vector.broadcast %mul3A_598 : i32 to vector<16xi32>
          %add3A_604 = arith.addi %add3A_603, %iota3A : vector<16xi32>
          %ge3A_605 = vector.broadcast %squeeze3A_485 : i32 to vector<16xi32>
          %ge3A_606 = arith.cmpi sge, %add3A_604, %ge3A_605 : vector<16xi32>
          %le3A_607 = vector.broadcast %squeeze3A_487 : i32 to vector<16xi32>
          %le3A_608 = arith.cmpi sle, %add3A_604, %le3A_607 : vector<16xi32>
          %and3A_609 = arith.andi %ge3A_606, %le3A_608 : vector<16xi1>
          %convert_element_type3A_610 = arith.sitofp %add3A_604 : vector<16xi32> to vector<16xf32>
          %mul3A_611 = vector.broadcast %squeeze3A_483 : f32 to vector<16xf32>
          %mul3A_612 = arith.mulf %mul3A_611, %convert_element_type3A_610 : vector<16xf32>
          %sub3A_613 = vector.broadcast %squeeze3A_481 : f32 to vector<16xf32>
          %sub3A_614 = arith.subf %sub3A_613, %mul3A_612 : vector<16xf32>
          %sub3A_615 = arith.subf %get3A_602, %sub3A_614 : vector<16xf32>
          %abs3A_616 = math.absf %sub3A_615 : vector<16xf32>
          %get3A_617 = arith.constant 0 : index
          %get3A_618 = tpu.vector_load %arg9[%get3A_617] {strides = array<i32>} : memref<16xf32, #tpu.memory_space<vmem>>, vector<16xf32>,
          %get3A_619 = vector.shape_cast %get3A_618 : vector<16xf32> to vector<16xf32>
          %jit3A_620 = arith.constant 0.000000e+00 : f32
          %broadcast_in_dim3A_621 = vector.broadcast %jit3A_620 : f32 to vector<16xf32>
          %select_n3A_622 = arith.select %and3A_609, %abs3A_616, %broadcast_in_dim3A_621 : vector<16xi1>, vector<16xf32>
          %add3A_623 = arith.addf %get3A_619, %select_n3A_622 : vector<16xf32>
          %swap3A_624 = arith.constant 0 : index
          %swap3A_625 = tpu.vector_load %arg9[%swap3A_624] {strides = array<i32>} : memref<16xf32, #tpu.memory_space<vmem>>, vector<16xf32>,
          %swap3A_626 = vector.shape_cast %swap3A_625 : vector<16xf32> to vector<16xf32>
          %swap3A_627 = vector.shape_cast %add3A_623 : vector<16xf32> to vector<16xf32>
          tpu.vector_store %arg9[%swap3A_624], %swap3A_627 {strides = array<i32>} : memref<16xf32, #tpu.memory_space<vmem>>, vector<16xf32>,
          %add3A_628 = arith.constant 4 : i32
          %add3A_629 = arith.addi %min3A_495, %add3A_628 : i32
          %mul3A_630 = arith.constant 16 : i32
          %mul3A_631 = arith.muli %add3A_629, %mul3A_630 : i32
          %get3A_632 = arith.index_cast %add3A_491 : i32 to index
          %get3A_633 = arith.index_cast %mul3A_631 : i32 to index
          %get3A_634 = tpu.vector_load %arg8[%get3A_632, %get3A_633] {strides = array<i32>} : memref<128x384xf32, #tpu.memory_space<vmem>>, vector<1x16xf32>,
          %get3A_635 = vector.shape_cast %get3A_634 : vector<1x16xf32> to vector<16xf32>
          %add3A_636 = vector.broadcast %mul3A_631 : i32 to vector<16xi32>
          %add3A_637 = arith.addi %add3A_636, %iota3A : vector<16xi32>
          %ge3A_638 = vector.broadcast %squeeze3A_485 : i32 to vector<16xi32>
          %ge3A_639 = arith.cmpi sge, %add3A_637, %ge3A_638 : vector<16xi32>
          %le3A_640 = vector.broadcast %squeeze3A_487 : i32 to vector<16xi32>
          %le3A_641 = arith.cmpi sle, %add3A_637, %le3A_640 : vector<16xi32>
          %and3A_642 = arith.andi %ge3A_639, %le3A_641 : vector<16xi1>
          %convert_element_type3A_643 = arith.sitofp %add3A_637 : vector<16xi32> to vector<16xf32>
          %mul3A_644 = vector.broadcast %squeeze3A_483 : f32 to vector<16xf32>
          %mul3A_645 = arith.mulf %mul3A_644, %convert_element_type3A_643 : vector<16xf32>
          %sub3A_646 = vector.broadcast %squeeze3A_481 : f32 to vector<16xf32>
          %sub3A_647 = arith.subf %sub3A_646, %mul3A_645 : vector<16xf32>
          %sub3A_648 = arith.subf %get3A_635, %sub3A_647 : vector<16xf32>
          %abs3A_649 = math.absf %sub3A_648 : vector<16xf32>
          %get3A_650 = arith.constant 0 : index
          %get3A_651 = tpu.vector_load %arg9[%get3A_650] {strides = array<i32>} : memref<16xf32, #tpu.memory_space<vmem>>, vector<16xf32>,
          %get3A_652 = vector.shape_cast %get3A_651 : vector<16xf32> to vector<16xf32>
          %jit3A_653 = arith.constant 0.000000e+00 : f32
          %broadcast_in_dim3A_654 = vector.broadcast %jit3A_653 : f32 to vector<16xf32>
          %select_n3A_655 = arith.select %and3A_642, %abs3A_649, %broadcast_in_dim3A_654 : vector<16xi1>, vector<16xf32>
          %add3A_656 = arith.addf %get3A_652, %select_n3A_655 : vector<16xf32>
          %swap3A_657 = arith.constant 0 : index
          %swap3A_658 = tpu.vector_load %arg9[%swap3A_657] {strides = array<i32>} : memref<16xf32, #tpu.memory_space<vmem>>, vector<16xf32>,
          %swap3A_659 = vector.shape_cast %swap3A_658 : vector<16xf32> to vector<16xf32>
          %swap3A_660 = vector.shape_cast %add3A_656 : vector<16xf32> to vector<16xf32>
          tpu.vector_store %arg9[%swap3A_657], %swap3A_660 {strides = array<i32>} : memref<16xf32, #tpu.memory_space<vmem>>, vector<16xf32>,
          %add3A_661 = arith.constant 5 : i32
          %add3A_662 = arith.addi %min3A_495, %add3A_661 : i32
          %mul3A_663 = arith.constant 16 : i32
          %mul3A_664 = arith.muli %add3A_662, %mul3A_663 : i32
          %get3A_665 = arith.index_cast %add3A_491 : i32 to index
          %get3A_666 = arith.index_cast %mul3A_664 : i32 to index
          %get3A_667 = tpu.vector_load %arg8[%get3A_665, %get3A_666] {strides = array<i32>} : memref<128x384xf32, #tpu.memory_space<vmem>>, vector<1x16xf32>,
          %get3A_668 = vector.shape_cast %get3A_667 : vector<1x16xf32> to vector<16xf32>
          %add3A_669 = vector.broadcast %mul3A_664 : i32 to vector<16xi32>
          %add3A_670 = arith.addi %add3A_669, %iota3A : vector<16xi32>
          %ge3A_671 = vector.broadcast %squeeze3A_485 : i32 to vector<16xi32>
          %ge3A_672 = arith.cmpi sge, %add3A_670, %ge3A_671 : vector<16xi32>
          %le3A_673 = vector.broadcast %squeeze3A_487 : i32 to vector<16xi32>
          %le3A_674 = arith.cmpi sle, %add3A_670, %le3A_673 : vector<16xi32>
          %and3A_675 = arith.andi %ge3A_672, %le3A_674 : vector<16xi1>
          %convert_element_type3A_676 = arith.sitofp %add3A_670 : vector<16xi32> to vector<16xf32>
          %mul3A_677 = vector.broadcast %squeeze3A_483 : f32 to vector<16xf32>
          %mul3A_678 = arith.mulf %mul3A_677, %convert_element_type3A_676 : vector<16xf32>
          %sub3A_679 = vector.broadcast %squeeze3A_481 : f32 to vector<16xf32>
          %sub3A_680 = arith.subf %sub3A_679, %mul3A_678 : vector<16xf32>
          %sub3A_681 = arith.subf %get3A_668, %sub3A_680 : vector<16xf32>
          %abs3A_682 = math.absf %sub3A_681 : vector<16xf32>
          %get3A_683 = arith.constant 0 : index
          %get3A_684 = tpu.vector_load %arg9[%get3A_683] {strides = array<i32>} : memref<16xf32, #tpu.memory_space<vmem>>, vector<16xf32>,
          %get3A_685 = vector.shape_cast %get3A_684 : vector<16xf32> to vector<16xf32>
          %jit3A_686 = arith.constant 0.000000e+00 : f32
          %broadcast_in_dim3A_687 = vector.broadcast %jit3A_686 : f32 to vector<16xf32>
          %select_n3A_688 = arith.select %and3A_675, %abs3A_682, %broadcast_in_dim3A_687 : vector<16xi1>, vector<16xf32>
          %add3A_689 = arith.addf %get3A_685, %select_n3A_688 : vector<16xf32>
          %swap3A_690 = arith.constant 0 : index
          %swap3A_691 = tpu.vector_load %arg9[%swap3A_690] {strides = array<i32>} : memref<16xf32, #tpu.memory_space<vmem>>, vector<16xf32>,
          %swap3A_692 = vector.shape_cast %swap3A_691 : vector<16xf32> to vector<16xf32>
          %swap3A_693 = vector.shape_cast %add3A_689 : vector<16xf32> to vector<16xf32>
          tpu.vector_store %arg9[%swap3A_690], %swap3A_693 {strides = array<i32>} : memref<16xf32, #tpu.memory_space<vmem>>, vector<16xf32>,
          %slice3A_694 = vector.extract_strided_slice %get3A_39 {offsets = [3], sizes = [1], strides = [1]} : vector<16xf32> to vector<1xf32>
          %squeeze3A_695 = vector.extract %slice3A_694[0] : f32 from vector<1xf32>
          %slice3A_696 = vector.extract_strided_slice %get3A_46 {offsets = [3], sizes = [1], strides = [1]} : vector<16xf32> to vector<1xf32>
          %squeeze3A_697 = vector.extract %slice3A_696[0] : f32 from vector<1xf32>
          %slice3A_698 = vector.extract_strided_slice %convert_element_type3A_54 {offsets = [3], sizes = [1], strides = [1]} : vector<16xi32> to vector<1xi32>
          %squeeze3A_699 = vector.extract %slice3A_698[0] : i32 from vector<1xi32>
          %slice3A_700 = vector.extract_strided_slice %convert_element_type3A_62 {offsets = [3], sizes = [1], strides = [1]} : vector<16xi32> to vector<1xi32>
          %squeeze3A_701 = vector.extract %slice3A_700[0] : i32 from vector<1xi32>
          %mul3A_702 = arith.constant 16 : i32
          %mul3A_703 = arith.muli %add3A_33, %mul3A_702 : i32
          %add3A_704 = arith.constant 3 : i32
          %add3A_705 = arith.addi %mul3A_703, %add3A_704 : i32
          %shift_right_arithmetic3A_706 = arith.constant 4 : i32
          %shift_right_arithmetic3A_707 = arith.shrsi %squeeze3A_699, %shift_right_arithmetic3A_706 : i32
          %min3A_708 = arith.constant 18 : i32
          %min3A_709 = arith.minsi %shift_right_arithmetic3A_707, %min3A_708 : i32
          %add3A_710 = arith.constant 0 : i32
          %add3A_711 = arith.addi %min3A_709, %add3A_710 : i32
          %mul3A_712 = arith.constant 16 : i32
          %mul3A_713 = arith.muli %add3A_711, %mul3A_712 : i32
          %get3A_714 = arith.index_cast %add3A_705 : i32 to index
          %get3A_715 = arith.index_cast %mul3A_713 : i32 to index
          %get3A_716 = tpu.vector_load %arg8[%get3A_714, %get3A_715] {strides = array<i32>} : memref<128x384xf32, #tpu.memory_space<vmem>>, vector<1x16xf32>,
          %get3A_717 = vector.shape_cast %get3A_716 : vector<1x16xf32> to vector<16xf32>
          %add3A_718 = vector.broadcast %mul3A_713 : i32 to vector<16xi32>
          %add3A_719 = arith.addi %add3A_718, %iota3A : vector<16xi32>
          %ge3A_720 = vector.broadcast %squeeze3A_699 : i32 to vector<16xi32>
          %ge3A_721 = arith.cmpi sge, %add3A_719, %ge3A_720 : vector<16xi32>
          %le3A_722 = vector.broadcast %squeeze3A_701 : i32 to vector<16xi32>
          %le3A_723 = arith.cmpi sle, %add3A_719, %le3A_722 : vector<16xi32>
          %and3A_724 = arith.andi %ge3A_721, %le3A_723 : vector<16xi1>
          %convert_element_type3A_725 = arith.sitofp %add3A_719 : vector<16xi32> to vector<16xf32>
          %mul3A_726 = vector.broadcast %squeeze3A_697 : f32 to vector<16xf32>
          %mul3A_727 = arith.mulf %mul3A_726, %convert_element_type3A_725 : vector<16xf32>
          %sub3A_728 = vector.broadcast %squeeze3A_695 : f32 to vector<16xf32>
          %sub3A_729 = arith.subf %sub3A_728, %mul3A_727 : vector<16xf32>
          %sub3A_730 = arith.subf %get3A_717, %sub3A_729 : vector<16xf32>
          %abs3A_731 = math.absf %sub3A_730 : vector<16xf32>
          %get3A_732 = arith.constant 0 : index
          %get3A_733 = tpu.vector_load %arg9[%get3A_732] {strides = array<i32>} : memref<16xf32, #tpu.memory_space<vmem>>, vector<16xf32>,
          %get3A_734 = vector.shape_cast %get3A_733 : vector<16xf32> to vector<16xf32>
          %jit3A_735 = arith.constant 0.000000e+00 : f32
          %broadcast_in_dim3A_736 = vector.broadcast %jit3A_735 : f32 to vector<16xf32>
          %select_n3A_737 = arith.select %and3A_724, %abs3A_731, %broadcast_in_dim3A_736 : vector<16xi1>, vector<16xf32>
          %add3A_738 = arith.addf %get3A_734, %select_n3A_737 : vector<16xf32>
          %swap3A_739 = arith.constant 0 : index
          %swap3A_740 = tpu.vector_load %arg9[%swap3A_739] {strides = array<i32>} : memref<16xf32, #tpu.memory_space<vmem>>, vector<16xf32>,
          %swap3A_741 = vector.shape_cast %swap3A_740 : vector<16xf32> to vector<16xf32>
          %swap3A_742 = vector.shape_cast %add3A_738 : vector<16xf32> to vector<16xf32>
          tpu.vector_store %arg9[%swap3A_739], %swap3A_742 {strides = array<i32>} : memref<16xf32, #tpu.memory_space<vmem>>, vector<16xf32>,
          %add3A_743 = arith.constant 1 : i32
          %add3A_744 = arith.addi %min3A_709, %add3A_743 : i32
          %mul3A_745 = arith.constant 16 : i32
          %mul3A_746 = arith.muli %add3A_744, %mul3A_745 : i32
          %get3A_747 = arith.index_cast %add3A_705 : i32 to index
          %get3A_748 = arith.index_cast %mul3A_746 : i32 to index
          %get3A_749 = tpu.vector_load %arg8[%get3A_747, %get3A_748] {strides = array<i32>} : memref<128x384xf32, #tpu.memory_space<vmem>>, vector<1x16xf32>,
          %get3A_750 = vector.shape_cast %get3A_749 : vector<1x16xf32> to vector<16xf32>
          %add3A_751 = vector.broadcast %mul3A_746 : i32 to vector<16xi32>
          %add3A_752 = arith.addi %add3A_751, %iota3A : vector<16xi32>
          %ge3A_753 = vector.broadcast %squeeze3A_699 : i32 to vector<16xi32>
          %ge3A_754 = arith.cmpi sge, %add3A_752, %ge3A_753 : vector<16xi32>
          %le3A_755 = vector.broadcast %squeeze3A_701 : i32 to vector<16xi32>
          %le3A_756 = arith.cmpi sle, %add3A_752, %le3A_755 : vector<16xi32>
          %and3A_757 = arith.andi %ge3A_754, %le3A_756 : vector<16xi1>
          %convert_element_type3A_758 = arith.sitofp %add3A_752 : vector<16xi32> to vector<16xf32>
          %mul3A_759 = vector.broadcast %squeeze3A_697 : f32 to vector<16xf32>
          %mul3A_760 = arith.mulf %mul3A_759, %convert_element_type3A_758 : vector<16xf32>
          %sub3A_761 = vector.broadcast %squeeze3A_695 : f32 to vector<16xf32>
          %sub3A_762 = arith.subf %sub3A_761, %mul3A_760 : vector<16xf32>
          %sub3A_763 = arith.subf %get3A_750, %sub3A_762 : vector<16xf32>
          %abs3A_764 = math.absf %sub3A_763 : vector<16xf32>
          %get3A_765 = arith.constant 0 : index
          %get3A_766 = tpu.vector_load %arg9[%get3A_765] {strides = array<i32>} : memref<16xf32, #tpu.memory_space<vmem>>, vector<16xf32>,
          %get3A_767 = vector.shape_cast %get3A_766 : vector<16xf32> to vector<16xf32>
          %jit3A_768 = arith.constant 0.000000e+00 : f32
          %broadcast_in_dim3A_769 = vector.broadcast %jit3A_768 : f32 to vector<16xf32>
          %select_n3A_770 = arith.select %and3A_757, %abs3A_764, %broadcast_in_dim3A_769 : vector<16xi1>, vector<16xf32>
          %add3A_771 = arith.addf %get3A_767, %select_n3A_770 : vector<16xf32>
          %swap3A_772 = arith.constant 0 : index
          %swap3A_773 = tpu.vector_load %arg9[%swap3A_772] {strides = array<i32>} : memref<16xf32, #tpu.memory_space<vmem>>, vector<16xf32>,
          %swap3A_774 = vector.shape_cast %swap3A_773 : vector<16xf32> to vector<16xf32>
          %swap3A_775 = vector.shape_cast %add3A_771 : vector<16xf32> to vector<16xf32>
          tpu.vector_store %arg9[%swap3A_772], %swap3A_775 {strides = array<i32>} : memref<16xf32, #tpu.memory_space<vmem>>, vector<16xf32>,
          %add3A_776 = arith.constant 2 : i32
          %add3A_777 = arith.addi %min3A_709, %add3A_776 : i32
          %mul3A_778 = arith.constant 16 : i32
          %mul3A_779 = arith.muli %add3A_777, %mul3A_778 : i32
          %get3A_780 = arith.index_cast %add3A_705 : i32 to index
          %get3A_781 = arith.index_cast %mul3A_779 : i32 to index
          %get3A_782 = tpu.vector_load %arg8[%get3A_780, %get3A_781] {strides = array<i32>} : memref<128x384xf32, #tpu.memory_space<vmem>>, vector<1x16xf32>,
          %get3A_783 = vector.shape_cast %get3A_782 : vector<1x16xf32> to vector<16xf32>
          %add3A_784 = vector.broadcast %mul3A_779 : i32 to vector<16xi32>
          %add3A_785 = arith.addi %add3A_784, %iota3A : vector<16xi32>
          %ge3A_786 = vector.broadcast %squeeze3A_699 : i32 to vector<16xi32>
          %ge3A_787 = arith.cmpi sge, %add3A_785, %ge3A_786 : vector<16xi32>
          %le3A_788 = vector.broadcast %squeeze3A_701 : i32 to vector<16xi32>
          %le3A_789 = arith.cmpi sle, %add3A_785, %le3A_788 : vector<16xi32>
          %and3A_790 = arith.andi %ge3A_787, %le3A_789 : vector<16xi1>
          %convert_element_type3A_791 = arith.sitofp %add3A_785 : vector<16xi32> to vector<16xf32>
          %mul3A_792 = vector.broadcast %squeeze3A_697 : f32 to vector<16xf32>
          %mul3A_793 = arith.mulf %mul3A_792, %convert_element_type3A_791 : vector<16xf32>
          %sub3A_794 = vector.broadcast %squeeze3A_695 : f32 to vector<16xf32>
          %sub3A_795 = arith.subf %sub3A_794, %mul3A_793 : vector<16xf32>
          %sub3A_796 = arith.subf %get3A_783, %sub3A_795 : vector<16xf32>
          %abs3A_797 = math.absf %sub3A_796 : vector<16xf32>
          %get3A_798 = arith.constant 0 : index
          %get3A_799 = tpu.vector_load %arg9[%get3A_798] {strides = array<i32>} : memref<16xf32, #tpu.memory_space<vmem>>, vector<16xf32>,
          %get3A_800 = vector.shape_cast %get3A_799 : vector<16xf32> to vector<16xf32>
          %jit3A_801 = arith.constant 0.000000e+00 : f32
          %broadcast_in_dim3A_802 = vector.broadcast %jit3A_801 : f32 to vector<16xf32>
          %select_n3A_803 = arith.select %and3A_790, %abs3A_797, %broadcast_in_dim3A_802 : vector<16xi1>, vector<16xf32>
          %add3A_804 = arith.addf %get3A_800, %select_n3A_803 : vector<16xf32>
          %swap3A_805 = arith.constant 0 : index
          %swap3A_806 = tpu.vector_load %arg9[%swap3A_805] {strides = array<i32>} : memref<16xf32, #tpu.memory_space<vmem>>, vector<16xf32>,
          %swap3A_807 = vector.shape_cast %swap3A_806 : vector<16xf32> to vector<16xf32>
          %swap3A_808 = vector.shape_cast %add3A_804 : vector<16xf32> to vector<16xf32>
          tpu.vector_store %arg9[%swap3A_805], %swap3A_808 {strides = array<i32>} : memref<16xf32, #tpu.memory_space<vmem>>, vector<16xf32>,
          %add3A_809 = arith.constant 3 : i32
          %add3A_810 = arith.addi %min3A_709, %add3A_809 : i32
          %mul3A_811 = arith.constant 16 : i32
          %mul3A_812 = arith.muli %add3A_810, %mul3A_811 : i32
          %get3A_813 = arith.index_cast %add3A_705 : i32 to index
          %get3A_814 = arith.index_cast %mul3A_812 : i32 to index
          %get3A_815 = tpu.vector_load %arg8[%get3A_813, %get3A_814] {strides = array<i32>} : memref<128x384xf32, #tpu.memory_space<vmem>>, vector<1x16xf32>,
          %get3A_816 = vector.shape_cast %get3A_815 : vector<1x16xf32> to vector<16xf32>
          %add3A_817 = vector.broadcast %mul3A_812 : i32 to vector<16xi32>
          %add3A_818 = arith.addi %add3A_817, %iota3A : vector<16xi32>
          %ge3A_819 = vector.broadcast %squeeze3A_699 : i32 to vector<16xi32>
          %ge3A_820 = arith.cmpi sge, %add3A_818, %ge3A_819 : vector<16xi32>
          %le3A_821 = vector.broadcast %squeeze3A_701 : i32 to vector<16xi32>
          %le3A_822 = arith.cmpi sle, %add3A_818, %le3A_821 : vector<16xi32>
          %and3A_823 = arith.andi %ge3A_820, %le3A_822 : vector<16xi1>
          %convert_element_type3A_824 = arith.sitofp %add3A_818 : vector<16xi32> to vector<16xf32>
          %mul3A_825 = vector.broadcast %squeeze3A_697 : f32 to vector<16xf32>
          %mul3A_826 = arith.mulf %mul3A_825, %convert_element_type3A_824 : vector<16xf32>
          %sub3A_827 = vector.broadcast %squeeze3A_695 : f32 to vector<16xf32>
          %sub3A_828 = arith.subf %sub3A_827, %mul3A_826 : vector<16xf32>
          %sub3A_829 = arith.subf %get3A_816, %sub3A_828 : vector<16xf32>
          %abs3A_830 = math.absf %sub3A_829 : vector<16xf32>
          %get3A_831 = arith.constant 0 : index
          %get3A_832 = tpu.vector_load %arg9[%get3A_831] {strides = array<i32>} : memref<16xf32, #tpu.memory_space<vmem>>, vector<16xf32>,
          %get3A_833 = vector.shape_cast %get3A_832 : vector<16xf32> to vector<16xf32>
          %jit3A_834 = arith.constant 0.000000e+00 : f32
          %broadcast_in_dim3A_835 = vector.broadcast %jit3A_834 : f32 to vector<16xf32>
          %select_n3A_836 = arith.select %and3A_823, %abs3A_830, %broadcast_in_dim3A_835 : vector<16xi1>, vector<16xf32>
          %add3A_837 = arith.addf %get3A_833, %select_n3A_836 : vector<16xf32>
          %swap3A_838 = arith.constant 0 : index
          %swap3A_839 = tpu.vector_load %arg9[%swap3A_838] {strides = array<i32>} : memref<16xf32, #tpu.memory_space<vmem>>, vector<16xf32>,
          %swap3A_840 = vector.shape_cast %swap3A_839 : vector<16xf32> to vector<16xf32>
          %swap3A_841 = vector.shape_cast %add3A_837 : vector<16xf32> to vector<16xf32>
          tpu.vector_store %arg9[%swap3A_838], %swap3A_841 {strides = array<i32>} : memref<16xf32, #tpu.memory_space<vmem>>, vector<16xf32>,
          %add3A_842 = arith.constant 4 : i32
          %add3A_843 = arith.addi %min3A_709, %add3A_842 : i32
          %mul3A_844 = arith.constant 16 : i32
          %mul3A_845 = arith.muli %add3A_843, %mul3A_844 : i32
          %get3A_846 = arith.index_cast %add3A_705 : i32 to index
          %get3A_847 = arith.index_cast %mul3A_845 : i32 to index
          %get3A_848 = tpu.vector_load %arg8[%get3A_846, %get3A_847] {strides = array<i32>} : memref<128x384xf32, #tpu.memory_space<vmem>>, vector<1x16xf32>,
          %get3A_849 = vector.shape_cast %get3A_848 : vector<1x16xf32> to vector<16xf32>
          %add3A_850 = vector.broadcast %mul3A_845 : i32 to vector<16xi32>
          %add3A_851 = arith.addi %add3A_850, %iota3A : vector<16xi32>
          %ge3A_852 = vector.broadcast %squeeze3A_699 : i32 to vector<16xi32>
          %ge3A_853 = arith.cmpi sge, %add3A_851, %ge3A_852 : vector<16xi32>
          %le3A_854 = vector.broadcast %squeeze3A_701 : i32 to vector<16xi32>
          %le3A_855 = arith.cmpi sle, %add3A_851, %le3A_854 : vector<16xi32>
          %and3A_856 = arith.andi %ge3A_853, %le3A_855 : vector<16xi1>
          %convert_element_type3A_857 = arith.sitofp %add3A_851 : vector<16xi32> to vector<16xf32>
          %mul3A_858 = vector.broadcast %squeeze3A_697 : f32 to vector<16xf32>
          %mul3A_859 = arith.mulf %mul3A_858, %convert_element_type3A_857 : vector<16xf32>
          %sub3A_860 = vector.broadcast %squeeze3A_695 : f32 to vector<16xf32>
          %sub3A_861 = arith.subf %sub3A_860, %mul3A_859 : vector<16xf32>
          %sub3A_862 = arith.subf %get3A_849, %sub3A_861 : vector<16xf32>
          %abs3A_863 = math.absf %sub3A_862 : vector<16xf32>
          %get3A_864 = arith.constant 0 : index
          %get3A_865 = tpu.vector_load %arg9[%get3A_864] {strides = array<i32>} : memref<16xf32, #tpu.memory_space<vmem>>, vector<16xf32>,
          %get3A_866 = vector.shape_cast %get3A_865 : vector<16xf32> to vector<16xf32>
          %jit3A_867 = arith.constant 0.000000e+00 : f32
          %broadcast_in_dim3A_868 = vector.broadcast %jit3A_867 : f32 to vector<16xf32>
          %select_n3A_869 = arith.select %and3A_856, %abs3A_863, %broadcast_in_dim3A_868 : vector<16xi1>, vector<16xf32>
          %add3A_870 = arith.addf %get3A_866, %select_n3A_869 : vector<16xf32>
          %swap3A_871 = arith.constant 0 : index
          %swap3A_872 = tpu.vector_load %arg9[%swap3A_871] {strides = array<i32>} : memref<16xf32, #tpu.memory_space<vmem>>, vector<16xf32>,
          %swap3A_873 = vector.shape_cast %swap3A_872 : vector<16xf32> to vector<16xf32>
          %swap3A_874 = vector.shape_cast %add3A_870 : vector<16xf32> to vector<16xf32>
          tpu.vector_store %arg9[%swap3A_871], %swap3A_874 {strides = array<i32>} : memref<16xf32, #tpu.memory_space<vmem>>, vector<16xf32>,
          %add3A_875 = arith.constant 5 : i32
          %add3A_876 = arith.addi %min3A_709, %add3A_875 : i32
          %mul3A_877 = arith.constant 16 : i32
          %mul3A_878 = arith.muli %add3A_876, %mul3A_877 : i32
          %get3A_879 = arith.index_cast %add3A_705 : i32 to index
          %get3A_880 = arith.index_cast %mul3A_878 : i32 to index
          %get3A_881 = tpu.vector_load %arg8[%get3A_879, %get3A_880] {strides = array<i32>} : memref<128x384xf32, #tpu.memory_space<vmem>>, vector<1x16xf32>,
          %get3A_882 = vector.shape_cast %get3A_881 : vector<1x16xf32> to vector<16xf32>
          %add3A_883 = vector.broadcast %mul3A_878 : i32 to vector<16xi32>
          %add3A_884 = arith.addi %add3A_883, %iota3A : vector<16xi32>
          %ge3A_885 = vector.broadcast %squeeze3A_699 : i32 to vector<16xi32>
          %ge3A_886 = arith.cmpi sge, %add3A_884, %ge3A_885 : vector<16xi32>
          %le3A_887 = vector.broadcast %squeeze3A_701 : i32 to vector<16xi32>
          %le3A_888 = arith.cmpi sle, %add3A_884, %le3A_887 : vector<16xi32>
          %and3A_889 = arith.andi %ge3A_886, %le3A_888 : vector<16xi1>
          %convert_element_type3A_890 = arith.sitofp %add3A_884 : vector<16xi32> to vector<16xf32>
          %mul3A_891 = vector.broadcast %squeeze3A_697 : f32 to vector<16xf32>
          %mul3A_892 = arith.mulf %mul3A_891, %convert_element_type3A_890 : vector<16xf32>
          %sub3A_893 = vector.broadcast %squeeze3A_695 : f32 to vector<16xf32>
          %sub3A_894 = arith.subf %sub3A_893, %mul3A_892 : vector<16xf32>
          %sub3A_895 = arith.subf %get3A_882, %sub3A_894 : vector<16xf32>
          %abs3A_896 = math.absf %sub3A_895 : vector<16xf32>
          %get3A_897 = arith.constant 0 : index
          %get3A_898 = tpu.vector_load %arg9[%get3A_897] {strides = array<i32>} : memref<16xf32, #tpu.memory_space<vmem>>, vector<16xf32>,
          %get3A_899 = vector.shape_cast %get3A_898 : vector<16xf32> to vector<16xf32>
          %jit3A_900 = arith.constant 0.000000e+00 : f32
          %broadcast_in_dim3A_901 = vector.broadcast %jit3A_900 : f32 to vector<16xf32>
          %select_n3A_902 = arith.select %and3A_889, %abs3A_896, %broadcast_in_dim3A_901 : vector<16xi1>, vector<16xf32>
          %add3A_903 = arith.addf %get3A_899, %select_n3A_902 : vector<16xf32>
          %swap3A_904 = arith.constant 0 : index
          %swap3A_905 = tpu.vector_load %arg9[%swap3A_904] {strides = array<i32>} : memref<16xf32, #tpu.memory_space<vmem>>, vector<16xf32>,
          %swap3A_906 = vector.shape_cast %swap3A_905 : vector<16xf32> to vector<16xf32>
          %swap3A_907 = vector.shape_cast %add3A_903 : vector<16xf32> to vector<16xf32>
          tpu.vector_store %arg9[%swap3A_904], %swap3A_907 {strides = array<i32>} : memref<16xf32, #tpu.memory_space<vmem>>, vector<16xf32>,
          %slice3A_908 = vector.extract_strided_slice %get3A_39 {offsets = [4], sizes = [1], strides = [1]} : vector<16xf32> to vector<1xf32>
          %squeeze3A_909 = vector.extract %slice3A_908[0] : f32 from vector<1xf32>
          %slice3A_910 = vector.extract_strided_slice %get3A_46 {offsets = [4], sizes = [1], strides = [1]} : vector<16xf32> to vector<1xf32>
          %squeeze3A_911 = vector.extract %slice3A_910[0] : f32 from vector<1xf32>
          %slice3A_912 = vector.extract_strided_slice %convert_element_type3A_54 {offsets = [4], sizes = [1], strides = [1]} : vector<16xi32> to vector<1xi32>
          %squeeze3A_913 = vector.extract %slice3A_912[0] : i32 from vector<1xi32>
          %slice3A_914 = vector.extract_strided_slice %convert_element_type3A_62 {offsets = [4], sizes = [1], strides = [1]} : vector<16xi32> to vector<1xi32>
          %squeeze3A_915 = vector.extract %slice3A_914[0] : i32 from vector<1xi32>
          %mul3A_916 = arith.constant 16 : i32
          %mul3A_917 = arith.muli %add3A_33, %mul3A_916 : i32
          %add3A_918 = arith.constant 4 : i32
          %add3A_919 = arith.addi %mul3A_917, %add3A_918 : i32
          %shift_right_arithmetic3A_920 = arith.constant 4 : i32
          %shift_right_arithmetic3A_921 = arith.shrsi %squeeze3A_913, %shift_right_arithmetic3A_920 : i32
          %min3A_922 = arith.constant 18 : i32
          %min3A_923 = arith.minsi %shift_right_arithmetic3A_921, %min3A_922 : i32
          %add3A_924 = arith.constant 0 : i32
          %add3A_925 = arith.addi %min3A_923, %add3A_924 : i32
          %mul3A_926 = arith.constant 16 : i32
          %mul3A_927 = arith.muli %add3A_925, %mul3A_926 : i32
          %get3A_928 = arith.index_cast %add3A_919 : i32 to index
          %get3A_929 = arith.index_cast %mul3A_927 : i32 to index
          %get3A_930 = tpu.vector_load %arg8[%get3A_928, %get3A_929] {strides = array<i32>} : memref<128x384xf32, #tpu.memory_space<vmem>>, vector<1x16xf32>,
          %get3A_931 = vector.shape_cast %get3A_930 : vector<1x16xf32> to vector<16xf32>
          %add3A_932 = vector.broadcast %mul3A_927 : i32 to vector<16xi32>
          %add3A_933 = arith.addi %add3A_932, %iota3A : vector<16xi32>
          %ge3A_934 = vector.broadcast %squeeze3A_913 : i32 to vector<16xi32>
          %ge3A_935 = arith.cmpi sge, %add3A_933, %ge3A_934 : vector<16xi32>
          %le3A_936 = vector.broadcast %squeeze3A_915 : i32 to vector<16xi32>
          %le3A_937 = arith.cmpi sle, %add3A_933, %le3A_936 : vector<16xi32>
          %and3A_938 = arith.andi %ge3A_935, %le3A_937 : vector<16xi1>
          %convert_element_type3A_939 = arith.sitofp %add3A_933 : vector<16xi32> to vector<16xf32>
          %mul3A_940 = vector.broadcast %squeeze3A_911 : f32 to vector<16xf32>
          %mul3A_941 = arith.mulf %mul3A_940, %convert_element_type3A_939 : vector<16xf32>
          %sub3A_942 = vector.broadcast %squeeze3A_909 : f32 to vector<16xf32>
          %sub3A_943 = arith.subf %sub3A_942, %mul3A_941 : vector<16xf32>
          %sub3A_944 = arith.subf %get3A_931, %sub3A_943 : vector<16xf32>
          %abs3A_945 = math.absf %sub3A_944 : vector<16xf32>
          %get3A_946 = arith.constant 0 : index
          %get3A_947 = tpu.vector_load %arg9[%get3A_946] {strides = array<i32>} : memref<16xf32, #tpu.memory_space<vmem>>, vector<16xf32>,
          %get3A_948 = vector.shape_cast %get3A_947 : vector<16xf32> to vector<16xf32>
          %jit3A_949 = arith.constant 0.000000e+00 : f32
          %broadcast_in_dim3A_950 = vector.broadcast %jit3A_949 : f32 to vector<16xf32>
          %select_n3A_951 = arith.select %and3A_938, %abs3A_945, %broadcast_in_dim3A_950 : vector<16xi1>, vector<16xf32>
          %add3A_952 = arith.addf %get3A_948, %select_n3A_951 : vector<16xf32>
          %swap3A_953 = arith.constant 0 : index
          %swap3A_954 = tpu.vector_load %arg9[%swap3A_953] {strides = array<i32>} : memref<16xf32, #tpu.memory_space<vmem>>, vector<16xf32>,
          %swap3A_955 = vector.shape_cast %swap3A_954 : vector<16xf32> to vector<16xf32>
          %swap3A_956 = vector.shape_cast %add3A_952 : vector<16xf32> to vector<16xf32>
          tpu.vector_store %arg9[%swap3A_953], %swap3A_956 {strides = array<i32>} : memref<16xf32, #tpu.memory_space<vmem>>, vector<16xf32>,
          %add3A_957 = arith.constant 1 : i32
          %add3A_958 = arith.addi %min3A_923, %add3A_957 : i32
          %mul3A_959 = arith.constant 16 : i32
          %mul3A_960 = arith.muli %add3A_958, %mul3A_959 : i32
          %get3A_961 = arith.index_cast %add3A_919 : i32 to index
          %get3A_962 = arith.index_cast %mul3A_960 : i32 to index
          %get3A_963 = tpu.vector_load %arg8[%get3A_961, %get3A_962] {strides = array<i32>} : memref<128x384xf32, #tpu.memory_space<vmem>>, vector<1x16xf32>,
          %get3A_964 = vector.shape_cast %get3A_963 : vector<1x16xf32> to vector<16xf32>
          %add3A_965 = vector.broadcast %mul3A_960 : i32 to vector<16xi32>
          %add3A_966 = arith.addi %add3A_965, %iota3A : vector<16xi32>
          %ge3A_967 = vector.broadcast %squeeze3A_913 : i32 to vector<16xi32>
          %ge3A_968 = arith.cmpi sge, %add3A_966, %ge3A_967 : vector<16xi32>
          %le3A_969 = vector.broadcast %squeeze3A_915 : i32 to vector<16xi32>
          %le3A_970 = arith.cmpi sle, %add3A_966, %le3A_969 : vector<16xi32>
          %and3A_971 = arith.andi %ge3A_968, %le3A_970 : vector<16xi1>
          %convert_element_type3A_972 = arith.sitofp %add3A_966 : vector<16xi32> to vector<16xf32>
          %mul3A_973 = vector.broadcast %squeeze3A_911 : f32 to vector<16xf32>
          %mul3A_974 = arith.mulf %mul3A_973, %convert_element_type3A_972 : vector<16xf32>
          %sub3A_975 = vector.broadcast %squeeze3A_909 : f32 to vector<16xf32>
          %sub3A_976 = arith.subf %sub3A_975, %mul3A_974 : vector<16xf32>
          %sub3A_977 = arith.subf %get3A_964, %sub3A_976 : vector<16xf32>
          %abs3A_978 = math.absf %sub3A_977 : vector<16xf32>
          %get3A_979 = arith.constant 0 : index
          %get3A_980 = tpu.vector_load %arg9[%get3A_979] {strides = array<i32>} : memref<16xf32, #tpu.memory_space<vmem>>, vector<16xf32>,
          %get3A_981 = vector.shape_cast %get3A_980 : vector<16xf32> to vector<16xf32>
          %jit3A_982 = arith.constant 0.000000e+00 : f32
          %broadcast_in_dim3A_983 = vector.broadcast %jit3A_982 : f32 to vector<16xf32>
          %select_n3A_984 = arith.select %and3A_971, %abs3A_978, %broadcast_in_dim3A_983 : vector<16xi1>, vector<16xf32>
          %add3A_985 = arith.addf %get3A_981, %select_n3A_984 : vector<16xf32>
          %swap3A_986 = arith.constant 0 : index
          %swap3A_987 = tpu.vector_load %arg9[%swap3A_986] {strides = array<i32>} : memref<16xf32, #tpu.memory_space<vmem>>, vector<16xf32>,
          %swap3A_988 = vector.shape_cast %swap3A_987 : vector<16xf32> to vector<16xf32>
          %swap3A_989 = vector.shape_cast %add3A_985 : vector<16xf32> to vector<16xf32>
          tpu.vector_store %arg9[%swap3A_986], %swap3A_989 {strides = array<i32>} : memref<16xf32, #tpu.memory_space<vmem>>, vector<16xf32>,
          %add3A_990 = arith.constant 2 : i32
          %add3A_991 = arith.addi %min3A_923, %add3A_990 : i32
          %mul3A_992 = arith.constant 16 : i32
          %mul3A_993 = arith.muli %add3A_991, %mul3A_992 : i32
          %get3A_994 = arith.index_cast %add3A_919 : i32 to index
          %get3A_995 = arith.index_cast %mul3A_993 : i32 to index
          %get3A_996 = tpu.vector_load %arg8[%get3A_994, %get3A_995] {strides = array<i32>} : memref<128x384xf32, #tpu.memory_space<vmem>>, vector<1x16xf32>,
          %get3A_997 = vector.shape_cast %get3A_996 : vector<1x16xf32> to vector<16xf32>
          %add3A_998 = vector.broadcast %mul3A_993 : i32 to vector<16xi32>
          %add3A_999 = arith.addi %add3A_998, %iota3A : vector<16xi32>
          %ge3A_1000 = vector.broadcast %squeeze3A_913 : i32 to vector<16xi32>
          %ge3A_1001 = arith.cmpi sge, %add3A_999, %ge3A_1000 : vector<16xi32>
          %le3A_1002 = vector.broadcast %squeeze3A_915 : i32 to vector<16xi32>
          %le3A_1003 = arith.cmpi sle, %add3A_999, %le3A_1002 : vector<16xi32>
          %and3A_1004 = arith.andi %ge3A_1001, %le3A_1003 : vector<16xi1>
          %convert_element_type3A_1005 = arith.sitofp %add3A_999 : vector<16xi32> to vector<16xf32>
          %mul3A_1006 = vector.broadcast %squeeze3A_911 : f32 to vector<16xf32>
          %mul3A_1007 = arith.mulf %mul3A_1006, %convert_element_type3A_1005 : vector<16xf32>
          %sub3A_1008 = vector.broadcast %squeeze3A_909 : f32 to vector<16xf32>
          %sub3A_1009 = arith.subf %sub3A_1008, %mul3A_1007 : vector<16xf32>
          %sub3A_1010 = arith.subf %get3A_997, %sub3A_1009 : vector<16xf32>
          %abs3A_1011 = math.absf %sub3A_1010 : vector<16xf32>
          %get3A_1012 = arith.constant 0 : index
          %get3A_1013 = tpu.vector_load %arg9[%get3A_1012] {strides = array<i32>} : memref<16xf32, #tpu.memory_space<vmem>>, vector<16xf32>,
          %get3A_1014 = vector.shape_cast %get3A_1013 : vector<16xf32> to vector<16xf32>
          %jit3A_1015 = arith.constant 0.000000e+00 : f32
          %broadcast_in_dim3A_1016 = vector.broadcast %jit3A_1015 : f32 to vector<16xf32>
          %select_n3A_1017 = arith.select %and3A_1004, %abs3A_1011, %broadcast_in_dim3A_1016 : vector<16xi1>, vector<16xf32>
          %add3A_1018 = arith.addf %get3A_1014, %select_n3A_1017 : vector<16xf32>
          %swap3A_1019 = arith.constant 0 : index
          %swap3A_1020 = tpu.vector_load %arg9[%swap3A_1019] {strides = array<i32>} : memref<16xf32, #tpu.memory_space<vmem>>, vector<16xf32>,
          %swap3A_1021 = vector.shape_cast %swap3A_1020 : vector<16xf32> to vector<16xf32>
          %swap3A_1022 = vector.shape_cast %add3A_1018 : vector<16xf32> to vector<16xf32>
          tpu.vector_store %arg9[%swap3A_1019], %swap3A_1022 {strides = array<i32>} : memref<16xf32, #tpu.memory_space<vmem>>, vector<16xf32>,
          %add3A_1023 = arith.constant 3 : i32
          %add3A_1024 = arith.addi %min3A_923, %add3A_1023 : i32
          %mul3A_1025 = arith.constant 16 : i32
          %mul3A_1026 = arith.muli %add3A_1024, %mul3A_1025 : i32
          %get3A_1027 = arith.index_cast %add3A_919 : i32 to index
          %get3A_1028 = arith.index_cast %mul3A_1026 : i32 to index
          %get3A_1029 = tpu.vector_load %arg8[%get3A_1027, %get3A_1028] {strides = array<i32>} : memref<128x384xf32, #tpu.memory_space<vmem>>, vector<1x16xf32>,
          %get3A_1030 = vector.shape_cast %get3A_1029 : vector<1x16xf32> to vector<16xf32>
          %add3A_1031 = vector.broadcast %mul3A_1026 : i32 to vector<16xi32>
          %add3A_1032 = arith.addi %add3A_1031, %iota3A : vector<16xi32>
          %ge3A_1033 = vector.broadcast %squeeze3A_913 : i32 to vector<16xi32>
          %ge3A_1034 = arith.cmpi sge, %add3A_1032, %ge3A_1033 : vector<16xi32>
          %le3A_1035 = vector.broadcast %squeeze3A_915 : i32 to vector<16xi32>
          %le3A_1036 = arith.cmpi sle, %add3A_1032, %le3A_1035 : vector<16xi32>
          %and3A_1037 = arith.andi %ge3A_1034, %le3A_1036 : vector<16xi1>
          %convert_element_type3A_1038 = arith.sitofp %add3A_1032 : vector<16xi32> to vector<16xf32>
          %mul3A_1039 = vector.broadcast %squeeze3A_911 : f32 to vector<16xf32>
          %mul3A_1040 = arith.mulf %mul3A_1039, %convert_element_type3A_1038 : vector<16xf32>
          %sub3A_1041 = vector.broadcast %squeeze3A_909 : f32 to vector<16xf32>
          %sub3A_1042 = arith.subf %sub3A_1041, %mul3A_1040 : vector<16xf32>
          %sub3A_1043 = arith.subf %get3A_1030, %sub3A_1042 : vector<16xf32>
          %abs3A_1044 = math.absf %sub3A_1043 : vector<16xf32>
          %get3A_1045 = arith.constant 0 : index
          %get3A_1046 = tpu.vector_load %arg9[%get3A_1045] {strides = array<i32>} : memref<16xf32, #tpu.memory_space<vmem>>, vector<16xf32>,
          %get3A_1047 = vector.shape_cast %get3A_1046 : vector<16xf32> to vector<16xf32>
          %jit3A_1048 = arith.constant 0.000000e+00 : f32
          %broadcast_in_dim3A_1049 = vector.broadcast %jit3A_1048 : f32 to vector<16xf32>
          %select_n3A_1050 = arith.select %and3A_1037, %abs3A_1044, %broadcast_in_dim3A_1049 : vector<16xi1>, vector<16xf32>
          %add3A_1051 = arith.addf %get3A_1047, %select_n3A_1050 : vector<16xf32>
          %swap3A_1052 = arith.constant 0 : index
          %swap3A_1053 = tpu.vector_load %arg9[%swap3A_1052] {strides = array<i32>} : memref<16xf32, #tpu.memory_space<vmem>>, vector<16xf32>,
          %swap3A_1054 = vector.shape_cast %swap3A_1053 : vector<16xf32> to vector<16xf32>
          %swap3A_1055 = vector.shape_cast %add3A_1051 : vector<16xf32> to vector<16xf32>
          tpu.vector_store %arg9[%swap3A_1052], %swap3A_1055 {strides = array<i32>} : memref<16xf32, #tpu.memory_space<vmem>>, vector<16xf32>,
          %add3A_1056 = arith.constant 4 : i32
          %add3A_1057 = arith.addi %min3A_923, %add3A_1056 : i32
          %mul3A_1058 = arith.constant 16 : i32
          %mul3A_1059 = arith.muli %add3A_1057, %mul3A_1058 : i32
          %get3A_1060 = arith.index_cast %add3A_919 : i32 to index
          %get3A_1061 = arith.index_cast %mul3A_1059 : i32 to index
          %get3A_1062 = tpu.vector_load %arg8[%get3A_1060, %get3A_1061] {strides = array<i32>} : memref<128x384xf32, #tpu.memory_space<vmem>>, vector<1x16xf32>,
          %get3A_1063 = vector.shape_cast %get3A_1062 : vector<1x16xf32> to vector<16xf32>
          %add3A_1064 = vector.broadcast %mul3A_1059 : i32 to vector<16xi32>
          %add3A_1065 = arith.addi %add3A_1064, %iota3A : vector<16xi32>
          %ge3A_1066 = vector.broadcast %squeeze3A_913 : i32 to vector<16xi32>
          %ge3A_1067 = arith.cmpi sge, %add3A_1065, %ge3A_1066 : vector<16xi32>
          %le3A_1068 = vector.broadcast %squeeze3A_915 : i32 to vector<16xi32>
          %le3A_1069 = arith.cmpi sle, %add3A_1065, %le3A_1068 : vector<16xi32>
          %and3A_1070 = arith.andi %ge3A_1067, %le3A_1069 : vector<16xi1>
          %convert_element_type3A_1071 = arith.sitofp %add3A_1065 : vector<16xi32> to vector<16xf32>
          %mul3A_1072 = vector.broadcast %squeeze3A_911 : f32 to vector<16xf32>
          %mul3A_1073 = arith.mulf %mul3A_1072, %convert_element_type3A_1071 : vector<16xf32>
          %sub3A_1074 = vector.broadcast %squeeze3A_909 : f32 to vector<16xf32>
          %sub3A_1075 = arith.subf %sub3A_1074, %mul3A_1073 : vector<16xf32>
          %sub3A_1076 = arith.subf %get3A_1063, %sub3A_1075 : vector<16xf32>
          %abs3A_1077 = math.absf %sub3A_1076 : vector<16xf32>
          %get3A_1078 = arith.constant 0 : index
          %get3A_1079 = tpu.vector_load %arg9[%get3A_1078] {strides = array<i32>} : memref<16xf32, #tpu.memory_space<vmem>>, vector<16xf32>,
          %get3A_1080 = vector.shape_cast %get3A_1079 : vector<16xf32> to vector<16xf32>
          %jit3A_1081 = arith.constant 0.000000e+00 : f32
          %broadcast_in_dim3A_1082 = vector.broadcast %jit3A_1081 : f32 to vector<16xf32>
          %select_n3A_1083 = arith.select %and3A_1070, %abs3A_1077, %broadcast_in_dim3A_1082 : vector<16xi1>, vector<16xf32>
          %add3A_1084 = arith.addf %get3A_1080, %select_n3A_1083 : vector<16xf32>
          %swap3A_1085 = arith.constant 0 : index
          %swap3A_1086 = tpu.vector_load %arg9[%swap3A_1085] {strides = array<i32>} : memref<16xf32, #tpu.memory_space<vmem>>, vector<16xf32>,
          %swap3A_1087 = vector.shape_cast %swap3A_1086 : vector<16xf32> to vector<16xf32>
          %swap3A_1088 = vector.shape_cast %add3A_1084 : vector<16xf32> to vector<16xf32>
          tpu.vector_store %arg9[%swap3A_1085], %swap3A_1088 {strides = array<i32>} : memref<16xf32, #tpu.memory_space<vmem>>, vector<16xf32>,
          %add3A_1089 = arith.constant 5 : i32
          %add3A_1090 = arith.addi %min3A_923, %add3A_1089 : i32
          %mul3A_1091 = arith.constant 16 : i32
          %mul3A_1092 = arith.muli %add3A_1090, %mul3A_1091 : i32
          %get3A_1093 = arith.index_cast %add3A_919 : i32 to index
          %get3A_1094 = arith.index_cast %mul3A_1092 : i32 to index
          %get3A_1095 = tpu.vector_load %arg8[%get3A_1093, %get3A_1094] {strides = array<i32>} : memref<128x384xf32, #tpu.memory_space<vmem>>, vector<1x16xf32>,
          %get3A_1096 = vector.shape_cast %get3A_1095 : vector<1x16xf32> to vector<16xf32>
          %add3A_1097 = vector.broadcast %mul3A_1092 : i32 to vector<16xi32>
          %add3A_1098 = arith.addi %add3A_1097, %iota3A : vector<16xi32>
          %ge3A_1099 = vector.broadcast %squeeze3A_913 : i32 to vector<16xi32>
          %ge3A_1100 = arith.cmpi sge, %add3A_1098, %ge3A_1099 : vector<16xi32>
          %le3A_1101 = vector.broadcast %squeeze3A_915 : i32 to vector<16xi32>
          %le3A_1102 = arith.cmpi sle, %add3A_1098, %le3A_1101 : vector<16xi32>
          %and3A_1103 = arith.andi %ge3A_1100, %le3A_1102 : vector<16xi1>
          %convert_element_type3A_1104 = arith.sitofp %add3A_1098 : vector<16xi32> to vector<16xf32>
          %mul3A_1105 = vector.broadcast %squeeze3A_911 : f32 to vector<16xf32>
          %mul3A_1106 = arith.mulf %mul3A_1105, %convert_element_type3A_1104 : vector<16xf32>
          %sub3A_1107 = vector.broadcast %squeeze3A_909 : f32 to vector<16xf32>
          %sub3A_1108 = arith.subf %sub3A_1107, %mul3A_1106 : vector<16xf32>
          %sub3A_1109 = arith.subf %get3A_1096, %sub3A_1108 : vector<16xf32>
          %abs3A_1110 = math.absf %sub3A_1109 : vector<16xf32>
          %get3A_1111 = arith.constant 0 : index
          %get3A_1112 = tpu.vector_load %arg9[%get3A_1111] {strides = array<i32>} : memref<16xf32, #tpu.memory_space<vmem>>, vector<16xf32>,
          %get3A_1113 = vector.shape_cast %get3A_1112 : vector<16xf32> to vector<16xf32>
          %jit3A_1114 = arith.constant 0.000000e+00 : f32
          %broadcast_in_dim3A_1115 = vector.broadcast %jit3A_1114 : f32 to vector<16xf32>
          %select_n3A_1116 = arith.select %and3A_1103, %abs3A_1110, %broadcast_in_dim3A_1115 : vector<16xi1>, vector<16xf32>
          %add3A_1117 = arith.addf %get3A_1113, %select_n3A_1116 : vector<16xf32>
          %swap3A_1118 = arith.constant 0 : index
          %swap3A_1119 = tpu.vector_load %arg9[%swap3A_1118] {strides = array<i32>} : memref<16xf32, #tpu.memory_space<vmem>>, vector<16xf32>,
          %swap3A_1120 = vector.shape_cast %swap3A_1119 : vector<16xf32> to vector<16xf32>
          %swap3A_1121 = vector.shape_cast %add3A_1117 : vector<16xf32> to vector<16xf32>
          tpu.vector_store %arg9[%swap3A_1118], %swap3A_1121 {strides = array<i32>} : memref<16xf32, #tpu.memory_space<vmem>>, vector<16xf32>,
          %slice3A_1122 = vector.extract_strided_slice %get3A_39 {offsets = [5], sizes = [1], strides = [1]} : vector<16xf32> to vector<1xf32>
          %squeeze3A_1123 = vector.extract %slice3A_1122[0] : f32 from vector<1xf32>
          %slice3A_1124 = vector.extract_strided_slice %get3A_46 {offsets = [5], sizes = [1], strides = [1]} : vector<16xf32> to vector<1xf32>
          %squeeze3A_1125 = vector.extract %slice3A_1124[0] : f32 from vector<1xf32>
          %slice3A_1126 = vector.extract_strided_slice %convert_element_type3A_54 {offsets = [5], sizes = [1], strides = [1]} : vector<16xi32> to vector<1xi32>
          %squeeze3A_1127 = vector.extract %slice3A_1126[0] : i32 from vector<1xi32>
          %slice3A_1128 = vector.extract_strided_slice %convert_element_type3A_62 {offsets = [5], sizes = [1], strides = [1]} : vector<16xi32> to vector<1xi32>
          %squeeze3A_1129 = vector.extract %slice3A_1128[0] : i32 from vector<1xi32>
          %mul3A_1130 = arith.constant 16 : i32
          %mul3A_1131 = arith.muli %add3A_33, %mul3A_1130 : i32
          %add3A_1132 = arith.constant 5 : i32
          %add3A_1133 = arith.addi %mul3A_1131, %add3A_1132 : i32
          %shift_right_arithmetic3A_1134 = arith.constant 4 : i32
          %shift_right_arithmetic3A_1135 = arith.shrsi %squeeze3A_1127, %shift_right_arithmetic3A_1134 : i32
          %min3A_1136 = arith.constant 18 : i32
          %min3A_1137 = arith.minsi %shift_right_arithmetic3A_1135, %min3A_1136 : i32
          %add3A_1138 = arith.constant 0 : i32
          %add3A_1139 = arith.addi %min3A_1137, %add3A_1138 : i32
          %mul3A_1140 = arith.constant 16 : i32
          %mul3A_1141 = arith.muli %add3A_1139, %mul3A_1140 : i32
          %get3A_1142 = arith.index_cast %add3A_1133 : i32 to index
          %get3A_1143 = arith.index_cast %mul3A_1141 : i32 to index
          %get3A_1144 = tpu.vector_load %arg8[%get3A_1142, %get3A_1143] {strides = array<i32>} : memref<128x384xf32, #tpu.memory_space<vmem>>, vector<1x16xf32>,
          %get3A_1145 = vector.shape_cast %get3A_1144 : vector<1x16xf32> to vector<16xf32>
          %add3A_1146 = vector.broadcast %mul3A_1141 : i32 to vector<16xi32>
          %add3A_1147 = arith.addi %add3A_1146, %iota3A : vector<16xi32>
          %ge3A_1148 = vector.broadcast %squeeze3A_1127 : i32 to vector<16xi32>
          %ge3A_1149 = arith.cmpi sge, %add3A_1147, %ge3A_1148 : vector<16xi32>
          %le3A_1150 = vector.broadcast %squeeze3A_1129 : i32 to vector<16xi32>
          %le3A_1151 = arith.cmpi sle, %add3A_1147, %le3A_1150 : vector<16xi32>
          %and3A_1152 = arith.andi %ge3A_1149, %le3A_1151 : vector<16xi1>
          %convert_element_type3A_1153 = arith.sitofp %add3A_1147 : vector<16xi32> to vector<16xf32>
          %mul3A_1154 = vector.broadcast %squeeze3A_1125 : f32 to vector<16xf32>
          %mul3A_1155 = arith.mulf %mul3A_1154, %convert_element_type3A_1153 : vector<16xf32>
          %sub3A_1156 = vector.broadcast %squeeze3A_1123 : f32 to vector<16xf32>
          %sub3A_1157 = arith.subf %sub3A_1156, %mul3A_1155 : vector<16xf32>
          %sub3A_1158 = arith.subf %get3A_1145, %sub3A_1157 : vector<16xf32>
          %abs3A_1159 = math.absf %sub3A_1158 : vector<16xf32>
          %get3A_1160 = arith.constant 0 : index
          %get3A_1161 = tpu.vector_load %arg9[%get3A_1160] {strides = array<i32>} : memref<16xf32, #tpu.memory_space<vmem>>, vector<16xf32>,
          %get3A_1162 = vector.shape_cast %get3A_1161 : vector<16xf32> to vector<16xf32>
          %jit3A_1163 = arith.constant 0.000000e+00 : f32
          %broadcast_in_dim3A_1164 = vector.broadcast %jit3A_1163 : f32 to vector<16xf32>
          %select_n3A_1165 = arith.select %and3A_1152, %abs3A_1159, %broadcast_in_dim3A_1164 : vector<16xi1>, vector<16xf32>
          %add3A_1166 = arith.addf %get3A_1162, %select_n3A_1165 : vector<16xf32>
          %swap3A_1167 = arith.constant 0 : index
          %swap3A_1168 = tpu.vector_load %arg9[%swap3A_1167] {strides = array<i32>} : memref<16xf32, #tpu.memory_space<vmem>>, vector<16xf32>,
          %swap3A_1169 = vector.shape_cast %swap3A_1168 : vector<16xf32> to vector<16xf32>
          %swap3A_1170 = vector.shape_cast %add3A_1166 : vector<16xf32> to vector<16xf32>
          tpu.vector_store %arg9[%swap3A_1167], %swap3A_1170 {strides = array<i32>} : memref<16xf32, #tpu.memory_space<vmem>>, vector<16xf32>,
          %add3A_1171 = arith.constant 1 : i32
          %add3A_1172 = arith.addi %min3A_1137, %add3A_1171 : i32
          %mul3A_1173 = arith.constant 16 : i32
          %mul3A_1174 = arith.muli %add3A_1172, %mul3A_1173 : i32
          %get3A_1175 = arith.index_cast %add3A_1133 : i32 to index
          %get3A_1176 = arith.index_cast %mul3A_1174 : i32 to index
          %get3A_1177 = tpu.vector_load %arg8[%get3A_1175, %get3A_1176] {strides = array<i32>} : memref<128x384xf32, #tpu.memory_space<vmem>>, vector<1x16xf32>,
          %get3A_1178 = vector.shape_cast %get3A_1177 : vector<1x16xf32> to vector<16xf32>
          %add3A_1179 = vector.broadcast %mul3A_1174 : i32 to vector<16xi32>
          %add3A_1180 = arith.addi %add3A_1179, %iota3A : vector<16xi32>
          %ge3A_1181 = vector.broadcast %squeeze3A_1127 : i32 to vector<16xi32>
          %ge3A_1182 = arith.cmpi sge, %add3A_1180, %ge3A_1181 : vector<16xi32>
          %le3A_1183 = vector.broadcast %squeeze3A_1129 : i32 to vector<16xi32>
          %le3A_1184 = arith.cmpi sle, %add3A_1180, %le3A_1183 : vector<16xi32>
          %and3A_1185 = arith.andi %ge3A_1182, %le3A_1184 : vector<16xi1>
          %convert_element_type3A_1186 = arith.sitofp %add3A_1180 : vector<16xi32> to vector<16xf32>
          %mul3A_1187 = vector.broadcast %squeeze3A_1125 : f32 to vector<16xf32>
          %mul3A_1188 = arith.mulf %mul3A_1187, %convert_element_type3A_1186 : vector<16xf32>
          %sub3A_1189 = vector.broadcast %squeeze3A_1123 : f32 to vector<16xf32>
          %sub3A_1190 = arith.subf %sub3A_1189, %mul3A_1188 : vector<16xf32>
          %sub3A_1191 = arith.subf %get3A_1178, %sub3A_1190 : vector<16xf32>
          %abs3A_1192 = math.absf %sub3A_1191 : vector<16xf32>
          %get3A_1193 = arith.constant 0 : index
          %get3A_1194 = tpu.vector_load %arg9[%get3A_1193] {strides = array<i32>} : memref<16xf32, #tpu.memory_space<vmem>>, vector<16xf32>,
          %get3A_1195 = vector.shape_cast %get3A_1194 : vector<16xf32> to vector<16xf32>
          %jit3A_1196 = arith.constant 0.000000e+00 : f32
          %broadcast_in_dim3A_1197 = vector.broadcast %jit3A_1196 : f32 to vector<16xf32>
          %select_n3A_1198 = arith.select %and3A_1185, %abs3A_1192, %broadcast_in_dim3A_1197 : vector<16xi1>, vector<16xf32>
          %add3A_1199 = arith.addf %get3A_1195, %select_n3A_1198 : vector<16xf32>
          %swap3A_1200 = arith.constant 0 : index
          %swap3A_1201 = tpu.vector_load %arg9[%swap3A_1200] {strides = array<i32>} : memref<16xf32, #tpu.memory_space<vmem>>, vector<16xf32>,
          %swap3A_1202 = vector.shape_cast %swap3A_1201 : vector<16xf32> to vector<16xf32>
          %swap3A_1203 = vector.shape_cast %add3A_1199 : vector<16xf32> to vector<16xf32>
          tpu.vector_store %arg9[%swap3A_1200], %swap3A_1203 {strides = array<i32>} : memref<16xf32, #tpu.memory_space<vmem>>, vector<16xf32>,
          %add3A_1204 = arith.constant 2 : i32
          %add3A_1205 = arith.addi %min3A_1137, %add3A_1204 : i32
          %mul3A_1206 = arith.constant 16 : i32
          %mul3A_1207 = arith.muli %add3A_1205, %mul3A_1206 : i32
          %get3A_1208 = arith.index_cast %add3A_1133 : i32 to index
          %get3A_1209 = arith.index_cast %mul3A_1207 : i32 to index
          %get3A_1210 = tpu.vector_load %arg8[%get3A_1208, %get3A_1209] {strides = array<i32>} : memref<128x384xf32, #tpu.memory_space<vmem>>, vector<1x16xf32>,
          %get3A_1211 = vector.shape_cast %get3A_1210 : vector<1x16xf32> to vector<16xf32>
          %add3A_1212 = vector.broadcast %mul3A_1207 : i32 to vector<16xi32>
          %add3A_1213 = arith.addi %add3A_1212, %iota3A : vector<16xi32>
          %ge3A_1214 = vector.broadcast %squeeze3A_1127 : i32 to vector<16xi32>
          %ge3A_1215 = arith.cmpi sge, %add3A_1213, %ge3A_1214 : vector<16xi32>
          %le3A_1216 = vector.broadcast %squeeze3A_1129 : i32 to vector<16xi32>
          %le3A_1217 = arith.cmpi sle, %add3A_1213, %le3A_1216 : vector<16xi32>
          %and3A_1218 = arith.andi %ge3A_1215, %le3A_1217 : vector<16xi1>
          %convert_element_type3A_1219 = arith.sitofp %add3A_1213 : vector<16xi32> to vector<16xf32>
          %mul3A_1220 = vector.broadcast %squeeze3A_1125 : f32 to vector<16xf32>
          %mul3A_1221 = arith.mulf %mul3A_1220, %convert_element_type3A_1219 : vector<16xf32>
          %sub3A_1222 = vector.broadcast %squeeze3A_1123 : f32 to vector<16xf32>
          %sub3A_1223 = arith.subf %sub3A_1222, %mul3A_1221 : vector<16xf32>
          %sub3A_1224 = arith.subf %get3A_1211, %sub3A_1223 : vector<16xf32>
          %abs3A_1225 = math.absf %sub3A_1224 : vector<16xf32>
          %get3A_1226 = arith.constant 0 : index
          %get3A_1227 = tpu.vector_load %arg9[%get3A_1226] {strides = array<i32>} : memref<16xf32, #tpu.memory_space<vmem>>, vector<16xf32>,
          %get3A_1228 = vector.shape_cast %get3A_1227 : vector<16xf32> to vector<16xf32>
          %jit3A_1229 = arith.constant 0.000000e+00 : f32
          %broadcast_in_dim3A_1230 = vector.broadcast %jit3A_1229 : f32 to vector<16xf32>
          %select_n3A_1231 = arith.select %and3A_1218, %abs3A_1225, %broadcast_in_dim3A_1230 : vector<16xi1>, vector<16xf32>
          %add3A_1232 = arith.addf %get3A_1228, %select_n3A_1231 : vector<16xf32>
          %swap3A_1233 = arith.constant 0 : index
          %swap3A_1234 = tpu.vector_load %arg9[%swap3A_1233] {strides = array<i32>} : memref<16xf32, #tpu.memory_space<vmem>>, vector<16xf32>,
          %swap3A_1235 = vector.shape_cast %swap3A_1234 : vector<16xf32> to vector<16xf32>
          %swap3A_1236 = vector.shape_cast %add3A_1232 : vector<16xf32> to vector<16xf32>
          tpu.vector_store %arg9[%swap3A_1233], %swap3A_1236 {strides = array<i32>} : memref<16xf32, #tpu.memory_space<vmem>>, vector<16xf32>,
          %add3A_1237 = arith.constant 3 : i32
          %add3A_1238 = arith.addi %min3A_1137, %add3A_1237 : i32
          %mul3A_1239 = arith.constant 16 : i32
          %mul3A_1240 = arith.muli %add3A_1238, %mul3A_1239 : i32
          %get3A_1241 = arith.index_cast %add3A_1133 : i32 to index
          %get3A_1242 = arith.index_cast %mul3A_1240 : i32 to index
          %get3A_1243 = tpu.vector_load %arg8[%get3A_1241, %get3A_1242] {strides = array<i32>} : memref<128x384xf32, #tpu.memory_space<vmem>>, vector<1x16xf32>,
          %get3A_1244 = vector.shape_cast %get3A_1243 : vector<1x16xf32> to vector<16xf32>
          %add3A_1245 = vector.broadcast %mul3A_1240 : i32 to vector<16xi32>
          %add3A_1246 = arith.addi %add3A_1245, %iota3A : vector<16xi32>
          %ge3A_1247 = vector.broadcast %squeeze3A_1127 : i32 to vector<16xi32>
          %ge3A_1248 = arith.cmpi sge, %add3A_1246, %ge3A_1247 : vector<16xi32>
          %le3A_1249 = vector.broadcast %squeeze3A_1129 : i32 to vector<16xi32>
          %le3A_1250 = arith.cmpi sle, %add3A_1246, %le3A_1249 : vector<16xi32>
          %and3A_1251 = arith.andi %ge3A_1248, %le3A_1250 : vector<16xi1>
          %convert_element_type3A_1252 = arith.sitofp %add3A_1246 : vector<16xi32> to vector<16xf32>
          %mul3A_1253 = vector.broadcast %squeeze3A_1125 : f32 to vector<16xf32>
          %mul3A_1254 = arith.mulf %mul3A_1253, %convert_element_type3A_1252 : vector<16xf32>
          %sub3A_1255 = vector.broadcast %squeeze3A_1123 : f32 to vector<16xf32>
          %sub3A_1256 = arith.subf %sub3A_1255, %mul3A_1254 : vector<16xf32>
          %sub3A_1257 = arith.subf %get3A_1244, %sub3A_1256 : vector<16xf32>
          %abs3A_1258 = math.absf %sub3A_1257 : vector<16xf32>
          %get3A_1259 = arith.constant 0 : index
          %get3A_1260 = tpu.vector_load %arg9[%get3A_1259] {strides = array<i32>} : memref<16xf32, #tpu.memory_space<vmem>>, vector<16xf32>,
          %get3A_1261 = vector.shape_cast %get3A_1260 : vector<16xf32> to vector<16xf32>
          %jit3A_1262 = arith.constant 0.000000e+00 : f32
          %broadcast_in_dim3A_1263 = vector.broadcast %jit3A_1262 : f32 to vector<16xf32>
          %select_n3A_1264 = arith.select %and3A_1251, %abs3A_1258, %broadcast_in_dim3A_1263 : vector<16xi1>, vector<16xf32>
          %add3A_1265 = arith.addf %get3A_1261, %select_n3A_1264 : vector<16xf32>
          %swap3A_1266 = arith.constant 0 : index
          %swap3A_1267 = tpu.vector_load %arg9[%swap3A_1266] {strides = array<i32>} : memref<16xf32, #tpu.memory_space<vmem>>, vector<16xf32>,
          %swap3A_1268 = vector.shape_cast %swap3A_1267 : vector<16xf32> to vector<16xf32>
          %swap3A_1269 = vector.shape_cast %add3A_1265 : vector<16xf32> to vector<16xf32>
          tpu.vector_store %arg9[%swap3A_1266], %swap3A_1269 {strides = array<i32>} : memref<16xf32, #tpu.memory_space<vmem>>, vector<16xf32>,
          %add3A_1270 = arith.constant 4 : i32
          %add3A_1271 = arith.addi %min3A_1137, %add3A_1270 : i32
          %mul3A_1272 = arith.constant 16 : i32
          %mul3A_1273 = arith.muli %add3A_1271, %mul3A_1272 : i32
          %get3A_1274 = arith.index_cast %add3A_1133 : i32 to index
          %get3A_1275 = arith.index_cast %mul3A_1273 : i32 to index
          %get3A_1276 = tpu.vector_load %arg8[%get3A_1274, %get3A_1275] {strides = array<i32>} : memref<128x384xf32, #tpu.memory_space<vmem>>, vector<1x16xf32>,
          %get3A_1277 = vector.shape_cast %get3A_1276 : vector<1x16xf32> to vector<16xf32>
          %add3A_1278 = vector.broadcast %mul3A_1273 : i32 to vector<16xi32>
          %add3A_1279 = arith.addi %add3A_1278, %iota3A : vector<16xi32>
          %ge3A_1280 = vector.broadcast %squeeze3A_1127 : i32 to vector<16xi32>
          %ge3A_1281 = arith.cmpi sge, %add3A_1279, %ge3A_1280 : vector<16xi32>
          %le3A_1282 = vector.broadcast %squeeze3A_1129 : i32 to vector<16xi32>
          %le3A_1283 = arith.cmpi sle, %add3A_1279, %le3A_1282 : vector<16xi32>
          %and3A_1284 = arith.andi %ge3A_1281, %le3A_1283 : vector<16xi1>
          %convert_element_type3A_1285 = arith.sitofp %add3A_1279 : vector<16xi32> to vector<16xf32>
          %mul3A_1286 = vector.broadcast %squeeze3A_1125 : f32 to vector<16xf32>
          %mul3A_1287 = arith.mulf %mul3A_1286, %convert_element_type3A_1285 : vector<16xf32>
          %sub3A_1288 = vector.broadcast %squeeze3A_1123 : f32 to vector<16xf32>
          %sub3A_1289 = arith.subf %sub3A_1288, %mul3A_1287 : vector<16xf32>
          %sub3A_1290 = arith.subf %get3A_1277, %sub3A_1289 : vector<16xf32>
          %abs3A_1291 = math.absf %sub3A_1290 : vector<16xf32>
          %get3A_1292 = arith.constant 0 : index
          %get3A_1293 = tpu.vector_load %arg9[%get3A_1292] {strides = array<i32>} : memref<16xf32, #tpu.memory_space<vmem>>, vector<16xf32>,
          %get3A_1294 = vector.shape_cast %get3A_1293 : vector<16xf32> to vector<16xf32>
          %jit3A_1295 = arith.constant 0.000000e+00 : f32
          %broadcast_in_dim3A_1296 = vector.broadcast %jit3A_1295 : f32 to vector<16xf32>
          %select_n3A_1297 = arith.select %and3A_1284, %abs3A_1291, %broadcast_in_dim3A_1296 : vector<16xi1>, vector<16xf32>
          %add3A_1298 = arith.addf %get3A_1294, %select_n3A_1297 : vector<16xf32>
          %swap3A_1299 = arith.constant 0 : index
          %swap3A_1300 = tpu.vector_load %arg9[%swap3A_1299] {strides = array<i32>} : memref<16xf32, #tpu.memory_space<vmem>>, vector<16xf32>,
          %swap3A_1301 = vector.shape_cast %swap3A_1300 : vector<16xf32> to vector<16xf32>
          %swap3A_1302 = vector.shape_cast %add3A_1298 : vector<16xf32> to vector<16xf32>
          tpu.vector_store %arg9[%swap3A_1299], %swap3A_1302 {strides = array<i32>} : memref<16xf32, #tpu.memory_space<vmem>>, vector<16xf32>,
          %add3A_1303 = arith.constant 5 : i32
          %add3A_1304 = arith.addi %min3A_1137, %add3A_1303 : i32
          %mul3A_1305 = arith.constant 16 : i32
          %mul3A_1306 = arith.muli %add3A_1304, %mul3A_1305 : i32
          %get3A_1307 = arith.index_cast %add3A_1133 : i32 to index
          %get3A_1308 = arith.index_cast %mul3A_1306 : i32 to index
          %get3A_1309 = tpu.vector_load %arg8[%get3A_1307, %get3A_1308] {strides = array<i32>} : memref<128x384xf32, #tpu.memory_space<vmem>>, vector<1x16xf32>,
          %get3A_1310 = vector.shape_cast %get3A_1309 : vector<1x16xf32> to vector<16xf32>
          %add3A_1311 = vector.broadcast %mul3A_1306 : i32 to vector<16xi32>
          %add3A_1312 = arith.addi %add3A_1311, %iota3A : vector<16xi32>
          %ge3A_1313 = vector.broadcast %squeeze3A_1127 : i32 to vector<16xi32>
          %ge3A_1314 = arith.cmpi sge, %add3A_1312, %ge3A_1313 : vector<16xi32>
          %le3A_1315 = vector.broadcast %squeeze3A_1129 : i32 to vector<16xi32>
          %le3A_1316 = arith.cmpi sle, %add3A_1312, %le3A_1315 : vector<16xi32>
          %and3A_1317 = arith.andi %ge3A_1314, %le3A_1316 : vector<16xi1>
          %convert_element_type3A_1318 = arith.sitofp %add3A_1312 : vector<16xi32> to vector<16xf32>
          %mul3A_1319 = vector.broadcast %squeeze3A_1125 : f32 to vector<16xf32>
          %mul3A_1320 = arith.mulf %mul3A_1319, %convert_element_type3A_1318 : vector<16xf32>
          %sub3A_1321 = vector.broadcast %squeeze3A_1123 : f32 to vector<16xf32>
          %sub3A_1322 = arith.subf %sub3A_1321, %mul3A_1320 : vector<16xf32>
          %sub3A_1323 = arith.subf %get3A_1310, %sub3A_1322 : vector<16xf32>
          %abs3A_1324 = math.absf %sub3A_1323 : vector<16xf32>
          %get3A_1325 = arith.constant 0 : index
          %get3A_1326 = tpu.vector_load %arg9[%get3A_1325] {strides = array<i32>} : memref<16xf32, #tpu.memory_space<vmem>>, vector<16xf32>,
          %get3A_1327 = vector.shape_cast %get3A_1326 : vector<16xf32> to vector<16xf32>
          %jit3A_1328 = arith.constant 0.000000e+00 : f32
          %broadcast_in_dim3A_1329 = vector.broadcast %jit3A_1328 : f32 to vector<16xf32>
          %select_n3A_1330 = arith.select %and3A_1317, %abs3A_1324, %broadcast_in_dim3A_1329 : vector<16xi1>, vector<16xf32>
          %add3A_1331 = arith.addf %get3A_1327, %select_n3A_1330 : vector<16xf32>
          %swap3A_1332 = arith.constant 0 : index
          %swap3A_1333 = tpu.vector_load %arg9[%swap3A_1332] {strides = array<i32>} : memref<16xf32, #tpu.memory_space<vmem>>, vector<16xf32>,
          %swap3A_1334 = vector.shape_cast %swap3A_1333 : vector<16xf32> to vector<16xf32>
          %swap3A_1335 = vector.shape_cast %add3A_1331 : vector<16xf32> to vector<16xf32>
          tpu.vector_store %arg9[%swap3A_1332], %swap3A_1335 {strides = array<i32>} : memref<16xf32, #tpu.memory_space<vmem>>, vector<16xf32>,
          %slice3A_1336 = vector.extract_strided_slice %get3A_39 {offsets = [6], sizes = [1], strides = [1]} : vector<16xf32> to vector<1xf32>
          %squeeze3A_1337 = vector.extract %slice3A_1336[0] : f32 from vector<1xf32>
          %slice3A_1338 = vector.extract_strided_slice %get3A_46 {offsets = [6], sizes = [1], strides = [1]} : vector<16xf32> to vector<1xf32>
          %squeeze3A_1339 = vector.extract %slice3A_1338[0] : f32 from vector<1xf32>
          %slice3A_1340 = vector.extract_strided_slice %convert_element_type3A_54 {offsets = [6], sizes = [1], strides = [1]} : vector<16xi32> to vector<1xi32>
          %squeeze3A_1341 = vector.extract %slice3A_1340[0] : i32 from vector<1xi32>
          %slice3A_1342 = vector.extract_strided_slice %convert_element_type3A_62 {offsets = [6], sizes = [1], strides = [1]} : vector<16xi32> to vector<1xi32>
          %squeeze3A_1343 = vector.extract %slice3A_1342[0] : i32 from vector<1xi32>
          %mul3A_1344 = arith.constant 16 : i32
          %mul3A_1345 = arith.muli %add3A_33, %mul3A_1344 : i32
          %add3A_1346 = arith.constant 6 : i32
          %add3A_1347 = arith.addi %mul3A_1345, %add3A_1346 : i32
          %shift_right_arithmetic3A_1348 = arith.constant 4 : i32
          %shift_right_arithmetic3A_1349 = arith.shrsi %squeeze3A_1341, %shift_right_arithmetic3A_1348 : i32
          %min3A_1350 = arith.constant 18 : i32
          %min3A_1351 = arith.minsi %shift_right_arithmetic3A_1349, %min3A_1350 : i32
          %add3A_1352 = arith.constant 0 : i32
          %add3A_1353 = arith.addi %min3A_1351, %add3A_1352 : i32
          %mul3A_1354 = arith.constant 16 : i32
          %mul3A_1355 = arith.muli %add3A_1353, %mul3A_1354 : i32
          %get3A_1356 = arith.index_cast %add3A_1347 : i32 to index
          %get3A_1357 = arith.index_cast %mul3A_1355 : i32 to index
          %get3A_1358 = tpu.vector_load %arg8[%get3A_1356, %get3A_1357] {strides = array<i32>} : memref<128x384xf32, #tpu.memory_space<vmem>>, vector<1x16xf32>,
          %get3A_1359 = vector.shape_cast %get3A_1358 : vector<1x16xf32> to vector<16xf32>
          %add3A_1360 = vector.broadcast %mul3A_1355 : i32 to vector<16xi32>
          %add3A_1361 = arith.addi %add3A_1360, %iota3A : vector<16xi32>
          %ge3A_1362 = vector.broadcast %squeeze3A_1341 : i32 to vector<16xi32>
          %ge3A_1363 = arith.cmpi sge, %add3A_1361, %ge3A_1362 : vector<16xi32>
          %le3A_1364 = vector.broadcast %squeeze3A_1343 : i32 to vector<16xi32>
          %le3A_1365 = arith.cmpi sle, %add3A_1361, %le3A_1364 : vector<16xi32>
          %and3A_1366 = arith.andi %ge3A_1363, %le3A_1365 : vector<16xi1>
          %convert_element_type3A_1367 = arith.sitofp %add3A_1361 : vector<16xi32> to vector<16xf32>
          %mul3A_1368 = vector.broadcast %squeeze3A_1339 : f32 to vector<16xf32>
          %mul3A_1369 = arith.mulf %mul3A_1368, %convert_element_type3A_1367 : vector<16xf32>
          %sub3A_1370 = vector.broadcast %squeeze3A_1337 : f32 to vector<16xf32>
          %sub3A_1371 = arith.subf %sub3A_1370, %mul3A_1369 : vector<16xf32>
          %sub3A_1372 = arith.subf %get3A_1359, %sub3A_1371 : vector<16xf32>
          %abs3A_1373 = math.absf %sub3A_1372 : vector<16xf32>
          %get3A_1374 = arith.constant 0 : index
          %get3A_1375 = tpu.vector_load %arg9[%get3A_1374] {strides = array<i32>} : memref<16xf32, #tpu.memory_space<vmem>>, vector<16xf32>,
          %get3A_1376 = vector.shape_cast %get3A_1375 : vector<16xf32> to vector<16xf32>
          %jit3A_1377 = arith.constant 0.000000e+00 : f32
          %broadcast_in_dim3A_1378 = vector.broadcast %jit3A_1377 : f32 to vector<16xf32>
          %select_n3A_1379 = arith.select %and3A_1366, %abs3A_1373, %broadcast_in_dim3A_1378 : vector<16xi1>, vector<16xf32>
          %add3A_1380 = arith.addf %get3A_1376, %select_n3A_1379 : vector<16xf32>
          %swap3A_1381 = arith.constant 0 : index
          %swap3A_1382 = tpu.vector_load %arg9[%swap3A_1381] {strides = array<i32>} : memref<16xf32, #tpu.memory_space<vmem>>, vector<16xf32>,
          %swap3A_1383 = vector.shape_cast %swap3A_1382 : vector<16xf32> to vector<16xf32>
          %swap3A_1384 = vector.shape_cast %add3A_1380 : vector<16xf32> to vector<16xf32>
          tpu.vector_store %arg9[%swap3A_1381], %swap3A_1384 {strides = array<i32>} : memref<16xf32, #tpu.memory_space<vmem>>, vector<16xf32>,
          %add3A_1385 = arith.constant 1 : i32
          %add3A_1386 = arith.addi %min3A_1351, %add3A_1385 : i32
          %mul3A_1387 = arith.constant 16 : i32
          %mul3A_1388 = arith.muli %add3A_1386, %mul3A_1387 : i32
          %get3A_1389 = arith.index_cast %add3A_1347 : i32 to index
          %get3A_1390 = arith.index_cast %mul3A_1388 : i32 to index
          %get3A_1391 = tpu.vector_load %arg8[%get3A_1389, %get3A_1390] {strides = array<i32>} : memref<128x384xf32, #tpu.memory_space<vmem>>, vector<1x16xf32>,
          %get3A_1392 = vector.shape_cast %get3A_1391 : vector<1x16xf32> to vector<16xf32>
          %add3A_1393 = vector.broadcast %mul3A_1388 : i32 to vector<16xi32>
          %add3A_1394 = arith.addi %add3A_1393, %iota3A : vector<16xi32>
          %ge3A_1395 = vector.broadcast %squeeze3A_1341 : i32 to vector<16xi32>
          %ge3A_1396 = arith.cmpi sge, %add3A_1394, %ge3A_1395 : vector<16xi32>
          %le3A_1397 = vector.broadcast %squeeze3A_1343 : i32 to vector<16xi32>
          %le3A_1398 = arith.cmpi sle, %add3A_1394, %le3A_1397 : vector<16xi32>
          %and3A_1399 = arith.andi %ge3A_1396, %le3A_1398 : vector<16xi1>
          %convert_element_type3A_1400 = arith.sitofp %add3A_1394 : vector<16xi32> to vector<16xf32>
          %mul3A_1401 = vector.broadcast %squeeze3A_1339 : f32 to vector<16xf32>
          %mul3A_1402 = arith.mulf %mul3A_1401, %convert_element_type3A_1400 : vector<16xf32>
          %sub3A_1403 = vector.broadcast %squeeze3A_1337 : f32 to vector<16xf32>
          %sub3A_1404 = arith.subf %sub3A_1403, %mul3A_1402 : vector<16xf32>
          %sub3A_1405 = arith.subf %get3A_1392, %sub3A_1404 : vector<16xf32>
          %abs3A_1406 = math.absf %sub3A_1405 : vector<16xf32>
          %get3A_1407 = arith.constant 0 : index
          %get3A_1408 = tpu.vector_load %arg9[%get3A_1407] {strides = array<i32>} : memref<16xf32, #tpu.memory_space<vmem>>, vector<16xf32>,
          %get3A_1409 = vector.shape_cast %get3A_1408 : vector<16xf32> to vector<16xf32>
          %jit3A_1410 = arith.constant 0.000000e+00 : f32
          %broadcast_in_dim3A_1411 = vector.broadcast %jit3A_1410 : f32 to vector<16xf32>
          %select_n3A_1412 = arith.select %and3A_1399, %abs3A_1406, %broadcast_in_dim3A_1411 : vector<16xi1>, vector<16xf32>
          %add3A_1413 = arith.addf %get3A_1409, %select_n3A_1412 : vector<16xf32>
          %swap3A_1414 = arith.constant 0 : index
          %swap3A_1415 = tpu.vector_load %arg9[%swap3A_1414] {strides = array<i32>} : memref<16xf32, #tpu.memory_space<vmem>>, vector<16xf32>,
          %swap3A_1416 = vector.shape_cast %swap3A_1415 : vector<16xf32> to vector<16xf32>
          %swap3A_1417 = vector.shape_cast %add3A_1413 : vector<16xf32> to vector<16xf32>
          tpu.vector_store %arg9[%swap3A_1414], %swap3A_1417 {strides = array<i32>} : memref<16xf32, #tpu.memory_space<vmem>>, vector<16xf32>,
          %add3A_1418 = arith.constant 2 : i32
          %add3A_1419 = arith.addi %min3A_1351, %add3A_1418 : i32
          %mul3A_1420 = arith.constant 16 : i32
          %mul3A_1421 = arith.muli %add3A_1419, %mul3A_1420 : i32
          %get3A_1422 = arith.index_cast %add3A_1347 : i32 to index
          %get3A_1423 = arith.index_cast %mul3A_1421 : i32 to index
          %get3A_1424 = tpu.vector_load %arg8[%get3A_1422, %get3A_1423] {strides = array<i32>} : memref<128x384xf32, #tpu.memory_space<vmem>>, vector<1x16xf32>,
          %get3A_1425 = vector.shape_cast %get3A_1424 : vector<1x16xf32> to vector<16xf32>
          %add3A_1426 = vector.broadcast %mul3A_1421 : i32 to vector<16xi32>
          %add3A_1427 = arith.addi %add3A_1426, %iota3A : vector<16xi32>
          %ge3A_1428 = vector.broadcast %squeeze3A_1341 : i32 to vector<16xi32>
          %ge3A_1429 = arith.cmpi sge, %add3A_1427, %ge3A_1428 : vector<16xi32>
          %le3A_1430 = vector.broadcast %squeeze3A_1343 : i32 to vector<16xi32>
          %le3A_1431 = arith.cmpi sle, %add3A_1427, %le3A_1430 : vector<16xi32>
          %and3A_1432 = arith.andi %ge3A_1429, %le3A_1431 : vector<16xi1>
          %convert_element_type3A_1433 = arith.sitofp %add3A_1427 : vector<16xi32> to vector<16xf32>
          %mul3A_1434 = vector.broadcast %squeeze3A_1339 : f32 to vector<16xf32>
          %mul3A_1435 = arith.mulf %mul3A_1434, %convert_element_type3A_1433 : vector<16xf32>
          %sub3A_1436 = vector.broadcast %squeeze3A_1337 : f32 to vector<16xf32>
          %sub3A_1437 = arith.subf %sub3A_1436, %mul3A_1435 : vector<16xf32>
          %sub3A_1438 = arith.subf %get3A_1425, %sub3A_1437 : vector<16xf32>
          %abs3A_1439 = math.absf %sub3A_1438 : vector<16xf32>
          %get3A_1440 = arith.constant 0 : index
          %get3A_1441 = tpu.vector_load %arg9[%get3A_1440] {strides = array<i32>} : memref<16xf32, #tpu.memory_space<vmem>>, vector<16xf32>,
          %get3A_1442 = vector.shape_cast %get3A_1441 : vector<16xf32> to vector<16xf32>
          %jit3A_1443 = arith.constant 0.000000e+00 : f32
          %broadcast_in_dim3A_1444 = vector.broadcast %jit3A_1443 : f32 to vector<16xf32>
          %select_n3A_1445 = arith.select %and3A_1432, %abs3A_1439, %broadcast_in_dim3A_1444 : vector<16xi1>, vector<16xf32>
          %add3A_1446 = arith.addf %get3A_1442, %select_n3A_1445 : vector<16xf32>
          %swap3A_1447 = arith.constant 0 : index
          %swap3A_1448 = tpu.vector_load %arg9[%swap3A_1447] {strides = array<i32>} : memref<16xf32, #tpu.memory_space<vmem>>, vector<16xf32>,
          %swap3A_1449 = vector.shape_cast %swap3A_1448 : vector<16xf32> to vector<16xf32>
          %swap3A_1450 = vector.shape_cast %add3A_1446 : vector<16xf32> to vector<16xf32>
          tpu.vector_store %arg9[%swap3A_1447], %swap3A_1450 {strides = array<i32>} : memref<16xf32, #tpu.memory_space<vmem>>, vector<16xf32>,
          %add3A_1451 = arith.constant 3 : i32
          %add3A_1452 = arith.addi %min3A_1351, %add3A_1451 : i32
          %mul3A_1453 = arith.constant 16 : i32
          %mul3A_1454 = arith.muli %add3A_1452, %mul3A_1453 : i32
          %get3A_1455 = arith.index_cast %add3A_1347 : i32 to index
          %get3A_1456 = arith.index_cast %mul3A_1454 : i32 to index
          %get3A_1457 = tpu.vector_load %arg8[%get3A_1455, %get3A_1456] {strides = array<i32>} : memref<128x384xf32, #tpu.memory_space<vmem>>, vector<1x16xf32>,
          %get3A_1458 = vector.shape_cast %get3A_1457 : vector<1x16xf32> to vector<16xf32>
          %add3A_1459 = vector.broadcast %mul3A_1454 : i32 to vector<16xi32>
          %add3A_1460 = arith.addi %add3A_1459, %iota3A : vector<16xi32>
          %ge3A_1461 = vector.broadcast %squeeze3A_1341 : i32 to vector<16xi32>
          %ge3A_1462 = arith.cmpi sge, %add3A_1460, %ge3A_1461 : vector<16xi32>
          %le3A_1463 = vector.broadcast %squeeze3A_1343 : i32 to vector<16xi32>
          %le3A_1464 = arith.cmpi sle, %add3A_1460, %le3A_1463 : vector<16xi32>
          %and3A_1465 = arith.andi %ge3A_1462, %le3A_1464 : vector<16xi1>
          %convert_element_type3A_1466 = arith.sitofp %add3A_1460 : vector<16xi32> to vector<16xf32>
          %mul3A_1467 = vector.broadcast %squeeze3A_1339 : f32 to vector<16xf32>
          %mul3A_1468 = arith.mulf %mul3A_1467, %convert_element_type3A_1466 : vector<16xf32>
          %sub3A_1469 = vector.broadcast %squeeze3A_1337 : f32 to vector<16xf32>
          %sub3A_1470 = arith.subf %sub3A_1469, %mul3A_1468 : vector<16xf32>
          %sub3A_1471 = arith.subf %get3A_1458, %sub3A_1470 : vector<16xf32>
          %abs3A_1472 = math.absf %sub3A_1471 : vector<16xf32>
          %get3A_1473 = arith.constant 0 : index
          %get3A_1474 = tpu.vector_load %arg9[%get3A_1473] {strides = array<i32>} : memref<16xf32, #tpu.memory_space<vmem>>, vector<16xf32>,
          %get3A_1475 = vector.shape_cast %get3A_1474 : vector<16xf32> to vector<16xf32>
          %jit3A_1476 = arith.constant 0.000000e+00 : f32
          %broadcast_in_dim3A_1477 = vector.broadcast %jit3A_1476 : f32 to vector<16xf32>
          %select_n3A_1478 = arith.select %and3A_1465, %abs3A_1472, %broadcast_in_dim3A_1477 : vector<16xi1>, vector<16xf32>
          %add3A_1479 = arith.addf %get3A_1475, %select_n3A_1478 : vector<16xf32>
          %swap3A_1480 = arith.constant 0 : index
          %swap3A_1481 = tpu.vector_load %arg9[%swap3A_1480] {strides = array<i32>} : memref<16xf32, #tpu.memory_space<vmem>>, vector<16xf32>,
          %swap3A_1482 = vector.shape_cast %swap3A_1481 : vector<16xf32> to vector<16xf32>
          %swap3A_1483 = vector.shape_cast %add3A_1479 : vector<16xf32> to vector<16xf32>
          tpu.vector_store %arg9[%swap3A_1480], %swap3A_1483 {strides = array<i32>} : memref<16xf32, #tpu.memory_space<vmem>>, vector<16xf32>,
          %add3A_1484 = arith.constant 4 : i32
          %add3A_1485 = arith.addi %min3A_1351, %add3A_1484 : i32
          %mul3A_1486 = arith.constant 16 : i32
          %mul3A_1487 = arith.muli %add3A_1485, %mul3A_1486 : i32
          %get3A_1488 = arith.index_cast %add3A_1347 : i32 to index
          %get3A_1489 = arith.index_cast %mul3A_1487 : i32 to index
          %get3A_1490 = tpu.vector_load %arg8[%get3A_1488, %get3A_1489] {strides = array<i32>} : memref<128x384xf32, #tpu.memory_space<vmem>>, vector<1x16xf32>,
          %get3A_1491 = vector.shape_cast %get3A_1490 : vector<1x16xf32> to vector<16xf32>
          %add3A_1492 = vector.broadcast %mul3A_1487 : i32 to vector<16xi32>
          %add3A_1493 = arith.addi %add3A_1492, %iota3A : vector<16xi32>
          %ge3A_1494 = vector.broadcast %squeeze3A_1341 : i32 to vector<16xi32>
          %ge3A_1495 = arith.cmpi sge, %add3A_1493, %ge3A_1494 : vector<16xi32>
          %le3A_1496 = vector.broadcast %squeeze3A_1343 : i32 to vector<16xi32>
          %le3A_1497 = arith.cmpi sle, %add3A_1493, %le3A_1496 : vector<16xi32>
          %and3A_1498 = arith.andi %ge3A_1495, %le3A_1497 : vector<16xi1>
          %convert_element_type3A_1499 = arith.sitofp %add3A_1493 : vector<16xi32> to vector<16xf32>
          %mul3A_1500 = vector.broadcast %squeeze3A_1339 : f32 to vector<16xf32>
          %mul3A_1501 = arith.mulf %mul3A_1500, %convert_element_type3A_1499 : vector<16xf32>
          %sub3A_1502 = vector.broadcast %squeeze3A_1337 : f32 to vector<16xf32>
          %sub3A_1503 = arith.subf %sub3A_1502, %mul3A_1501 : vector<16xf32>
          %sub3A_1504 = arith.subf %get3A_1491, %sub3A_1503 : vector<16xf32>
          %abs3A_1505 = math.absf %sub3A_1504 : vector<16xf32>
          %get3A_1506 = arith.constant 0 : index
          %get3A_1507 = tpu.vector_load %arg9[%get3A_1506] {strides = array<i32>} : memref<16xf32, #tpu.memory_space<vmem>>, vector<16xf32>,
          %get3A_1508 = vector.shape_cast %get3A_1507 : vector<16xf32> to vector<16xf32>
          %jit3A_1509 = arith.constant 0.000000e+00 : f32
          %broadcast_in_dim3A_1510 = vector.broadcast %jit3A_1509 : f32 to vector<16xf32>
          %select_n3A_1511 = arith.select %and3A_1498, %abs3A_1505, %broadcast_in_dim3A_1510 : vector<16xi1>, vector<16xf32>
          %add3A_1512 = arith.addf %get3A_1508, %select_n3A_1511 : vector<16xf32>
          %swap3A_1513 = arith.constant 0 : index
          %swap3A_1514 = tpu.vector_load %arg9[%swap3A_1513] {strides = array<i32>} : memref<16xf32, #tpu.memory_space<vmem>>, vector<16xf32>,
          %swap3A_1515 = vector.shape_cast %swap3A_1514 : vector<16xf32> to vector<16xf32>
          %swap3A_1516 = vector.shape_cast %add3A_1512 : vector<16xf32> to vector<16xf32>
          tpu.vector_store %arg9[%swap3A_1513], %swap3A_1516 {strides = array<i32>} : memref<16xf32, #tpu.memory_space<vmem>>, vector<16xf32>,
          %add3A_1517 = arith.constant 5 : i32
          %add3A_1518 = arith.addi %min3A_1351, %add3A_1517 : i32
          %mul3A_1519 = arith.constant 16 : i32
          %mul3A_1520 = arith.muli %add3A_1518, %mul3A_1519 : i32
          %get3A_1521 = arith.index_cast %add3A_1347 : i32 to index
          %get3A_1522 = arith.index_cast %mul3A_1520 : i32 to index
          %get3A_1523 = tpu.vector_load %arg8[%get3A_1521, %get3A_1522] {strides = array<i32>} : memref<128x384xf32, #tpu.memory_space<vmem>>, vector<1x16xf32>,
          %get3A_1524 = vector.shape_cast %get3A_1523 : vector<1x16xf32> to vector<16xf32>
          %add3A_1525 = vector.broadcast %mul3A_1520 : i32 to vector<16xi32>
          %add3A_1526 = arith.addi %add3A_1525, %iota3A : vector<16xi32>
          %ge3A_1527 = vector.broadcast %squeeze3A_1341 : i32 to vector<16xi32>
          %ge3A_1528 = arith.cmpi sge, %add3A_1526, %ge3A_1527 : vector<16xi32>
          %le3A_1529 = vector.broadcast %squeeze3A_1343 : i32 to vector<16xi32>
          %le3A_1530 = arith.cmpi sle, %add3A_1526, %le3A_1529 : vector<16xi32>
          %and3A_1531 = arith.andi %ge3A_1528, %le3A_1530 : vector<16xi1>
          %convert_element_type3A_1532 = arith.sitofp %add3A_1526 : vector<16xi32> to vector<16xf32>
          %mul3A_1533 = vector.broadcast %squeeze3A_1339 : f32 to vector<16xf32>
          %mul3A_1534 = arith.mulf %mul3A_1533, %convert_element_type3A_1532 : vector<16xf32>
          %sub3A_1535 = vector.broadcast %squeeze3A_1337 : f32 to vector<16xf32>
          %sub3A_1536 = arith.subf %sub3A_1535, %mul3A_1534 : vector<16xf32>
          %sub3A_1537 = arith.subf %get3A_1524, %sub3A_1536 : vector<16xf32>
          %abs3A_1538 = math.absf %sub3A_1537 : vector<16xf32>
          %get3A_1539 = arith.constant 0 : index
          %get3A_1540 = tpu.vector_load %arg9[%get3A_1539] {strides = array<i32>} : memref<16xf32, #tpu.memory_space<vmem>>, vector<16xf32>,
          %get3A_1541 = vector.shape_cast %get3A_1540 : vector<16xf32> to vector<16xf32>
          %jit3A_1542 = arith.constant 0.000000e+00 : f32
          %broadcast_in_dim3A_1543 = vector.broadcast %jit3A_1542 : f32 to vector<16xf32>
          %select_n3A_1544 = arith.select %and3A_1531, %abs3A_1538, %broadcast_in_dim3A_1543 : vector<16xi1>, vector<16xf32>
          %add3A_1545 = arith.addf %get3A_1541, %select_n3A_1544 : vector<16xf32>
          %swap3A_1546 = arith.constant 0 : index
          %swap3A_1547 = tpu.vector_load %arg9[%swap3A_1546] {strides = array<i32>} : memref<16xf32, #tpu.memory_space<vmem>>, vector<16xf32>,
          %swap3A_1548 = vector.shape_cast %swap3A_1547 : vector<16xf32> to vector<16xf32>
          %swap3A_1549 = vector.shape_cast %add3A_1545 : vector<16xf32> to vector<16xf32>
          tpu.vector_store %arg9[%swap3A_1546], %swap3A_1549 {strides = array<i32>} : memref<16xf32, #tpu.memory_space<vmem>>, vector<16xf32>,
          %slice3A_1550 = vector.extract_strided_slice %get3A_39 {offsets = [7], sizes = [1], strides = [1]} : vector<16xf32> to vector<1xf32>
          %squeeze3A_1551 = vector.extract %slice3A_1550[0] : f32 from vector<1xf32>
          %slice3A_1552 = vector.extract_strided_slice %get3A_46 {offsets = [7], sizes = [1], strides = [1]} : vector<16xf32> to vector<1xf32>
          %squeeze3A_1553 = vector.extract %slice3A_1552[0] : f32 from vector<1xf32>
          %slice3A_1554 = vector.extract_strided_slice %convert_element_type3A_54 {offsets = [7], sizes = [1], strides = [1]} : vector<16xi32> to vector<1xi32>
          %squeeze3A_1555 = vector.extract %slice3A_1554[0] : i32 from vector<1xi32>
          %slice3A_1556 = vector.extract_strided_slice %convert_element_type3A_62 {offsets = [7], sizes = [1], strides = [1]} : vector<16xi32> to vector<1xi32>
          %squeeze3A_1557 = vector.extract %slice3A_1556[0] : i32 from vector<1xi32>
          %mul3A_1558 = arith.constant 16 : i32
          %mul3A_1559 = arith.muli %add3A_33, %mul3A_1558 : i32
          %add3A_1560 = arith.constant 7 : i32
          %add3A_1561 = arith.addi %mul3A_1559, %add3A_1560 : i32
          %shift_right_arithmetic3A_1562 = arith.constant 4 : i32
          %shift_right_arithmetic3A_1563 = arith.shrsi %squeeze3A_1555, %shift_right_arithmetic3A_1562 : i32
          %min3A_1564 = arith.constant 18 : i32
          %min3A_1565 = arith.minsi %shift_right_arithmetic3A_1563, %min3A_1564 : i32
          %add3A_1566 = arith.constant 0 : i32
          %add3A_1567 = arith.addi %min3A_1565, %add3A_1566 : i32
          %mul3A_1568 = arith.constant 16 : i32
          %mul3A_1569 = arith.muli %add3A_1567, %mul3A_1568 : i32
          %get3A_1570 = arith.index_cast %add3A_1561 : i32 to index
          %get3A_1571 = arith.index_cast %mul3A_1569 : i32 to index
          %get3A_1572 = tpu.vector_load %arg8[%get3A_1570, %get3A_1571] {strides = array<i32>} : memref<128x384xf32, #tpu.memory_space<vmem>>, vector<1x16xf32>,
          %get3A_1573 = vector.shape_cast %get3A_1572 : vector<1x16xf32> to vector<16xf32>
          %add3A_1574 = vector.broadcast %mul3A_1569 : i32 to vector<16xi32>
          %add3A_1575 = arith.addi %add3A_1574, %iota3A : vector<16xi32>
          %ge3A_1576 = vector.broadcast %squeeze3A_1555 : i32 to vector<16xi32>
          %ge3A_1577 = arith.cmpi sge, %add3A_1575, %ge3A_1576 : vector<16xi32>
          %le3A_1578 = vector.broadcast %squeeze3A_1557 : i32 to vector<16xi32>
          %le3A_1579 = arith.cmpi sle, %add3A_1575, %le3A_1578 : vector<16xi32>
          %and3A_1580 = arith.andi %ge3A_1577, %le3A_1579 : vector<16xi1>
          %convert_element_type3A_1581 = arith.sitofp %add3A_1575 : vector<16xi32> to vector<16xf32>
          %mul3A_1582 = vector.broadcast %squeeze3A_1553 : f32 to vector<16xf32>
          %mul3A_1583 = arith.mulf %mul3A_1582, %convert_element_type3A_1581 : vector<16xf32>
          %sub3A_1584 = vector.broadcast %squeeze3A_1551 : f32 to vector<16xf32>
          %sub3A_1585 = arith.subf %sub3A_1584, %mul3A_1583 : vector<16xf32>
          %sub3A_1586 = arith.subf %get3A_1573, %sub3A_1585 : vector<16xf32>
          %abs3A_1587 = math.absf %sub3A_1586 : vector<16xf32>
          %get3A_1588 = arith.constant 0 : index
          %get3A_1589 = tpu.vector_load %arg9[%get3A_1588] {strides = array<i32>} : memref<16xf32, #tpu.memory_space<vmem>>, vector<16xf32>,
          %get3A_1590 = vector.shape_cast %get3A_1589 : vector<16xf32> to vector<16xf32>
          %jit3A_1591 = arith.constant 0.000000e+00 : f32
          %broadcast_in_dim3A_1592 = vector.broadcast %jit3A_1591 : f32 to vector<16xf32>
          %select_n3A_1593 = arith.select %and3A_1580, %abs3A_1587, %broadcast_in_dim3A_1592 : vector<16xi1>, vector<16xf32>
          %add3A_1594 = arith.addf %get3A_1590, %select_n3A_1593 : vector<16xf32>
          %swap3A_1595 = arith.constant 0 : index
          %swap3A_1596 = tpu.vector_load %arg9[%swap3A_1595] {strides = array<i32>} : memref<16xf32, #tpu.memory_space<vmem>>, vector<16xf32>,
          %swap3A_1597 = vector.shape_cast %swap3A_1596 : vector<16xf32> to vector<16xf32>
          %swap3A_1598 = vector.shape_cast %add3A_1594 : vector<16xf32> to vector<16xf32>
          tpu.vector_store %arg9[%swap3A_1595], %swap3A_1598 {strides = array<i32>} : memref<16xf32, #tpu.memory_space<vmem>>, vector<16xf32>,
          %add3A_1599 = arith.constant 1 : i32
          %add3A_1600 = arith.addi %min3A_1565, %add3A_1599 : i32
          %mul3A_1601 = arith.constant 16 : i32
          %mul3A_1602 = arith.muli %add3A_1600, %mul3A_1601 : i32
          %get3A_1603 = arith.index_cast %add3A_1561 : i32 to index
          %get3A_1604 = arith.index_cast %mul3A_1602 : i32 to index
          %get3A_1605 = tpu.vector_load %arg8[%get3A_1603, %get3A_1604] {strides = array<i32>} : memref<128x384xf32, #tpu.memory_space<vmem>>, vector<1x16xf32>,
          %get3A_1606 = vector.shape_cast %get3A_1605 : vector<1x16xf32> to vector<16xf32>
          %add3A_1607 = vector.broadcast %mul3A_1602 : i32 to vector<16xi32>
          %add3A_1608 = arith.addi %add3A_1607, %iota3A : vector<16xi32>
          %ge3A_1609 = vector.broadcast %squeeze3A_1555 : i32 to vector<16xi32>
          %ge3A_1610 = arith.cmpi sge, %add3A_1608, %ge3A_1609 : vector<16xi32>
          %le3A_1611 = vector.broadcast %squeeze3A_1557 : i32 to vector<16xi32>
          %le3A_1612 = arith.cmpi sle, %add3A_1608, %le3A_1611 : vector<16xi32>
          %and3A_1613 = arith.andi %ge3A_1610, %le3A_1612 : vector<16xi1>
          %convert_element_type3A_1614 = arith.sitofp %add3A_1608 : vector<16xi32> to vector<16xf32>
          %mul3A_1615 = vector.broadcast %squeeze3A_1553 : f32 to vector<16xf32>
          %mul3A_1616 = arith.mulf %mul3A_1615, %convert_element_type3A_1614 : vector<16xf32>
          %sub3A_1617 = vector.broadcast %squeeze3A_1551 : f32 to vector<16xf32>
          %sub3A_1618 = arith.subf %sub3A_1617, %mul3A_1616 : vector<16xf32>
          %sub3A_1619 = arith.subf %get3A_1606, %sub3A_1618 : vector<16xf32>
          %abs3A_1620 = math.absf %sub3A_1619 : vector<16xf32>
          %get3A_1621 = arith.constant 0 : index
          %get3A_1622 = tpu.vector_load %arg9[%get3A_1621] {strides = array<i32>} : memref<16xf32, #tpu.memory_space<vmem>>, vector<16xf32>,
          %get3A_1623 = vector.shape_cast %get3A_1622 : vector<16xf32> to vector<16xf32>
          %jit3A_1624 = arith.constant 0.000000e+00 : f32
          %broadcast_in_dim3A_1625 = vector.broadcast %jit3A_1624 : f32 to vector<16xf32>
          %select_n3A_1626 = arith.select %and3A_1613, %abs3A_1620, %broadcast_in_dim3A_1625 : vector<16xi1>, vector<16xf32>
          %add3A_1627 = arith.addf %get3A_1623, %select_n3A_1626 : vector<16xf32>
          %swap3A_1628 = arith.constant 0 : index
          %swap3A_1629 = tpu.vector_load %arg9[%swap3A_1628] {strides = array<i32>} : memref<16xf32, #tpu.memory_space<vmem>>, vector<16xf32>,
          %swap3A_1630 = vector.shape_cast %swap3A_1629 : vector<16xf32> to vector<16xf32>
          %swap3A_1631 = vector.shape_cast %add3A_1627 : vector<16xf32> to vector<16xf32>
          tpu.vector_store %arg9[%swap3A_1628], %swap3A_1631 {strides = array<i32>} : memref<16xf32, #tpu.memory_space<vmem>>, vector<16xf32>,
          %add3A_1632 = arith.constant 2 : i32
          %add3A_1633 = arith.addi %min3A_1565, %add3A_1632 : i32
          %mul3A_1634 = arith.constant 16 : i32
          %mul3A_1635 = arith.muli %add3A_1633, %mul3A_1634 : i32
          %get3A_1636 = arith.index_cast %add3A_1561 : i32 to index
          %get3A_1637 = arith.index_cast %mul3A_1635 : i32 to index
          %get3A_1638 = tpu.vector_load %arg8[%get3A_1636, %get3A_1637] {strides = array<i32>} : memref<128x384xf32, #tpu.memory_space<vmem>>, vector<1x16xf32>,
          %get3A_1639 = vector.shape_cast %get3A_1638 : vector<1x16xf32> to vector<16xf32>
          %add3A_1640 = vector.broadcast %mul3A_1635 : i32 to vector<16xi32>
          %add3A_1641 = arith.addi %add3A_1640, %iota3A : vector<16xi32>
          %ge3A_1642 = vector.broadcast %squeeze3A_1555 : i32 to vector<16xi32>
          %ge3A_1643 = arith.cmpi sge, %add3A_1641, %ge3A_1642 : vector<16xi32>
          %le3A_1644 = vector.broadcast %squeeze3A_1557 : i32 to vector<16xi32>
          %le3A_1645 = arith.cmpi sle, %add3A_1641, %le3A_1644 : vector<16xi32>
          %and3A_1646 = arith.andi %ge3A_1643, %le3A_1645 : vector<16xi1>
          %convert_element_type3A_1647 = arith.sitofp %add3A_1641 : vector<16xi32> to vector<16xf32>
          %mul3A_1648 = vector.broadcast %squeeze3A_1553 : f32 to vector<16xf32>
          %mul3A_1649 = arith.mulf %mul3A_1648, %convert_element_type3A_1647 : vector<16xf32>
          %sub3A_1650 = vector.broadcast %squeeze3A_1551 : f32 to vector<16xf32>
          %sub3A_1651 = arith.subf %sub3A_1650, %mul3A_1649 : vector<16xf32>
          %sub3A_1652 = arith.subf %get3A_1639, %sub3A_1651 : vector<16xf32>
          %abs3A_1653 = math.absf %sub3A_1652 : vector<16xf32>
          %get3A_1654 = arith.constant 0 : index
          %get3A_1655 = tpu.vector_load %arg9[%get3A_1654] {strides = array<i32>} : memref<16xf32, #tpu.memory_space<vmem>>, vector<16xf32>,
          %get3A_1656 = vector.shape_cast %get3A_1655 : vector<16xf32> to vector<16xf32>
          %jit3A_1657 = arith.constant 0.000000e+00 : f32
          %broadcast_in_dim3A_1658 = vector.broadcast %jit3A_1657 : f32 to vector<16xf32>
          %select_n3A_1659 = arith.select %and3A_1646, %abs3A_1653, %broadcast_in_dim3A_1658 : vector<16xi1>, vector<16xf32>
          %add3A_1660 = arith.addf %get3A_1656, %select_n3A_1659 : vector<16xf32>
          %swap3A_1661 = arith.constant 0 : index
          %swap3A_1662 = tpu.vector_load %arg9[%swap3A_1661] {strides = array<i32>} : memref<16xf32, #tpu.memory_space<vmem>>, vector<16xf32>,
          %swap3A_1663 = vector.shape_cast %swap3A_1662 : vector<16xf32> to vector<16xf32>
          %swap3A_1664 = vector.shape_cast %add3A_1660 : vector<16xf32> to vector<16xf32>
          tpu.vector_store %arg9[%swap3A_1661], %swap3A_1664 {strides = array<i32>} : memref<16xf32, #tpu.memory_space<vmem>>, vector<16xf32>,
          %add3A_1665 = arith.constant 3 : i32
          %add3A_1666 = arith.addi %min3A_1565, %add3A_1665 : i32
          %mul3A_1667 = arith.constant 16 : i32
          %mul3A_1668 = arith.muli %add3A_1666, %mul3A_1667 : i32
          %get3A_1669 = arith.index_cast %add3A_1561 : i32 to index
          %get3A_1670 = arith.index_cast %mul3A_1668 : i32 to index
          %get3A_1671 = tpu.vector_load %arg8[%get3A_1669, %get3A_1670] {strides = array<i32>} : memref<128x384xf32, #tpu.memory_space<vmem>>, vector<1x16xf32>,
          %get3A_1672 = vector.shape_cast %get3A_1671 : vector<1x16xf32> to vector<16xf32>
          %add3A_1673 = vector.broadcast %mul3A_1668 : i32 to vector<16xi32>
          %add3A_1674 = arith.addi %add3A_1673, %iota3A : vector<16xi32>
          %ge3A_1675 = vector.broadcast %squeeze3A_1555 : i32 to vector<16xi32>
          %ge3A_1676 = arith.cmpi sge, %add3A_1674, %ge3A_1675 : vector<16xi32>
          %le3A_1677 = vector.broadcast %squeeze3A_1557 : i32 to vector<16xi32>
          %le3A_1678 = arith.cmpi sle, %add3A_1674, %le3A_1677 : vector<16xi32>
          %and3A_1679 = arith.andi %ge3A_1676, %le3A_1678 : vector<16xi1>
          %convert_element_type3A_1680 = arith.sitofp %add3A_1674 : vector<16xi32> to vector<16xf32>
          %mul3A_1681 = vector.broadcast %squeeze3A_1553 : f32 to vector<16xf32>
          %mul3A_1682 = arith.mulf %mul3A_1681, %convert_element_type3A_1680 : vector<16xf32>
          %sub3A_1683 = vector.broadcast %squeeze3A_1551 : f32 to vector<16xf32>
          %sub3A_1684 = arith.subf %sub3A_1683, %mul3A_1682 : vector<16xf32>
          %sub3A_1685 = arith.subf %get3A_1672, %sub3A_1684 : vector<16xf32>
          %abs3A_1686 = math.absf %sub3A_1685 : vector<16xf32>
          %get3A_1687 = arith.constant 0 : index
          %get3A_1688 = tpu.vector_load %arg9[%get3A_1687] {strides = array<i32>} : memref<16xf32, #tpu.memory_space<vmem>>, vector<16xf32>,
          %get3A_1689 = vector.shape_cast %get3A_1688 : vector<16xf32> to vector<16xf32>
          %jit3A_1690 = arith.constant 0.000000e+00 : f32
          %broadcast_in_dim3A_1691 = vector.broadcast %jit3A_1690 : f32 to vector<16xf32>
          %select_n3A_1692 = arith.select %and3A_1679, %abs3A_1686, %broadcast_in_dim3A_1691 : vector<16xi1>, vector<16xf32>
          %add3A_1693 = arith.addf %get3A_1689, %select_n3A_1692 : vector<16xf32>
          %swap3A_1694 = arith.constant 0 : index
          %swap3A_1695 = tpu.vector_load %arg9[%swap3A_1694] {strides = array<i32>} : memref<16xf32, #tpu.memory_space<vmem>>, vector<16xf32>,
          %swap3A_1696 = vector.shape_cast %swap3A_1695 : vector<16xf32> to vector<16xf32>
          %swap3A_1697 = vector.shape_cast %add3A_1693 : vector<16xf32> to vector<16xf32>
          tpu.vector_store %arg9[%swap3A_1694], %swap3A_1697 {strides = array<i32>} : memref<16xf32, #tpu.memory_space<vmem>>, vector<16xf32>,
          %add3A_1698 = arith.constant 4 : i32
          %add3A_1699 = arith.addi %min3A_1565, %add3A_1698 : i32
          %mul3A_1700 = arith.constant 16 : i32
          %mul3A_1701 = arith.muli %add3A_1699, %mul3A_1700 : i32
          %get3A_1702 = arith.index_cast %add3A_1561 : i32 to index
          %get3A_1703 = arith.index_cast %mul3A_1701 : i32 to index
          %get3A_1704 = tpu.vector_load %arg8[%get3A_1702, %get3A_1703] {strides = array<i32>} : memref<128x384xf32, #tpu.memory_space<vmem>>, vector<1x16xf32>,
          %get3A_1705 = vector.shape_cast %get3A_1704 : vector<1x16xf32> to vector<16xf32>
          %add3A_1706 = vector.broadcast %mul3A_1701 : i32 to vector<16xi32>
          %add3A_1707 = arith.addi %add3A_1706, %iota3A : vector<16xi32>
          %ge3A_1708 = vector.broadcast %squeeze3A_1555 : i32 to vector<16xi32>
          %ge3A_1709 = arith.cmpi sge, %add3A_1707, %ge3A_1708 : vector<16xi32>
          %le3A_1710 = vector.broadcast %squeeze3A_1557 : i32 to vector<16xi32>
          %le3A_1711 = arith.cmpi sle, %add3A_1707, %le3A_1710 : vector<16xi32>
          %and3A_1712 = arith.andi %ge3A_1709, %le3A_1711 : vector<16xi1>
          %convert_element_type3A_1713 = arith.sitofp %add3A_1707 : vector<16xi32> to vector<16xf32>
          %mul3A_1714 = vector.broadcast %squeeze3A_1553 : f32 to vector<16xf32>
          %mul3A_1715 = arith.mulf %mul3A_1714, %convert_element_type3A_1713 : vector<16xf32>
          %sub3A_1716 = vector.broadcast %squeeze3A_1551 : f32 to vector<16xf32>
          %sub3A_1717 = arith.subf %sub3A_1716, %mul3A_1715 : vector<16xf32>
          %sub3A_1718 = arith.subf %get3A_1705, %sub3A_1717 : vector<16xf32>
          %abs3A_1719 = math.absf %sub3A_1718 : vector<16xf32>
          %get3A_1720 = arith.constant 0 : index
          %get3A_1721 = tpu.vector_load %arg9[%get3A_1720] {strides = array<i32>} : memref<16xf32, #tpu.memory_space<vmem>>, vector<16xf32>,
          %get3A_1722 = vector.shape_cast %get3A_1721 : vector<16xf32> to vector<16xf32>
          %jit3A_1723 = arith.constant 0.000000e+00 : f32
          %broadcast_in_dim3A_1724 = vector.broadcast %jit3A_1723 : f32 to vector<16xf32>
          %select_n3A_1725 = arith.select %and3A_1712, %abs3A_1719, %broadcast_in_dim3A_1724 : vector<16xi1>, vector<16xf32>
          %add3A_1726 = arith.addf %get3A_1722, %select_n3A_1725 : vector<16xf32>
          %swap3A_1727 = arith.constant 0 : index
          %swap3A_1728 = tpu.vector_load %arg9[%swap3A_1727] {strides = array<i32>} : memref<16xf32, #tpu.memory_space<vmem>>, vector<16xf32>,
          %swap3A_1729 = vector.shape_cast %swap3A_1728 : vector<16xf32> to vector<16xf32>
          %swap3A_1730 = vector.shape_cast %add3A_1726 : vector<16xf32> to vector<16xf32>
          tpu.vector_store %arg9[%swap3A_1727], %swap3A_1730 {strides = array<i32>} : memref<16xf32, #tpu.memory_space<vmem>>, vector<16xf32>,
          %add3A_1731 = arith.constant 5 : i32
          %add3A_1732 = arith.addi %min3A_1565, %add3A_1731 : i32
          %mul3A_1733 = arith.constant 16 : i32
          %mul3A_1734 = arith.muli %add3A_1732, %mul3A_1733 : i32
          %get3A_1735 = arith.index_cast %add3A_1561 : i32 to index
          %get3A_1736 = arith.index_cast %mul3A_1734 : i32 to index
          %get3A_1737 = tpu.vector_load %arg8[%get3A_1735, %get3A_1736] {strides = array<i32>} : memref<128x384xf32, #tpu.memory_space<vmem>>, vector<1x16xf32>,
          %get3A_1738 = vector.shape_cast %get3A_1737 : vector<1x16xf32> to vector<16xf32>
          %add3A_1739 = vector.broadcast %mul3A_1734 : i32 to vector<16xi32>
          %add3A_1740 = arith.addi %add3A_1739, %iota3A : vector<16xi32>
          %ge3A_1741 = vector.broadcast %squeeze3A_1555 : i32 to vector<16xi32>
          %ge3A_1742 = arith.cmpi sge, %add3A_1740, %ge3A_1741 : vector<16xi32>
          %le3A_1743 = vector.broadcast %squeeze3A_1557 : i32 to vector<16xi32>
          %le3A_1744 = arith.cmpi sle, %add3A_1740, %le3A_1743 : vector<16xi32>
          %and3A_1745 = arith.andi %ge3A_1742, %le3A_1744 : vector<16xi1>
          %convert_element_type3A_1746 = arith.sitofp %add3A_1740 : vector<16xi32> to vector<16xf32>
          %mul3A_1747 = vector.broadcast %squeeze3A_1553 : f32 to vector<16xf32>
          %mul3A_1748 = arith.mulf %mul3A_1747, %convert_element_type3A_1746 : vector<16xf32>
          %sub3A_1749 = vector.broadcast %squeeze3A_1551 : f32 to vector<16xf32>
          %sub3A_1750 = arith.subf %sub3A_1749, %mul3A_1748 : vector<16xf32>
          %sub3A_1751 = arith.subf %get3A_1738, %sub3A_1750 : vector<16xf32>
          %abs3A_1752 = math.absf %sub3A_1751 : vector<16xf32>
          %get3A_1753 = arith.constant 0 : index
          %get3A_1754 = tpu.vector_load %arg9[%get3A_1753] {strides = array<i32>} : memref<16xf32, #tpu.memory_space<vmem>>, vector<16xf32>,
          %get3A_1755 = vector.shape_cast %get3A_1754 : vector<16xf32> to vector<16xf32>
          %jit3A_1756 = arith.constant 0.000000e+00 : f32
          %broadcast_in_dim3A_1757 = vector.broadcast %jit3A_1756 : f32 to vector<16xf32>
          %select_n3A_1758 = arith.select %and3A_1745, %abs3A_1752, %broadcast_in_dim3A_1757 : vector<16xi1>, vector<16xf32>
          %add3A_1759 = arith.addf %get3A_1755, %select_n3A_1758 : vector<16xf32>
          %swap3A_1760 = arith.constant 0 : index
          %swap3A_1761 = tpu.vector_load %arg9[%swap3A_1760] {strides = array<i32>} : memref<16xf32, #tpu.memory_space<vmem>>, vector<16xf32>,
          %swap3A_1762 = vector.shape_cast %swap3A_1761 : vector<16xf32> to vector<16xf32>
          %swap3A_1763 = vector.shape_cast %add3A_1759 : vector<16xf32> to vector<16xf32>
          tpu.vector_store %arg9[%swap3A_1760], %swap3A_1763 {strides = array<i32>} : memref<16xf32, #tpu.memory_space<vmem>>, vector<16xf32>,
          %slice3A_1764 = vector.extract_strided_slice %get3A_39 {offsets = [8], sizes = [1], strides = [1]} : vector<16xf32> to vector<1xf32>
          %squeeze3A_1765 = vector.extract %slice3A_1764[0] : f32 from vector<1xf32>
          %slice3A_1766 = vector.extract_strided_slice %get3A_46 {offsets = [8], sizes = [1], strides = [1]} : vector<16xf32> to vector<1xf32>
          %squeeze3A_1767 = vector.extract %slice3A_1766[0] : f32 from vector<1xf32>
          %slice3A_1768 = vector.extract_strided_slice %convert_element_type3A_54 {offsets = [8], sizes = [1], strides = [1]} : vector<16xi32> to vector<1xi32>
          %squeeze3A_1769 = vector.extract %slice3A_1768[0] : i32 from vector<1xi32>
          %slice3A_1770 = vector.extract_strided_slice %convert_element_type3A_62 {offsets = [8], sizes = [1], strides = [1]} : vector<16xi32> to vector<1xi32>
          %squeeze3A_1771 = vector.extract %slice3A_1770[0] : i32 from vector<1xi32>
          %mul3A_1772 = arith.constant 16 : i32
          %mul3A_1773 = arith.muli %add3A_33, %mul3A_1772 : i32
          %add3A_1774 = arith.constant 8 : i32
          %add3A_1775 = arith.addi %mul3A_1773, %add3A_1774 : i32
          %shift_right_arithmetic3A_1776 = arith.constant 4 : i32
          %shift_right_arithmetic3A_1777 = arith.shrsi %squeeze3A_1769, %shift_right_arithmetic3A_1776 : i32
          %min3A_1778 = arith.constant 18 : i32
          %min3A_1779 = arith.minsi %shift_right_arithmetic3A_1777, %min3A_1778 : i32
          %add3A_1780 = arith.constant 0 : i32
          %add3A_1781 = arith.addi %min3A_1779, %add3A_1780 : i32
          %mul3A_1782 = arith.constant 16 : i32
          %mul3A_1783 = arith.muli %add3A_1781, %mul3A_1782 : i32
          %get3A_1784 = arith.index_cast %add3A_1775 : i32 to index
          %get3A_1785 = arith.index_cast %mul3A_1783 : i32 to index
          %get3A_1786 = tpu.vector_load %arg8[%get3A_1784, %get3A_1785] {strides = array<i32>} : memref<128x384xf32, #tpu.memory_space<vmem>>, vector<1x16xf32>,
          %get3A_1787 = vector.shape_cast %get3A_1786 : vector<1x16xf32> to vector<16xf32>
          %add3A_1788 = vector.broadcast %mul3A_1783 : i32 to vector<16xi32>
          %add3A_1789 = arith.addi %add3A_1788, %iota3A : vector<16xi32>
          %ge3A_1790 = vector.broadcast %squeeze3A_1769 : i32 to vector<16xi32>
          %ge3A_1791 = arith.cmpi sge, %add3A_1789, %ge3A_1790 : vector<16xi32>
          %le3A_1792 = vector.broadcast %squeeze3A_1771 : i32 to vector<16xi32>
          %le3A_1793 = arith.cmpi sle, %add3A_1789, %le3A_1792 : vector<16xi32>
          %and3A_1794 = arith.andi %ge3A_1791, %le3A_1793 : vector<16xi1>
          %convert_element_type3A_1795 = arith.sitofp %add3A_1789 : vector<16xi32> to vector<16xf32>
          %mul3A_1796 = vector.broadcast %squeeze3A_1767 : f32 to vector<16xf32>
          %mul3A_1797 = arith.mulf %mul3A_1796, %convert_element_type3A_1795 : vector<16xf32>
          %sub3A_1798 = vector.broadcast %squeeze3A_1765 : f32 to vector<16xf32>
          %sub3A_1799 = arith.subf %sub3A_1798, %mul3A_1797 : vector<16xf32>
          %sub3A_1800 = arith.subf %get3A_1787, %sub3A_1799 : vector<16xf32>
          %abs3A_1801 = math.absf %sub3A_1800 : vector<16xf32>
          %get3A_1802 = arith.constant 0 : index
          %get3A_1803 = tpu.vector_load %arg9[%get3A_1802] {strides = array<i32>} : memref<16xf32, #tpu.memory_space<vmem>>, vector<16xf32>,
          %get3A_1804 = vector.shape_cast %get3A_1803 : vector<16xf32> to vector<16xf32>
          %jit3A_1805 = arith.constant 0.000000e+00 : f32
          %broadcast_in_dim3A_1806 = vector.broadcast %jit3A_1805 : f32 to vector<16xf32>
          %select_n3A_1807 = arith.select %and3A_1794, %abs3A_1801, %broadcast_in_dim3A_1806 : vector<16xi1>, vector<16xf32>
          %add3A_1808 = arith.addf %get3A_1804, %select_n3A_1807 : vector<16xf32>
          %swap3A_1809 = arith.constant 0 : index
          %swap3A_1810 = tpu.vector_load %arg9[%swap3A_1809] {strides = array<i32>} : memref<16xf32, #tpu.memory_space<vmem>>, vector<16xf32>,
          %swap3A_1811 = vector.shape_cast %swap3A_1810 : vector<16xf32> to vector<16xf32>
          %swap3A_1812 = vector.shape_cast %add3A_1808 : vector<16xf32> to vector<16xf32>
          tpu.vector_store %arg9[%swap3A_1809], %swap3A_1812 {strides = array<i32>} : memref<16xf32, #tpu.memory_space<vmem>>, vector<16xf32>,
          %add3A_1813 = arith.constant 1 : i32
          %add3A_1814 = arith.addi %min3A_1779, %add3A_1813 : i32
          %mul3A_1815 = arith.constant 16 : i32
          %mul3A_1816 = arith.muli %add3A_1814, %mul3A_1815 : i32
          %get3A_1817 = arith.index_cast %add3A_1775 : i32 to index
          %get3A_1818 = arith.index_cast %mul3A_1816 : i32 to index
          %get3A_1819 = tpu.vector_load %arg8[%get3A_1817, %get3A_1818] {strides = array<i32>} : memref<128x384xf32, #tpu.memory_space<vmem>>, vector<1x16xf32>,
          %get3A_1820 = vector.shape_cast %get3A_1819 : vector<1x16xf32> to vector<16xf32>
          %add3A_1821 = vector.broadcast %mul3A_1816 : i32 to vector<16xi32>
          %add3A_1822 = arith.addi %add3A_1821, %iota3A : vector<16xi32>
          %ge3A_1823 = vector.broadcast %squeeze3A_1769 : i32 to vector<16xi32>
          %ge3A_1824 = arith.cmpi sge, %add3A_1822, %ge3A_1823 : vector<16xi32>
          %le3A_1825 = vector.broadcast %squeeze3A_1771 : i32 to vector<16xi32>
          %le3A_1826 = arith.cmpi sle, %add3A_1822, %le3A_1825 : vector<16xi32>
          %and3A_1827 = arith.andi %ge3A_1824, %le3A_1826 : vector<16xi1>
          %convert_element_type3A_1828 = arith.sitofp %add3A_1822 : vector<16xi32> to vector<16xf32>
          %mul3A_1829 = vector.broadcast %squeeze3A_1767 : f32 to vector<16xf32>
          %mul3A_1830 = arith.mulf %mul3A_1829, %convert_element_type3A_1828 : vector<16xf32>
          %sub3A_1831 = vector.broadcast %squeeze3A_1765 : f32 to vector<16xf32>
          %sub3A_1832 = arith.subf %sub3A_1831, %mul3A_1830 : vector<16xf32>
          %sub3A_1833 = arith.subf %get3A_1820, %sub3A_1832 : vector<16xf32>
          %abs3A_1834 = math.absf %sub3A_1833 : vector<16xf32>
          %get3A_1835 = arith.constant 0 : index
          %get3A_1836 = tpu.vector_load %arg9[%get3A_1835] {strides = array<i32>} : memref<16xf32, #tpu.memory_space<vmem>>, vector<16xf32>,
          %get3A_1837 = vector.shape_cast %get3A_1836 : vector<16xf32> to vector<16xf32>
          %jit3A_1838 = arith.constant 0.000000e+00 : f32
          %broadcast_in_dim3A_1839 = vector.broadcast %jit3A_1838 : f32 to vector<16xf32>
          %select_n3A_1840 = arith.select %and3A_1827, %abs3A_1834, %broadcast_in_dim3A_1839 : vector<16xi1>, vector<16xf32>
          %add3A_1841 = arith.addf %get3A_1837, %select_n3A_1840 : vector<16xf32>
          %swap3A_1842 = arith.constant 0 : index
          %swap3A_1843 = tpu.vector_load %arg9[%swap3A_1842] {strides = array<i32>} : memref<16xf32, #tpu.memory_space<vmem>>, vector<16xf32>,
          %swap3A_1844 = vector.shape_cast %swap3A_1843 : vector<16xf32> to vector<16xf32>
          %swap3A_1845 = vector.shape_cast %add3A_1841 : vector<16xf32> to vector<16xf32>
          tpu.vector_store %arg9[%swap3A_1842], %swap3A_1845 {strides = array<i32>} : memref<16xf32, #tpu.memory_space<vmem>>, vector<16xf32>,
          %add3A_1846 = arith.constant 2 : i32
          %add3A_1847 = arith.addi %min3A_1779, %add3A_1846 : i32
          %mul3A_1848 = arith.constant 16 : i32
          %mul3A_1849 = arith.muli %add3A_1847, %mul3A_1848 : i32
          %get3A_1850 = arith.index_cast %add3A_1775 : i32 to index
          %get3A_1851 = arith.index_cast %mul3A_1849 : i32 to index
          %get3A_1852 = tpu.vector_load %arg8[%get3A_1850, %get3A_1851] {strides = array<i32>} : memref<128x384xf32, #tpu.memory_space<vmem>>, vector<1x16xf32>,
          %get3A_1853 = vector.shape_cast %get3A_1852 : vector<1x16xf32> to vector<16xf32>
          %add3A_1854 = vector.broadcast %mul3A_1849 : i32 to vector<16xi32>
          %add3A_1855 = arith.addi %add3A_1854, %iota3A : vector<16xi32>
          %ge3A_1856 = vector.broadcast %squeeze3A_1769 : i32 to vector<16xi32>
          %ge3A_1857 = arith.cmpi sge, %add3A_1855, %ge3A_1856 : vector<16xi32>
          %le3A_1858 = vector.broadcast %squeeze3A_1771 : i32 to vector<16xi32>
          %le3A_1859 = arith.cmpi sle, %add3A_1855, %le3A_1858 : vector<16xi32>
          %and3A_1860 = arith.andi %ge3A_1857, %le3A_1859 : vector<16xi1>
          %convert_element_type3A_1861 = arith.sitofp %add3A_1855 : vector<16xi32> to vector<16xf32>
          %mul3A_1862 = vector.broadcast %squeeze3A_1767 : f32 to vector<16xf32>
          %mul3A_1863 = arith.mulf %mul3A_1862, %convert_element_type3A_1861 : vector<16xf32>
          %sub3A_1864 = vector.broadcast %squeeze3A_1765 : f32 to vector<16xf32>
          %sub3A_1865 = arith.subf %sub3A_1864, %mul3A_1863 : vector<16xf32>
          %sub3A_1866 = arith.subf %get3A_1853, %sub3A_1865 : vector<16xf32>
          %abs3A_1867 = math.absf %sub3A_1866 : vector<16xf32>
          %get3A_1868 = arith.constant 0 : index
          %get3A_1869 = tpu.vector_load %arg9[%get3A_1868] {strides = array<i32>} : memref<16xf32, #tpu.memory_space<vmem>>, vector<16xf32>,
          %get3A_1870 = vector.shape_cast %get3A_1869 : vector<16xf32> to vector<16xf32>
          %jit3A_1871 = arith.constant 0.000000e+00 : f32
          %broadcast_in_dim3A_1872 = vector.broadcast %jit3A_1871 : f32 to vector<16xf32>
          %select_n3A_1873 = arith.select %and3A_1860, %abs3A_1867, %broadcast_in_dim3A_1872 : vector<16xi1>, vector<16xf32>
          %add3A_1874 = arith.addf %get3A_1870, %select_n3A_1873 : vector<16xf32>
          %swap3A_1875 = arith.constant 0 : index
          %swap3A_1876 = tpu.vector_load %arg9[%swap3A_1875] {strides = array<i32>} : memref<16xf32, #tpu.memory_space<vmem>>, vector<16xf32>,
          %swap3A_1877 = vector.shape_cast %swap3A_1876 : vector<16xf32> to vector<16xf32>
          %swap3A_1878 = vector.shape_cast %add3A_1874 : vector<16xf32> to vector<16xf32>
          tpu.vector_store %arg9[%swap3A_1875], %swap3A_1878 {strides = array<i32>} : memref<16xf32, #tpu.memory_space<vmem>>, vector<16xf32>,
          %add3A_1879 = arith.constant 3 : i32
          %add3A_1880 = arith.addi %min3A_1779, %add3A_1879 : i32
          %mul3A_1881 = arith.constant 16 : i32
          %mul3A_1882 = arith.muli %add3A_1880, %mul3A_1881 : i32
          %get3A_1883 = arith.index_cast %add3A_1775 : i32 to index
          %get3A_1884 = arith.index_cast %mul3A_1882 : i32 to index
          %get3A_1885 = tpu.vector_load %arg8[%get3A_1883, %get3A_1884] {strides = array<i32>} : memref<128x384xf32, #tpu.memory_space<vmem>>, vector<1x16xf32>,
          %get3A_1886 = vector.shape_cast %get3A_1885 : vector<1x16xf32> to vector<16xf32>
          %add3A_1887 = vector.broadcast %mul3A_1882 : i32 to vector<16xi32>
          %add3A_1888 = arith.addi %add3A_1887, %iota3A : vector<16xi32>
          %ge3A_1889 = vector.broadcast %squeeze3A_1769 : i32 to vector<16xi32>
          %ge3A_1890 = arith.cmpi sge, %add3A_1888, %ge3A_1889 : vector<16xi32>
          %le3A_1891 = vector.broadcast %squeeze3A_1771 : i32 to vector<16xi32>
          %le3A_1892 = arith.cmpi sle, %add3A_1888, %le3A_1891 : vector<16xi32>
          %and3A_1893 = arith.andi %ge3A_1890, %le3A_1892 : vector<16xi1>
          %convert_element_type3A_1894 = arith.sitofp %add3A_1888 : vector<16xi32> to vector<16xf32>
          %mul3A_1895 = vector.broadcast %squeeze3A_1767 : f32 to vector<16xf32>
          %mul3A_1896 = arith.mulf %mul3A_1895, %convert_element_type3A_1894 : vector<16xf32>
          %sub3A_1897 = vector.broadcast %squeeze3A_1765 : f32 to vector<16xf32>
          %sub3A_1898 = arith.subf %sub3A_1897, %mul3A_1896 : vector<16xf32>
          %sub3A_1899 = arith.subf %get3A_1886, %sub3A_1898 : vector<16xf32>
          %abs3A_1900 = math.absf %sub3A_1899 : vector<16xf32>
          %get3A_1901 = arith.constant 0 : index
          %get3A_1902 = tpu.vector_load %arg9[%get3A_1901] {strides = array<i32>} : memref<16xf32, #tpu.memory_space<vmem>>, vector<16xf32>,
          %get3A_1903 = vector.shape_cast %get3A_1902 : vector<16xf32> to vector<16xf32>
          %jit3A_1904 = arith.constant 0.000000e+00 : f32
          %broadcast_in_dim3A_1905 = vector.broadcast %jit3A_1904 : f32 to vector<16xf32>
          %select_n3A_1906 = arith.select %and3A_1893, %abs3A_1900, %broadcast_in_dim3A_1905 : vector<16xi1>, vector<16xf32>
          %add3A_1907 = arith.addf %get3A_1903, %select_n3A_1906 : vector<16xf32>
          %swap3A_1908 = arith.constant 0 : index
          %swap3A_1909 = tpu.vector_load %arg9[%swap3A_1908] {strides = array<i32>} : memref<16xf32, #tpu.memory_space<vmem>>, vector<16xf32>,
          %swap3A_1910 = vector.shape_cast %swap3A_1909 : vector<16xf32> to vector<16xf32>
          %swap3A_1911 = vector.shape_cast %add3A_1907 : vector<16xf32> to vector<16xf32>
          tpu.vector_store %arg9[%swap3A_1908], %swap3A_1911 {strides = array<i32>} : memref<16xf32, #tpu.memory_space<vmem>>, vector<16xf32>,
          %add3A_1912 = arith.constant 4 : i32
          %add3A_1913 = arith.addi %min3A_1779, %add3A_1912 : i32
          %mul3A_1914 = arith.constant 16 : i32
          %mul3A_1915 = arith.muli %add3A_1913, %mul3A_1914 : i32
          %get3A_1916 = arith.index_cast %add3A_1775 : i32 to index
          %get3A_1917 = arith.index_cast %mul3A_1915 : i32 to index
          %get3A_1918 = tpu.vector_load %arg8[%get3A_1916, %get3A_1917] {strides = array<i32>} : memref<128x384xf32, #tpu.memory_space<vmem>>, vector<1x16xf32>,
          %get3A_1919 = vector.shape_cast %get3A_1918 : vector<1x16xf32> to vector<16xf32>
          %add3A_1920 = vector.broadcast %mul3A_1915 : i32 to vector<16xi32>
          %add3A_1921 = arith.addi %add3A_1920, %iota3A : vector<16xi32>
          %ge3A_1922 = vector.broadcast %squeeze3A_1769 : i32 to vector<16xi32>
          %ge3A_1923 = arith.cmpi sge, %add3A_1921, %ge3A_1922 : vector<16xi32>
          %le3A_1924 = vector.broadcast %squeeze3A_1771 : i32 to vector<16xi32>
          %le3A_1925 = arith.cmpi sle, %add3A_1921, %le3A_1924 : vector<16xi32>
          %and3A_1926 = arith.andi %ge3A_1923, %le3A_1925 : vector<16xi1>
          %convert_element_type3A_1927 = arith.sitofp %add3A_1921 : vector<16xi32> to vector<16xf32>
          %mul3A_1928 = vector.broadcast %squeeze3A_1767 : f32 to vector<16xf32>
          %mul3A_1929 = arith.mulf %mul3A_1928, %convert_element_type3A_1927 : vector<16xf32>
          %sub3A_1930 = vector.broadcast %squeeze3A_1765 : f32 to vector<16xf32>
          %sub3A_1931 = arith.subf %sub3A_1930, %mul3A_1929 : vector<16xf32>
          %sub3A_1932 = arith.subf %get3A_1919, %sub3A_1931 : vector<16xf32>
          %abs3A_1933 = math.absf %sub3A_1932 : vector<16xf32>
          %get3A_1934 = arith.constant 0 : index
          %get3A_1935 = tpu.vector_load %arg9[%get3A_1934] {strides = array<i32>} : memref<16xf32, #tpu.memory_space<vmem>>, vector<16xf32>,
          %get3A_1936 = vector.shape_cast %get3A_1935 : vector<16xf32> to vector<16xf32>
          %jit3A_1937 = arith.constant 0.000000e+00 : f32
          %broadcast_in_dim3A_1938 = vector.broadcast %jit3A_1937 : f32 to vector<16xf32>
          %select_n3A_1939 = arith.select %and3A_1926, %abs3A_1933, %broadcast_in_dim3A_1938 : vector<16xi1>, vector<16xf32>
          %add3A_1940 = arith.addf %get3A_1936, %select_n3A_1939 : vector<16xf32>
          %swap3A_1941 = arith.constant 0 : index
          %swap3A_1942 = tpu.vector_load %arg9[%swap3A_1941] {strides = array<i32>} : memref<16xf32, #tpu.memory_space<vmem>>, vector<16xf32>,
          %swap3A_1943 = vector.shape_cast %swap3A_1942 : vector<16xf32> to vector<16xf32>
          %swap3A_1944 = vector.shape_cast %add3A_1940 : vector<16xf32> to vector<16xf32>
          tpu.vector_store %arg9[%swap3A_1941], %swap3A_1944 {strides = array<i32>} : memref<16xf32, #tpu.memory_space<vmem>>, vector<16xf32>,
          %add3A_1945 = arith.constant 5 : i32
          %add3A_1946 = arith.addi %min3A_1779, %add3A_1945 : i32
          %mul3A_1947 = arith.constant 16 : i32
          %mul3A_1948 = arith.muli %add3A_1946, %mul3A_1947 : i32
          %get3A_1949 = arith.index_cast %add3A_1775 : i32 to index
          %get3A_1950 = arith.index_cast %mul3A_1948 : i32 to index
          %get3A_1951 = tpu.vector_load %arg8[%get3A_1949, %get3A_1950] {strides = array<i32>} : memref<128x384xf32, #tpu.memory_space<vmem>>, vector<1x16xf32>,
          %get3A_1952 = vector.shape_cast %get3A_1951 : vector<1x16xf32> to vector<16xf32>
          %add3A_1953 = vector.broadcast %mul3A_1948 : i32 to vector<16xi32>
          %add3A_1954 = arith.addi %add3A_1953, %iota3A : vector<16xi32>
          %ge3A_1955 = vector.broadcast %squeeze3A_1769 : i32 to vector<16xi32>
          %ge3A_1956 = arith.cmpi sge, %add3A_1954, %ge3A_1955 : vector<16xi32>
          %le3A_1957 = vector.broadcast %squeeze3A_1771 : i32 to vector<16xi32>
          %le3A_1958 = arith.cmpi sle, %add3A_1954, %le3A_1957 : vector<16xi32>
          %and3A_1959 = arith.andi %ge3A_1956, %le3A_1958 : vector<16xi1>
          %convert_element_type3A_1960 = arith.sitofp %add3A_1954 : vector<16xi32> to vector<16xf32>
          %mul3A_1961 = vector.broadcast %squeeze3A_1767 : f32 to vector<16xf32>
          %mul3A_1962 = arith.mulf %mul3A_1961, %convert_element_type3A_1960 : vector<16xf32>
          %sub3A_1963 = vector.broadcast %squeeze3A_1765 : f32 to vector<16xf32>
          %sub3A_1964 = arith.subf %sub3A_1963, %mul3A_1962 : vector<16xf32>
          %sub3A_1965 = arith.subf %get3A_1952, %sub3A_1964 : vector<16xf32>
          %abs3A_1966 = math.absf %sub3A_1965 : vector<16xf32>
          %get3A_1967 = arith.constant 0 : index
          %get3A_1968 = tpu.vector_load %arg9[%get3A_1967] {strides = array<i32>} : memref<16xf32, #tpu.memory_space<vmem>>, vector<16xf32>,
          %get3A_1969 = vector.shape_cast %get3A_1968 : vector<16xf32> to vector<16xf32>
          %jit3A_1970 = arith.constant 0.000000e+00 : f32
          %broadcast_in_dim3A_1971 = vector.broadcast %jit3A_1970 : f32 to vector<16xf32>
          %select_n3A_1972 = arith.select %and3A_1959, %abs3A_1966, %broadcast_in_dim3A_1971 : vector<16xi1>, vector<16xf32>
          %add3A_1973 = arith.addf %get3A_1969, %select_n3A_1972 : vector<16xf32>
          %swap3A_1974 = arith.constant 0 : index
          %swap3A_1975 = tpu.vector_load %arg9[%swap3A_1974] {strides = array<i32>} : memref<16xf32, #tpu.memory_space<vmem>>, vector<16xf32>,
          %swap3A_1976 = vector.shape_cast %swap3A_1975 : vector<16xf32> to vector<16xf32>
          %swap3A_1977 = vector.shape_cast %add3A_1973 : vector<16xf32> to vector<16xf32>
          tpu.vector_store %arg9[%swap3A_1974], %swap3A_1977 {strides = array<i32>} : memref<16xf32, #tpu.memory_space<vmem>>, vector<16xf32>,
          %slice3A_1978 = vector.extract_strided_slice %get3A_39 {offsets = [9], sizes = [1], strides = [1]} : vector<16xf32> to vector<1xf32>
          %squeeze3A_1979 = vector.extract %slice3A_1978[0] : f32 from vector<1xf32>
          %slice3A_1980 = vector.extract_strided_slice %get3A_46 {offsets = [9], sizes = [1], strides = [1]} : vector<16xf32> to vector<1xf32>
          %squeeze3A_1981 = vector.extract %slice3A_1980[0] : f32 from vector<1xf32>
          %slice3A_1982 = vector.extract_strided_slice %convert_element_type3A_54 {offsets = [9], sizes = [1], strides = [1]} : vector<16xi32> to vector<1xi32>
          %squeeze3A_1983 = vector.extract %slice3A_1982[0] : i32 from vector<1xi32>
          %slice3A_1984 = vector.extract_strided_slice %convert_element_type3A_62 {offsets = [9], sizes = [1], strides = [1]} : vector<16xi32> to vector<1xi32>
          %squeeze3A_1985 = vector.extract %slice3A_1984[0] : i32 from vector<1xi32>
          %mul3A_1986 = arith.constant 16 : i32
          %mul3A_1987 = arith.muli %add3A_33, %mul3A_1986 : i32
          %add3A_1988 = arith.constant 9 : i32
          %add3A_1989 = arith.addi %mul3A_1987, %add3A_1988 : i32
          %shift_right_arithmetic3A_1990 = arith.constant 4 : i32
          %shift_right_arithmetic3A_1991 = arith.shrsi %squeeze3A_1983, %shift_right_arithmetic3A_1990 : i32
          %min3A_1992 = arith.constant 18 : i32
          %min3A_1993 = arith.minsi %shift_right_arithmetic3A_1991, %min3A_1992 : i32
          %add3A_1994 = arith.constant 0 : i32
          %add3A_1995 = arith.addi %min3A_1993, %add3A_1994 : i32
          %mul3A_1996 = arith.constant 16 : i32
          %mul3A_1997 = arith.muli %add3A_1995, %mul3A_1996 : i32
          %get3A_1998 = arith.index_cast %add3A_1989 : i32 to index
          %get3A_1999 = arith.index_cast %mul3A_1997 : i32 to index
          %get3A_2000 = tpu.vector_load %arg8[%get3A_1998, %get3A_1999] {strides = array<i32>} : memref<128x384xf32, #tpu.memory_space<vmem>>, vector<1x16xf32>,
          %get3A_2001 = vector.shape_cast %get3A_2000 : vector<1x16xf32> to vector<16xf32>
          %add3A_2002 = vector.broadcast %mul3A_1997 : i32 to vector<16xi32>
          %add3A_2003 = arith.addi %add3A_2002, %iota3A : vector<16xi32>
          %ge3A_2004 = vector.broadcast %squeeze3A_1983 : i32 to vector<16xi32>
          %ge3A_2005 = arith.cmpi sge, %add3A_2003, %ge3A_2004 : vector<16xi32>
          %le3A_2006 = vector.broadcast %squeeze3A_1985 : i32 to vector<16xi32>
          %le3A_2007 = arith.cmpi sle, %add3A_2003, %le3A_2006 : vector<16xi32>
          %and3A_2008 = arith.andi %ge3A_2005, %le3A_2007 : vector<16xi1>
          %convert_element_type3A_2009 = arith.sitofp %add3A_2003 : vector<16xi32> to vector<16xf32>
          %mul3A_2010 = vector.broadcast %squeeze3A_1981 : f32 to vector<16xf32>
          %mul3A_2011 = arith.mulf %mul3A_2010, %convert_element_type3A_2009 : vector<16xf32>
          %sub3A_2012 = vector.broadcast %squeeze3A_1979 : f32 to vector<16xf32>
          %sub3A_2013 = arith.subf %sub3A_2012, %mul3A_2011 : vector<16xf32>
          %sub3A_2014 = arith.subf %get3A_2001, %sub3A_2013 : vector<16xf32>
          %abs3A_2015 = math.absf %sub3A_2014 : vector<16xf32>
          %get3A_2016 = arith.constant 0 : index
          %get3A_2017 = tpu.vector_load %arg9[%get3A_2016] {strides = array<i32>} : memref<16xf32, #tpu.memory_space<vmem>>, vector<16xf32>,
          %get3A_2018 = vector.shape_cast %get3A_2017 : vector<16xf32> to vector<16xf32>
          %jit3A_2019 = arith.constant 0.000000e+00 : f32
          %broadcast_in_dim3A_2020 = vector.broadcast %jit3A_2019 : f32 to vector<16xf32>
          %select_n3A_2021 = arith.select %and3A_2008, %abs3A_2015, %broadcast_in_dim3A_2020 : vector<16xi1>, vector<16xf32>
          %add3A_2022 = arith.addf %get3A_2018, %select_n3A_2021 : vector<16xf32>
          %swap3A_2023 = arith.constant 0 : index
          %swap3A_2024 = tpu.vector_load %arg9[%swap3A_2023] {strides = array<i32>} : memref<16xf32, #tpu.memory_space<vmem>>, vector<16xf32>,
          %swap3A_2025 = vector.shape_cast %swap3A_2024 : vector<16xf32> to vector<16xf32>
          %swap3A_2026 = vector.shape_cast %add3A_2022 : vector<16xf32> to vector<16xf32>
          tpu.vector_store %arg9[%swap3A_2023], %swap3A_2026 {strides = array<i32>} : memref<16xf32, #tpu.memory_space<vmem>>, vector<16xf32>,
          %add3A_2027 = arith.constant 1 : i32
          %add3A_2028 = arith.addi %min3A_1993, %add3A_2027 : i32
          %mul3A_2029 = arith.constant 16 : i32
          %mul3A_2030 = arith.muli %add3A_2028, %mul3A_2029 : i32
          %get3A_2031 = arith.index_cast %add3A_1989 : i32 to index
          %get3A_2032 = arith.index_cast %mul3A_2030 : i32 to index
          %get3A_2033 = tpu.vector_load %arg8[%get3A_2031, %get3A_2032] {strides = array<i32>} : memref<128x384xf32, #tpu.memory_space<vmem>>, vector<1x16xf32>,
          %get3A_2034 = vector.shape_cast %get3A_2033 : vector<1x16xf32> to vector<16xf32>
          %add3A_2035 = vector.broadcast %mul3A_2030 : i32 to vector<16xi32>
          %add3A_2036 = arith.addi %add3A_2035, %iota3A : vector<16xi32>
          %ge3A_2037 = vector.broadcast %squeeze3A_1983 : i32 to vector<16xi32>
          %ge3A_2038 = arith.cmpi sge, %add3A_2036, %ge3A_2037 : vector<16xi32>
          %le3A_2039 = vector.broadcast %squeeze3A_1985 : i32 to vector<16xi32>
          %le3A_2040 = arith.cmpi sle, %add3A_2036, %le3A_2039 : vector<16xi32>
          %and3A_2041 = arith.andi %ge3A_2038, %le3A_2040 : vector<16xi1>
          %convert_element_type3A_2042 = arith.sitofp %add3A_2036 : vector<16xi32> to vector<16xf32>
          %mul3A_2043 = vector.broadcast %squeeze3A_1981 : f32 to vector<16xf32>
          %mul3A_2044 = arith.mulf %mul3A_2043, %convert_element_type3A_2042 : vector<16xf32>
          %sub3A_2045 = vector.broadcast %squeeze3A_1979 : f32 to vector<16xf32>
          %sub3A_2046 = arith.subf %sub3A_2045, %mul3A_2044 : vector<16xf32>
          %sub3A_2047 = arith.subf %get3A_2034, %sub3A_2046 : vector<16xf32>
          %abs3A_2048 = math.absf %sub3A_2047 : vector<16xf32>
          %get3A_2049 = arith.constant 0 : index
          %get3A_2050 = tpu.vector_load %arg9[%get3A_2049] {strides = array<i32>} : memref<16xf32, #tpu.memory_space<vmem>>, vector<16xf32>,
          %get3A_2051 = vector.shape_cast %get3A_2050 : vector<16xf32> to vector<16xf32>
          %jit3A_2052 = arith.constant 0.000000e+00 : f32
          %broadcast_in_dim3A_2053 = vector.broadcast %jit3A_2052 : f32 to vector<16xf32>
          %select_n3A_2054 = arith.select %and3A_2041, %abs3A_2048, %broadcast_in_dim3A_2053 : vector<16xi1>, vector<16xf32>
          %add3A_2055 = arith.addf %get3A_2051, %select_n3A_2054 : vector<16xf32>
          %swap3A_2056 = arith.constant 0 : index
          %swap3A_2057 = tpu.vector_load %arg9[%swap3A_2056] {strides = array<i32>} : memref<16xf32, #tpu.memory_space<vmem>>, vector<16xf32>,
          %swap3A_2058 = vector.shape_cast %swap3A_2057 : vector<16xf32> to vector<16xf32>
          %swap3A_2059 = vector.shape_cast %add3A_2055 : vector<16xf32> to vector<16xf32>
          tpu.vector_store %arg9[%swap3A_2056], %swap3A_2059 {strides = array<i32>} : memref<16xf32, #tpu.memory_space<vmem>>, vector<16xf32>,
          %add3A_2060 = arith.constant 2 : i32
          %add3A_2061 = arith.addi %min3A_1993, %add3A_2060 : i32
          %mul3A_2062 = arith.constant 16 : i32
          %mul3A_2063 = arith.muli %add3A_2061, %mul3A_2062 : i32
          %get3A_2064 = arith.index_cast %add3A_1989 : i32 to index
          %get3A_2065 = arith.index_cast %mul3A_2063 : i32 to index
          %get3A_2066 = tpu.vector_load %arg8[%get3A_2064, %get3A_2065] {strides = array<i32>} : memref<128x384xf32, #tpu.memory_space<vmem>>, vector<1x16xf32>,
          %get3A_2067 = vector.shape_cast %get3A_2066 : vector<1x16xf32> to vector<16xf32>
          %add3A_2068 = vector.broadcast %mul3A_2063 : i32 to vector<16xi32>
          %add3A_2069 = arith.addi %add3A_2068, %iota3A : vector<16xi32>
          %ge3A_2070 = vector.broadcast %squeeze3A_1983 : i32 to vector<16xi32>
          %ge3A_2071 = arith.cmpi sge, %add3A_2069, %ge3A_2070 : vector<16xi32>
          %le3A_2072 = vector.broadcast %squeeze3A_1985 : i32 to vector<16xi32>
          %le3A_2073 = arith.cmpi sle, %add3A_2069, %le3A_2072 : vector<16xi32>
          %and3A_2074 = arith.andi %ge3A_2071, %le3A_2073 : vector<16xi1>
          %convert_element_type3A_2075 = arith.sitofp %add3A_2069 : vector<16xi32> to vector<16xf32>
          %mul3A_2076 = vector.broadcast %squeeze3A_1981 : f32 to vector<16xf32>
          %mul3A_2077 = arith.mulf %mul3A_2076, %convert_element_type3A_2075 : vector<16xf32>
          %sub3A_2078 = vector.broadcast %squeeze3A_1979 : f32 to vector<16xf32>
          %sub3A_2079 = arith.subf %sub3A_2078, %mul3A_2077 : vector<16xf32>
          %sub3A_2080 = arith.subf %get3A_2067, %sub3A_2079 : vector<16xf32>
          %abs3A_2081 = math.absf %sub3A_2080 : vector<16xf32>
          %get3A_2082 = arith.constant 0 : index
          %get3A_2083 = tpu.vector_load %arg9[%get3A_2082] {strides = array<i32>} : memref<16xf32, #tpu.memory_space<vmem>>, vector<16xf32>,
          %get3A_2084 = vector.shape_cast %get3A_2083 : vector<16xf32> to vector<16xf32>
          %jit3A_2085 = arith.constant 0.000000e+00 : f32
          %broadcast_in_dim3A_2086 = vector.broadcast %jit3A_2085 : f32 to vector<16xf32>
          %select_n3A_2087 = arith.select %and3A_2074, %abs3A_2081, %broadcast_in_dim3A_2086 : vector<16xi1>, vector<16xf32>
          %add3A_2088 = arith.addf %get3A_2084, %select_n3A_2087 : vector<16xf32>
          %swap3A_2089 = arith.constant 0 : index
          %swap3A_2090 = tpu.vector_load %arg9[%swap3A_2089] {strides = array<i32>} : memref<16xf32, #tpu.memory_space<vmem>>, vector<16xf32>,
          %swap3A_2091 = vector.shape_cast %swap3A_2090 : vector<16xf32> to vector<16xf32>
          %swap3A_2092 = vector.shape_cast %add3A_2088 : vector<16xf32> to vector<16xf32>
          tpu.vector_store %arg9[%swap3A_2089], %swap3A_2092 {strides = array<i32>} : memref<16xf32, #tpu.memory_space<vmem>>, vector<16xf32>,
          %add3A_2093 = arith.constant 3 : i32
          %add3A_2094 = arith.addi %min3A_1993, %add3A_2093 : i32
          %mul3A_2095 = arith.constant 16 : i32
          %mul3A_2096 = arith.muli %add3A_2094, %mul3A_2095 : i32
          %get3A_2097 = arith.index_cast %add3A_1989 : i32 to index
          %get3A_2098 = arith.index_cast %mul3A_2096 : i32 to index
          %get3A_2099 = tpu.vector_load %arg8[%get3A_2097, %get3A_2098] {strides = array<i32>} : memref<128x384xf32, #tpu.memory_space<vmem>>, vector<1x16xf32>,
          %get3A_2100 = vector.shape_cast %get3A_2099 : vector<1x16xf32> to vector<16xf32>
          %add3A_2101 = vector.broadcast %mul3A_2096 : i32 to vector<16xi32>
          %add3A_2102 = arith.addi %add3A_2101, %iota3A : vector<16xi32>
          %ge3A_2103 = vector.broadcast %squeeze3A_1983 : i32 to vector<16xi32>
          %ge3A_2104 = arith.cmpi sge, %add3A_2102, %ge3A_2103 : vector<16xi32>
          %le3A_2105 = vector.broadcast %squeeze3A_1985 : i32 to vector<16xi32>
          %le3A_2106 = arith.cmpi sle, %add3A_2102, %le3A_2105 : vector<16xi32>
          %and3A_2107 = arith.andi %ge3A_2104, %le3A_2106 : vector<16xi1>
          %convert_element_type3A_2108 = arith.sitofp %add3A_2102 : vector<16xi32> to vector<16xf32>
          %mul3A_2109 = vector.broadcast %squeeze3A_1981 : f32 to vector<16xf32>
          %mul3A_2110 = arith.mulf %mul3A_2109, %convert_element_type3A_2108 : vector<16xf32>
          %sub3A_2111 = vector.broadcast %squeeze3A_1979 : f32 to vector<16xf32>
          %sub3A_2112 = arith.subf %sub3A_2111, %mul3A_2110 : vector<16xf32>
          %sub3A_2113 = arith.subf %get3A_2100, %sub3A_2112 : vector<16xf32>
          %abs3A_2114 = math.absf %sub3A_2113 : vector<16xf32>
          %get3A_2115 = arith.constant 0 : index
          %get3A_2116 = tpu.vector_load %arg9[%get3A_2115] {strides = array<i32>} : memref<16xf32, #tpu.memory_space<vmem>>, vector<16xf32>,
          %get3A_2117 = vector.shape_cast %get3A_2116 : vector<16xf32> to vector<16xf32>
          %jit3A_2118 = arith.constant 0.000000e+00 : f32
          %broadcast_in_dim3A_2119 = vector.broadcast %jit3A_2118 : f32 to vector<16xf32>
          %select_n3A_2120 = arith.select %and3A_2107, %abs3A_2114, %broadcast_in_dim3A_2119 : vector<16xi1>, vector<16xf32>
          %add3A_2121 = arith.addf %get3A_2117, %select_n3A_2120 : vector<16xf32>
          %swap3A_2122 = arith.constant 0 : index
          %swap3A_2123 = tpu.vector_load %arg9[%swap3A_2122] {strides = array<i32>} : memref<16xf32, #tpu.memory_space<vmem>>, vector<16xf32>,
          %swap3A_2124 = vector.shape_cast %swap3A_2123 : vector<16xf32> to vector<16xf32>
          %swap3A_2125 = vector.shape_cast %add3A_2121 : vector<16xf32> to vector<16xf32>
          tpu.vector_store %arg9[%swap3A_2122], %swap3A_2125 {strides = array<i32>} : memref<16xf32, #tpu.memory_space<vmem>>, vector<16xf32>,
          %add3A_2126 = arith.constant 4 : i32
          %add3A_2127 = arith.addi %min3A_1993, %add3A_2126 : i32
          %mul3A_2128 = arith.constant 16 : i32
          %mul3A_2129 = arith.muli %add3A_2127, %mul3A_2128 : i32
          %get3A_2130 = arith.index_cast %add3A_1989 : i32 to index
          %get3A_2131 = arith.index_cast %mul3A_2129 : i32 to index
          %get3A_2132 = tpu.vector_load %arg8[%get3A_2130, %get3A_2131] {strides = array<i32>} : memref<128x384xf32, #tpu.memory_space<vmem>>, vector<1x16xf32>,
          %get3A_2133 = vector.shape_cast %get3A_2132 : vector<1x16xf32> to vector<16xf32>
          %add3A_2134 = vector.broadcast %mul3A_2129 : i32 to vector<16xi32>
          %add3A_2135 = arith.addi %add3A_2134, %iota3A : vector<16xi32>
          %ge3A_2136 = vector.broadcast %squeeze3A_1983 : i32 to vector<16xi32>
          %ge3A_2137 = arith.cmpi sge, %add3A_2135, %ge3A_2136 : vector<16xi32>
          %le3A_2138 = vector.broadcast %squeeze3A_1985 : i32 to vector<16xi32>
          %le3A_2139 = arith.cmpi sle, %add3A_2135, %le3A_2138 : vector<16xi32>
          %and3A_2140 = arith.andi %ge3A_2137, %le3A_2139 : vector<16xi1>
          %convert_element_type3A_2141 = arith.sitofp %add3A_2135 : vector<16xi32> to vector<16xf32>
          %mul3A_2142 = vector.broadcast %squeeze3A_1981 : f32 to vector<16xf32>
          %mul3A_2143 = arith.mulf %mul3A_2142, %convert_element_type3A_2141 : vector<16xf32>
          %sub3A_2144 = vector.broadcast %squeeze3A_1979 : f32 to vector<16xf32>
          %sub3A_2145 = arith.subf %sub3A_2144, %mul3A_2143 : vector<16xf32>
          %sub3A_2146 = arith.subf %get3A_2133, %sub3A_2145 : vector<16xf32>
          %abs3A_2147 = math.absf %sub3A_2146 : vector<16xf32>
          %get3A_2148 = arith.constant 0 : index
          %get3A_2149 = tpu.vector_load %arg9[%get3A_2148] {strides = array<i32>} : memref<16xf32, #tpu.memory_space<vmem>>, vector<16xf32>,
          %get3A_2150 = vector.shape_cast %get3A_2149 : vector<16xf32> to vector<16xf32>
          %jit3A_2151 = arith.constant 0.000000e+00 : f32
          %broadcast_in_dim3A_2152 = vector.broadcast %jit3A_2151 : f32 to vector<16xf32>
          %select_n3A_2153 = arith.select %and3A_2140, %abs3A_2147, %broadcast_in_dim3A_2152 : vector<16xi1>, vector<16xf32>
          %add3A_2154 = arith.addf %get3A_2150, %select_n3A_2153 : vector<16xf32>
          %swap3A_2155 = arith.constant 0 : index
          %swap3A_2156 = tpu.vector_load %arg9[%swap3A_2155] {strides = array<i32>} : memref<16xf32, #tpu.memory_space<vmem>>, vector<16xf32>,
          %swap3A_2157 = vector.shape_cast %swap3A_2156 : vector<16xf32> to vector<16xf32>
          %swap3A_2158 = vector.shape_cast %add3A_2154 : vector<16xf32> to vector<16xf32>
          tpu.vector_store %arg9[%swap3A_2155], %swap3A_2158 {strides = array<i32>} : memref<16xf32, #tpu.memory_space<vmem>>, vector<16xf32>,
          %add3A_2159 = arith.constant 5 : i32
          %add3A_2160 = arith.addi %min3A_1993, %add3A_2159 : i32
          %mul3A_2161 = arith.constant 16 : i32
          %mul3A_2162 = arith.muli %add3A_2160, %mul3A_2161 : i32
          %get3A_2163 = arith.index_cast %add3A_1989 : i32 to index
          %get3A_2164 = arith.index_cast %mul3A_2162 : i32 to index
          %get3A_2165 = tpu.vector_load %arg8[%get3A_2163, %get3A_2164] {strides = array<i32>} : memref<128x384xf32, #tpu.memory_space<vmem>>, vector<1x16xf32>,
          %get3A_2166 = vector.shape_cast %get3A_2165 : vector<1x16xf32> to vector<16xf32>
          %add3A_2167 = vector.broadcast %mul3A_2162 : i32 to vector<16xi32>
          %add3A_2168 = arith.addi %add3A_2167, %iota3A : vector<16xi32>
          %ge3A_2169 = vector.broadcast %squeeze3A_1983 : i32 to vector<16xi32>
          %ge3A_2170 = arith.cmpi sge, %add3A_2168, %ge3A_2169 : vector<16xi32>
          %le3A_2171 = vector.broadcast %squeeze3A_1985 : i32 to vector<16xi32>
          %le3A_2172 = arith.cmpi sle, %add3A_2168, %le3A_2171 : vector<16xi32>
          %and3A_2173 = arith.andi %ge3A_2170, %le3A_2172 : vector<16xi1>
          %convert_element_type3A_2174 = arith.sitofp %add3A_2168 : vector<16xi32> to vector<16xf32>
          %mul3A_2175 = vector.broadcast %squeeze3A_1981 : f32 to vector<16xf32>
          %mul3A_2176 = arith.mulf %mul3A_2175, %convert_element_type3A_2174 : vector<16xf32>
          %sub3A_2177 = vector.broadcast %squeeze3A_1979 : f32 to vector<16xf32>
          %sub3A_2178 = arith.subf %sub3A_2177, %mul3A_2176 : vector<16xf32>
          %sub3A_2179 = arith.subf %get3A_2166, %sub3A_2178 : vector<16xf32>
          %abs3A_2180 = math.absf %sub3A_2179 : vector<16xf32>
          %get3A_2181 = arith.constant 0 : index
          %get3A_2182 = tpu.vector_load %arg9[%get3A_2181] {strides = array<i32>} : memref<16xf32, #tpu.memory_space<vmem>>, vector<16xf32>,
          %get3A_2183 = vector.shape_cast %get3A_2182 : vector<16xf32> to vector<16xf32>
          %jit3A_2184 = arith.constant 0.000000e+00 : f32
          %broadcast_in_dim3A_2185 = vector.broadcast %jit3A_2184 : f32 to vector<16xf32>
          %select_n3A_2186 = arith.select %and3A_2173, %abs3A_2180, %broadcast_in_dim3A_2185 : vector<16xi1>, vector<16xf32>
          %add3A_2187 = arith.addf %get3A_2183, %select_n3A_2186 : vector<16xf32>
          %swap3A_2188 = arith.constant 0 : index
          %swap3A_2189 = tpu.vector_load %arg9[%swap3A_2188] {strides = array<i32>} : memref<16xf32, #tpu.memory_space<vmem>>, vector<16xf32>,
          %swap3A_2190 = vector.shape_cast %swap3A_2189 : vector<16xf32> to vector<16xf32>
          %swap3A_2191 = vector.shape_cast %add3A_2187 : vector<16xf32> to vector<16xf32>
          tpu.vector_store %arg9[%swap3A_2188], %swap3A_2191 {strides = array<i32>} : memref<16xf32, #tpu.memory_space<vmem>>, vector<16xf32>,
          %slice3A_2192 = vector.extract_strided_slice %get3A_39 {offsets = [10], sizes = [1], strides = [1]} : vector<16xf32> to vector<1xf32>
          %squeeze3A_2193 = vector.extract %slice3A_2192[0] : f32 from vector<1xf32>
          %slice3A_2194 = vector.extract_strided_slice %get3A_46 {offsets = [10], sizes = [1], strides = [1]} : vector<16xf32> to vector<1xf32>
          %squeeze3A_2195 = vector.extract %slice3A_2194[0] : f32 from vector<1xf32>
          %slice3A_2196 = vector.extract_strided_slice %convert_element_type3A_54 {offsets = [10], sizes = [1], strides = [1]} : vector<16xi32> to vector<1xi32>
          %squeeze3A_2197 = vector.extract %slice3A_2196[0] : i32 from vector<1xi32>
          %slice3A_2198 = vector.extract_strided_slice %convert_element_type3A_62 {offsets = [10], sizes = [1], strides = [1]} : vector<16xi32> to vector<1xi32>
          %squeeze3A_2199 = vector.extract %slice3A_2198[0] : i32 from vector<1xi32>
          %mul3A_2200 = arith.constant 16 : i32
          %mul3A_2201 = arith.muli %add3A_33, %mul3A_2200 : i32
          %add3A_2202 = arith.constant 10 : i32
          %add3A_2203 = arith.addi %mul3A_2201, %add3A_2202 : i32
          %shift_right_arithmetic3A_2204 = arith.constant 4 : i32
          %shift_right_arithmetic3A_2205 = arith.shrsi %squeeze3A_2197, %shift_right_arithmetic3A_2204 : i32
          %min3A_2206 = arith.constant 18 : i32
          %min3A_2207 = arith.minsi %shift_right_arithmetic3A_2205, %min3A_2206 : i32
          %add3A_2208 = arith.constant 0 : i32
          %add3A_2209 = arith.addi %min3A_2207, %add3A_2208 : i32
          %mul3A_2210 = arith.constant 16 : i32
          %mul3A_2211 = arith.muli %add3A_2209, %mul3A_2210 : i32
          %get3A_2212 = arith.index_cast %add3A_2203 : i32 to index
          %get3A_2213 = arith.index_cast %mul3A_2211 : i32 to index
          %get3A_2214 = tpu.vector_load %arg8[%get3A_2212, %get3A_2213] {strides = array<i32>} : memref<128x384xf32, #tpu.memory_space<vmem>>, vector<1x16xf32>,
          %get3A_2215 = vector.shape_cast %get3A_2214 : vector<1x16xf32> to vector<16xf32>
          %add3A_2216 = vector.broadcast %mul3A_2211 : i32 to vector<16xi32>
          %add3A_2217 = arith.addi %add3A_2216, %iota3A : vector<16xi32>
          %ge3A_2218 = vector.broadcast %squeeze3A_2197 : i32 to vector<16xi32>
          %ge3A_2219 = arith.cmpi sge, %add3A_2217, %ge3A_2218 : vector<16xi32>
          %le3A_2220 = vector.broadcast %squeeze3A_2199 : i32 to vector<16xi32>
          %le3A_2221 = arith.cmpi sle, %add3A_2217, %le3A_2220 : vector<16xi32>
          %and3A_2222 = arith.andi %ge3A_2219, %le3A_2221 : vector<16xi1>
          %convert_element_type3A_2223 = arith.sitofp %add3A_2217 : vector<16xi32> to vector<16xf32>
          %mul3A_2224 = vector.broadcast %squeeze3A_2195 : f32 to vector<16xf32>
          %mul3A_2225 = arith.mulf %mul3A_2224, %convert_element_type3A_2223 : vector<16xf32>
          %sub3A_2226 = vector.broadcast %squeeze3A_2193 : f32 to vector<16xf32>
          %sub3A_2227 = arith.subf %sub3A_2226, %mul3A_2225 : vector<16xf32>
          %sub3A_2228 = arith.subf %get3A_2215, %sub3A_2227 : vector<16xf32>
          %abs3A_2229 = math.absf %sub3A_2228 : vector<16xf32>
          %get3A_2230 = arith.constant 0 : index
          %get3A_2231 = tpu.vector_load %arg9[%get3A_2230] {strides = array<i32>} : memref<16xf32, #tpu.memory_space<vmem>>, vector<16xf32>,
          %get3A_2232 = vector.shape_cast %get3A_2231 : vector<16xf32> to vector<16xf32>
          %jit3A_2233 = arith.constant 0.000000e+00 : f32
          %broadcast_in_dim3A_2234 = vector.broadcast %jit3A_2233 : f32 to vector<16xf32>
          %select_n3A_2235 = arith.select %and3A_2222, %abs3A_2229, %broadcast_in_dim3A_2234 : vector<16xi1>, vector<16xf32>
          %add3A_2236 = arith.addf %get3A_2232, %select_n3A_2235 : vector<16xf32>
          %swap3A_2237 = arith.constant 0 : index
          %swap3A_2238 = tpu.vector_load %arg9[%swap3A_2237] {strides = array<i32>} : memref<16xf32, #tpu.memory_space<vmem>>, vector<16xf32>,
          %swap3A_2239 = vector.shape_cast %swap3A_2238 : vector<16xf32> to vector<16xf32>
          %swap3A_2240 = vector.shape_cast %add3A_2236 : vector<16xf32> to vector<16xf32>
          tpu.vector_store %arg9[%swap3A_2237], %swap3A_2240 {strides = array<i32>} : memref<16xf32, #tpu.memory_space<vmem>>, vector<16xf32>,
          %add3A_2241 = arith.constant 1 : i32
          %add3A_2242 = arith.addi %min3A_2207, %add3A_2241 : i32
          %mul3A_2243 = arith.constant 16 : i32
          %mul3A_2244 = arith.muli %add3A_2242, %mul3A_2243 : i32
          %get3A_2245 = arith.index_cast %add3A_2203 : i32 to index
          %get3A_2246 = arith.index_cast %mul3A_2244 : i32 to index
          %get3A_2247 = tpu.vector_load %arg8[%get3A_2245, %get3A_2246] {strides = array<i32>} : memref<128x384xf32, #tpu.memory_space<vmem>>, vector<1x16xf32>,
          %get3A_2248 = vector.shape_cast %get3A_2247 : vector<1x16xf32> to vector<16xf32>
          %add3A_2249 = vector.broadcast %mul3A_2244 : i32 to vector<16xi32>
          %add3A_2250 = arith.addi %add3A_2249, %iota3A : vector<16xi32>
          %ge3A_2251 = vector.broadcast %squeeze3A_2197 : i32 to vector<16xi32>
          %ge3A_2252 = arith.cmpi sge, %add3A_2250, %ge3A_2251 : vector<16xi32>
          %le3A_2253 = vector.broadcast %squeeze3A_2199 : i32 to vector<16xi32>
          %le3A_2254 = arith.cmpi sle, %add3A_2250, %le3A_2253 : vector<16xi32>
          %and3A_2255 = arith.andi %ge3A_2252, %le3A_2254 : vector<16xi1>
          %convert_element_type3A_2256 = arith.sitofp %add3A_2250 : vector<16xi32> to vector<16xf32>
          %mul3A_2257 = vector.broadcast %squeeze3A_2195 : f32 to vector<16xf32>
          %mul3A_2258 = arith.mulf %mul3A_2257, %convert_element_type3A_2256 : vector<16xf32>
          %sub3A_2259 = vector.broadcast %squeeze3A_2193 : f32 to vector<16xf32>
          %sub3A_2260 = arith.subf %sub3A_2259, %mul3A_2258 : vector<16xf32>
          %sub3A_2261 = arith.subf %get3A_2248, %sub3A_2260 : vector<16xf32>
          %abs3A_2262 = math.absf %sub3A_2261 : vector<16xf32>
          %get3A_2263 = arith.constant 0 : index
          %get3A_2264 = tpu.vector_load %arg9[%get3A_2263] {strides = array<i32>} : memref<16xf32, #tpu.memory_space<vmem>>, vector<16xf32>,
          %get3A_2265 = vector.shape_cast %get3A_2264 : vector<16xf32> to vector<16xf32>
          %jit3A_2266 = arith.constant 0.000000e+00 : f32
          %broadcast_in_dim3A_2267 = vector.broadcast %jit3A_2266 : f32 to vector<16xf32>
          %select_n3A_2268 = arith.select %and3A_2255, %abs3A_2262, %broadcast_in_dim3A_2267 : vector<16xi1>, vector<16xf32>
          %add3A_2269 = arith.addf %get3A_2265, %select_n3A_2268 : vector<16xf32>
          %swap3A_2270 = arith.constant 0 : index
          %swap3A_2271 = tpu.vector_load %arg9[%swap3A_2270] {strides = array<i32>} : memref<16xf32, #tpu.memory_space<vmem>>, vector<16xf32>,
          %swap3A_2272 = vector.shape_cast %swap3A_2271 : vector<16xf32> to vector<16xf32>
          %swap3A_2273 = vector.shape_cast %add3A_2269 : vector<16xf32> to vector<16xf32>
          tpu.vector_store %arg9[%swap3A_2270], %swap3A_2273 {strides = array<i32>} : memref<16xf32, #tpu.memory_space<vmem>>, vector<16xf32>,
          %add3A_2274 = arith.constant 2 : i32
          %add3A_2275 = arith.addi %min3A_2207, %add3A_2274 : i32
          %mul3A_2276 = arith.constant 16 : i32
          %mul3A_2277 = arith.muli %add3A_2275, %mul3A_2276 : i32
          %get3A_2278 = arith.index_cast %add3A_2203 : i32 to index
          %get3A_2279 = arith.index_cast %mul3A_2277 : i32 to index
          %get3A_2280 = tpu.vector_load %arg8[%get3A_2278, %get3A_2279] {strides = array<i32>} : memref<128x384xf32, #tpu.memory_space<vmem>>, vector<1x16xf32>,
          %get3A_2281 = vector.shape_cast %get3A_2280 : vector<1x16xf32> to vector<16xf32>
          %add3A_2282 = vector.broadcast %mul3A_2277 : i32 to vector<16xi32>
          %add3A_2283 = arith.addi %add3A_2282, %iota3A : vector<16xi32>
          %ge3A_2284 = vector.broadcast %squeeze3A_2197 : i32 to vector<16xi32>
          %ge3A_2285 = arith.cmpi sge, %add3A_2283, %ge3A_2284 : vector<16xi32>
          %le3A_2286 = vector.broadcast %squeeze3A_2199 : i32 to vector<16xi32>
          %le3A_2287 = arith.cmpi sle, %add3A_2283, %le3A_2286 : vector<16xi32>
          %and3A_2288 = arith.andi %ge3A_2285, %le3A_2287 : vector<16xi1>
          %convert_element_type3A_2289 = arith.sitofp %add3A_2283 : vector<16xi32> to vector<16xf32>
          %mul3A_2290 = vector.broadcast %squeeze3A_2195 : f32 to vector<16xf32>
          %mul3A_2291 = arith.mulf %mul3A_2290, %convert_element_type3A_2289 : vector<16xf32>
          %sub3A_2292 = vector.broadcast %squeeze3A_2193 : f32 to vector<16xf32>
          %sub3A_2293 = arith.subf %sub3A_2292, %mul3A_2291 : vector<16xf32>
          %sub3A_2294 = arith.subf %get3A_2281, %sub3A_2293 : vector<16xf32>
          %abs3A_2295 = math.absf %sub3A_2294 : vector<16xf32>
          %get3A_2296 = arith.constant 0 : index
          %get3A_2297 = tpu.vector_load %arg9[%get3A_2296] {strides = array<i32>} : memref<16xf32, #tpu.memory_space<vmem>>, vector<16xf32>,
          %get3A_2298 = vector.shape_cast %get3A_2297 : vector<16xf32> to vector<16xf32>
          %jit3A_2299 = arith.constant 0.000000e+00 : f32
          %broadcast_in_dim3A_2300 = vector.broadcast %jit3A_2299 : f32 to vector<16xf32>
          %select_n3A_2301 = arith.select %and3A_2288, %abs3A_2295, %broadcast_in_dim3A_2300 : vector<16xi1>, vector<16xf32>
          %add3A_2302 = arith.addf %get3A_2298, %select_n3A_2301 : vector<16xf32>
          %swap3A_2303 = arith.constant 0 : index
          %swap3A_2304 = tpu.vector_load %arg9[%swap3A_2303] {strides = array<i32>} : memref<16xf32, #tpu.memory_space<vmem>>, vector<16xf32>,
          %swap3A_2305 = vector.shape_cast %swap3A_2304 : vector<16xf32> to vector<16xf32>
          %swap3A_2306 = vector.shape_cast %add3A_2302 : vector<16xf32> to vector<16xf32>
          tpu.vector_store %arg9[%swap3A_2303], %swap3A_2306 {strides = array<i32>} : memref<16xf32, #tpu.memory_space<vmem>>, vector<16xf32>,
          %add3A_2307 = arith.constant 3 : i32
          %add3A_2308 = arith.addi %min3A_2207, %add3A_2307 : i32
          %mul3A_2309 = arith.constant 16 : i32
          %mul3A_2310 = arith.muli %add3A_2308, %mul3A_2309 : i32
          %get3A_2311 = arith.index_cast %add3A_2203 : i32 to index
          %get3A_2312 = arith.index_cast %mul3A_2310 : i32 to index
          %get3A_2313 = tpu.vector_load %arg8[%get3A_2311, %get3A_2312] {strides = array<i32>} : memref<128x384xf32, #tpu.memory_space<vmem>>, vector<1x16xf32>,
          %get3A_2314 = vector.shape_cast %get3A_2313 : vector<1x16xf32> to vector<16xf32>
          %add3A_2315 = vector.broadcast %mul3A_2310 : i32 to vector<16xi32>
          %add3A_2316 = arith.addi %add3A_2315, %iota3A : vector<16xi32>
          %ge3A_2317 = vector.broadcast %squeeze3A_2197 : i32 to vector<16xi32>
          %ge3A_2318 = arith.cmpi sge, %add3A_2316, %ge3A_2317 : vector<16xi32>
          %le3A_2319 = vector.broadcast %squeeze3A_2199 : i32 to vector<16xi32>
          %le3A_2320 = arith.cmpi sle, %add3A_2316, %le3A_2319 : vector<16xi32>
          %and3A_2321 = arith.andi %ge3A_2318, %le3A_2320 : vector<16xi1>
          %convert_element_type3A_2322 = arith.sitofp %add3A_2316 : vector<16xi32> to vector<16xf32>
          %mul3A_2323 = vector.broadcast %squeeze3A_2195 : f32 to vector<16xf32>
          %mul3A_2324 = arith.mulf %mul3A_2323, %convert_element_type3A_2322 : vector<16xf32>
          %sub3A_2325 = vector.broadcast %squeeze3A_2193 : f32 to vector<16xf32>
          %sub3A_2326 = arith.subf %sub3A_2325, %mul3A_2324 : vector<16xf32>
          %sub3A_2327 = arith.subf %get3A_2314, %sub3A_2326 : vector<16xf32>
          %abs3A_2328 = math.absf %sub3A_2327 : vector<16xf32>
          %get3A_2329 = arith.constant 0 : index
          %get3A_2330 = tpu.vector_load %arg9[%get3A_2329] {strides = array<i32>} : memref<16xf32, #tpu.memory_space<vmem>>, vector<16xf32>,
          %get3A_2331 = vector.shape_cast %get3A_2330 : vector<16xf32> to vector<16xf32>
          %jit3A_2332 = arith.constant 0.000000e+00 : f32
          %broadcast_in_dim3A_2333 = vector.broadcast %jit3A_2332 : f32 to vector<16xf32>
          %select_n3A_2334 = arith.select %and3A_2321, %abs3A_2328, %broadcast_in_dim3A_2333 : vector<16xi1>, vector<16xf32>
          %add3A_2335 = arith.addf %get3A_2331, %select_n3A_2334 : vector<16xf32>
          %swap3A_2336 = arith.constant 0 : index
          %swap3A_2337 = tpu.vector_load %arg9[%swap3A_2336] {strides = array<i32>} : memref<16xf32, #tpu.memory_space<vmem>>, vector<16xf32>,
          %swap3A_2338 = vector.shape_cast %swap3A_2337 : vector<16xf32> to vector<16xf32>
          %swap3A_2339 = vector.shape_cast %add3A_2335 : vector<16xf32> to vector<16xf32>
          tpu.vector_store %arg9[%swap3A_2336], %swap3A_2339 {strides = array<i32>} : memref<16xf32, #tpu.memory_space<vmem>>, vector<16xf32>,
          %add3A_2340 = arith.constant 4 : i32
          %add3A_2341 = arith.addi %min3A_2207, %add3A_2340 : i32
          %mul3A_2342 = arith.constant 16 : i32
          %mul3A_2343 = arith.muli %add3A_2341, %mul3A_2342 : i32
          %get3A_2344 = arith.index_cast %add3A_2203 : i32 to index
          %get3A_2345 = arith.index_cast %mul3A_2343 : i32 to index
          %get3A_2346 = tpu.vector_load %arg8[%get3A_2344, %get3A_2345] {strides = array<i32>} : memref<128x384xf32, #tpu.memory_space<vmem>>, vector<1x16xf32>,
          %get3A_2347 = vector.shape_cast %get3A_2346 : vector<1x16xf32> to vector<16xf32>
          %add3A_2348 = vector.broadcast %mul3A_2343 : i32 to vector<16xi32>
          %add3A_2349 = arith.addi %add3A_2348, %iota3A : vector<16xi32>
          %ge3A_2350 = vector.broadcast %squeeze3A_2197 : i32 to vector<16xi32>
          %ge3A_2351 = arith.cmpi sge, %add3A_2349, %ge3A_2350 : vector<16xi32>
          %le3A_2352 = vector.broadcast %squeeze3A_2199 : i32 to vector<16xi32>
          %le3A_2353 = arith.cmpi sle, %add3A_2349, %le3A_2352 : vector<16xi32>
          %and3A_2354 = arith.andi %ge3A_2351, %le3A_2353 : vector<16xi1>
          %convert_element_type3A_2355 = arith.sitofp %add3A_2349 : vector<16xi32> to vector<16xf32>
          %mul3A_2356 = vector.broadcast %squeeze3A_2195 : f32 to vector<16xf32>
          %mul3A_2357 = arith.mulf %mul3A_2356, %convert_element_type3A_2355 : vector<16xf32>
          %sub3A_2358 = vector.broadcast %squeeze3A_2193 : f32 to vector<16xf32>
          %sub3A_2359 = arith.subf %sub3A_2358, %mul3A_2357 : vector<16xf32>
          %sub3A_2360 = arith.subf %get3A_2347, %sub3A_2359 : vector<16xf32>
          %abs3A_2361 = math.absf %sub3A_2360 : vector<16xf32>
          %get3A_2362 = arith.constant 0 : index
          %get3A_2363 = tpu.vector_load %arg9[%get3A_2362] {strides = array<i32>} : memref<16xf32, #tpu.memory_space<vmem>>, vector<16xf32>,
          %get3A_2364 = vector.shape_cast %get3A_2363 : vector<16xf32> to vector<16xf32>
          %jit3A_2365 = arith.constant 0.000000e+00 : f32
          %broadcast_in_dim3A_2366 = vector.broadcast %jit3A_2365 : f32 to vector<16xf32>
          %select_n3A_2367 = arith.select %and3A_2354, %abs3A_2361, %broadcast_in_dim3A_2366 : vector<16xi1>, vector<16xf32>
          %add3A_2368 = arith.addf %get3A_2364, %select_n3A_2367 : vector<16xf32>
          %swap3A_2369 = arith.constant 0 : index
          %swap3A_2370 = tpu.vector_load %arg9[%swap3A_2369] {strides = array<i32>} : memref<16xf32, #tpu.memory_space<vmem>>, vector<16xf32>,
          %swap3A_2371 = vector.shape_cast %swap3A_2370 : vector<16xf32> to vector<16xf32>
          %swap3A_2372 = vector.shape_cast %add3A_2368 : vector<16xf32> to vector<16xf32>
          tpu.vector_store %arg9[%swap3A_2369], %swap3A_2372 {strides = array<i32>} : memref<16xf32, #tpu.memory_space<vmem>>, vector<16xf32>,
          %add3A_2373 = arith.constant 5 : i32
          %add3A_2374 = arith.addi %min3A_2207, %add3A_2373 : i32
          %mul3A_2375 = arith.constant 16 : i32
          %mul3A_2376 = arith.muli %add3A_2374, %mul3A_2375 : i32
          %get3A_2377 = arith.index_cast %add3A_2203 : i32 to index
          %get3A_2378 = arith.index_cast %mul3A_2376 : i32 to index
          %get3A_2379 = tpu.vector_load %arg8[%get3A_2377, %get3A_2378] {strides = array<i32>} : memref<128x384xf32, #tpu.memory_space<vmem>>, vector<1x16xf32>,
          %get3A_2380 = vector.shape_cast %get3A_2379 : vector<1x16xf32> to vector<16xf32>
          %add3A_2381 = vector.broadcast %mul3A_2376 : i32 to vector<16xi32>
          %add3A_2382 = arith.addi %add3A_2381, %iota3A : vector<16xi32>
          %ge3A_2383 = vector.broadcast %squeeze3A_2197 : i32 to vector<16xi32>
          %ge3A_2384 = arith.cmpi sge, %add3A_2382, %ge3A_2383 : vector<16xi32>
          %le3A_2385 = vector.broadcast %squeeze3A_2199 : i32 to vector<16xi32>
          %le3A_2386 = arith.cmpi sle, %add3A_2382, %le3A_2385 : vector<16xi32>
          %and3A_2387 = arith.andi %ge3A_2384, %le3A_2386 : vector<16xi1>
          %convert_element_type3A_2388 = arith.sitofp %add3A_2382 : vector<16xi32> to vector<16xf32>
          %mul3A_2389 = vector.broadcast %squeeze3A_2195 : f32 to vector<16xf32>
          %mul3A_2390 = arith.mulf %mul3A_2389, %convert_element_type3A_2388 : vector<16xf32>
          %sub3A_2391 = vector.broadcast %squeeze3A_2193 : f32 to vector<16xf32>
          %sub3A_2392 = arith.subf %sub3A_2391, %mul3A_2390 : vector<16xf32>
          %sub3A_2393 = arith.subf %get3A_2380, %sub3A_2392 : vector<16xf32>
          %abs3A_2394 = math.absf %sub3A_2393 : vector<16xf32>
          %get3A_2395 = arith.constant 0 : index
          %get3A_2396 = tpu.vector_load %arg9[%get3A_2395] {strides = array<i32>} : memref<16xf32, #tpu.memory_space<vmem>>, vector<16xf32>,
          %get3A_2397 = vector.shape_cast %get3A_2396 : vector<16xf32> to vector<16xf32>
          %jit3A_2398 = arith.constant 0.000000e+00 : f32
          %broadcast_in_dim3A_2399 = vector.broadcast %jit3A_2398 : f32 to vector<16xf32>
          %select_n3A_2400 = arith.select %and3A_2387, %abs3A_2394, %broadcast_in_dim3A_2399 : vector<16xi1>, vector<16xf32>
          %add3A_2401 = arith.addf %get3A_2397, %select_n3A_2400 : vector<16xf32>
          %swap3A_2402 = arith.constant 0 : index
          %swap3A_2403 = tpu.vector_load %arg9[%swap3A_2402] {strides = array<i32>} : memref<16xf32, #tpu.memory_space<vmem>>, vector<16xf32>,
          %swap3A_2404 = vector.shape_cast %swap3A_2403 : vector<16xf32> to vector<16xf32>
          %swap3A_2405 = vector.shape_cast %add3A_2401 : vector<16xf32> to vector<16xf32>
          tpu.vector_store %arg9[%swap3A_2402], %swap3A_2405 {strides = array<i32>} : memref<16xf32, #tpu.memory_space<vmem>>, vector<16xf32>,
          %slice3A_2406 = vector.extract_strided_slice %get3A_39 {offsets = [11], sizes = [1], strides = [1]} : vector<16xf32> to vector<1xf32>
          %squeeze3A_2407 = vector.extract %slice3A_2406[0] : f32 from vector<1xf32>
          %slice3A_2408 = vector.extract_strided_slice %get3A_46 {offsets = [11], sizes = [1], strides = [1]} : vector<16xf32> to vector<1xf32>
          %squeeze3A_2409 = vector.extract %slice3A_2408[0] : f32 from vector<1xf32>
          %slice3A_2410 = vector.extract_strided_slice %convert_element_type3A_54 {offsets = [11], sizes = [1], strides = [1]} : vector<16xi32> to vector<1xi32>
          %squeeze3A_2411 = vector.extract %slice3A_2410[0] : i32 from vector<1xi32>
          %slice3A_2412 = vector.extract_strided_slice %convert_element_type3A_62 {offsets = [11], sizes = [1], strides = [1]} : vector<16xi32> to vector<1xi32>
          %squeeze3A_2413 = vector.extract %slice3A_2412[0] : i32 from vector<1xi32>
          %mul3A_2414 = arith.constant 16 : i32
          %mul3A_2415 = arith.muli %add3A_33, %mul3A_2414 : i32
          %add3A_2416 = arith.constant 11 : i32
          %add3A_2417 = arith.addi %mul3A_2415, %add3A_2416 : i32
          %shift_right_arithmetic3A_2418 = arith.constant 4 : i32
          %shift_right_arithmetic3A_2419 = arith.shrsi %squeeze3A_2411, %shift_right_arithmetic3A_2418 : i32
          %min3A_2420 = arith.constant 18 : i32
          %min3A_2421 = arith.minsi %shift_right_arithmetic3A_2419, %min3A_2420 : i32
          %add3A_2422 = arith.constant 0 : i32
          %add3A_2423 = arith.addi %min3A_2421, %add3A_2422 : i32
          %mul3A_2424 = arith.constant 16 : i32
          %mul3A_2425 = arith.muli %add3A_2423, %mul3A_2424 : i32
          %get3A_2426 = arith.index_cast %add3A_2417 : i32 to index
          %get3A_2427 = arith.index_cast %mul3A_2425 : i32 to index
          %get3A_2428 = tpu.vector_load %arg8[%get3A_2426, %get3A_2427] {strides = array<i32>} : memref<128x384xf32, #tpu.memory_space<vmem>>, vector<1x16xf32>,
          %get3A_2429 = vector.shape_cast %get3A_2428 : vector<1x16xf32> to vector<16xf32>
          %add3A_2430 = vector.broadcast %mul3A_2425 : i32 to vector<16xi32>
          %add3A_2431 = arith.addi %add3A_2430, %iota3A : vector<16xi32>
          %ge3A_2432 = vector.broadcast %squeeze3A_2411 : i32 to vector<16xi32>
          %ge3A_2433 = arith.cmpi sge, %add3A_2431, %ge3A_2432 : vector<16xi32>
          %le3A_2434 = vector.broadcast %squeeze3A_2413 : i32 to vector<16xi32>
          %le3A_2435 = arith.cmpi sle, %add3A_2431, %le3A_2434 : vector<16xi32>
          %and3A_2436 = arith.andi %ge3A_2433, %le3A_2435 : vector<16xi1>
          %convert_element_type3A_2437 = arith.sitofp %add3A_2431 : vector<16xi32> to vector<16xf32>
          %mul3A_2438 = vector.broadcast %squeeze3A_2409 : f32 to vector<16xf32>
          %mul3A_2439 = arith.mulf %mul3A_2438, %convert_element_type3A_2437 : vector<16xf32>
          %sub3A_2440 = vector.broadcast %squeeze3A_2407 : f32 to vector<16xf32>
          %sub3A_2441 = arith.subf %sub3A_2440, %mul3A_2439 : vector<16xf32>
          %sub3A_2442 = arith.subf %get3A_2429, %sub3A_2441 : vector<16xf32>
          %abs3A_2443 = math.absf %sub3A_2442 : vector<16xf32>
          %get3A_2444 = arith.constant 0 : index
          %get3A_2445 = tpu.vector_load %arg9[%get3A_2444] {strides = array<i32>} : memref<16xf32, #tpu.memory_space<vmem>>, vector<16xf32>,
          %get3A_2446 = vector.shape_cast %get3A_2445 : vector<16xf32> to vector<16xf32>
          %jit3A_2447 = arith.constant 0.000000e+00 : f32
          %broadcast_in_dim3A_2448 = vector.broadcast %jit3A_2447 : f32 to vector<16xf32>
          %select_n3A_2449 = arith.select %and3A_2436, %abs3A_2443, %broadcast_in_dim3A_2448 : vector<16xi1>, vector<16xf32>
          %add3A_2450 = arith.addf %get3A_2446, %select_n3A_2449 : vector<16xf32>
          %swap3A_2451 = arith.constant 0 : index
          %swap3A_2452 = tpu.vector_load %arg9[%swap3A_2451] {strides = array<i32>} : memref<16xf32, #tpu.memory_space<vmem>>, vector<16xf32>,
          %swap3A_2453 = vector.shape_cast %swap3A_2452 : vector<16xf32> to vector<16xf32>
          %swap3A_2454 = vector.shape_cast %add3A_2450 : vector<16xf32> to vector<16xf32>
          tpu.vector_store %arg9[%swap3A_2451], %swap3A_2454 {strides = array<i32>} : memref<16xf32, #tpu.memory_space<vmem>>, vector<16xf32>,
          %add3A_2455 = arith.constant 1 : i32
          %add3A_2456 = arith.addi %min3A_2421, %add3A_2455 : i32
          %mul3A_2457 = arith.constant 16 : i32
          %mul3A_2458 = arith.muli %add3A_2456, %mul3A_2457 : i32
          %get3A_2459 = arith.index_cast %add3A_2417 : i32 to index
          %get3A_2460 = arith.index_cast %mul3A_2458 : i32 to index
          %get3A_2461 = tpu.vector_load %arg8[%get3A_2459, %get3A_2460] {strides = array<i32>} : memref<128x384xf32, #tpu.memory_space<vmem>>, vector<1x16xf32>,
          %get3A_2462 = vector.shape_cast %get3A_2461 : vector<1x16xf32> to vector<16xf32>
          %add3A_2463 = vector.broadcast %mul3A_2458 : i32 to vector<16xi32>
          %add3A_2464 = arith.addi %add3A_2463, %iota3A : vector<16xi32>
          %ge3A_2465 = vector.broadcast %squeeze3A_2411 : i32 to vector<16xi32>
          %ge3A_2466 = arith.cmpi sge, %add3A_2464, %ge3A_2465 : vector<16xi32>
          %le3A_2467 = vector.broadcast %squeeze3A_2413 : i32 to vector<16xi32>
          %le3A_2468 = arith.cmpi sle, %add3A_2464, %le3A_2467 : vector<16xi32>
          %and3A_2469 = arith.andi %ge3A_2466, %le3A_2468 : vector<16xi1>
          %convert_element_type3A_2470 = arith.sitofp %add3A_2464 : vector<16xi32> to vector<16xf32>
          %mul3A_2471 = vector.broadcast %squeeze3A_2409 : f32 to vector<16xf32>
          %mul3A_2472 = arith.mulf %mul3A_2471, %convert_element_type3A_2470 : vector<16xf32>
          %sub3A_2473 = vector.broadcast %squeeze3A_2407 : f32 to vector<16xf32>
          %sub3A_2474 = arith.subf %sub3A_2473, %mul3A_2472 : vector<16xf32>
          %sub3A_2475 = arith.subf %get3A_2462, %sub3A_2474 : vector<16xf32>
          %abs3A_2476 = math.absf %sub3A_2475 : vector<16xf32>
          %get3A_2477 = arith.constant 0 : index
          %get3A_2478 = tpu.vector_load %arg9[%get3A_2477] {strides = array<i32>} : memref<16xf32, #tpu.memory_space<vmem>>, vector<16xf32>,
          %get3A_2479 = vector.shape_cast %get3A_2478 : vector<16xf32> to vector<16xf32>
          %jit3A_2480 = arith.constant 0.000000e+00 : f32
          %broadcast_in_dim3A_2481 = vector.broadcast %jit3A_2480 : f32 to vector<16xf32>
          %select_n3A_2482 = arith.select %and3A_2469, %abs3A_2476, %broadcast_in_dim3A_2481 : vector<16xi1>, vector<16xf32>
          %add3A_2483 = arith.addf %get3A_2479, %select_n3A_2482 : vector<16xf32>
          %swap3A_2484 = arith.constant 0 : index
          %swap3A_2485 = tpu.vector_load %arg9[%swap3A_2484] {strides = array<i32>} : memref<16xf32, #tpu.memory_space<vmem>>, vector<16xf32>,
          %swap3A_2486 = vector.shape_cast %swap3A_2485 : vector<16xf32> to vector<16xf32>
          %swap3A_2487 = vector.shape_cast %add3A_2483 : vector<16xf32> to vector<16xf32>
          tpu.vector_store %arg9[%swap3A_2484], %swap3A_2487 {strides = array<i32>} : memref<16xf32, #tpu.memory_space<vmem>>, vector<16xf32>,
          %add3A_2488 = arith.constant 2 : i32
          %add3A_2489 = arith.addi %min3A_2421, %add3A_2488 : i32
          %mul3A_2490 = arith.constant 16 : i32
          %mul3A_2491 = arith.muli %add3A_2489, %mul3A_2490 : i32
          %get3A_2492 = arith.index_cast %add3A_2417 : i32 to index
          %get3A_2493 = arith.index_cast %mul3A_2491 : i32 to index
          %get3A_2494 = tpu.vector_load %arg8[%get3A_2492, %get3A_2493] {strides = array<i32>} : memref<128x384xf32, #tpu.memory_space<vmem>>, vector<1x16xf32>,
          %get3A_2495 = vector.shape_cast %get3A_2494 : vector<1x16xf32> to vector<16xf32>
          %add3A_2496 = vector.broadcast %mul3A_2491 : i32 to vector<16xi32>
          %add3A_2497 = arith.addi %add3A_2496, %iota3A : vector<16xi32>
          %ge3A_2498 = vector.broadcast %squeeze3A_2411 : i32 to vector<16xi32>
          %ge3A_2499 = arith.cmpi sge, %add3A_2497, %ge3A_2498 : vector<16xi32>
          %le3A_2500 = vector.broadcast %squeeze3A_2413 : i32 to vector<16xi32>
          %le3A_2501 = arith.cmpi sle, %add3A_2497, %le3A_2500 : vector<16xi32>
          %and3A_2502 = arith.andi %ge3A_2499, %le3A_2501 : vector<16xi1>
          %convert_element_type3A_2503 = arith.sitofp %add3A_2497 : vector<16xi32> to vector<16xf32>
          %mul3A_2504 = vector.broadcast %squeeze3A_2409 : f32 to vector<16xf32>
          %mul3A_2505 = arith.mulf %mul3A_2504, %convert_element_type3A_2503 : vector<16xf32>
          %sub3A_2506 = vector.broadcast %squeeze3A_2407 : f32 to vector<16xf32>
          %sub3A_2507 = arith.subf %sub3A_2506, %mul3A_2505 : vector<16xf32>
          %sub3A_2508 = arith.subf %get3A_2495, %sub3A_2507 : vector<16xf32>
          %abs3A_2509 = math.absf %sub3A_2508 : vector<16xf32>
          %get3A_2510 = arith.constant 0 : index
          %get3A_2511 = tpu.vector_load %arg9[%get3A_2510] {strides = array<i32>} : memref<16xf32, #tpu.memory_space<vmem>>, vector<16xf32>,
          %get3A_2512 = vector.shape_cast %get3A_2511 : vector<16xf32> to vector<16xf32>
          %jit3A_2513 = arith.constant 0.000000e+00 : f32
          %broadcast_in_dim3A_2514 = vector.broadcast %jit3A_2513 : f32 to vector<16xf32>
          %select_n3A_2515 = arith.select %and3A_2502, %abs3A_2509, %broadcast_in_dim3A_2514 : vector<16xi1>, vector<16xf32>
          %add3A_2516 = arith.addf %get3A_2512, %select_n3A_2515 : vector<16xf32>
          %swap3A_2517 = arith.constant 0 : index
          %swap3A_2518 = tpu.vector_load %arg9[%swap3A_2517] {strides = array<i32>} : memref<16xf32, #tpu.memory_space<vmem>>, vector<16xf32>,
          %swap3A_2519 = vector.shape_cast %swap3A_2518 : vector<16xf32> to vector<16xf32>
          %swap3A_2520 = vector.shape_cast %add3A_2516 : vector<16xf32> to vector<16xf32>
          tpu.vector_store %arg9[%swap3A_2517], %swap3A_2520 {strides = array<i32>} : memref<16xf32, #tpu.memory_space<vmem>>, vector<16xf32>,
          %add3A_2521 = arith.constant 3 : i32
          %add3A_2522 = arith.addi %min3A_2421, %add3A_2521 : i32
          %mul3A_2523 = arith.constant 16 : i32
          %mul3A_2524 = arith.muli %add3A_2522, %mul3A_2523 : i32
          %get3A_2525 = arith.index_cast %add3A_2417 : i32 to index
          %get3A_2526 = arith.index_cast %mul3A_2524 : i32 to index
          %get3A_2527 = tpu.vector_load %arg8[%get3A_2525, %get3A_2526] {strides = array<i32>} : memref<128x384xf32, #tpu.memory_space<vmem>>, vector<1x16xf32>,
          %get3A_2528 = vector.shape_cast %get3A_2527 : vector<1x16xf32> to vector<16xf32>
          %add3A_2529 = vector.broadcast %mul3A_2524 : i32 to vector<16xi32>
          %add3A_2530 = arith.addi %add3A_2529, %iota3A : vector<16xi32>
          %ge3A_2531 = vector.broadcast %squeeze3A_2411 : i32 to vector<16xi32>
          %ge3A_2532 = arith.cmpi sge, %add3A_2530, %ge3A_2531 : vector<16xi32>
          %le3A_2533 = vector.broadcast %squeeze3A_2413 : i32 to vector<16xi32>
          %le3A_2534 = arith.cmpi sle, %add3A_2530, %le3A_2533 : vector<16xi32>
          %and3A_2535 = arith.andi %ge3A_2532, %le3A_2534 : vector<16xi1>
          %convert_element_type3A_2536 = arith.sitofp %add3A_2530 : vector<16xi32> to vector<16xf32>
          %mul3A_2537 = vector.broadcast %squeeze3A_2409 : f32 to vector<16xf32>
          %mul3A_2538 = arith.mulf %mul3A_2537, %convert_element_type3A_2536 : vector<16xf32>
          %sub3A_2539 = vector.broadcast %squeeze3A_2407 : f32 to vector<16xf32>
          %sub3A_2540 = arith.subf %sub3A_2539, %mul3A_2538 : vector<16xf32>
          %sub3A_2541 = arith.subf %get3A_2528, %sub3A_2540 : vector<16xf32>
          %abs3A_2542 = math.absf %sub3A_2541 : vector<16xf32>
          %get3A_2543 = arith.constant 0 : index
          %get3A_2544 = tpu.vector_load %arg9[%get3A_2543] {strides = array<i32>} : memref<16xf32, #tpu.memory_space<vmem>>, vector<16xf32>,
          %get3A_2545 = vector.shape_cast %get3A_2544 : vector<16xf32> to vector<16xf32>
          %jit3A_2546 = arith.constant 0.000000e+00 : f32
          %broadcast_in_dim3A_2547 = vector.broadcast %jit3A_2546 : f32 to vector<16xf32>
          %select_n3A_2548 = arith.select %and3A_2535, %abs3A_2542, %broadcast_in_dim3A_2547 : vector<16xi1>, vector<16xf32>
          %add3A_2549 = arith.addf %get3A_2545, %select_n3A_2548 : vector<16xf32>
          %swap3A_2550 = arith.constant 0 : index
          %swap3A_2551 = tpu.vector_load %arg9[%swap3A_2550] {strides = array<i32>} : memref<16xf32, #tpu.memory_space<vmem>>, vector<16xf32>,
          %swap3A_2552 = vector.shape_cast %swap3A_2551 : vector<16xf32> to vector<16xf32>
          %swap3A_2553 = vector.shape_cast %add3A_2549 : vector<16xf32> to vector<16xf32>
          tpu.vector_store %arg9[%swap3A_2550], %swap3A_2553 {strides = array<i32>} : memref<16xf32, #tpu.memory_space<vmem>>, vector<16xf32>,
          %add3A_2554 = arith.constant 4 : i32
          %add3A_2555 = arith.addi %min3A_2421, %add3A_2554 : i32
          %mul3A_2556 = arith.constant 16 : i32
          %mul3A_2557 = arith.muli %add3A_2555, %mul3A_2556 : i32
          %get3A_2558 = arith.index_cast %add3A_2417 : i32 to index
          %get3A_2559 = arith.index_cast %mul3A_2557 : i32 to index
          %get3A_2560 = tpu.vector_load %arg8[%get3A_2558, %get3A_2559] {strides = array<i32>} : memref<128x384xf32, #tpu.memory_space<vmem>>, vector<1x16xf32>,
          %get3A_2561 = vector.shape_cast %get3A_2560 : vector<1x16xf32> to vector<16xf32>
          %add3A_2562 = vector.broadcast %mul3A_2557 : i32 to vector<16xi32>
          %add3A_2563 = arith.addi %add3A_2562, %iota3A : vector<16xi32>
          %ge3A_2564 = vector.broadcast %squeeze3A_2411 : i32 to vector<16xi32>
          %ge3A_2565 = arith.cmpi sge, %add3A_2563, %ge3A_2564 : vector<16xi32>
          %le3A_2566 = vector.broadcast %squeeze3A_2413 : i32 to vector<16xi32>
          %le3A_2567 = arith.cmpi sle, %add3A_2563, %le3A_2566 : vector<16xi32>
          %and3A_2568 = arith.andi %ge3A_2565, %le3A_2567 : vector<16xi1>
          %convert_element_type3A_2569 = arith.sitofp %add3A_2563 : vector<16xi32> to vector<16xf32>
          %mul3A_2570 = vector.broadcast %squeeze3A_2409 : f32 to vector<16xf32>
          %mul3A_2571 = arith.mulf %mul3A_2570, %convert_element_type3A_2569 : vector<16xf32>
          %sub3A_2572 = vector.broadcast %squeeze3A_2407 : f32 to vector<16xf32>
          %sub3A_2573 = arith.subf %sub3A_2572, %mul3A_2571 : vector<16xf32>
          %sub3A_2574 = arith.subf %get3A_2561, %sub3A_2573 : vector<16xf32>
          %abs3A_2575 = math.absf %sub3A_2574 : vector<16xf32>
          %get3A_2576 = arith.constant 0 : index
          %get3A_2577 = tpu.vector_load %arg9[%get3A_2576] {strides = array<i32>} : memref<16xf32, #tpu.memory_space<vmem>>, vector<16xf32>,
          %get3A_2578 = vector.shape_cast %get3A_2577 : vector<16xf32> to vector<16xf32>
          %jit3A_2579 = arith.constant 0.000000e+00 : f32
          %broadcast_in_dim3A_2580 = vector.broadcast %jit3A_2579 : f32 to vector<16xf32>
          %select_n3A_2581 = arith.select %and3A_2568, %abs3A_2575, %broadcast_in_dim3A_2580 : vector<16xi1>, vector<16xf32>
          %add3A_2582 = arith.addf %get3A_2578, %select_n3A_2581 : vector<16xf32>
          %swap3A_2583 = arith.constant 0 : index
          %swap3A_2584 = tpu.vector_load %arg9[%swap3A_2583] {strides = array<i32>} : memref<16xf32, #tpu.memory_space<vmem>>, vector<16xf32>,
          %swap3A_2585 = vector.shape_cast %swap3A_2584 : vector<16xf32> to vector<16xf32>
          %swap3A_2586 = vector.shape_cast %add3A_2582 : vector<16xf32> to vector<16xf32>
          tpu.vector_store %arg9[%swap3A_2583], %swap3A_2586 {strides = array<i32>} : memref<16xf32, #tpu.memory_space<vmem>>, vector<16xf32>,
          %add3A_2587 = arith.constant 5 : i32
          %add3A_2588 = arith.addi %min3A_2421, %add3A_2587 : i32
          %mul3A_2589 = arith.constant 16 : i32
          %mul3A_2590 = arith.muli %add3A_2588, %mul3A_2589 : i32
          %get3A_2591 = arith.index_cast %add3A_2417 : i32 to index
          %get3A_2592 = arith.index_cast %mul3A_2590 : i32 to index
          %get3A_2593 = tpu.vector_load %arg8[%get3A_2591, %get3A_2592] {strides = array<i32>} : memref<128x384xf32, #tpu.memory_space<vmem>>, vector<1x16xf32>,
          %get3A_2594 = vector.shape_cast %get3A_2593 : vector<1x16xf32> to vector<16xf32>
          %add3A_2595 = vector.broadcast %mul3A_2590 : i32 to vector<16xi32>
          %add3A_2596 = arith.addi %add3A_2595, %iota3A : vector<16xi32>
          %ge3A_2597 = vector.broadcast %squeeze3A_2411 : i32 to vector<16xi32>
          %ge3A_2598 = arith.cmpi sge, %add3A_2596, %ge3A_2597 : vector<16xi32>
          %le3A_2599 = vector.broadcast %squeeze3A_2413 : i32 to vector<16xi32>
          %le3A_2600 = arith.cmpi sle, %add3A_2596, %le3A_2599 : vector<16xi32>
          %and3A_2601 = arith.andi %ge3A_2598, %le3A_2600 : vector<16xi1>
          %convert_element_type3A_2602 = arith.sitofp %add3A_2596 : vector<16xi32> to vector<16xf32>
          %mul3A_2603 = vector.broadcast %squeeze3A_2409 : f32 to vector<16xf32>
          %mul3A_2604 = arith.mulf %mul3A_2603, %convert_element_type3A_2602 : vector<16xf32>
          %sub3A_2605 = vector.broadcast %squeeze3A_2407 : f32 to vector<16xf32>
          %sub3A_2606 = arith.subf %sub3A_2605, %mul3A_2604 : vector<16xf32>
          %sub3A_2607 = arith.subf %get3A_2594, %sub3A_2606 : vector<16xf32>
          %abs3A_2608 = math.absf %sub3A_2607 : vector<16xf32>
          %get3A_2609 = arith.constant 0 : index
          %get3A_2610 = tpu.vector_load %arg9[%get3A_2609] {strides = array<i32>} : memref<16xf32, #tpu.memory_space<vmem>>, vector<16xf32>,
          %get3A_2611 = vector.shape_cast %get3A_2610 : vector<16xf32> to vector<16xf32>
          %jit3A_2612 = arith.constant 0.000000e+00 : f32
          %broadcast_in_dim3A_2613 = vector.broadcast %jit3A_2612 : f32 to vector<16xf32>
          %select_n3A_2614 = arith.select %and3A_2601, %abs3A_2608, %broadcast_in_dim3A_2613 : vector<16xi1>, vector<16xf32>
          %add3A_2615 = arith.addf %get3A_2611, %select_n3A_2614 : vector<16xf32>
          %swap3A_2616 = arith.constant 0 : index
          %swap3A_2617 = tpu.vector_load %arg9[%swap3A_2616] {strides = array<i32>} : memref<16xf32, #tpu.memory_space<vmem>>, vector<16xf32>,
          %swap3A_2618 = vector.shape_cast %swap3A_2617 : vector<16xf32> to vector<16xf32>
          %swap3A_2619 = vector.shape_cast %add3A_2615 : vector<16xf32> to vector<16xf32>
          tpu.vector_store %arg9[%swap3A_2616], %swap3A_2619 {strides = array<i32>} : memref<16xf32, #tpu.memory_space<vmem>>, vector<16xf32>,
          %slice3A_2620 = vector.extract_strided_slice %get3A_39 {offsets = [12], sizes = [1], strides = [1]} : vector<16xf32> to vector<1xf32>
          %squeeze3A_2621 = vector.extract %slice3A_2620[0] : f32 from vector<1xf32>
          %slice3A_2622 = vector.extract_strided_slice %get3A_46 {offsets = [12], sizes = [1], strides = [1]} : vector<16xf32> to vector<1xf32>
          %squeeze3A_2623 = vector.extract %slice3A_2622[0] : f32 from vector<1xf32>
          %slice3A_2624 = vector.extract_strided_slice %convert_element_type3A_54 {offsets = [12], sizes = [1], strides = [1]} : vector<16xi32> to vector<1xi32>
          %squeeze3A_2625 = vector.extract %slice3A_2624[0] : i32 from vector<1xi32>
          %slice3A_2626 = vector.extract_strided_slice %convert_element_type3A_62 {offsets = [12], sizes = [1], strides = [1]} : vector<16xi32> to vector<1xi32>
          %squeeze3A_2627 = vector.extract %slice3A_2626[0] : i32 from vector<1xi32>
          %mul3A_2628 = arith.constant 16 : i32
          %mul3A_2629 = arith.muli %add3A_33, %mul3A_2628 : i32
          %add3A_2630 = arith.constant 12 : i32
          %add3A_2631 = arith.addi %mul3A_2629, %add3A_2630 : i32
          %shift_right_arithmetic3A_2632 = arith.constant 4 : i32
          %shift_right_arithmetic3A_2633 = arith.shrsi %squeeze3A_2625, %shift_right_arithmetic3A_2632 : i32
          %min3A_2634 = arith.constant 18 : i32
          %min3A_2635 = arith.minsi %shift_right_arithmetic3A_2633, %min3A_2634 : i32
          %add3A_2636 = arith.constant 0 : i32
          %add3A_2637 = arith.addi %min3A_2635, %add3A_2636 : i32
          %mul3A_2638 = arith.constant 16 : i32
          %mul3A_2639 = arith.muli %add3A_2637, %mul3A_2638 : i32
          %get3A_2640 = arith.index_cast %add3A_2631 : i32 to index
          %get3A_2641 = arith.index_cast %mul3A_2639 : i32 to index
          %get3A_2642 = tpu.vector_load %arg8[%get3A_2640, %get3A_2641] {strides = array<i32>} : memref<128x384xf32, #tpu.memory_space<vmem>>, vector<1x16xf32>,
          %get3A_2643 = vector.shape_cast %get3A_2642 : vector<1x16xf32> to vector<16xf32>
          %add3A_2644 = vector.broadcast %mul3A_2639 : i32 to vector<16xi32>
          %add3A_2645 = arith.addi %add3A_2644, %iota3A : vector<16xi32>
          %ge3A_2646 = vector.broadcast %squeeze3A_2625 : i32 to vector<16xi32>
          %ge3A_2647 = arith.cmpi sge, %add3A_2645, %ge3A_2646 : vector<16xi32>
          %le3A_2648 = vector.broadcast %squeeze3A_2627 : i32 to vector<16xi32>
          %le3A_2649 = arith.cmpi sle, %add3A_2645, %le3A_2648 : vector<16xi32>
          %and3A_2650 = arith.andi %ge3A_2647, %le3A_2649 : vector<16xi1>
          %convert_element_type3A_2651 = arith.sitofp %add3A_2645 : vector<16xi32> to vector<16xf32>
          %mul3A_2652 = vector.broadcast %squeeze3A_2623 : f32 to vector<16xf32>
          %mul3A_2653 = arith.mulf %mul3A_2652, %convert_element_type3A_2651 : vector<16xf32>
          %sub3A_2654 = vector.broadcast %squeeze3A_2621 : f32 to vector<16xf32>
          %sub3A_2655 = arith.subf %sub3A_2654, %mul3A_2653 : vector<16xf32>
          %sub3A_2656 = arith.subf %get3A_2643, %sub3A_2655 : vector<16xf32>
          %abs3A_2657 = math.absf %sub3A_2656 : vector<16xf32>
          %get3A_2658 = arith.constant 0 : index
          %get3A_2659 = tpu.vector_load %arg9[%get3A_2658] {strides = array<i32>} : memref<16xf32, #tpu.memory_space<vmem>>, vector<16xf32>,
          %get3A_2660 = vector.shape_cast %get3A_2659 : vector<16xf32> to vector<16xf32>
          %jit3A_2661 = arith.constant 0.000000e+00 : f32
          %broadcast_in_dim3A_2662 = vector.broadcast %jit3A_2661 : f32 to vector<16xf32>
          %select_n3A_2663 = arith.select %and3A_2650, %abs3A_2657, %broadcast_in_dim3A_2662 : vector<16xi1>, vector<16xf32>
          %add3A_2664 = arith.addf %get3A_2660, %select_n3A_2663 : vector<16xf32>
          %swap3A_2665 = arith.constant 0 : index
          %swap3A_2666 = tpu.vector_load %arg9[%swap3A_2665] {strides = array<i32>} : memref<16xf32, #tpu.memory_space<vmem>>, vector<16xf32>,
          %swap3A_2667 = vector.shape_cast %swap3A_2666 : vector<16xf32> to vector<16xf32>
          %swap3A_2668 = vector.shape_cast %add3A_2664 : vector<16xf32> to vector<16xf32>
          tpu.vector_store %arg9[%swap3A_2665], %swap3A_2668 {strides = array<i32>} : memref<16xf32, #tpu.memory_space<vmem>>, vector<16xf32>,
          %add3A_2669 = arith.constant 1 : i32
          %add3A_2670 = arith.addi %min3A_2635, %add3A_2669 : i32
          %mul3A_2671 = arith.constant 16 : i32
          %mul3A_2672 = arith.muli %add3A_2670, %mul3A_2671 : i32
          %get3A_2673 = arith.index_cast %add3A_2631 : i32 to index
          %get3A_2674 = arith.index_cast %mul3A_2672 : i32 to index
          %get3A_2675 = tpu.vector_load %arg8[%get3A_2673, %get3A_2674] {strides = array<i32>} : memref<128x384xf32, #tpu.memory_space<vmem>>, vector<1x16xf32>,
          %get3A_2676 = vector.shape_cast %get3A_2675 : vector<1x16xf32> to vector<16xf32>
          %add3A_2677 = vector.broadcast %mul3A_2672 : i32 to vector<16xi32>
          %add3A_2678 = arith.addi %add3A_2677, %iota3A : vector<16xi32>
          %ge3A_2679 = vector.broadcast %squeeze3A_2625 : i32 to vector<16xi32>
          %ge3A_2680 = arith.cmpi sge, %add3A_2678, %ge3A_2679 : vector<16xi32>
          %le3A_2681 = vector.broadcast %squeeze3A_2627 : i32 to vector<16xi32>
          %le3A_2682 = arith.cmpi sle, %add3A_2678, %le3A_2681 : vector<16xi32>
          %and3A_2683 = arith.andi %ge3A_2680, %le3A_2682 : vector<16xi1>
          %convert_element_type3A_2684 = arith.sitofp %add3A_2678 : vector<16xi32> to vector<16xf32>
          %mul3A_2685 = vector.broadcast %squeeze3A_2623 : f32 to vector<16xf32>
          %mul3A_2686 = arith.mulf %mul3A_2685, %convert_element_type3A_2684 : vector<16xf32>
          %sub3A_2687 = vector.broadcast %squeeze3A_2621 : f32 to vector<16xf32>
          %sub3A_2688 = arith.subf %sub3A_2687, %mul3A_2686 : vector<16xf32>
          %sub3A_2689 = arith.subf %get3A_2676, %sub3A_2688 : vector<16xf32>
          %abs3A_2690 = math.absf %sub3A_2689 : vector<16xf32>
          %get3A_2691 = arith.constant 0 : index
          %get3A_2692 = tpu.vector_load %arg9[%get3A_2691] {strides = array<i32>} : memref<16xf32, #tpu.memory_space<vmem>>, vector<16xf32>,
          %get3A_2693 = vector.shape_cast %get3A_2692 : vector<16xf32> to vector<16xf32>
          %jit3A_2694 = arith.constant 0.000000e+00 : f32
          %broadcast_in_dim3A_2695 = vector.broadcast %jit3A_2694 : f32 to vector<16xf32>
          %select_n3A_2696 = arith.select %and3A_2683, %abs3A_2690, %broadcast_in_dim3A_2695 : vector<16xi1>, vector<16xf32>
          %add3A_2697 = arith.addf %get3A_2693, %select_n3A_2696 : vector<16xf32>
          %swap3A_2698 = arith.constant 0 : index
          %swap3A_2699 = tpu.vector_load %arg9[%swap3A_2698] {strides = array<i32>} : memref<16xf32, #tpu.memory_space<vmem>>, vector<16xf32>,
          %swap3A_2700 = vector.shape_cast %swap3A_2699 : vector<16xf32> to vector<16xf32>
          %swap3A_2701 = vector.shape_cast %add3A_2697 : vector<16xf32> to vector<16xf32>
          tpu.vector_store %arg9[%swap3A_2698], %swap3A_2701 {strides = array<i32>} : memref<16xf32, #tpu.memory_space<vmem>>, vector<16xf32>,
          %add3A_2702 = arith.constant 2 : i32
          %add3A_2703 = arith.addi %min3A_2635, %add3A_2702 : i32
          %mul3A_2704 = arith.constant 16 : i32
          %mul3A_2705 = arith.muli %add3A_2703, %mul3A_2704 : i32
          %get3A_2706 = arith.index_cast %add3A_2631 : i32 to index
          %get3A_2707 = arith.index_cast %mul3A_2705 : i32 to index
          %get3A_2708 = tpu.vector_load %arg8[%get3A_2706, %get3A_2707] {strides = array<i32>} : memref<128x384xf32, #tpu.memory_space<vmem>>, vector<1x16xf32>,
          %get3A_2709 = vector.shape_cast %get3A_2708 : vector<1x16xf32> to vector<16xf32>
          %add3A_2710 = vector.broadcast %mul3A_2705 : i32 to vector<16xi32>
          %add3A_2711 = arith.addi %add3A_2710, %iota3A : vector<16xi32>
          %ge3A_2712 = vector.broadcast %squeeze3A_2625 : i32 to vector<16xi32>
          %ge3A_2713 = arith.cmpi sge, %add3A_2711, %ge3A_2712 : vector<16xi32>
          %le3A_2714 = vector.broadcast %squeeze3A_2627 : i32 to vector<16xi32>
          %le3A_2715 = arith.cmpi sle, %add3A_2711, %le3A_2714 : vector<16xi32>
          %and3A_2716 = arith.andi %ge3A_2713, %le3A_2715 : vector<16xi1>
          %convert_element_type3A_2717 = arith.sitofp %add3A_2711 : vector<16xi32> to vector<16xf32>
          %mul3A_2718 = vector.broadcast %squeeze3A_2623 : f32 to vector<16xf32>
          %mul3A_2719 = arith.mulf %mul3A_2718, %convert_element_type3A_2717 : vector<16xf32>
          %sub3A_2720 = vector.broadcast %squeeze3A_2621 : f32 to vector<16xf32>
          %sub3A_2721 = arith.subf %sub3A_2720, %mul3A_2719 : vector<16xf32>
          %sub3A_2722 = arith.subf %get3A_2709, %sub3A_2721 : vector<16xf32>
          %abs3A_2723 = math.absf %sub3A_2722 : vector<16xf32>
          %get3A_2724 = arith.constant 0 : index
          %get3A_2725 = tpu.vector_load %arg9[%get3A_2724] {strides = array<i32>} : memref<16xf32, #tpu.memory_space<vmem>>, vector<16xf32>,
          %get3A_2726 = vector.shape_cast %get3A_2725 : vector<16xf32> to vector<16xf32>
          %jit3A_2727 = arith.constant 0.000000e+00 : f32
          %broadcast_in_dim3A_2728 = vector.broadcast %jit3A_2727 : f32 to vector<16xf32>
          %select_n3A_2729 = arith.select %and3A_2716, %abs3A_2723, %broadcast_in_dim3A_2728 : vector<16xi1>, vector<16xf32>
          %add3A_2730 = arith.addf %get3A_2726, %select_n3A_2729 : vector<16xf32>
          %swap3A_2731 = arith.constant 0 : index
          %swap3A_2732 = tpu.vector_load %arg9[%swap3A_2731] {strides = array<i32>} : memref<16xf32, #tpu.memory_space<vmem>>, vector<16xf32>,
          %swap3A_2733 = vector.shape_cast %swap3A_2732 : vector<16xf32> to vector<16xf32>
          %swap3A_2734 = vector.shape_cast %add3A_2730 : vector<16xf32> to vector<16xf32>
          tpu.vector_store %arg9[%swap3A_2731], %swap3A_2734 {strides = array<i32>} : memref<16xf32, #tpu.memory_space<vmem>>, vector<16xf32>,
          %add3A_2735 = arith.constant 3 : i32
          %add3A_2736 = arith.addi %min3A_2635, %add3A_2735 : i32
          %mul3A_2737 = arith.constant 16 : i32
          %mul3A_2738 = arith.muli %add3A_2736, %mul3A_2737 : i32
          %get3A_2739 = arith.index_cast %add3A_2631 : i32 to index
          %get3A_2740 = arith.index_cast %mul3A_2738 : i32 to index
          %get3A_2741 = tpu.vector_load %arg8[%get3A_2739, %get3A_2740] {strides = array<i32>} : memref<128x384xf32, #tpu.memory_space<vmem>>, vector<1x16xf32>,
          %get3A_2742 = vector.shape_cast %get3A_2741 : vector<1x16xf32> to vector<16xf32>
          %add3A_2743 = vector.broadcast %mul3A_2738 : i32 to vector<16xi32>
          %add3A_2744 = arith.addi %add3A_2743, %iota3A : vector<16xi32>
          %ge3A_2745 = vector.broadcast %squeeze3A_2625 : i32 to vector<16xi32>
          %ge3A_2746 = arith.cmpi sge, %add3A_2744, %ge3A_2745 : vector<16xi32>
          %le3A_2747 = vector.broadcast %squeeze3A_2627 : i32 to vector<16xi32>
          %le3A_2748 = arith.cmpi sle, %add3A_2744, %le3A_2747 : vector<16xi32>
          %and3A_2749 = arith.andi %ge3A_2746, %le3A_2748 : vector<16xi1>
          %convert_element_type3A_2750 = arith.sitofp %add3A_2744 : vector<16xi32> to vector<16xf32>
          %mul3A_2751 = vector.broadcast %squeeze3A_2623 : f32 to vector<16xf32>
          %mul3A_2752 = arith.mulf %mul3A_2751, %convert_element_type3A_2750 : vector<16xf32>
          %sub3A_2753 = vector.broadcast %squeeze3A_2621 : f32 to vector<16xf32>
          %sub3A_2754 = arith.subf %sub3A_2753, %mul3A_2752 : vector<16xf32>
          %sub3A_2755 = arith.subf %get3A_2742, %sub3A_2754 : vector<16xf32>
          %abs3A_2756 = math.absf %sub3A_2755 : vector<16xf32>
          %get3A_2757 = arith.constant 0 : index
          %get3A_2758 = tpu.vector_load %arg9[%get3A_2757] {strides = array<i32>} : memref<16xf32, #tpu.memory_space<vmem>>, vector<16xf32>,
          %get3A_2759 = vector.shape_cast %get3A_2758 : vector<16xf32> to vector<16xf32>
          %jit3A_2760 = arith.constant 0.000000e+00 : f32
          %broadcast_in_dim3A_2761 = vector.broadcast %jit3A_2760 : f32 to vector<16xf32>
          %select_n3A_2762 = arith.select %and3A_2749, %abs3A_2756, %broadcast_in_dim3A_2761 : vector<16xi1>, vector<16xf32>
          %add3A_2763 = arith.addf %get3A_2759, %select_n3A_2762 : vector<16xf32>
          %swap3A_2764 = arith.constant 0 : index
          %swap3A_2765 = tpu.vector_load %arg9[%swap3A_2764] {strides = array<i32>} : memref<16xf32, #tpu.memory_space<vmem>>, vector<16xf32>,
          %swap3A_2766 = vector.shape_cast %swap3A_2765 : vector<16xf32> to vector<16xf32>
          %swap3A_2767 = vector.shape_cast %add3A_2763 : vector<16xf32> to vector<16xf32>
          tpu.vector_store %arg9[%swap3A_2764], %swap3A_2767 {strides = array<i32>} : memref<16xf32, #tpu.memory_space<vmem>>, vector<16xf32>,
          %add3A_2768 = arith.constant 4 : i32
          %add3A_2769 = arith.addi %min3A_2635, %add3A_2768 : i32
          %mul3A_2770 = arith.constant 16 : i32
          %mul3A_2771 = arith.muli %add3A_2769, %mul3A_2770 : i32
          %get3A_2772 = arith.index_cast %add3A_2631 : i32 to index
          %get3A_2773 = arith.index_cast %mul3A_2771 : i32 to index
          %get3A_2774 = tpu.vector_load %arg8[%get3A_2772, %get3A_2773] {strides = array<i32>} : memref<128x384xf32, #tpu.memory_space<vmem>>, vector<1x16xf32>,
          %get3A_2775 = vector.shape_cast %get3A_2774 : vector<1x16xf32> to vector<16xf32>
          %add3A_2776 = vector.broadcast %mul3A_2771 : i32 to vector<16xi32>
          %add3A_2777 = arith.addi %add3A_2776, %iota3A : vector<16xi32>
          %ge3A_2778 = vector.broadcast %squeeze3A_2625 : i32 to vector<16xi32>
          %ge3A_2779 = arith.cmpi sge, %add3A_2777, %ge3A_2778 : vector<16xi32>
          %le3A_2780 = vector.broadcast %squeeze3A_2627 : i32 to vector<16xi32>
          %le3A_2781 = arith.cmpi sle, %add3A_2777, %le3A_2780 : vector<16xi32>
          %and3A_2782 = arith.andi %ge3A_2779, %le3A_2781 : vector<16xi1>
          %convert_element_type3A_2783 = arith.sitofp %add3A_2777 : vector<16xi32> to vector<16xf32>
          %mul3A_2784 = vector.broadcast %squeeze3A_2623 : f32 to vector<16xf32>
          %mul3A_2785 = arith.mulf %mul3A_2784, %convert_element_type3A_2783 : vector<16xf32>
          %sub3A_2786 = vector.broadcast %squeeze3A_2621 : f32 to vector<16xf32>
          %sub3A_2787 = arith.subf %sub3A_2786, %mul3A_2785 : vector<16xf32>
          %sub3A_2788 = arith.subf %get3A_2775, %sub3A_2787 : vector<16xf32>
          %abs3A_2789 = math.absf %sub3A_2788 : vector<16xf32>
          %get3A_2790 = arith.constant 0 : index
          %get3A_2791 = tpu.vector_load %arg9[%get3A_2790] {strides = array<i32>} : memref<16xf32, #tpu.memory_space<vmem>>, vector<16xf32>,
          %get3A_2792 = vector.shape_cast %get3A_2791 : vector<16xf32> to vector<16xf32>
          %jit3A_2793 = arith.constant 0.000000e+00 : f32
          %broadcast_in_dim3A_2794 = vector.broadcast %jit3A_2793 : f32 to vector<16xf32>
          %select_n3A_2795 = arith.select %and3A_2782, %abs3A_2789, %broadcast_in_dim3A_2794 : vector<16xi1>, vector<16xf32>
          %add3A_2796 = arith.addf %get3A_2792, %select_n3A_2795 : vector<16xf32>
          %swap3A_2797 = arith.constant 0 : index
          %swap3A_2798 = tpu.vector_load %arg9[%swap3A_2797] {strides = array<i32>} : memref<16xf32, #tpu.memory_space<vmem>>, vector<16xf32>,
          %swap3A_2799 = vector.shape_cast %swap3A_2798 : vector<16xf32> to vector<16xf32>
          %swap3A_2800 = vector.shape_cast %add3A_2796 : vector<16xf32> to vector<16xf32>
          tpu.vector_store %arg9[%swap3A_2797], %swap3A_2800 {strides = array<i32>} : memref<16xf32, #tpu.memory_space<vmem>>, vector<16xf32>,
          %add3A_2801 = arith.constant 5 : i32
          %add3A_2802 = arith.addi %min3A_2635, %add3A_2801 : i32
          %mul3A_2803 = arith.constant 16 : i32
          %mul3A_2804 = arith.muli %add3A_2802, %mul3A_2803 : i32
          %get3A_2805 = arith.index_cast %add3A_2631 : i32 to index
          %get3A_2806 = arith.index_cast %mul3A_2804 : i32 to index
          %get3A_2807 = tpu.vector_load %arg8[%get3A_2805, %get3A_2806] {strides = array<i32>} : memref<128x384xf32, #tpu.memory_space<vmem>>, vector<1x16xf32>,
          %get3A_2808 = vector.shape_cast %get3A_2807 : vector<1x16xf32> to vector<16xf32>
          %add3A_2809 = vector.broadcast %mul3A_2804 : i32 to vector<16xi32>
          %add3A_2810 = arith.addi %add3A_2809, %iota3A : vector<16xi32>
          %ge3A_2811 = vector.broadcast %squeeze3A_2625 : i32 to vector<16xi32>
          %ge3A_2812 = arith.cmpi sge, %add3A_2810, %ge3A_2811 : vector<16xi32>
          %le3A_2813 = vector.broadcast %squeeze3A_2627 : i32 to vector<16xi32>
          %le3A_2814 = arith.cmpi sle, %add3A_2810, %le3A_2813 : vector<16xi32>
          %and3A_2815 = arith.andi %ge3A_2812, %le3A_2814 : vector<16xi1>
          %convert_element_type3A_2816 = arith.sitofp %add3A_2810 : vector<16xi32> to vector<16xf32>
          %mul3A_2817 = vector.broadcast %squeeze3A_2623 : f32 to vector<16xf32>
          %mul3A_2818 = arith.mulf %mul3A_2817, %convert_element_type3A_2816 : vector<16xf32>
          %sub3A_2819 = vector.broadcast %squeeze3A_2621 : f32 to vector<16xf32>
          %sub3A_2820 = arith.subf %sub3A_2819, %mul3A_2818 : vector<16xf32>
          %sub3A_2821 = arith.subf %get3A_2808, %sub3A_2820 : vector<16xf32>
          %abs3A_2822 = math.absf %sub3A_2821 : vector<16xf32>
          %get3A_2823 = arith.constant 0 : index
          %get3A_2824 = tpu.vector_load %arg9[%get3A_2823] {strides = array<i32>} : memref<16xf32, #tpu.memory_space<vmem>>, vector<16xf32>,
          %get3A_2825 = vector.shape_cast %get3A_2824 : vector<16xf32> to vector<16xf32>
          %jit3A_2826 = arith.constant 0.000000e+00 : f32
          %broadcast_in_dim3A_2827 = vector.broadcast %jit3A_2826 : f32 to vector<16xf32>
          %select_n3A_2828 = arith.select %and3A_2815, %abs3A_2822, %broadcast_in_dim3A_2827 : vector<16xi1>, vector<16xf32>
          %add3A_2829 = arith.addf %get3A_2825, %select_n3A_2828 : vector<16xf32>
          %swap3A_2830 = arith.constant 0 : index
          %swap3A_2831 = tpu.vector_load %arg9[%swap3A_2830] {strides = array<i32>} : memref<16xf32, #tpu.memory_space<vmem>>, vector<16xf32>,
          %swap3A_2832 = vector.shape_cast %swap3A_2831 : vector<16xf32> to vector<16xf32>
          %swap3A_2833 = vector.shape_cast %add3A_2829 : vector<16xf32> to vector<16xf32>
          tpu.vector_store %arg9[%swap3A_2830], %swap3A_2833 {strides = array<i32>} : memref<16xf32, #tpu.memory_space<vmem>>, vector<16xf32>,
          %slice3A_2834 = vector.extract_strided_slice %get3A_39 {offsets = [13], sizes = [1], strides = [1]} : vector<16xf32> to vector<1xf32>
          %squeeze3A_2835 = vector.extract %slice3A_2834[0] : f32 from vector<1xf32>
          %slice3A_2836 = vector.extract_strided_slice %get3A_46 {offsets = [13], sizes = [1], strides = [1]} : vector<16xf32> to vector<1xf32>
          %squeeze3A_2837 = vector.extract %slice3A_2836[0] : f32 from vector<1xf32>
          %slice3A_2838 = vector.extract_strided_slice %convert_element_type3A_54 {offsets = [13], sizes = [1], strides = [1]} : vector<16xi32> to vector<1xi32>
          %squeeze3A_2839 = vector.extract %slice3A_2838[0] : i32 from vector<1xi32>
          %slice3A_2840 = vector.extract_strided_slice %convert_element_type3A_62 {offsets = [13], sizes = [1], strides = [1]} : vector<16xi32> to vector<1xi32>
          %squeeze3A_2841 = vector.extract %slice3A_2840[0] : i32 from vector<1xi32>
          %mul3A_2842 = arith.constant 16 : i32
          %mul3A_2843 = arith.muli %add3A_33, %mul3A_2842 : i32
          %add3A_2844 = arith.constant 13 : i32
          %add3A_2845 = arith.addi %mul3A_2843, %add3A_2844 : i32
          %shift_right_arithmetic3A_2846 = arith.constant 4 : i32
          %shift_right_arithmetic3A_2847 = arith.shrsi %squeeze3A_2839, %shift_right_arithmetic3A_2846 : i32
          %min3A_2848 = arith.constant 18 : i32
          %min3A_2849 = arith.minsi %shift_right_arithmetic3A_2847, %min3A_2848 : i32
          %add3A_2850 = arith.constant 0 : i32
          %add3A_2851 = arith.addi %min3A_2849, %add3A_2850 : i32
          %mul3A_2852 = arith.constant 16 : i32
          %mul3A_2853 = arith.muli %add3A_2851, %mul3A_2852 : i32
          %get3A_2854 = arith.index_cast %add3A_2845 : i32 to index
          %get3A_2855 = arith.index_cast %mul3A_2853 : i32 to index
          %get3A_2856 = tpu.vector_load %arg8[%get3A_2854, %get3A_2855] {strides = array<i32>} : memref<128x384xf32, #tpu.memory_space<vmem>>, vector<1x16xf32>,
          %get3A_2857 = vector.shape_cast %get3A_2856 : vector<1x16xf32> to vector<16xf32>
          %add3A_2858 = vector.broadcast %mul3A_2853 : i32 to vector<16xi32>
          %add3A_2859 = arith.addi %add3A_2858, %iota3A : vector<16xi32>
          %ge3A_2860 = vector.broadcast %squeeze3A_2839 : i32 to vector<16xi32>
          %ge3A_2861 = arith.cmpi sge, %add3A_2859, %ge3A_2860 : vector<16xi32>
          %le3A_2862 = vector.broadcast %squeeze3A_2841 : i32 to vector<16xi32>
          %le3A_2863 = arith.cmpi sle, %add3A_2859, %le3A_2862 : vector<16xi32>
          %and3A_2864 = arith.andi %ge3A_2861, %le3A_2863 : vector<16xi1>
          %convert_element_type3A_2865 = arith.sitofp %add3A_2859 : vector<16xi32> to vector<16xf32>
          %mul3A_2866 = vector.broadcast %squeeze3A_2837 : f32 to vector<16xf32>
          %mul3A_2867 = arith.mulf %mul3A_2866, %convert_element_type3A_2865 : vector<16xf32>
          %sub3A_2868 = vector.broadcast %squeeze3A_2835 : f32 to vector<16xf32>
          %sub3A_2869 = arith.subf %sub3A_2868, %mul3A_2867 : vector<16xf32>
          %sub3A_2870 = arith.subf %get3A_2857, %sub3A_2869 : vector<16xf32>
          %abs3A_2871 = math.absf %sub3A_2870 : vector<16xf32>
          %get3A_2872 = arith.constant 0 : index
          %get3A_2873 = tpu.vector_load %arg9[%get3A_2872] {strides = array<i32>} : memref<16xf32, #tpu.memory_space<vmem>>, vector<16xf32>,
          %get3A_2874 = vector.shape_cast %get3A_2873 : vector<16xf32> to vector<16xf32>
          %jit3A_2875 = arith.constant 0.000000e+00 : f32
          %broadcast_in_dim3A_2876 = vector.broadcast %jit3A_2875 : f32 to vector<16xf32>
          %select_n3A_2877 = arith.select %and3A_2864, %abs3A_2871, %broadcast_in_dim3A_2876 : vector<16xi1>, vector<16xf32>
          %add3A_2878 = arith.addf %get3A_2874, %select_n3A_2877 : vector<16xf32>
          %swap3A_2879 = arith.constant 0 : index
          %swap3A_2880 = tpu.vector_load %arg9[%swap3A_2879] {strides = array<i32>} : memref<16xf32, #tpu.memory_space<vmem>>, vector<16xf32>,
          %swap3A_2881 = vector.shape_cast %swap3A_2880 : vector<16xf32> to vector<16xf32>
          %swap3A_2882 = vector.shape_cast %add3A_2878 : vector<16xf32> to vector<16xf32>
          tpu.vector_store %arg9[%swap3A_2879], %swap3A_2882 {strides = array<i32>} : memref<16xf32, #tpu.memory_space<vmem>>, vector<16xf32>,
          %add3A_2883 = arith.constant 1 : i32
          %add3A_2884 = arith.addi %min3A_2849, %add3A_2883 : i32
          %mul3A_2885 = arith.constant 16 : i32
          %mul3A_2886 = arith.muli %add3A_2884, %mul3A_2885 : i32
          %get3A_2887 = arith.index_cast %add3A_2845 : i32 to index
          %get3A_2888 = arith.index_cast %mul3A_2886 : i32 to index
          %get3A_2889 = tpu.vector_load %arg8[%get3A_2887, %get3A_2888] {strides = array<i32>} : memref<128x384xf32, #tpu.memory_space<vmem>>, vector<1x16xf32>,
          %get3A_2890 = vector.shape_cast %get3A_2889 : vector<1x16xf32> to vector<16xf32>
          %add3A_2891 = vector.broadcast %mul3A_2886 : i32 to vector<16xi32>
          %add3A_2892 = arith.addi %add3A_2891, %iota3A : vector<16xi32>
          %ge3A_2893 = vector.broadcast %squeeze3A_2839 : i32 to vector<16xi32>
          %ge3A_2894 = arith.cmpi sge, %add3A_2892, %ge3A_2893 : vector<16xi32>
          %le3A_2895 = vector.broadcast %squeeze3A_2841 : i32 to vector<16xi32>
          %le3A_2896 = arith.cmpi sle, %add3A_2892, %le3A_2895 : vector<16xi32>
          %and3A_2897 = arith.andi %ge3A_2894, %le3A_2896 : vector<16xi1>
          %convert_element_type3A_2898 = arith.sitofp %add3A_2892 : vector<16xi32> to vector<16xf32>
          %mul3A_2899 = vector.broadcast %squeeze3A_2837 : f32 to vector<16xf32>
          %mul3A_2900 = arith.mulf %mul3A_2899, %convert_element_type3A_2898 : vector<16xf32>
          %sub3A_2901 = vector.broadcast %squeeze3A_2835 : f32 to vector<16xf32>
          %sub3A_2902 = arith.subf %sub3A_2901, %mul3A_2900 : vector<16xf32>
          %sub3A_2903 = arith.subf %get3A_2890, %sub3A_2902 : vector<16xf32>
          %abs3A_2904 = math.absf %sub3A_2903 : vector<16xf32>
          %get3A_2905 = arith.constant 0 : index
          %get3A_2906 = tpu.vector_load %arg9[%get3A_2905] {strides = array<i32>} : memref<16xf32, #tpu.memory_space<vmem>>, vector<16xf32>,
          %get3A_2907 = vector.shape_cast %get3A_2906 : vector<16xf32> to vector<16xf32>
          %jit3A_2908 = arith.constant 0.000000e+00 : f32
          %broadcast_in_dim3A_2909 = vector.broadcast %jit3A_2908 : f32 to vector<16xf32>
          %select_n3A_2910 = arith.select %and3A_2897, %abs3A_2904, %broadcast_in_dim3A_2909 : vector<16xi1>, vector<16xf32>
          %add3A_2911 = arith.addf %get3A_2907, %select_n3A_2910 : vector<16xf32>
          %swap3A_2912 = arith.constant 0 : index
          %swap3A_2913 = tpu.vector_load %arg9[%swap3A_2912] {strides = array<i32>} : memref<16xf32, #tpu.memory_space<vmem>>, vector<16xf32>,
          %swap3A_2914 = vector.shape_cast %swap3A_2913 : vector<16xf32> to vector<16xf32>
          %swap3A_2915 = vector.shape_cast %add3A_2911 : vector<16xf32> to vector<16xf32>
          tpu.vector_store %arg9[%swap3A_2912], %swap3A_2915 {strides = array<i32>} : memref<16xf32, #tpu.memory_space<vmem>>, vector<16xf32>,
          %add3A_2916 = arith.constant 2 : i32
          %add3A_2917 = arith.addi %min3A_2849, %add3A_2916 : i32
          %mul3A_2918 = arith.constant 16 : i32
          %mul3A_2919 = arith.muli %add3A_2917, %mul3A_2918 : i32
          %get3A_2920 = arith.index_cast %add3A_2845 : i32 to index
          %get3A_2921 = arith.index_cast %mul3A_2919 : i32 to index
          %get3A_2922 = tpu.vector_load %arg8[%get3A_2920, %get3A_2921] {strides = array<i32>} : memref<128x384xf32, #tpu.memory_space<vmem>>, vector<1x16xf32>,
          %get3A_2923 = vector.shape_cast %get3A_2922 : vector<1x16xf32> to vector<16xf32>
          %add3A_2924 = vector.broadcast %mul3A_2919 : i32 to vector<16xi32>
          %add3A_2925 = arith.addi %add3A_2924, %iota3A : vector<16xi32>
          %ge3A_2926 = vector.broadcast %squeeze3A_2839 : i32 to vector<16xi32>
          %ge3A_2927 = arith.cmpi sge, %add3A_2925, %ge3A_2926 : vector<16xi32>
          %le3A_2928 = vector.broadcast %squeeze3A_2841 : i32 to vector<16xi32>
          %le3A_2929 = arith.cmpi sle, %add3A_2925, %le3A_2928 : vector<16xi32>
          %and3A_2930 = arith.andi %ge3A_2927, %le3A_2929 : vector<16xi1>
          %convert_element_type3A_2931 = arith.sitofp %add3A_2925 : vector<16xi32> to vector<16xf32>
          %mul3A_2932 = vector.broadcast %squeeze3A_2837 : f32 to vector<16xf32>
          %mul3A_2933 = arith.mulf %mul3A_2932, %convert_element_type3A_2931 : vector<16xf32>
          %sub3A_2934 = vector.broadcast %squeeze3A_2835 : f32 to vector<16xf32>
          %sub3A_2935 = arith.subf %sub3A_2934, %mul3A_2933 : vector<16xf32>
          %sub3A_2936 = arith.subf %get3A_2923, %sub3A_2935 : vector<16xf32>
          %abs3A_2937 = math.absf %sub3A_2936 : vector<16xf32>
          %get3A_2938 = arith.constant 0 : index
          %get3A_2939 = tpu.vector_load %arg9[%get3A_2938] {strides = array<i32>} : memref<16xf32, #tpu.memory_space<vmem>>, vector<16xf32>,
          %get3A_2940 = vector.shape_cast %get3A_2939 : vector<16xf32> to vector<16xf32>
          %jit3A_2941 = arith.constant 0.000000e+00 : f32
          %broadcast_in_dim3A_2942 = vector.broadcast %jit3A_2941 : f32 to vector<16xf32>
          %select_n3A_2943 = arith.select %and3A_2930, %abs3A_2937, %broadcast_in_dim3A_2942 : vector<16xi1>, vector<16xf32>
          %add3A_2944 = arith.addf %get3A_2940, %select_n3A_2943 : vector<16xf32>
          %swap3A_2945 = arith.constant 0 : index
          %swap3A_2946 = tpu.vector_load %arg9[%swap3A_2945] {strides = array<i32>} : memref<16xf32, #tpu.memory_space<vmem>>, vector<16xf32>,
          %swap3A_2947 = vector.shape_cast %swap3A_2946 : vector<16xf32> to vector<16xf32>
          %swap3A_2948 = vector.shape_cast %add3A_2944 : vector<16xf32> to vector<16xf32>
          tpu.vector_store %arg9[%swap3A_2945], %swap3A_2948 {strides = array<i32>} : memref<16xf32, #tpu.memory_space<vmem>>, vector<16xf32>,
          %add3A_2949 = arith.constant 3 : i32
          %add3A_2950 = arith.addi %min3A_2849, %add3A_2949 : i32
          %mul3A_2951 = arith.constant 16 : i32
          %mul3A_2952 = arith.muli %add3A_2950, %mul3A_2951 : i32
          %get3A_2953 = arith.index_cast %add3A_2845 : i32 to index
          %get3A_2954 = arith.index_cast %mul3A_2952 : i32 to index
          %get3A_2955 = tpu.vector_load %arg8[%get3A_2953, %get3A_2954] {strides = array<i32>} : memref<128x384xf32, #tpu.memory_space<vmem>>, vector<1x16xf32>,
          %get3A_2956 = vector.shape_cast %get3A_2955 : vector<1x16xf32> to vector<16xf32>
          %add3A_2957 = vector.broadcast %mul3A_2952 : i32 to vector<16xi32>
          %add3A_2958 = arith.addi %add3A_2957, %iota3A : vector<16xi32>
          %ge3A_2959 = vector.broadcast %squeeze3A_2839 : i32 to vector<16xi32>
          %ge3A_2960 = arith.cmpi sge, %add3A_2958, %ge3A_2959 : vector<16xi32>
          %le3A_2961 = vector.broadcast %squeeze3A_2841 : i32 to vector<16xi32>
          %le3A_2962 = arith.cmpi sle, %add3A_2958, %le3A_2961 : vector<16xi32>
          %and3A_2963 = arith.andi %ge3A_2960, %le3A_2962 : vector<16xi1>
          %convert_element_type3A_2964 = arith.sitofp %add3A_2958 : vector<16xi32> to vector<16xf32>
          %mul3A_2965 = vector.broadcast %squeeze3A_2837 : f32 to vector<16xf32>
          %mul3A_2966 = arith.mulf %mul3A_2965, %convert_element_type3A_2964 : vector<16xf32>
          %sub3A_2967 = vector.broadcast %squeeze3A_2835 : f32 to vector<16xf32>
          %sub3A_2968 = arith.subf %sub3A_2967, %mul3A_2966 : vector<16xf32>
          %sub3A_2969 = arith.subf %get3A_2956, %sub3A_2968 : vector<16xf32>
          %abs3A_2970 = math.absf %sub3A_2969 : vector<16xf32>
          %get3A_2971 = arith.constant 0 : index
          %get3A_2972 = tpu.vector_load %arg9[%get3A_2971] {strides = array<i32>} : memref<16xf32, #tpu.memory_space<vmem>>, vector<16xf32>,
          %get3A_2973 = vector.shape_cast %get3A_2972 : vector<16xf32> to vector<16xf32>
          %jit3A_2974 = arith.constant 0.000000e+00 : f32
          %broadcast_in_dim3A_2975 = vector.broadcast %jit3A_2974 : f32 to vector<16xf32>
          %select_n3A_2976 = arith.select %and3A_2963, %abs3A_2970, %broadcast_in_dim3A_2975 : vector<16xi1>, vector<16xf32>
          %add3A_2977 = arith.addf %get3A_2973, %select_n3A_2976 : vector<16xf32>
          %swap3A_2978 = arith.constant 0 : index
          %swap3A_2979 = tpu.vector_load %arg9[%swap3A_2978] {strides = array<i32>} : memref<16xf32, #tpu.memory_space<vmem>>, vector<16xf32>,
          %swap3A_2980 = vector.shape_cast %swap3A_2979 : vector<16xf32> to vector<16xf32>
          %swap3A_2981 = vector.shape_cast %add3A_2977 : vector<16xf32> to vector<16xf32>
          tpu.vector_store %arg9[%swap3A_2978], %swap3A_2981 {strides = array<i32>} : memref<16xf32, #tpu.memory_space<vmem>>, vector<16xf32>,
          %add3A_2982 = arith.constant 4 : i32
          %add3A_2983 = arith.addi %min3A_2849, %add3A_2982 : i32
          %mul3A_2984 = arith.constant 16 : i32
          %mul3A_2985 = arith.muli %add3A_2983, %mul3A_2984 : i32
          %get3A_2986 = arith.index_cast %add3A_2845 : i32 to index
          %get3A_2987 = arith.index_cast %mul3A_2985 : i32 to index
          %get3A_2988 = tpu.vector_load %arg8[%get3A_2986, %get3A_2987] {strides = array<i32>} : memref<128x384xf32, #tpu.memory_space<vmem>>, vector<1x16xf32>,
          %get3A_2989 = vector.shape_cast %get3A_2988 : vector<1x16xf32> to vector<16xf32>
          %add3A_2990 = vector.broadcast %mul3A_2985 : i32 to vector<16xi32>
          %add3A_2991 = arith.addi %add3A_2990, %iota3A : vector<16xi32>
          %ge3A_2992 = vector.broadcast %squeeze3A_2839 : i32 to vector<16xi32>
          %ge3A_2993 = arith.cmpi sge, %add3A_2991, %ge3A_2992 : vector<16xi32>
          %le3A_2994 = vector.broadcast %squeeze3A_2841 : i32 to vector<16xi32>
          %le3A_2995 = arith.cmpi sle, %add3A_2991, %le3A_2994 : vector<16xi32>
          %and3A_2996 = arith.andi %ge3A_2993, %le3A_2995 : vector<16xi1>
          %convert_element_type3A_2997 = arith.sitofp %add3A_2991 : vector<16xi32> to vector<16xf32>
          %mul3A_2998 = vector.broadcast %squeeze3A_2837 : f32 to vector<16xf32>
          %mul3A_2999 = arith.mulf %mul3A_2998, %convert_element_type3A_2997 : vector<16xf32>
          %sub3A_3000 = vector.broadcast %squeeze3A_2835 : f32 to vector<16xf32>
          %sub3A_3001 = arith.subf %sub3A_3000, %mul3A_2999 : vector<16xf32>
          %sub3A_3002 = arith.subf %get3A_2989, %sub3A_3001 : vector<16xf32>
          %abs3A_3003 = math.absf %sub3A_3002 : vector<16xf32>
          %get3A_3004 = arith.constant 0 : index
          %get3A_3005 = tpu.vector_load %arg9[%get3A_3004] {strides = array<i32>} : memref<16xf32, #tpu.memory_space<vmem>>, vector<16xf32>,
          %get3A_3006 = vector.shape_cast %get3A_3005 : vector<16xf32> to vector<16xf32>
          %jit3A_3007 = arith.constant 0.000000e+00 : f32
          %broadcast_in_dim3A_3008 = vector.broadcast %jit3A_3007 : f32 to vector<16xf32>
          %select_n3A_3009 = arith.select %and3A_2996, %abs3A_3003, %broadcast_in_dim3A_3008 : vector<16xi1>, vector<16xf32>
          %add3A_3010 = arith.addf %get3A_3006, %select_n3A_3009 : vector<16xf32>
          %swap3A_3011 = arith.constant 0 : index
          %swap3A_3012 = tpu.vector_load %arg9[%swap3A_3011] {strides = array<i32>} : memref<16xf32, #tpu.memory_space<vmem>>, vector<16xf32>,
          %swap3A_3013 = vector.shape_cast %swap3A_3012 : vector<16xf32> to vector<16xf32>
          %swap3A_3014 = vector.shape_cast %add3A_3010 : vector<16xf32> to vector<16xf32>
          tpu.vector_store %arg9[%swap3A_3011], %swap3A_3014 {strides = array<i32>} : memref<16xf32, #tpu.memory_space<vmem>>, vector<16xf32>,
          %add3A_3015 = arith.constant 5 : i32
          %add3A_3016 = arith.addi %min3A_2849, %add3A_3015 : i32
          %mul3A_3017 = arith.constant 16 : i32
          %mul3A_3018 = arith.muli %add3A_3016, %mul3A_3017 : i32
          %get3A_3019 = arith.index_cast %add3A_2845 : i32 to index
          %get3A_3020 = arith.index_cast %mul3A_3018 : i32 to index
          %get3A_3021 = tpu.vector_load %arg8[%get3A_3019, %get3A_3020] {strides = array<i32>} : memref<128x384xf32, #tpu.memory_space<vmem>>, vector<1x16xf32>,
          %get3A_3022 = vector.shape_cast %get3A_3021 : vector<1x16xf32> to vector<16xf32>
          %add3A_3023 = vector.broadcast %mul3A_3018 : i32 to vector<16xi32>
          %add3A_3024 = arith.addi %add3A_3023, %iota3A : vector<16xi32>
          %ge3A_3025 = vector.broadcast %squeeze3A_2839 : i32 to vector<16xi32>
          %ge3A_3026 = arith.cmpi sge, %add3A_3024, %ge3A_3025 : vector<16xi32>
          %le3A_3027 = vector.broadcast %squeeze3A_2841 : i32 to vector<16xi32>
          %le3A_3028 = arith.cmpi sle, %add3A_3024, %le3A_3027 : vector<16xi32>
          %and3A_3029 = arith.andi %ge3A_3026, %le3A_3028 : vector<16xi1>
          %convert_element_type3A_3030 = arith.sitofp %add3A_3024 : vector<16xi32> to vector<16xf32>
          %mul3A_3031 = vector.broadcast %squeeze3A_2837 : f32 to vector<16xf32>
          %mul3A_3032 = arith.mulf %mul3A_3031, %convert_element_type3A_3030 : vector<16xf32>
          %sub3A_3033 = vector.broadcast %squeeze3A_2835 : f32 to vector<16xf32>
          %sub3A_3034 = arith.subf %sub3A_3033, %mul3A_3032 : vector<16xf32>
          %sub3A_3035 = arith.subf %get3A_3022, %sub3A_3034 : vector<16xf32>
          %abs3A_3036 = math.absf %sub3A_3035 : vector<16xf32>
          %get3A_3037 = arith.constant 0 : index
          %get3A_3038 = tpu.vector_load %arg9[%get3A_3037] {strides = array<i32>} : memref<16xf32, #tpu.memory_space<vmem>>, vector<16xf32>,
          %get3A_3039 = vector.shape_cast %get3A_3038 : vector<16xf32> to vector<16xf32>
          %jit3A_3040 = arith.constant 0.000000e+00 : f32
          %broadcast_in_dim3A_3041 = vector.broadcast %jit3A_3040 : f32 to vector<16xf32>
          %select_n3A_3042 = arith.select %and3A_3029, %abs3A_3036, %broadcast_in_dim3A_3041 : vector<16xi1>, vector<16xf32>
          %add3A_3043 = arith.addf %get3A_3039, %select_n3A_3042 : vector<16xf32>
          %swap3A_3044 = arith.constant 0 : index
          %swap3A_3045 = tpu.vector_load %arg9[%swap3A_3044] {strides = array<i32>} : memref<16xf32, #tpu.memory_space<vmem>>, vector<16xf32>,
          %swap3A_3046 = vector.shape_cast %swap3A_3045 : vector<16xf32> to vector<16xf32>
          %swap3A_3047 = vector.shape_cast %add3A_3043 : vector<16xf32> to vector<16xf32>
          tpu.vector_store %arg9[%swap3A_3044], %swap3A_3047 {strides = array<i32>} : memref<16xf32, #tpu.memory_space<vmem>>, vector<16xf32>,
          %slice3A_3048 = vector.extract_strided_slice %get3A_39 {offsets = [14], sizes = [1], strides = [1]} : vector<16xf32> to vector<1xf32>
          %squeeze3A_3049 = vector.extract %slice3A_3048[0] : f32 from vector<1xf32>
          %slice3A_3050 = vector.extract_strided_slice %get3A_46 {offsets = [14], sizes = [1], strides = [1]} : vector<16xf32> to vector<1xf32>
          %squeeze3A_3051 = vector.extract %slice3A_3050[0] : f32 from vector<1xf32>
          %slice3A_3052 = vector.extract_strided_slice %convert_element_type3A_54 {offsets = [14], sizes = [1], strides = [1]} : vector<16xi32> to vector<1xi32>
          %squeeze3A_3053 = vector.extract %slice3A_3052[0] : i32 from vector<1xi32>
          %slice3A_3054 = vector.extract_strided_slice %convert_element_type3A_62 {offsets = [14], sizes = [1], strides = [1]} : vector<16xi32> to vector<1xi32>
          %squeeze3A_3055 = vector.extract %slice3A_3054[0] : i32 from vector<1xi32>
          %mul3A_3056 = arith.constant 16 : i32
          %mul3A_3057 = arith.muli %add3A_33, %mul3A_3056 : i32
          %add3A_3058 = arith.constant 14 : i32
          %add3A_3059 = arith.addi %mul3A_3057, %add3A_3058 : i32
          %shift_right_arithmetic3A_3060 = arith.constant 4 : i32
          %shift_right_arithmetic3A_3061 = arith.shrsi %squeeze3A_3053, %shift_right_arithmetic3A_3060 : i32
          %min3A_3062 = arith.constant 18 : i32
          %min3A_3063 = arith.minsi %shift_right_arithmetic3A_3061, %min3A_3062 : i32
          %add3A_3064 = arith.constant 0 : i32
          %add3A_3065 = arith.addi %min3A_3063, %add3A_3064 : i32
          %mul3A_3066 = arith.constant 16 : i32
          %mul3A_3067 = arith.muli %add3A_3065, %mul3A_3066 : i32
          %get3A_3068 = arith.index_cast %add3A_3059 : i32 to index
          %get3A_3069 = arith.index_cast %mul3A_3067 : i32 to index
          %get3A_3070 = tpu.vector_load %arg8[%get3A_3068, %get3A_3069] {strides = array<i32>} : memref<128x384xf32, #tpu.memory_space<vmem>>, vector<1x16xf32>,
          %get3A_3071 = vector.shape_cast %get3A_3070 : vector<1x16xf32> to vector<16xf32>
          %add3A_3072 = vector.broadcast %mul3A_3067 : i32 to vector<16xi32>
          %add3A_3073 = arith.addi %add3A_3072, %iota3A : vector<16xi32>
          %ge3A_3074 = vector.broadcast %squeeze3A_3053 : i32 to vector<16xi32>
          %ge3A_3075 = arith.cmpi sge, %add3A_3073, %ge3A_3074 : vector<16xi32>
          %le3A_3076 = vector.broadcast %squeeze3A_3055 : i32 to vector<16xi32>
          %le3A_3077 = arith.cmpi sle, %add3A_3073, %le3A_3076 : vector<16xi32>
          %and3A_3078 = arith.andi %ge3A_3075, %le3A_3077 : vector<16xi1>
          %convert_element_type3A_3079 = arith.sitofp %add3A_3073 : vector<16xi32> to vector<16xf32>
          %mul3A_3080 = vector.broadcast %squeeze3A_3051 : f32 to vector<16xf32>
          %mul3A_3081 = arith.mulf %mul3A_3080, %convert_element_type3A_3079 : vector<16xf32>
          %sub3A_3082 = vector.broadcast %squeeze3A_3049 : f32 to vector<16xf32>
          %sub3A_3083 = arith.subf %sub3A_3082, %mul3A_3081 : vector<16xf32>
          %sub3A_3084 = arith.subf %get3A_3071, %sub3A_3083 : vector<16xf32>
          %abs3A_3085 = math.absf %sub3A_3084 : vector<16xf32>
          %get3A_3086 = arith.constant 0 : index
          %get3A_3087 = tpu.vector_load %arg9[%get3A_3086] {strides = array<i32>} : memref<16xf32, #tpu.memory_space<vmem>>, vector<16xf32>,
          %get3A_3088 = vector.shape_cast %get3A_3087 : vector<16xf32> to vector<16xf32>
          %jit3A_3089 = arith.constant 0.000000e+00 : f32
          %broadcast_in_dim3A_3090 = vector.broadcast %jit3A_3089 : f32 to vector<16xf32>
          %select_n3A_3091 = arith.select %and3A_3078, %abs3A_3085, %broadcast_in_dim3A_3090 : vector<16xi1>, vector<16xf32>
          %add3A_3092 = arith.addf %get3A_3088, %select_n3A_3091 : vector<16xf32>
          %swap3A_3093 = arith.constant 0 : index
          %swap3A_3094 = tpu.vector_load %arg9[%swap3A_3093] {strides = array<i32>} : memref<16xf32, #tpu.memory_space<vmem>>, vector<16xf32>,
          %swap3A_3095 = vector.shape_cast %swap3A_3094 : vector<16xf32> to vector<16xf32>
          %swap3A_3096 = vector.shape_cast %add3A_3092 : vector<16xf32> to vector<16xf32>
          tpu.vector_store %arg9[%swap3A_3093], %swap3A_3096 {strides = array<i32>} : memref<16xf32, #tpu.memory_space<vmem>>, vector<16xf32>,
          %add3A_3097 = arith.constant 1 : i32
          %add3A_3098 = arith.addi %min3A_3063, %add3A_3097 : i32
          %mul3A_3099 = arith.constant 16 : i32
          %mul3A_3100 = arith.muli %add3A_3098, %mul3A_3099 : i32
          %get3A_3101 = arith.index_cast %add3A_3059 : i32 to index
          %get3A_3102 = arith.index_cast %mul3A_3100 : i32 to index
          %get3A_3103 = tpu.vector_load %arg8[%get3A_3101, %get3A_3102] {strides = array<i32>} : memref<128x384xf32, #tpu.memory_space<vmem>>, vector<1x16xf32>,
          %get3A_3104 = vector.shape_cast %get3A_3103 : vector<1x16xf32> to vector<16xf32>
          %add3A_3105 = vector.broadcast %mul3A_3100 : i32 to vector<16xi32>
          %add3A_3106 = arith.addi %add3A_3105, %iota3A : vector<16xi32>
          %ge3A_3107 = vector.broadcast %squeeze3A_3053 : i32 to vector<16xi32>
          %ge3A_3108 = arith.cmpi sge, %add3A_3106, %ge3A_3107 : vector<16xi32>
          %le3A_3109 = vector.broadcast %squeeze3A_3055 : i32 to vector<16xi32>
          %le3A_3110 = arith.cmpi sle, %add3A_3106, %le3A_3109 : vector<16xi32>
          %and3A_3111 = arith.andi %ge3A_3108, %le3A_3110 : vector<16xi1>
          %convert_element_type3A_3112 = arith.sitofp %add3A_3106 : vector<16xi32> to vector<16xf32>
          %mul3A_3113 = vector.broadcast %squeeze3A_3051 : f32 to vector<16xf32>
          %mul3A_3114 = arith.mulf %mul3A_3113, %convert_element_type3A_3112 : vector<16xf32>
          %sub3A_3115 = vector.broadcast %squeeze3A_3049 : f32 to vector<16xf32>
          %sub3A_3116 = arith.subf %sub3A_3115, %mul3A_3114 : vector<16xf32>
          %sub3A_3117 = arith.subf %get3A_3104, %sub3A_3116 : vector<16xf32>
          %abs3A_3118 = math.absf %sub3A_3117 : vector<16xf32>
          %get3A_3119 = arith.constant 0 : index
          %get3A_3120 = tpu.vector_load %arg9[%get3A_3119] {strides = array<i32>} : memref<16xf32, #tpu.memory_space<vmem>>, vector<16xf32>,
          %get3A_3121 = vector.shape_cast %get3A_3120 : vector<16xf32> to vector<16xf32>
          %jit3A_3122 = arith.constant 0.000000e+00 : f32
          %broadcast_in_dim3A_3123 = vector.broadcast %jit3A_3122 : f32 to vector<16xf32>
          %select_n3A_3124 = arith.select %and3A_3111, %abs3A_3118, %broadcast_in_dim3A_3123 : vector<16xi1>, vector<16xf32>
          %add3A_3125 = arith.addf %get3A_3121, %select_n3A_3124 : vector<16xf32>
          %swap3A_3126 = arith.constant 0 : index
          %swap3A_3127 = tpu.vector_load %arg9[%swap3A_3126] {strides = array<i32>} : memref<16xf32, #tpu.memory_space<vmem>>, vector<16xf32>,
          %swap3A_3128 = vector.shape_cast %swap3A_3127 : vector<16xf32> to vector<16xf32>
          %swap3A_3129 = vector.shape_cast %add3A_3125 : vector<16xf32> to vector<16xf32>
          tpu.vector_store %arg9[%swap3A_3126], %swap3A_3129 {strides = array<i32>} : memref<16xf32, #tpu.memory_space<vmem>>, vector<16xf32>,
          %add3A_3130 = arith.constant 2 : i32
          %add3A_3131 = arith.addi %min3A_3063, %add3A_3130 : i32
          %mul3A_3132 = arith.constant 16 : i32
          %mul3A_3133 = arith.muli %add3A_3131, %mul3A_3132 : i32
          %get3A_3134 = arith.index_cast %add3A_3059 : i32 to index
          %get3A_3135 = arith.index_cast %mul3A_3133 : i32 to index
          %get3A_3136 = tpu.vector_load %arg8[%get3A_3134, %get3A_3135] {strides = array<i32>} : memref<128x384xf32, #tpu.memory_space<vmem>>, vector<1x16xf32>,
          %get3A_3137 = vector.shape_cast %get3A_3136 : vector<1x16xf32> to vector<16xf32>
          %add3A_3138 = vector.broadcast %mul3A_3133 : i32 to vector<16xi32>
          %add3A_3139 = arith.addi %add3A_3138, %iota3A : vector<16xi32>
          %ge3A_3140 = vector.broadcast %squeeze3A_3053 : i32 to vector<16xi32>
          %ge3A_3141 = arith.cmpi sge, %add3A_3139, %ge3A_3140 : vector<16xi32>
          %le3A_3142 = vector.broadcast %squeeze3A_3055 : i32 to vector<16xi32>
          %le3A_3143 = arith.cmpi sle, %add3A_3139, %le3A_3142 : vector<16xi32>
          %and3A_3144 = arith.andi %ge3A_3141, %le3A_3143 : vector<16xi1>
          %convert_element_type3A_3145 = arith.sitofp %add3A_3139 : vector<16xi32> to vector<16xf32>
          %mul3A_3146 = vector.broadcast %squeeze3A_3051 : f32 to vector<16xf32>
          %mul3A_3147 = arith.mulf %mul3A_3146, %convert_element_type3A_3145 : vector<16xf32>
          %sub3A_3148 = vector.broadcast %squeeze3A_3049 : f32 to vector<16xf32>
          %sub3A_3149 = arith.subf %sub3A_3148, %mul3A_3147 : vector<16xf32>
          %sub3A_3150 = arith.subf %get3A_3137, %sub3A_3149 : vector<16xf32>
          %abs3A_3151 = math.absf %sub3A_3150 : vector<16xf32>
          %get3A_3152 = arith.constant 0 : index
          %get3A_3153 = tpu.vector_load %arg9[%get3A_3152] {strides = array<i32>} : memref<16xf32, #tpu.memory_space<vmem>>, vector<16xf32>,
          %get3A_3154 = vector.shape_cast %get3A_3153 : vector<16xf32> to vector<16xf32>
          %jit3A_3155 = arith.constant 0.000000e+00 : f32
          %broadcast_in_dim3A_3156 = vector.broadcast %jit3A_3155 : f32 to vector<16xf32>
          %select_n3A_3157 = arith.select %and3A_3144, %abs3A_3151, %broadcast_in_dim3A_3156 : vector<16xi1>, vector<16xf32>
          %add3A_3158 = arith.addf %get3A_3154, %select_n3A_3157 : vector<16xf32>
          %swap3A_3159 = arith.constant 0 : index
          %swap3A_3160 = tpu.vector_load %arg9[%swap3A_3159] {strides = array<i32>} : memref<16xf32, #tpu.memory_space<vmem>>, vector<16xf32>,
          %swap3A_3161 = vector.shape_cast %swap3A_3160 : vector<16xf32> to vector<16xf32>
          %swap3A_3162 = vector.shape_cast %add3A_3158 : vector<16xf32> to vector<16xf32>
          tpu.vector_store %arg9[%swap3A_3159], %swap3A_3162 {strides = array<i32>} : memref<16xf32, #tpu.memory_space<vmem>>, vector<16xf32>,
          %add3A_3163 = arith.constant 3 : i32
          %add3A_3164 = arith.addi %min3A_3063, %add3A_3163 : i32
          %mul3A_3165 = arith.constant 16 : i32
          %mul3A_3166 = arith.muli %add3A_3164, %mul3A_3165 : i32
          %get3A_3167 = arith.index_cast %add3A_3059 : i32 to index
          %get3A_3168 = arith.index_cast %mul3A_3166 : i32 to index
          %get3A_3169 = tpu.vector_load %arg8[%get3A_3167, %get3A_3168] {strides = array<i32>} : memref<128x384xf32, #tpu.memory_space<vmem>>, vector<1x16xf32>,
          %get3A_3170 = vector.shape_cast %get3A_3169 : vector<1x16xf32> to vector<16xf32>
          %add3A_3171 = vector.broadcast %mul3A_3166 : i32 to vector<16xi32>
          %add3A_3172 = arith.addi %add3A_3171, %iota3A : vector<16xi32>
          %ge3A_3173 = vector.broadcast %squeeze3A_3053 : i32 to vector<16xi32>
          %ge3A_3174 = arith.cmpi sge, %add3A_3172, %ge3A_3173 : vector<16xi32>
          %le3A_3175 = vector.broadcast %squeeze3A_3055 : i32 to vector<16xi32>
          %le3A_3176 = arith.cmpi sle, %add3A_3172, %le3A_3175 : vector<16xi32>
          %and3A_3177 = arith.andi %ge3A_3174, %le3A_3176 : vector<16xi1>
          %convert_element_type3A_3178 = arith.sitofp %add3A_3172 : vector<16xi32> to vector<16xf32>
          %mul3A_3179 = vector.broadcast %squeeze3A_3051 : f32 to vector<16xf32>
          %mul3A_3180 = arith.mulf %mul3A_3179, %convert_element_type3A_3178 : vector<16xf32>
          %sub3A_3181 = vector.broadcast %squeeze3A_3049 : f32 to vector<16xf32>
          %sub3A_3182 = arith.subf %sub3A_3181, %mul3A_3180 : vector<16xf32>
          %sub3A_3183 = arith.subf %get3A_3170, %sub3A_3182 : vector<16xf32>
          %abs3A_3184 = math.absf %sub3A_3183 : vector<16xf32>
          %get3A_3185 = arith.constant 0 : index
          %get3A_3186 = tpu.vector_load %arg9[%get3A_3185] {strides = array<i32>} : memref<16xf32, #tpu.memory_space<vmem>>, vector<16xf32>,
          %get3A_3187 = vector.shape_cast %get3A_3186 : vector<16xf32> to vector<16xf32>
          %jit3A_3188 = arith.constant 0.000000e+00 : f32
          %broadcast_in_dim3A_3189 = vector.broadcast %jit3A_3188 : f32 to vector<16xf32>
          %select_n3A_3190 = arith.select %and3A_3177, %abs3A_3184, %broadcast_in_dim3A_3189 : vector<16xi1>, vector<16xf32>
          %add3A_3191 = arith.addf %get3A_3187, %select_n3A_3190 : vector<16xf32>
          %swap3A_3192 = arith.constant 0 : index
          %swap3A_3193 = tpu.vector_load %arg9[%swap3A_3192] {strides = array<i32>} : memref<16xf32, #tpu.memory_space<vmem>>, vector<16xf32>,
          %swap3A_3194 = vector.shape_cast %swap3A_3193 : vector<16xf32> to vector<16xf32>
          %swap3A_3195 = vector.shape_cast %add3A_3191 : vector<16xf32> to vector<16xf32>
          tpu.vector_store %arg9[%swap3A_3192], %swap3A_3195 {strides = array<i32>} : memref<16xf32, #tpu.memory_space<vmem>>, vector<16xf32>,
          %add3A_3196 = arith.constant 4 : i32
          %add3A_3197 = arith.addi %min3A_3063, %add3A_3196 : i32
          %mul3A_3198 = arith.constant 16 : i32
          %mul3A_3199 = arith.muli %add3A_3197, %mul3A_3198 : i32
          %get3A_3200 = arith.index_cast %add3A_3059 : i32 to index
          %get3A_3201 = arith.index_cast %mul3A_3199 : i32 to index
          %get3A_3202 = tpu.vector_load %arg8[%get3A_3200, %get3A_3201] {strides = array<i32>} : memref<128x384xf32, #tpu.memory_space<vmem>>, vector<1x16xf32>,
          %get3A_3203 = vector.shape_cast %get3A_3202 : vector<1x16xf32> to vector<16xf32>
          %add3A_3204 = vector.broadcast %mul3A_3199 : i32 to vector<16xi32>
          %add3A_3205 = arith.addi %add3A_3204, %iota3A : vector<16xi32>
          %ge3A_3206 = vector.broadcast %squeeze3A_3053 : i32 to vector<16xi32>
          %ge3A_3207 = arith.cmpi sge, %add3A_3205, %ge3A_3206 : vector<16xi32>
          %le3A_3208 = vector.broadcast %squeeze3A_3055 : i32 to vector<16xi32>
          %le3A_3209 = arith.cmpi sle, %add3A_3205, %le3A_3208 : vector<16xi32>
          %and3A_3210 = arith.andi %ge3A_3207, %le3A_3209 : vector<16xi1>
          %convert_element_type3A_3211 = arith.sitofp %add3A_3205 : vector<16xi32> to vector<16xf32>
          %mul3A_3212 = vector.broadcast %squeeze3A_3051 : f32 to vector<16xf32>
          %mul3A_3213 = arith.mulf %mul3A_3212, %convert_element_type3A_3211 : vector<16xf32>
          %sub3A_3214 = vector.broadcast %squeeze3A_3049 : f32 to vector<16xf32>
          %sub3A_3215 = arith.subf %sub3A_3214, %mul3A_3213 : vector<16xf32>
          %sub3A_3216 = arith.subf %get3A_3203, %sub3A_3215 : vector<16xf32>
          %abs3A_3217 = math.absf %sub3A_3216 : vector<16xf32>
          %get3A_3218 = arith.constant 0 : index
          %get3A_3219 = tpu.vector_load %arg9[%get3A_3218] {strides = array<i32>} : memref<16xf32, #tpu.memory_space<vmem>>, vector<16xf32>,
          %get3A_3220 = vector.shape_cast %get3A_3219 : vector<16xf32> to vector<16xf32>
          %jit3A_3221 = arith.constant 0.000000e+00 : f32
          %broadcast_in_dim3A_3222 = vector.broadcast %jit3A_3221 : f32 to vector<16xf32>
          %select_n3A_3223 = arith.select %and3A_3210, %abs3A_3217, %broadcast_in_dim3A_3222 : vector<16xi1>, vector<16xf32>
          %add3A_3224 = arith.addf %get3A_3220, %select_n3A_3223 : vector<16xf32>
          %swap3A_3225 = arith.constant 0 : index
          %swap3A_3226 = tpu.vector_load %arg9[%swap3A_3225] {strides = array<i32>} : memref<16xf32, #tpu.memory_space<vmem>>, vector<16xf32>,
          %swap3A_3227 = vector.shape_cast %swap3A_3226 : vector<16xf32> to vector<16xf32>
          %swap3A_3228 = vector.shape_cast %add3A_3224 : vector<16xf32> to vector<16xf32>
          tpu.vector_store %arg9[%swap3A_3225], %swap3A_3228 {strides = array<i32>} : memref<16xf32, #tpu.memory_space<vmem>>, vector<16xf32>,
          %add3A_3229 = arith.constant 5 : i32
          %add3A_3230 = arith.addi %min3A_3063, %add3A_3229 : i32
          %mul3A_3231 = arith.constant 16 : i32
          %mul3A_3232 = arith.muli %add3A_3230, %mul3A_3231 : i32
          %get3A_3233 = arith.index_cast %add3A_3059 : i32 to index
          %get3A_3234 = arith.index_cast %mul3A_3232 : i32 to index
          %get3A_3235 = tpu.vector_load %arg8[%get3A_3233, %get3A_3234] {strides = array<i32>} : memref<128x384xf32, #tpu.memory_space<vmem>>, vector<1x16xf32>,
          %get3A_3236 = vector.shape_cast %get3A_3235 : vector<1x16xf32> to vector<16xf32>
          %add3A_3237 = vector.broadcast %mul3A_3232 : i32 to vector<16xi32>
          %add3A_3238 = arith.addi %add3A_3237, %iota3A : vector<16xi32>
          %ge3A_3239 = vector.broadcast %squeeze3A_3053 : i32 to vector<16xi32>
          %ge3A_3240 = arith.cmpi sge, %add3A_3238, %ge3A_3239 : vector<16xi32>
          %le3A_3241 = vector.broadcast %squeeze3A_3055 : i32 to vector<16xi32>
          %le3A_3242 = arith.cmpi sle, %add3A_3238, %le3A_3241 : vector<16xi32>
          %and3A_3243 = arith.andi %ge3A_3240, %le3A_3242 : vector<16xi1>
          %convert_element_type3A_3244 = arith.sitofp %add3A_3238 : vector<16xi32> to vector<16xf32>
          %mul3A_3245 = vector.broadcast %squeeze3A_3051 : f32 to vector<16xf32>
          %mul3A_3246 = arith.mulf %mul3A_3245, %convert_element_type3A_3244 : vector<16xf32>
          %sub3A_3247 = vector.broadcast %squeeze3A_3049 : f32 to vector<16xf32>
          %sub3A_3248 = arith.subf %sub3A_3247, %mul3A_3246 : vector<16xf32>
          %sub3A_3249 = arith.subf %get3A_3236, %sub3A_3248 : vector<16xf32>
          %abs3A_3250 = math.absf %sub3A_3249 : vector<16xf32>
          %get3A_3251 = arith.constant 0 : index
          %get3A_3252 = tpu.vector_load %arg9[%get3A_3251] {strides = array<i32>} : memref<16xf32, #tpu.memory_space<vmem>>, vector<16xf32>,
          %get3A_3253 = vector.shape_cast %get3A_3252 : vector<16xf32> to vector<16xf32>
          %jit3A_3254 = arith.constant 0.000000e+00 : f32
          %broadcast_in_dim3A_3255 = vector.broadcast %jit3A_3254 : f32 to vector<16xf32>
          %select_n3A_3256 = arith.select %and3A_3243, %abs3A_3250, %broadcast_in_dim3A_3255 : vector<16xi1>, vector<16xf32>
          %add3A_3257 = arith.addf %get3A_3253, %select_n3A_3256 : vector<16xf32>
          %swap3A_3258 = arith.constant 0 : index
          %swap3A_3259 = tpu.vector_load %arg9[%swap3A_3258] {strides = array<i32>} : memref<16xf32, #tpu.memory_space<vmem>>, vector<16xf32>,
          %swap3A_3260 = vector.shape_cast %swap3A_3259 : vector<16xf32> to vector<16xf32>
          %swap3A_3261 = vector.shape_cast %add3A_3257 : vector<16xf32> to vector<16xf32>
          tpu.vector_store %arg9[%swap3A_3258], %swap3A_3261 {strides = array<i32>} : memref<16xf32, #tpu.memory_space<vmem>>, vector<16xf32>,
          %slice3A_3262 = vector.extract_strided_slice %get3A_39 {offsets = [15], sizes = [1], strides = [1]} : vector<16xf32> to vector<1xf32>
          %squeeze3A_3263 = vector.extract %slice3A_3262[0] : f32 from vector<1xf32>
          %slice3A_3264 = vector.extract_strided_slice %get3A_46 {offsets = [15], sizes = [1], strides = [1]} : vector<16xf32> to vector<1xf32>
          %squeeze3A_3265 = vector.extract %slice3A_3264[0] : f32 from vector<1xf32>
          %slice3A_3266 = vector.extract_strided_slice %convert_element_type3A_54 {offsets = [15], sizes = [1], strides = [1]} : vector<16xi32> to vector<1xi32>
          %squeeze3A_3267 = vector.extract %slice3A_3266[0] : i32 from vector<1xi32>
          %slice3A_3268 = vector.extract_strided_slice %convert_element_type3A_62 {offsets = [15], sizes = [1], strides = [1]} : vector<16xi32> to vector<1xi32>
          %squeeze3A_3269 = vector.extract %slice3A_3268[0] : i32 from vector<1xi32>
          %mul3A_3270 = arith.constant 16 : i32
          %mul3A_3271 = arith.muli %add3A_33, %mul3A_3270 : i32
          %add3A_3272 = arith.constant 15 : i32
          %add3A_3273 = arith.addi %mul3A_3271, %add3A_3272 : i32
          %shift_right_arithmetic3A_3274 = arith.constant 4 : i32
          %shift_right_arithmetic3A_3275 = arith.shrsi %squeeze3A_3267, %shift_right_arithmetic3A_3274 : i32
          %min3A_3276 = arith.constant 18 : i32
          %min3A_3277 = arith.minsi %shift_right_arithmetic3A_3275, %min3A_3276 : i32
          %add3A_3278 = arith.constant 0 : i32
          %add3A_3279 = arith.addi %min3A_3277, %add3A_3278 : i32
          %mul3A_3280 = arith.constant 16 : i32
          %mul3A_3281 = arith.muli %add3A_3279, %mul3A_3280 : i32
          %get3A_3282 = arith.index_cast %add3A_3273 : i32 to index
          %get3A_3283 = arith.index_cast %mul3A_3281 : i32 to index
          %get3A_3284 = tpu.vector_load %arg8[%get3A_3282, %get3A_3283] {strides = array<i32>} : memref<128x384xf32, #tpu.memory_space<vmem>>, vector<1x16xf32>,
          %get3A_3285 = vector.shape_cast %get3A_3284 : vector<1x16xf32> to vector<16xf32>
          %add3A_3286 = vector.broadcast %mul3A_3281 : i32 to vector<16xi32>
          %add3A_3287 = arith.addi %add3A_3286, %iota3A : vector<16xi32>
          %ge3A_3288 = vector.broadcast %squeeze3A_3267 : i32 to vector<16xi32>
          %ge3A_3289 = arith.cmpi sge, %add3A_3287, %ge3A_3288 : vector<16xi32>
          %le3A_3290 = vector.broadcast %squeeze3A_3269 : i32 to vector<16xi32>
          %le3A_3291 = arith.cmpi sle, %add3A_3287, %le3A_3290 : vector<16xi32>
          %and3A_3292 = arith.andi %ge3A_3289, %le3A_3291 : vector<16xi1>
          %convert_element_type3A_3293 = arith.sitofp %add3A_3287 : vector<16xi32> to vector<16xf32>
          %mul3A_3294 = vector.broadcast %squeeze3A_3265 : f32 to vector<16xf32>
          %mul3A_3295 = arith.mulf %mul3A_3294, %convert_element_type3A_3293 : vector<16xf32>
          %sub3A_3296 = vector.broadcast %squeeze3A_3263 : f32 to vector<16xf32>
          %sub3A_3297 = arith.subf %sub3A_3296, %mul3A_3295 : vector<16xf32>
          %sub3A_3298 = arith.subf %get3A_3285, %sub3A_3297 : vector<16xf32>
          %abs3A_3299 = math.absf %sub3A_3298 : vector<16xf32>
          %get3A_3300 = arith.constant 0 : index
          %get3A_3301 = tpu.vector_load %arg9[%get3A_3300] {strides = array<i32>} : memref<16xf32, #tpu.memory_space<vmem>>, vector<16xf32>,
          %get3A_3302 = vector.shape_cast %get3A_3301 : vector<16xf32> to vector<16xf32>
          %jit3A_3303 = arith.constant 0.000000e+00 : f32
          %broadcast_in_dim3A_3304 = vector.broadcast %jit3A_3303 : f32 to vector<16xf32>
          %select_n3A_3305 = arith.select %and3A_3292, %abs3A_3299, %broadcast_in_dim3A_3304 : vector<16xi1>, vector<16xf32>
          %add3A_3306 = arith.addf %get3A_3302, %select_n3A_3305 : vector<16xf32>
          %swap3A_3307 = arith.constant 0 : index
          %swap3A_3308 = tpu.vector_load %arg9[%swap3A_3307] {strides = array<i32>} : memref<16xf32, #tpu.memory_space<vmem>>, vector<16xf32>,
          %swap3A_3309 = vector.shape_cast %swap3A_3308 : vector<16xf32> to vector<16xf32>
          %swap3A_3310 = vector.shape_cast %add3A_3306 : vector<16xf32> to vector<16xf32>
          tpu.vector_store %arg9[%swap3A_3307], %swap3A_3310 {strides = array<i32>} : memref<16xf32, #tpu.memory_space<vmem>>, vector<16xf32>,
          %add3A_3311 = arith.constant 1 : i32
          %add3A_3312 = arith.addi %min3A_3277, %add3A_3311 : i32
          %mul3A_3313 = arith.constant 16 : i32
          %mul3A_3314 = arith.muli %add3A_3312, %mul3A_3313 : i32
          %get3A_3315 = arith.index_cast %add3A_3273 : i32 to index
          %get3A_3316 = arith.index_cast %mul3A_3314 : i32 to index
          %get3A_3317 = tpu.vector_load %arg8[%get3A_3315, %get3A_3316] {strides = array<i32>} : memref<128x384xf32, #tpu.memory_space<vmem>>, vector<1x16xf32>,
          %get3A_3318 = vector.shape_cast %get3A_3317 : vector<1x16xf32> to vector<16xf32>
          %add3A_3319 = vector.broadcast %mul3A_3314 : i32 to vector<16xi32>
          %add3A_3320 = arith.addi %add3A_3319, %iota3A : vector<16xi32>
          %ge3A_3321 = vector.broadcast %squeeze3A_3267 : i32 to vector<16xi32>
          %ge3A_3322 = arith.cmpi sge, %add3A_3320, %ge3A_3321 : vector<16xi32>
          %le3A_3323 = vector.broadcast %squeeze3A_3269 : i32 to vector<16xi32>
          %le3A_3324 = arith.cmpi sle, %add3A_3320, %le3A_3323 : vector<16xi32>
          %and3A_3325 = arith.andi %ge3A_3322, %le3A_3324 : vector<16xi1>
          %convert_element_type3A_3326 = arith.sitofp %add3A_3320 : vector<16xi32> to vector<16xf32>
          %mul3A_3327 = vector.broadcast %squeeze3A_3265 : f32 to vector<16xf32>
          %mul3A_3328 = arith.mulf %mul3A_3327, %convert_element_type3A_3326 : vector<16xf32>
          %sub3A_3329 = vector.broadcast %squeeze3A_3263 : f32 to vector<16xf32>
          %sub3A_3330 = arith.subf %sub3A_3329, %mul3A_3328 : vector<16xf32>
          %sub3A_3331 = arith.subf %get3A_3318, %sub3A_3330 : vector<16xf32>
          %abs3A_3332 = math.absf %sub3A_3331 : vector<16xf32>
          %get3A_3333 = arith.constant 0 : index
          %get3A_3334 = tpu.vector_load %arg9[%get3A_3333] {strides = array<i32>} : memref<16xf32, #tpu.memory_space<vmem>>, vector<16xf32>,
          %get3A_3335 = vector.shape_cast %get3A_3334 : vector<16xf32> to vector<16xf32>
          %jit3A_3336 = arith.constant 0.000000e+00 : f32
          %broadcast_in_dim3A_3337 = vector.broadcast %jit3A_3336 : f32 to vector<16xf32>
          %select_n3A_3338 = arith.select %and3A_3325, %abs3A_3332, %broadcast_in_dim3A_3337 : vector<16xi1>, vector<16xf32>
          %add3A_3339 = arith.addf %get3A_3335, %select_n3A_3338 : vector<16xf32>
          %swap3A_3340 = arith.constant 0 : index
          %swap3A_3341 = tpu.vector_load %arg9[%swap3A_3340] {strides = array<i32>} : memref<16xf32, #tpu.memory_space<vmem>>, vector<16xf32>,
          %swap3A_3342 = vector.shape_cast %swap3A_3341 : vector<16xf32> to vector<16xf32>
          %swap3A_3343 = vector.shape_cast %add3A_3339 : vector<16xf32> to vector<16xf32>
          tpu.vector_store %arg9[%swap3A_3340], %swap3A_3343 {strides = array<i32>} : memref<16xf32, #tpu.memory_space<vmem>>, vector<16xf32>,
          %add3A_3344 = arith.constant 2 : i32
          %add3A_3345 = arith.addi %min3A_3277, %add3A_3344 : i32
          %mul3A_3346 = arith.constant 16 : i32
          %mul3A_3347 = arith.muli %add3A_3345, %mul3A_3346 : i32
          %get3A_3348 = arith.index_cast %add3A_3273 : i32 to index
          %get3A_3349 = arith.index_cast %mul3A_3347 : i32 to index
          %get3A_3350 = tpu.vector_load %arg8[%get3A_3348, %get3A_3349] {strides = array<i32>} : memref<128x384xf32, #tpu.memory_space<vmem>>, vector<1x16xf32>,
          %get3A_3351 = vector.shape_cast %get3A_3350 : vector<1x16xf32> to vector<16xf32>
          %add3A_3352 = vector.broadcast %mul3A_3347 : i32 to vector<16xi32>
          %add3A_3353 = arith.addi %add3A_3352, %iota3A : vector<16xi32>
          %ge3A_3354 = vector.broadcast %squeeze3A_3267 : i32 to vector<16xi32>
          %ge3A_3355 = arith.cmpi sge, %add3A_3353, %ge3A_3354 : vector<16xi32>
          %le3A_3356 = vector.broadcast %squeeze3A_3269 : i32 to vector<16xi32>
          %le3A_3357 = arith.cmpi sle, %add3A_3353, %le3A_3356 : vector<16xi32>
          %and3A_3358 = arith.andi %ge3A_3355, %le3A_3357 : vector<16xi1>
          %convert_element_type3A_3359 = arith.sitofp %add3A_3353 : vector<16xi32> to vector<16xf32>
          %mul3A_3360 = vector.broadcast %squeeze3A_3265 : f32 to vector<16xf32>
          %mul3A_3361 = arith.mulf %mul3A_3360, %convert_element_type3A_3359 : vector<16xf32>
          %sub3A_3362 = vector.broadcast %squeeze3A_3263 : f32 to vector<16xf32>
          %sub3A_3363 = arith.subf %sub3A_3362, %mul3A_3361 : vector<16xf32>
          %sub3A_3364 = arith.subf %get3A_3351, %sub3A_3363 : vector<16xf32>
          %abs3A_3365 = math.absf %sub3A_3364 : vector<16xf32>
          %get3A_3366 = arith.constant 0 : index
          %get3A_3367 = tpu.vector_load %arg9[%get3A_3366] {strides = array<i32>} : memref<16xf32, #tpu.memory_space<vmem>>, vector<16xf32>,
          %get3A_3368 = vector.shape_cast %get3A_3367 : vector<16xf32> to vector<16xf32>
          %jit3A_3369 = arith.constant 0.000000e+00 : f32
          %broadcast_in_dim3A_3370 = vector.broadcast %jit3A_3369 : f32 to vector<16xf32>
          %select_n3A_3371 = arith.select %and3A_3358, %abs3A_3365, %broadcast_in_dim3A_3370 : vector<16xi1>, vector<16xf32>
          %add3A_3372 = arith.addf %get3A_3368, %select_n3A_3371 : vector<16xf32>
          %swap3A_3373 = arith.constant 0 : index
          %swap3A_3374 = tpu.vector_load %arg9[%swap3A_3373] {strides = array<i32>} : memref<16xf32, #tpu.memory_space<vmem>>, vector<16xf32>,
          %swap3A_3375 = vector.shape_cast %swap3A_3374 : vector<16xf32> to vector<16xf32>
          %swap3A_3376 = vector.shape_cast %add3A_3372 : vector<16xf32> to vector<16xf32>
          tpu.vector_store %arg9[%swap3A_3373], %swap3A_3376 {strides = array<i32>} : memref<16xf32, #tpu.memory_space<vmem>>, vector<16xf32>,
          %add3A_3377 = arith.constant 3 : i32
          %add3A_3378 = arith.addi %min3A_3277, %add3A_3377 : i32
          %mul3A_3379 = arith.constant 16 : i32
          %mul3A_3380 = arith.muli %add3A_3378, %mul3A_3379 : i32
          %get3A_3381 = arith.index_cast %add3A_3273 : i32 to index
          %get3A_3382 = arith.index_cast %mul3A_3380 : i32 to index
          %get3A_3383 = tpu.vector_load %arg8[%get3A_3381, %get3A_3382] {strides = array<i32>} : memref<128x384xf32, #tpu.memory_space<vmem>>, vector<1x16xf32>,
          %get3A_3384 = vector.shape_cast %get3A_3383 : vector<1x16xf32> to vector<16xf32>
          %add3A_3385 = vector.broadcast %mul3A_3380 : i32 to vector<16xi32>
          %add3A_3386 = arith.addi %add3A_3385, %iota3A : vector<16xi32>
          %ge3A_3387 = vector.broadcast %squeeze3A_3267 : i32 to vector<16xi32>
          %ge3A_3388 = arith.cmpi sge, %add3A_3386, %ge3A_3387 : vector<16xi32>
          %le3A_3389 = vector.broadcast %squeeze3A_3269 : i32 to vector<16xi32>
          %le3A_3390 = arith.cmpi sle, %add3A_3386, %le3A_3389 : vector<16xi32>
          %and3A_3391 = arith.andi %ge3A_3388, %le3A_3390 : vector<16xi1>
          %convert_element_type3A_3392 = arith.sitofp %add3A_3386 : vector<16xi32> to vector<16xf32>
          %mul3A_3393 = vector.broadcast %squeeze3A_3265 : f32 to vector<16xf32>
          %mul3A_3394 = arith.mulf %mul3A_3393, %convert_element_type3A_3392 : vector<16xf32>
          %sub3A_3395 = vector.broadcast %squeeze3A_3263 : f32 to vector<16xf32>
          %sub3A_3396 = arith.subf %sub3A_3395, %mul3A_3394 : vector<16xf32>
          %sub3A_3397 = arith.subf %get3A_3384, %sub3A_3396 : vector<16xf32>
          %abs3A_3398 = math.absf %sub3A_3397 : vector<16xf32>
          %get3A_3399 = arith.constant 0 : index
          %get3A_3400 = tpu.vector_load %arg9[%get3A_3399] {strides = array<i32>} : memref<16xf32, #tpu.memory_space<vmem>>, vector<16xf32>,
          %get3A_3401 = vector.shape_cast %get3A_3400 : vector<16xf32> to vector<16xf32>
          %jit3A_3402 = arith.constant 0.000000e+00 : f32
          %broadcast_in_dim3A_3403 = vector.broadcast %jit3A_3402 : f32 to vector<16xf32>
          %select_n3A_3404 = arith.select %and3A_3391, %abs3A_3398, %broadcast_in_dim3A_3403 : vector<16xi1>, vector<16xf32>
          %add3A_3405 = arith.addf %get3A_3401, %select_n3A_3404 : vector<16xf32>
          %swap3A_3406 = arith.constant 0 : index
          %swap3A_3407 = tpu.vector_load %arg9[%swap3A_3406] {strides = array<i32>} : memref<16xf32, #tpu.memory_space<vmem>>, vector<16xf32>,
          %swap3A_3408 = vector.shape_cast %swap3A_3407 : vector<16xf32> to vector<16xf32>
          %swap3A_3409 = vector.shape_cast %add3A_3405 : vector<16xf32> to vector<16xf32>
          tpu.vector_store %arg9[%swap3A_3406], %swap3A_3409 {strides = array<i32>} : memref<16xf32, #tpu.memory_space<vmem>>, vector<16xf32>,
          %add3A_3410 = arith.constant 4 : i32
          %add3A_3411 = arith.addi %min3A_3277, %add3A_3410 : i32
          %mul3A_3412 = arith.constant 16 : i32
          %mul3A_3413 = arith.muli %add3A_3411, %mul3A_3412 : i32
          %get3A_3414 = arith.index_cast %add3A_3273 : i32 to index
          %get3A_3415 = arith.index_cast %mul3A_3413 : i32 to index
          %get3A_3416 = tpu.vector_load %arg8[%get3A_3414, %get3A_3415] {strides = array<i32>} : memref<128x384xf32, #tpu.memory_space<vmem>>, vector<1x16xf32>,
          %get3A_3417 = vector.shape_cast %get3A_3416 : vector<1x16xf32> to vector<16xf32>
          %add3A_3418 = vector.broadcast %mul3A_3413 : i32 to vector<16xi32>
          %add3A_3419 = arith.addi %add3A_3418, %iota3A : vector<16xi32>
          %ge3A_3420 = vector.broadcast %squeeze3A_3267 : i32 to vector<16xi32>
          %ge3A_3421 = arith.cmpi sge, %add3A_3419, %ge3A_3420 : vector<16xi32>
          %le3A_3422 = vector.broadcast %squeeze3A_3269 : i32 to vector<16xi32>
          %le3A_3423 = arith.cmpi sle, %add3A_3419, %le3A_3422 : vector<16xi32>
          %and3A_3424 = arith.andi %ge3A_3421, %le3A_3423 : vector<16xi1>
          %convert_element_type3A_3425 = arith.sitofp %add3A_3419 : vector<16xi32> to vector<16xf32>
          %mul3A_3426 = vector.broadcast %squeeze3A_3265 : f32 to vector<16xf32>
          %mul3A_3427 = arith.mulf %mul3A_3426, %convert_element_type3A_3425 : vector<16xf32>
          %sub3A_3428 = vector.broadcast %squeeze3A_3263 : f32 to vector<16xf32>
          %sub3A_3429 = arith.subf %sub3A_3428, %mul3A_3427 : vector<16xf32>
          %sub3A_3430 = arith.subf %get3A_3417, %sub3A_3429 : vector<16xf32>
          %abs3A_3431 = math.absf %sub3A_3430 : vector<16xf32>
          %get3A_3432 = arith.constant 0 : index
          %get3A_3433 = tpu.vector_load %arg9[%get3A_3432] {strides = array<i32>} : memref<16xf32, #tpu.memory_space<vmem>>, vector<16xf32>,
          %get3A_3434 = vector.shape_cast %get3A_3433 : vector<16xf32> to vector<16xf32>
          %jit3A_3435 = arith.constant 0.000000e+00 : f32
          %broadcast_in_dim3A_3436 = vector.broadcast %jit3A_3435 : f32 to vector<16xf32>
          %select_n3A_3437 = arith.select %and3A_3424, %abs3A_3431, %broadcast_in_dim3A_3436 : vector<16xi1>, vector<16xf32>
          %add3A_3438 = arith.addf %get3A_3434, %select_n3A_3437 : vector<16xf32>
          %swap3A_3439 = arith.constant 0 : index
          %swap3A_3440 = tpu.vector_load %arg9[%swap3A_3439] {strides = array<i32>} : memref<16xf32, #tpu.memory_space<vmem>>, vector<16xf32>,
          %swap3A_3441 = vector.shape_cast %swap3A_3440 : vector<16xf32> to vector<16xf32>
          %swap3A_3442 = vector.shape_cast %add3A_3438 : vector<16xf32> to vector<16xf32>
          tpu.vector_store %arg9[%swap3A_3439], %swap3A_3442 {strides = array<i32>} : memref<16xf32, #tpu.memory_space<vmem>>, vector<16xf32>,
          %add3A_3443 = arith.constant 5 : i32
          %add3A_3444 = arith.addi %min3A_3277, %add3A_3443 : i32
          %mul3A_3445 = arith.constant 16 : i32
          %mul3A_3446 = arith.muli %add3A_3444, %mul3A_3445 : i32
          %get3A_3447 = arith.index_cast %add3A_3273 : i32 to index
          %get3A_3448 = arith.index_cast %mul3A_3446 : i32 to index
          %get3A_3449 = tpu.vector_load %arg8[%get3A_3447, %get3A_3448] {strides = array<i32>} : memref<128x384xf32, #tpu.memory_space<vmem>>, vector<1x16xf32>,
          %get3A_3450 = vector.shape_cast %get3A_3449 : vector<1x16xf32> to vector<16xf32>
          %add3A_3451 = vector.broadcast %mul3A_3446 : i32 to vector<16xi32>
          %add3A_3452 = arith.addi %add3A_3451, %iota3A : vector<16xi32>
          %ge3A_3453 = vector.broadcast %squeeze3A_3267 : i32 to vector<16xi32>
          %ge3A_3454 = arith.cmpi sge, %add3A_3452, %ge3A_3453 : vector<16xi32>
          %le3A_3455 = vector.broadcast %squeeze3A_3269 : i32 to vector<16xi32>
          %le3A_3456 = arith.cmpi sle, %add3A_3452, %le3A_3455 : vector<16xi32>
          %and3A_3457 = arith.andi %ge3A_3454, %le3A_3456 : vector<16xi1>
          %convert_element_type3A_3458 = arith.sitofp %add3A_3452 : vector<16xi32> to vector<16xf32>
          %mul3A_3459 = vector.broadcast %squeeze3A_3265 : f32 to vector<16xf32>
          %mul3A_3460 = arith.mulf %mul3A_3459, %convert_element_type3A_3458 : vector<16xf32>
          %sub3A_3461 = vector.broadcast %squeeze3A_3263 : f32 to vector<16xf32>
          %sub3A_3462 = arith.subf %sub3A_3461, %mul3A_3460 : vector<16xf32>
          %sub3A_3463 = arith.subf %get3A_3450, %sub3A_3462 : vector<16xf32>
          %abs3A_3464 = math.absf %sub3A_3463 : vector<16xf32>
          %get3A_3465 = arith.constant 0 : index
          %get3A_3466 = tpu.vector_load %arg9[%get3A_3465] {strides = array<i32>} : memref<16xf32, #tpu.memory_space<vmem>>, vector<16xf32>,
          %get3A_3467 = vector.shape_cast %get3A_3466 : vector<16xf32> to vector<16xf32>
          %jit3A_3468 = arith.constant 0.000000e+00 : f32
          %broadcast_in_dim3A_3469 = vector.broadcast %jit3A_3468 : f32 to vector<16xf32>
          %select_n3A_3470 = arith.select %and3A_3457, %abs3A_3464, %broadcast_in_dim3A_3469 : vector<16xi1>, vector<16xf32>
          %add3A_3471 = arith.addf %get3A_3467, %select_n3A_3470 : vector<16xf32>
          %swap3A_3472 = arith.constant 0 : index
          %swap3A_3473 = tpu.vector_load %arg9[%swap3A_3472] {strides = array<i32>} : memref<16xf32, #tpu.memory_space<vmem>>, vector<16xf32>,
          %swap3A_3474 = vector.shape_cast %swap3A_3473 : vector<16xf32> to vector<16xf32>
          %swap3A_3475 = vector.shape_cast %add3A_3471 : vector<16xf32> to vector<16xf32>
          tpu.vector_store %arg9[%swap3A_3472], %swap3A_3475 {strides = array<i32>} : memref<16xf32, #tpu.memory_space<vmem>>, vector<16xf32>,
        }
        %scan3A_28 = arith.constant 8 : i32
      } else {
      }
    }
    %scan3A_8 = arith.constant 2 : i32
    %mul3A_9 = arith.constant 16 : i32
    %mul3A_10 = arith.muli %arg0, %mul3A_9 : i32
    %add3A_11 = arith.addi %mul3A_10, %arg1 : i32
    "tpu.region"() ({
      %run_scoped3A = tpu.sem_alloc : memref<!tpu.dma_semaphore, #tpu.memory_space<semaphore_mem>>
      %dma_start3A = arith.constant 0 : i32
      %dma_start3A_12 = tpu.memref_slice %arg5[%add3A_11, %dma_start3A] : memref<32x16xf32, #tpu.memory_space<hbm>> -> memref<1x16xf32, #tpu.memory_space<hbm>>
      %dma_start3A_13 = tpu.memref_squeeze %dma_start3A_12 : memref<1x16xf32, #tpu.memory_space<hbm>> -> memref<16xf32, #tpu.memory_space<hbm>>
      %dma_start3A_14 = arith.constant 0 : i32
      %dma_start3A_15 = tpu.memref_slice %arg5[%add3A_11, %dma_start3A_14] : memref<32x16xf32, #tpu.memory_space<hbm>> -> memref<1x16xf32, #tpu.memory_space<hbm>>
      %dma_start3A_16 = tpu.memref_squeeze %dma_start3A_15 : memref<1x16xf32, #tpu.memory_space<hbm>> -> memref<16xf32, #tpu.memory_space<hbm>>
      tpu.enqueue_dma source(%arg9 : memref<16xf32, #tpu.memory_space<vmem>>) target(%dma_start3A_16 : memref<16xf32, #tpu.memory_space<hbm>>) target_semaphore(%run_scoped3A : memref<!tpu.dma_semaphore, #tpu.memory_space<semaphore_mem>>)
      %dma_wait3A = arith.constant 0 : i32
      %dma_wait3A_17 = tpu.memref_slice %arg5[%add3A_11, %dma_wait3A] : memref<32x16xf32, #tpu.memory_space<hbm>> -> memref<1x16xf32, #tpu.memory_space<hbm>>
      %dma_wait3A_18 = tpu.memref_squeeze %dma_wait3A_17 : memref<1x16xf32, #tpu.memory_space<hbm>> -> memref<16xf32, #tpu.memory_space<hbm>>
      %dma_wait3A_19 = arith.constant 0 : i32
      %dma_wait3A_20 = tpu.memref_slice %arg5[%add3A_11, %dma_wait3A_19] : memref<32x16xf32, #tpu.memory_space<hbm>> -> memref<1x16xf32, #tpu.memory_space<hbm>>
      %dma_wait3A_21 = tpu.memref_squeeze %dma_wait3A_20 : memref<1x16xf32, #tpu.memory_space<hbm>> -> memref<16xf32, #tpu.memory_space<hbm>>
      tpu.wait_dma2 semaphore(%run_scoped3A : memref<!tpu.dma_semaphore, #tpu.memory_space<semaphore_mem>>) src(%arg9 : memref<16xf32, #tpu.memory_space<vmem>>) dst(%dma_wait3A_21 : memref<16xf32, #tpu.memory_space<hbm>>)
      tpu.yield
    }) : () -> ()
    return
  }
}

module attributes {stable_mosaic.version = 14 : i64} {
  func.func @_combine_body(%arg0: memref<1x1xf32, #tpu.memory_space<smem>>, %arg1: memref<32x16xf32, #tpu.memory_space<vmem>>, %arg2: memref<4x6272xf32, #tpu.memory_space<vmem>>, %arg3: memref<1x1xf32, #tpu.memory_space<smem>>) attributes {dimension_semantics = [], scalar_prefetch = 0 : i64, scratch_operands = 0 : i64, tpu.core_type = #tpu.core_type<tc>} {
    %get3A = arith.constant 0 : index
    %get3A_0 = arith.constant 0 : index
    %get3A_1 = vector.load %arg1[%get3A, %get3A_0] : memref<32x16xf32, #tpu.memory_space<vmem>>, vector<32x16xf32>
    %reduce_sum3A = vector.shape_cast %get3A_1 : vector<32x16xf32> to vector<1x32x16xf32>
    %reduce_sum3A_2 = arith.constant dense<0.000000e+00> : vector<1xf32>
    %reduce_sum3A_3 = vector.multi_reduction <add>, %reduce_sum3A, %reduce_sum3A_2 [1, 2] : vector<1x32x16xf32> to vector<1xf32>
    %reduce_sum3A_4 = vector.shape_cast %reduce_sum3A_3 : vector<1xf32> to vector<1x1x1xf32>
    %reduce_sum3A_5 = vector.extract %reduce_sum3A_4[0, 0, 0] : f32 from vector<1x1x1xf32>
    %get3A_6 = arith.constant 3 : index
    %get3A_7 = arith.constant 0 : index
    %get3A_8 = vector.load %arg2[%get3A_6, %get3A_7] : memref<4x6272xf32, #tpu.memory_space<vmem>>, vector<1x6272xf32>
    %get3A_9 = vector.shape_cast %get3A_8 : vector<1x6272xf32> to vector<6272xf32>
    %get3A_10 = arith.constant 2 : index
    %get3A_11 = arith.constant 0 : index
    %get3A_12 = vector.load %arg2[%get3A_10, %get3A_11] : memref<4x6272xf32, #tpu.memory_space<vmem>>, vector<1x6272xf32>
    %get3A_13 = vector.shape_cast %get3A_12 : vector<1x6272xf32> to vector<6272xf32>
    %sub3A = arith.subf %get3A_9, %get3A_13 : vector<6272xf32>
    %add3A = arith.constant 1.000000e+00 : f32
    %add3A_14 = vector.broadcast %add3A : f32 to vector<6272xf32>
    %add3A_15 = arith.addf %sub3A, %add3A_14 : vector<6272xf32>
    %max3A = arith.constant 0.000000e+00 : f32
    %max3A_16 = vector.broadcast %max3A : f32 to vector<6272xf32>
    %max3A_17 = arith.maximumf %add3A_15, %max3A_16 : vector<6272xf32>
    %reduce_sum3A_18 = vector.shape_cast %max3A_17 : vector<6272xf32> to vector<1x6272xf32>
    %reduce_sum3A_19 = arith.constant dense<0.000000e+00> : vector<1xf32>
    %reduce_sum3A_20 = vector.multi_reduction <add>, %reduce_sum3A_18, %reduce_sum3A_19 [1] : vector<1x6272xf32> to vector<1xf32>
    %reduce_sum3A_21 = vector.shape_cast %reduce_sum3A_20 : vector<1xf32> to vector<1x1xf32>
    %reduce_sum3A_22 = vector.extract %reduce_sum3A_21[0, 0] : f32 from vector<1x1xf32>
    %mul3A = arith.constant 5.000000e-01 : f32
    %mul3A_23 = arith.mulf %reduce_sum3A_22, %mul3A : f32
    %get3A_24 = arith.constant 0 : index
    %get3A_25 = arith.constant 0 : index
    %get3A_26 = memref.load %arg0[%get3A_24, %get3A_25] : memref<1x1xf32, #tpu.memory_space<smem>>
    %mul3A_27 = arith.constant 2.000000e+00 : f32
    %mul3A_28 = arith.mulf %mul3A_27, %get3A_26 : f32
    %div3A = arith.constant 0x4AAB0000 : f32
    %div3A_29 = arith.divf %mul3A_28, %div3A : f32
    %div3A_30 = arith.divf %reduce_sum3A_5, %mul3A_23 : f32
    %add3A_31 = arith.addf %div3A_29, %div3A_30 : f32
    %swap3A = arith.constant 0 : index
    %swap3A_32 = arith.constant 0 : index
    %swap3A_33 = memref.load %arg3[%swap3A, %swap3A_32] : memref<1x1xf32, #tpu.memory_space<smem>>
    memref.store %add3A_31, %arg3[%swap3A, %swap3A_32] : memref<1x1xf32, #tpu.memory_space<smem>>
    return
  }
}

module attributes {stable_mosaic.version = 14 : i64} {
  func.func @_bce_body(%arg0: i32, %arg1: i32, %arg2: memref<2x19xi32, #tpu.memory_space<smem>>, %arg3: memref<2x19xi32, #tpu.memory_space<smem>>, %arg4: memref<1824x384xf32, #tpu.memory_space<vmem>>, %arg5: memref<1x1xf32, #tpu.memory_space<smem>>, %arg6: memref<1xf32, #tpu.memory_space<smem>>) attributes {dimension_semantics = [#tpu.dimension_semantics<arbitrary>, #tpu.dimension_semantics<arbitrary>], iteration_bounds = array<i64: 2, 4>, scalar_prefetch = 0 : i64, scratch_operands = 1 : i64, tpu.core_type = #tpu.core_type<tc>, window_params = [{transform_indices = @transform_0, window_bounds = array<i64: 2, 19>}, {transform_indices = @transform_1, window_bounds = array<i64: 2, 19>}, {transform_indices = @transform_2, window_bounds = array<i64: 1824, 384>}, {transform_indices = @transform_3, window_bounds = array<i64: 1, 1>}]} {
    %iota3A = tpu.iota {dimensions = array<i32: 1>} : vector<16x384xi32>
    %convert_element_type3A = arith.sitofp %iota3A : vector<16x384xi32> to vector<16x384xf32>
    %iota3A_0 = tpu.iota {dimensions = array<i32: 0>} : vector<16x1xi32>
    %convert_element_type3A_1 = arith.sitofp %iota3A_0 : vector<16x1xi32> to vector<16x1xf32>
    %mul3A = arith.constant 1824 : i32
    %mul3A_2 = arith.muli %arg1, %mul3A : i32
    %broadcast_in_dim3A = arith.constant 0.000000e+00 : f32
    %broadcast_in_dim3A_3 = vector.broadcast %broadcast_in_dim3A : f32 to vector<16x384xf32>
    %scan3A = arith.constant 0 : i32
    %scan3A_4 = arith.constant 114 : i32
    %scan3A_5 = arith.addi %scan3A, %scan3A_4 : i32
    %scan3A_6 = arith.constant 1 : i32
    %scan3A_7 = scf.for %scan3A_28 = %scan3A to %scan3A_5 step %scan3A_6 iter_args(%scan3A_29 = %broadcast_in_dim3A_3) -> (vector<16x384xf32>)  : i32 {
      %mul3A_30 = arith.constant 16 : i32
      %mul3A_31 = arith.muli %scan3A_28, %mul3A_30 : i32
      %add3A_32 = arith.addi %mul3A_2, %mul3A_31 : i32
      %div3A = arith.constant 384 : i32
      %div3A_33 = arith.divsi %add3A_32, %div3A : i32
      %mul3A_34 = arith.constant 384 : i32
      %mul3A_35 = arith.muli %div3A_33, %mul3A_34 : i32
      %sub3A = arith.subi %add3A_32, %mul3A_35 : i32
      %get3A_36 = arith.index_cast %arg0 : i32 to index
      %get3A_37 = arith.index_cast %div3A_33 : i32 to index
      %get3A_38 = memref.load %arg2[%get3A_36, %get3A_37] : memref<2x19xi32, #tpu.memory_space<smem>>
      %convert_element_type3A_39 = arith.sitofp %get3A_38 : i32 to f32
      %get3A_40 = arith.index_cast %arg0 : i32 to index
      %get3A_41 = arith.index_cast %div3A_33 : i32 to index
      %get3A_42 = memref.load %arg3[%get3A_40, %get3A_41] : memref<2x19xi32, #tpu.memory_space<smem>>
      %convert_element_type3A_43 = arith.sitofp %get3A_42 : i32 to f32
      %mul3A_44 = arith.constant 16 : i32
      %mul3A_45 = arith.muli %scan3A_28, %mul3A_44 : i32
      %get3A_46 = arith.index_cast %mul3A_45 : i32 to index
      %get3A_47 = arith.constant 0 : index
      %get3A_48 = vector.load %arg4[%get3A_46, %get3A_47] : memref<1824x384xf32, #tpu.memory_space<vmem>>, vector<16x384xf32>
      %sub3A_49 = vector.broadcast %convert_element_type3A_39 : f32 to vector<16x384xf32>
      %sub3A_50 = arith.subf %convert_element_type3A, %sub3A_49 : vector<16x384xf32>
      %convert_element_type3A_51 = arith.sitofp %sub3A : i32 to f32
      %sub3A_52 = arith.subf %convert_element_type3A_51, %convert_element_type3A_43 : f32
      %add3A_53 = vector.broadcast %sub3A_52 : f32 to vector<16x1xf32>
      %add3A_54 = arith.addf %convert_element_type3A_1, %add3A_53 : vector<16x1xf32>
      %mul3A_55 = arith.mulf %add3A_54, %add3A_54 : vector<16x1xf32>
      %mul3A_56 = arith.mulf %sub3A_50, %sub3A_50 : vector<16x384xf32>
      %add3A_57 = vector.broadcast %mul3A_55 : vector<16x1xf32> to vector<16x384xf32>
      %add3A_58 = arith.addf %add3A_57, %mul3A_56 : vector<16x384xf32>
      %le3A = arith.constant 1.600000e+03 : f32
      %le3A_59 = vector.broadcast %le3A : f32 to vector<16x384xf32>
      %le3A_60 = arith.cmpf ole, %add3A_58, %le3A_59 : vector<16x384xf32>
      %max3A = arith.constant 0.000000e+00 : f32
      %max3A_61 = vector.broadcast %max3A : f32 to vector<16x384xf32>
      %max3A_62 = arith.maximumf %get3A_48, %max3A_61 : vector<16x384xf32>
      %abs3A = math.absf %get3A_48 : vector<16x384xf32>
      %neg3A = arith.constant 0.000000e+00 : f32
      %neg3A_63 = vector.broadcast %neg3A : f32 to vector<16x384xf32>
      %neg3A_64 = arith.subf %neg3A_63, %abs3A : vector<16x384xf32>
      %exp3A = math.exp %neg3A_64 : vector<16x384xf32>
      %log1p3A = math.log1p %exp3A : vector<16x384xf32>
      %add3A_65 = arith.addf %max3A_62, %log1p3A : vector<16x384xf32>
      %jit3A = arith.constant 0.000000e+00 : f32
      %broadcast_in_dim3A_66 = vector.broadcast %jit3A : f32 to vector<16x384xf32>
      %select_n3A = arith.select %le3A_60, %get3A_48, %broadcast_in_dim3A_66 : vector<16x384xi1>, vector<16x384xf32>
      %sub3A_67 = arith.subf %add3A_65, %select_n3A : vector<16x384xf32>
      %add3A_68 = arith.addf %scan3A_29, %sub3A_67 : vector<16x384xf32>
      scf.yield %add3A_68 : vector<16x384xf32>
    }
    %scan3A_8 = arith.constant 114 : i32
    %reduce_sum3A = vector.shape_cast %scan3A_7 : vector<16x384xf32> to vector<1x16x384xf32>
    %reduce_sum3A_9 = arith.constant dense<0.000000e+00> : vector<1xf32>
    %reduce_sum3A_10 = vector.multi_reduction <add>, %reduce_sum3A, %reduce_sum3A_9 [1, 2] : vector<1x16x384xf32> to vector<1xf32>
    %reduce_sum3A_11 = vector.shape_cast %reduce_sum3A_10 : vector<1xf32> to vector<1x1x1xf32>
    %reduce_sum3A_12 = vector.extract %reduce_sum3A_11[0, 0, 0] : f32 from vector<1x1x1xf32>
    %eq3A = arith.constant 0 : i32
    %eq3A_13 = arith.cmpi eq, %arg0, %eq3A : i32
    %eq3A_14 = arith.constant 0 : i32
    %eq3A_15 = arith.cmpi eq, %arg1, %eq3A_14 : i32
    %and3A = arith.andi %eq3A_13, %eq3A_15 : i1
    %convert_element_type3A_16 = arith.extui %and3A : i1 to i32
    %cond3A = arith.constant 0 : i32
    %cond3A_17 = arith.cmpi ne, %convert_element_type3A_16, %cond3A : i32
    scf.if %cond3A_17 {
      %swap3A_28 = arith.constant 0.000000e+00 : f32
      %swap3A_29 = arith.constant 0 : index
      %swap3A_30 = memref.load %arg6[%swap3A_29] : memref<1xf32, #tpu.memory_space<smem>>
      memref.store %swap3A_28, %arg6[%swap3A_29] : memref<1xf32, #tpu.memory_space<smem>>
    } else {
    }
    %get3A = arith.constant 0 : index
    %get3A_18 = memref.load %arg6[%get3A] : memref<1xf32, #tpu.memory_space<smem>>
    %add3A = arith.addf %get3A_18, %reduce_sum3A_12 : f32
    %swap3A = arith.constant 0 : index
    %swap3A_19 = memref.load %arg6[%swap3A] : memref<1xf32, #tpu.memory_space<smem>>
    memref.store %add3A, %arg6[%swap3A] : memref<1xf32, #tpu.memory_space<smem>>
    %eq3A_20 = arith.constant 1 : i32
    %eq3A_21 = arith.cmpi eq, %arg0, %eq3A_20 : i32
    %eq3A_22 = arith.constant 3 : i32
    %eq3A_23 = arith.cmpi eq, %arg1, %eq3A_22 : i32
    %and3A_24 = arith.andi %eq3A_21, %eq3A_23 : i1
    %convert_element_type3A_25 = arith.extui %and3A_24 : i1 to i32
    %cond3A_26 = arith.constant 0 : i32
    %cond3A_27 = arith.cmpi ne, %convert_element_type3A_25, %cond3A_26 : i32
    scf.if %cond3A_27 {
      %get3A_28 = arith.constant 0 : index
      %get3A_29 = memref.load %arg6[%get3A_28] : memref<1xf32, #tpu.memory_space<smem>>
      %swap3A_30 = arith.constant 0 : index
      %swap3A_31 = arith.constant 0 : index
      %swap3A_32 = memref.load %arg5[%swap3A_30, %swap3A_31] : memref<1x1xf32, #tpu.memory_space<smem>>
      memref.store %get3A_29, %arg5[%swap3A_30, %swap3A_31] : memref<1x1xf32, #tpu.memory_space<smem>>
    } else {
    }
    return
  }
  func.func @transform_0(%arg0: i32, %arg1: i32) -> (i32, i32) {
    %c0_i32 = arith.constant 0 : i32
    %c0_i32_0 = arith.constant 0 : i32
    %c0_i32_1 = arith.constant 0 : i32
    return %c0_i32, %c0_i32_0 : i32, i32
  }
  func.func @transform_1(%arg0: i32, %arg1: i32) -> (i32, i32) {
    %c0_i32 = arith.constant 0 : i32
    %c0_i32_0 = arith.constant 0 : i32
    %c0_i32_1 = arith.constant 0 : i32
    return %c0_i32, %c0_i32_0 : i32, i32
  }
  func.func @transform_2(%arg0: i32, %arg1: i32) -> (i32, i32) {
    %mul3A = arith.constant 12 : i32
    %mul3A_0 = arith.muli %arg0, %mul3A : i32
    %add3A = arith.addi %mul3A_0, %arg1 : i32
    %c0_i32 = arith.constant 0 : i32
    %c0_i32_1 = arith.constant 0 : i32
    return %add3A, %c0_i32 : i32, i32
  }
  func.func @transform_3(%arg0: i32, %arg1: i32) -> (i32, i32) {
    %c0_i32 = arith.constant 0 : i32
    %c0_i32_0 = arith.constant 0 : i32
    %c0_i32_1 = arith.constant 0 : i32
    return %c0_i32, %c0_i32_0 : i32, i32
  }
}

</mosaic_0001>

<sc_bundles>
// kernel: kernel.5.cloned.1.call-start
scs
__scs_entry_jumppad:
0x0: {  	(pc) =	sbr.rel $0x88, $3  }
0x1: {  	(tag) =	ssettag $0x0;
	lr =	simm.s32 $0x1  }
0x2: {  	[smem:$0x3F9F] =	sst lr;
	_ =	strace $0xD0000000  }
0x3: {  	_ = 	snop  }
0x4: {  	_ = 	snop  }
0x5: {  	_ = 	snop  }
0x6: {  	_ = 	snop  }
0x7: {  	_ = 	snop  }
__scs_overlays_trampoline_lowered:
0x8: {  	[smem:$0x3FAE] =	sst s0  }
0x9: {  	[smem:$0x3FAF] =	sst s1  }
0xa: {  	[smem:$0x3FB0] =	sst s2  }
0xb: {  	[smem:$0x3FB1] =	sst s3  }
0xc: {  	[smem:$0x3FB2] =	sst s4  }
0xd: {  	[smem:$0x3FB3] =	sst s5  }
0xe: {  	[smem:$0x3FB4] =	sst s6  }
0xf: {  	[smem:$0x3FB5] =	sst s7  }
0x10: {  	[smem:$0x3FB6] =	sst s8  }
0x11: {  	[smem:$0x3FB7] =	sst s9;
	s0 =	simm.s32 @!p0 $0x0  }
0x12: {  	s1 =	sld [smem:$0x3F9D];
	s0 =	simm.s32 @p0 $0x1  }
0x13: {  	[smem:$0x3FB8] =	sst s0;
	s0 =	simm.s32 @!p1 $0x0  }
0x14: {  	s2 =	sld [smem:$0x3F9C];
	s0 =	simm.s32 @p1 $0x1  }
0x15: {  	[smem:$0x3FB9] =	sst s0;
	s0 =	simm.s32 @!p2 $0x0  }
0x16: {  	s3 =	sld [smem:$0x3FDB];
	s0 =	simm.s32 @p2 $0x1  }
0x17: {  	s4 =	simm.s32 $0x1BF5;
	[smem:$0x3FBB] =	sst s0  }
0x18: {  	s0 =	sld [smem:$0x3F9E];
	_ =	swait.ge [sflag:s4], $0x0  }
0x19: {  	s7 =	sld [smem:$0x3F9F]  }
0x1a: {  	s8 =	sadd.s32 $0xFFFFE003, lr  }
0x1b: {  	s9 =	sadd.s32 $0xFFFFFEF7, lr;
	s5 =	simm.s32 $0xFFFFFFFF;
	p2 =	slt.u32 s8, $0xFFFFF086  }
0x1c: {  	p1 =	slt.u32 s9, $0xF7A;
	s5 =	simm.s32 @!p2 $0x0  }
0x1d: {  	s5 =	simm.s32 @p1 $0x1;
	p0 =	seq.s32 s7, s2  }
0x1e: {  	s7 =	smul.u32 @!p0 $0xF7A, s2;
	p2 =	seq.s32 @!p0 s5, $0x0  }
0x1f: {  	s9 =	smul.u32 $0xF7A, s1;
	s8 =	simm.s32 @!p0 $0x1BF5;
	p2 =	por !p2, p0  }
0x20: {  	[sflag:s8] =	ssyncset.s32 @!p0 $0xFFFFF086;
	s6 =	sadd.s32 @!p0 s3, s7;
	s7 =	simm.s32 @!p0 $0x108  }
0x21: {  	s3 =	sadd.s32 s3, s9;
	s6 =	sadd.s32 @!p0 $0x88, s6;
	s7 =	simm.s32 @p2 $0x1082  }
0x22: {  	[simem:s7], [sflag:s8] =	dma.local @!p0 [hbm:s6], $0xF7A  }
0x23: {  	s9 =	sor.u32 $0xD0000000, s2;
	s6 =	simm.s32 $0x108;
	_ =	swait.ge @!p0 [sflag:s8], $0x0  }
0x24: {  	s3 =	sadd.s32 $0x88, s3;
	s6 =	simm.s32 @!p1 $0x1082;
	[sflag:s4] =	ssyncset.s32 $0xFFFFF086  }
0x25: {  	[simem:s6], [sflag:s4] =	dma.local [hbm:s3], $0xF7A  }
0x26: {  	[smem:$0x3F9F] =	sst s1;
	(tag) =	ssettag s2;
	_ =	strace s9  }
0x27: {  	s1 =	sld [smem:$0x3FAF]  }
0x28: {  	s2 =	sld [smem:$0x3FB0]  }
0x29: {  	s4 =	sld [smem:$0x3FB2]  }
0x2a: {  	p0 =	seq.s32 s5, $0x0;
	s5 =	sld [smem:$0x3FB3]  }
0x2b: {  	s6 =	sld [smem:$0x3FB4]  }
0x2c: {  	s7 =	sld [smem:$0x3FB5]  }
0x2d: {  	s3 =	simm.s32 $0x108;
	s8 =	sld [smem:$0x3FB6]  }
0x2e: {  	s3 =	simm.s32 @!p0 $0x1082;
	s9 =	sld [smem:$0x3FB7]  }
0x2f: {  	lr =	sadd.s32 s0, s3;
	s0 =	sld [smem:$0x3FAE]  }
0x30: {  	s3 =	sld [smem:$0x3FB1]  }
0x31: {  	[smem:$0x3FBA] =	sst s10  }
0x32: {  	s10 =	sld [smem:$0x3FB8];
	_ =	sdelay $0x3  }
0x33: {  	p0 =	seq.s32 s10, $0x1;
	s10 =	sld [smem:$0x3FBA];
	_ =	sdelay $0x3  }
0x34: {  	[smem:$0x3FBA] =	sst s10  }
0x35: {  	s10 =	sld [smem:$0x3FB9];
	_ =	sdelay $0x3  }
0x36: {  	p1 =	seq.s32 s10, $0x1;
	s10 =	sld [smem:$0x3FBA];
	_ =	sdelay $0x3  }
0x37: {  	[smem:$0x3FBA] =	sst s10  }
0x38: {  	s10 =	sld [smem:$0x3FBB]  }
0x39: {  	_ = 	snop;
	(pc) =	sbr.ind lr, $3  }
0x3a: {  	_ = 	snop  }
0x3b: {  	_ = 	snop  }
0x3c: {  	p2 =	seq.s32 s10, $0x1;
	s10 =	sld [smem:$0x3FBA]  }
0x3d: {  	_ =	shalt  }
0x3e: {  	_ =	shalt  }
0x3f: {  	_ =	shalt  }
0x40: {  	_ =	shalt  }
0x41: {  	_ =	shalt  }
0x42: {  	_ =	shalt  }
0x43: {  	_ =	shalt  }
0x44: {  	_ =	shalt  }
0x45: {  	_ =	shalt  }
0x46: {  	_ =	shalt  }
0x47: {  	_ =	shalt  }
0x48: {  	_ =	shalt  }
0x49: {  	_ =	shalt  }
0x4a: {  	_ =	shalt  }
0x4b: {  	_ =	shalt  }
0x4c: {  	_ =	shalt  }
0x4d: {  	_ =	shalt  }
0x4e: {  	_ =	shalt  }
0x4f: {  	_ =	shalt  }
0x50: {  	_ =	shalt  }
0x51: {  	_ =	shalt  }
0x52: {  	_ =	shalt  }
0x53: {  	_ =	shalt  }
0x54: {  	_ =	shalt  }
0x55: {  	_ =	shalt  }
0x56: {  	_ =	shalt  }
0x57: {  	_ =	shalt  }
0x58: {  	_ =	shalt  }
0x59: {  	_ =	shalt  }
0x5a: {  	_ =	shalt  }
0x5b: {  	_ =	shalt  }
0x5c: {  	_ =	shalt  }
0x5d: {  	_ =	shalt  }
0x5e: {  	_ =	shalt  }
0x5f: {  	_ =	shalt  }
0x60: {  	_ =	shalt  }
0x61: {  	_ =	shalt  }
0x62: {  	_ =	shalt  }
0x63: {  	_ =	shalt  }
0x64: {  	_ =	shalt  }
0x65: {  	_ =	shalt  }
0x66: {  	_ =	shalt  }
0x67: {  	_ =	shalt  }
0x68: {  	_ =	shalt  }
0x69: {  	_ =	shalt  }
0x6a: {  	_ =	shalt  }
0x6b: {  	_ =	shalt  }
0x6c: {  	_ =	shalt  }
0x6d: {  	_ =	shalt  }
0x6e: {  	_ =	shalt  }
0x6f: {  	_ =	shalt  }
0x70: {  	_ =	shalt  }
0x71: {  	_ =	shalt  }
0x72: {  	_ =	shalt  }
0x73: {  	_ =	shalt  }
0x74: {  	_ =	shalt  }
0x75: {  	_ =	shalt  }
0x76: {  	_ =	shalt  }
0x77: {  	_ =	shalt  }
0x78: {  	_ =	shalt  }
0x79: {  	_ =	shalt  }
0x7a: {  	_ =	shalt  }
0x7b: {  	_ =	shalt  }
0x7c: {  	_ =	shalt  }
0x7d: {  	_ =	shalt  }
0x7e: {  	_ =	shalt  }
0x7f: {  	_ =	shalt  }
0x80: {  	_ =	shalt  }
0x81: {  	_ =	shalt  }
0x82: {  	_ =	shalt  }
0x83: {  	_ =	shalt  }
0x84: {  	_ =	shalt  }
0x85: {  	_ =	shalt  }
0x86: {  	_ =	shalt  }
0x87: {  	_ =	shalt  }
.Lfunc_end0:
.L_simem_size_0:
called_computation_lowered:
.L_overlay_start_0:
0x88: {  	s2 =	sld [smem:$0x3FD9]  }
0x89: {  	s3 =	sld [smem:$0x3FFE];
	_ =	sdelay $0x1  }
0x8a: {  	s1 =	srdreg.scid  }
0x8b: {  	s0 =	sand.u32 $0x1, s1  }
0x8c: {  	s17 =	sshll.u32 s0, $0xA;
	s2 =	sadd.s32 s3, s2  }
0x8d: {  	s2 =	sadd.s32 s2, s17  }
0x8e: {  	[smem:$0x3FC6] =	sst s2  }
0x8f: {  	_ = 	snop  }
0x90: {  	s2 =	sld [smem:$0x3FC9];
	(tm) =	ssettm $0x1  }
0x91: {  	s18 =	sld [smem:$0x3FFB];
	_ =	sdelay $0x3  }
0x92: {  	_ =	strace s18  }
0x93: {  	s3 =	sld [smem:$0x3FFC];
	_ =	sdelay $0x3  }
0x94: {  	_ =	strace s3  }
0x95: {  	s3 =	sld [smem:$0x3FFD];
	_ =	sdelay $0x3  }
0x96: {  	_ =	strace s3  }
0x97: {  	_ =	strace $0x8FFFFFFF  }
0x98: {  	s19 =	sld [smem:$0x3FDB];
	_ =	sdelay $0x1  }
0x99: {  	s4 =	simm.s32 $_scs_section_size  }
0x9a: {  	s5 =	simm.s32 $_size__tile_overlayer_lowered;
	s6 =	simm.s32 $_tile_overlayer_lowered  }
0x9b: {  	s22 =	simm.s32 $0x1BFF;
	s21 =	sshll.u32 s6, $0x1;
	s3 =	sadd.s32 s4, s19  }
0x9c: {  	s7 =	simm.s32 $0x0;
	s20 =	sshll.u32 s5, $0x1;
	s5 =	sadd.s32 s21, s3  }
0x9d: {  	[timem:s7], [sflag:s22] =	dma.local [hbm:s5], s20  }
0x9e: {  	_ =	swait.ge [sflag:s22], s20  }
0x9f: {  	s4 =	ssub.s32 $0x0, s20;
	[sflag:s22] =	ssyncset.done $0x0  }
0xa0: {  	[sflag:s22] =	ssyncadd.s32 s4;
	_ =	sdelay $0x1  }
0xa1: {  	s23 =	simm.s32 $0x1B8B  }
0xa2: {  	_ =	swait.ge [sflag:s23], $0x1  }
0xa3: {  	[sflag:s23] =	ssyncset.done $0x0  }
0xa4: {  	s25 =	simm.s32 $0x1B8E;
	s24 =	sld [smem:$0x3FFE];
	[sflag:s23] =	ssyncadd.s32 $0xFFFFFFFF  }
0xa5: {  	s26 =	simm.s32 $execute0_lowered;
	[smem:$0x3FD2] =	sst s25  }
0xa6: {  	s5 =	sshll.u32 s26, $0x1;
	_ =	strace $0x80000046;
	[dreg:$0x1] =	wrdreg $0xFFFFFFFF  }
0xa7: {  	s28 =	simm.s32 $_size_execute0_lowered;
	s3 =	sadd.s32 s3, s5;
	[dreg:$0x0] =	wrdreg $0x0  }
0xa8: {  	s5 =	sshll.u32 s28, $0x1;
	[dreg:$0x2] =	wrdreg s3  }
0xa9: {  	[dreg:$0x3] =	wrdreg s5  }
0xaa: {  	[dreg:$0x4] =	wrdreg $0xC0  }
0xab: {  	_ =	task [dreg:s7], $0x5FFFF  }
0xac: {  	[dreg:$0x1] =	wrdreg $0xFFFFFFFF  }
0xad: {  	[dreg:$0x0] =	wrdreg $0x60  }
0xae: {  	[dreg:$0x2] =	wrdreg s2  }
0xaf: {  	[dreg:$0x3] =	wrdreg s24  }
0xb0: {  	[dreg:$0x4] =	wrdreg $0x9  }
0xb1: {  	_ =	task.clear_ibuf [dreg:s7], $0x5FFFF;
	_ =	strace $0x90000046  }
0xb2: {  	s29 =	simm.s32 $0x9;
	_ =	strace $0x80000048  }
0xb3: {  	_ =	swait.ge [sflag:s29], $0x1  }
0xb4: {  	[sflag:s29] =	ssyncadd.s32 $0xFFFFFFFF  }
0xb5: {  	_ =	strace $0x90000048  }
0xb6: {  	_ =	sfence  }
0xb7: {  	s30 =	sld [smem:$0x0];
	_ =	sdelay $0x2  }
0xb8: {  	s31 =	sshll.u32 s1, $0xD;
	s1 =	sshrl.u32 s1, $0x2  }
0xb9: {  	s3 =	sand.u32 $0x4000, s31;
	s1 =	sadd.s32 s1, s30  }
0xba: {  	s0 =	sor.u32 s3, s0;
	s1 =	sshll.u32 s1, $0x11  }
0xbb: {  	s0 =	sor.u32 s1, s0  }
0xbc: {  	s0 =	sadd.s32 $0x8F2B, s0  }
0xbd: {  	[sflag:s0] =	ssyncadd.remote.s32 $0x1  }
0xbe: {  	_ =	sfence.sel $0xFFFF  }
0xbf: {  	[dreg:$0x0] =	wrdreg $0xFFFFFFFF;
	(pc) =	sbr.abs _section_cstart, $3  }
0xc0: {  	[dreg:$0x1] =	wrdreg $0xFFFFFFFF  }
0xc1: {  	_ =	task.clear_ibuf [dreg:s7], $0x2FFFF;
	_ =	strace $0x9FFFFFFF  }
0xc2: {  	(tm) =	ssettm $0x7FFFFFFF  }
0xc3: {  	_ =	shalt  }
tec
execute0_lowered:
.L_overlay_start_1:
0x0: {  	(tag) =	ssettag $0x1  }
0x1: {  	s1 =	rddreg [dreg:$0x0]  }
0x2: {  	s0 =	rddreg [dreg:$0x1]  }
0x3: {  	s3 =	simm.s32 $0x0;
	s2 =	srdreg.scid;
	s5 =	stileid.u32  }
0x4: {  	s10 =	simm.s32 $0x1;
	s28 =	simm.s32 $0x5E80;
	s29 =	simm.s32 $0x6280  }
0x5: {  	s30 =	simm.s32 $0x6A80;
	s31 =	simm.s32 $0x6E80;
	s9 =	simm.s32 $0x8E80  }
0x6: {  	s11 =	simm.s32 $0x9280;
	s12 =	simm.s32 $0x9A80;
	s13 =	simm.s32 $0x9E80  }
0x7: {  	s14 =	simm.s32 $0xA680;
	s15 =	simm.s32 $0xAA80;
	s16 =	simm.s32 $0xB280  }
0x8: {  	s17 =	simm.s32 $0xB680;
	s18 =	simm.s32 $0xBE80;
	s20 =	simm.s32 $0x0  }
0x9: {  	[smem:$0x7FF] =	sst s3;
	s2 =	sand.u32 $0x1, s2;
	s4 =	sadd.s32 $0xE00, s0  }
0xa: {  	s6 =	sshll.u32 s5, $0x4;
	_ =	strace $0x80000047;
	s22 =	sshll.u32 s2, $0x4  }
0xb: {  	s23 =	sand.u32 $0x70, s6;
	s2 =	ssub.s32 $0x2, s2;
	s6 =	sadd.s32 $0x1200, s0  }
0xc: {  	s5 =	sor.u32 s5, s22;
	s3 =	sadd.s32 s23, s0;
	s7 =	sshrl.u32 s2, $0x1  }
.Ltmp0:
0xd: {  	s24 =	sshll.u32 s5, $0x4;
	s25 =	ssub.s32 s2, s7;
	(pc) =	sbr.rel .LBB2_1-.Ltmp0, $4  }
0xe: {  	s7 =	sadd.s32 $0x100, s1;
	s8 =	sand.u32 $0x180, s24;
	s0 =	smax.u32 s25, $0x1  }
0xf: {  	v0 =	vlaneseq.u32;
	v1 =	vimm.f32 $0.0e+00;
	s26 =	sadd.s32 s8, s3;
	[dreg:$0x4] =	wrdreg s0;
	s0 =	simm.s32 $0x7680  }
0x10: {  	vm0 =	vmmov $0xffff;
	vm1 =	vmmov $0xff;
	v3 =	vshrl.u32 v0, $0x3;
	s3 =	simm.s32 $0x7A80;
	s8 =	simm.s32 $0x8680;
	s2 =	sadd.s32 $0x2000, s26  }
0x11: {  	v2 =	vand.u32 $0x7, v0;
	v4 =	vor.u32 $0x8, v0;
	v3 =	vmul.u32 $0x8, v3;
	s26 =	simm.s32 $0x5680;
	[dreg:$0x3] =	wrdreg s2;
	s2 =	simm.s32 $0x8280  }
.LBB2_6:
0x12: {  	s19 =	simm.s32 $0x0;
	s20 =	rddreg [dreg:$0x3];
	s21 =	simm.s32 $0xC280  }
0x13: {  	[hbm4b:s20+s19] =	stream.linear.scatter [tilespmem:s21], [sflag:$0x1], $0x80, $0x38;
	[tilespmem:$0xC300] =	vst v63  }
0x14: {  	_ =	swait.ge [sflag:s10], $0x80  }
0x15: {  	s24 =	rddreg [dreg:$0x5]  }
0x16: {  	s25 =	rddreg [dreg:$0x4];
	s20 =	sadd.s32 $0x1, s24  }
0x17: {  	p0 =	sne.s32 s20, s25  }
.Ltmp1:
0x18: {  	_ = 	snop;
	(pc) =	sbr.rel @!p0 .LBB2_7-.Ltmp1, $3  }
0x19: {  	_ =	sdelay $0x1  }
0x1a: {  	[sflag:s10] =	ssyncset.done $0x0  }
0x1b: {  	[sflag:s10] =	ssyncadd.s32 $0xFFFFFF80  }
.LBB2_1:
.Ltmp2:
0x1c: {  	(pc) =	sbr.rel .LBB2_2-.Ltmp2, $2  }
0x1d: {  	_ =	sdelay $0x2  }
0x1e: {  	[dreg:$0x5] =	wrdreg s20;
	[tilespmem:$0xC280] =	vst v1;
	p1 =	por $0x1, $0x1;
	s19 =	simm.s32 $0x0  }
.LBB2_5:
.Ltmp3:
0x1f: {  	(pc) =	sbr.rel @!p0 .LBB2_6-.Ltmp3, $2  }
0x20: {  	_ =	sdelay $0x2  }
0x21: {  	s19 =	simm.s32 $0x20;
	p1 =	por $0x0, $0x0  }
.LBB2_2:
0x22: {  	s20 =	sor.u32 s5, s19  }
0x23: {  	p2 =	sgt.u32 s20, $0x30  }
.Ltmp4:
0x24: {  	_ = 	snop;
	(pc) =	sbr.rel @p2 .LBB2_5-.Ltmp4, $2  }
0x25: {  	_ =	sdelay $0x2  }
0x26: {  	p0 =	por p1, p1  }
0x27: {  	s19 =	sshll.u32 s20, $0x4  }
0x28: {  	s21 =	sadd.s32 s4, s19;
	s19 =	simm.s32 $0x0  }
0x29: {  	[tilespmem:s19], [sflag:$0x1] =	stream.linear.gather [hbm4b:s21+s19], $0x80, $0x38;
	[tilespmem:$0xC300] =	vst v63  }
0x2a: {  	_ =	swait.ge [sflag:s10], $0x80  }
0x2b: {  	s24 =	sshll.u32 s20, $0x6;
	[sflag:s10] =	ssyncset.done $0x0  }
0x2c: {  	s25 =	simm.s32 $0x80;
	s20 =	sadd.s32 s6, s24;
	[sflag:s10] =	ssyncadd.s32 $0xFFFFFF80  }
0x2d: {  	[tilespmem:s25], [sflag:$0x1] =	stream.linear.gather [hbm4b:s20+s19], $0x200, $0x38;
	[tilespmem:$0xC300] =	vst v63  }
0x2e: {  	_ =	swait.ge [sflag:s10], $0x200  }
0x2f: {  	[sflag:s10] =	ssyncset.done $0x0  }
0x30: {  	[sflag:s10] =	ssyncadd.s32 $0xFFFFFE00  }
0x31: {  	v5 =	vld [tilespmem:$0x0];
	_ =	sdelay $0x4  }
0x32: {  	v6 =	vshrl.u32 v5, $0x3  }
0x33: {  	v6 =	vmul.u32 $0x18, v6  }
0x34: {  	v5 =	vand.u32 $0x7, v5  }
0x35: {  	v5 =	vor.u32 v5, v6  }
0x36: {  	v6 =	vperm.xlane v5, v2;
	_ =	sdelay $0x1  }
0x37: {  	v6 =	vadd.s32 v3, v6;
	_ =	sdelay $0x1  }
0x38: {  	v5 =	vperm.xlane v5, v4;
	_ =	sdelay $0x1  }
0x39: {  	s22 =	simm.s32 $0x280;
	v5 =	vadd.s32 v3, v5  }
0x3a: {  	[tilespmem:s22], [sflag:$0x1] =	stream.indirect_vreg.gather [hbm4b:s1+s19], $0x80, v6, vm0, $0xb8;
	[tilespmem:$0xC300] =	vst v63  }
0x3b: {  	s23 =	simm.s32 $0xA80  }
0x3c: {  	[tilespmem:s23], [sflag:$0x1] =	stream.indirect_vreg.gather [hbm4b:s7+s19], $0x80, v6, vm1, $0xb8;
	[tilespmem:$0xC300] =	vst v63  }
0x3d: {  	s24 =	simm.s32 $0xE80  }
0x3e: {  	[tilespmem:s24], [sflag:$0x1] =	stream.indirect_vreg.gather [hbm4b:s1+s19], $0x80, v5, vm0, $0xb8;
	[tilespmem:$0xC300] =	vst v63  }
0x3f: {  	s25 =	simm.s32 $0x1680  }
0x40: {  	[tilespmem:s25], [sflag:$0x1] =	stream.indirect_vreg.gather [hbm4b:s7+s19], $0x80, v5, vm1, $0xb8;
	[tilespmem:$0xC300] =	vst v63  }
0x41: {  	v5 =	vld [tilespmem:$0x10];
	_ =	sdelay $0x4  }
0x42: {  	v6 =	vshrl.u32 v5, $0x3  }
0x43: {  	v6 =	vmul.u32 $0x18, v6  }
0x44: {  	v5 =	vand.u32 $0x7, v5  }
0x45: {  	v5 =	vor.u32 v5, v6  }
0x46: {  	v6 =	vperm.xlane v5, v2;
	_ =	sdelay $0x1  }
0x47: {  	v6 =	vadd.s32 v3, v6;
	_ =	sdelay $0x1  }
0x48: {  	v5 =	vperm.xlane v5, v4;
	_ =	sdelay $0x1  }
0x49: {  	s21 =	simm.s32 $0x1A80;
	v5 =	vadd.s32 v3, v5  }
0x4a: {  	[tilespmem:s21], [sflag:$0x1] =	stream.indirect_vreg.gather [hbm4b:s1+s19], $0x80, v6, vm0, $0xb8;
	[tilespmem:$0xC300] =	vst v63  }
0x4b: {  	s22 =	simm.s32 $0x2280  }
0x4c: {  	[tilespmem:s22], [sflag:$0x1] =	stream.indirect_vreg.gather [hbm4b:s7+s19], $0x80, v6, vm1, $0xb8;
	[tilespmem:$0xC300] =	vst v63  }
0x4d: {  	s23 =	simm.s32 $0x2680  }
0x4e: {  	[tilespmem:s23], [sflag:$0x1] =	stream.indirect_vreg.gather [hbm4b:s1+s19], $0x80, v5, vm0, $0xb8;
	[tilespmem:$0xC300] =	vst v63  }
0x4f: {  	s24 =	simm.s32 $0x2E80  }
0x50: {  	[tilespmem:s24], [sflag:$0x1] =	stream.indirect_vreg.gather [hbm4b:s7+s19], $0x80, v5, vm1, $0xb8;
	[tilespmem:$0xC300] =	vst v63  }
0x51: {  	v5 =	vld [tilespmem:$0x20];
	_ =	sdelay $0x4  }
0x52: {  	v6 =	vshrl.u32 v5, $0x3  }
0x53: {  	v6 =	vmul.u32 $0x18, v6  }
0x54: {  	v5 =	vand.u32 $0x7, v5  }
0x55: {  	v5 =	vor.u32 v5, v6  }
0x56: {  	v6 =	vperm.xlane v5, v2;
	_ =	sdelay $0x1  }
0x57: {  	v6 =	vadd.s32 v3, v6;
	_ =	sdelay $0x1  }
0x58: {  	v5 =	vperm.xlane v5, v4;
	_ =	sdelay $0x1  }
0x59: {  	s25 =	simm.s32 $0x3280;
	v5 =	vadd.s32 v3, v5  }
0x5a: {  	[tilespmem:s25], [sflag:$0x1] =	stream.indirect_vreg.gather [hbm4b:s1+s19], $0x80, v6, vm0, $0xb8;
	[tilespmem:$0xC300] =	vst v63  }
0x5b: {  	s21 =	simm.s32 $0x3A80  }
0x5c: {  	[tilespmem:s21], [sflag:$0x1] =	stream.indirect_vreg.gather [hbm4b:s7+s19], $0x80, v6, vm1, $0xb8;
	[tilespmem:$0xC300] =	vst v63  }
0x5d: {  	s22 =	simm.s32 $0x3E80  }
0x5e: {  	[tilespmem:s22], [sflag:$0x1] =	stream.indirect_vreg.gather [hbm4b:s1+s19], $0x80, v5, vm0, $0xb8;
	[tilespmem:$0xC300] =	vst v63  }
0x5f: {  	s23 =	simm.s32 $0x4680  }
0x60: {  	[tilespmem:s23], [sflag:$0x1] =	stream.indirect_vreg.gather [hbm4b:s7+s19], $0x80, v5, vm1, $0xb8;
	[tilespmem:$0xC300] =	vst v63  }
0x61: {  	v5 =	vld [tilespmem:$0x30];
	_ =	sdelay $0x4  }
0x62: {  	v6 =	vshrl.u32 v5, $0x3  }
0x63: {  	v6 =	vmul.u32 $0x18, v6  }
0x64: {  	v5 =	vand.u32 $0x7, v5  }
0x65: {  	v5 =	vor.u32 v5, v6  }
0x66: {  	v6 =	vperm.xlane v5, v2;
	_ =	sdelay $0x1  }
0x67: {  	v6 =	vadd.s32 v3, v6;
	_ =	sdelay $0x1  }
0x68: {  	v5 =	vperm.xlane v5, v4;
	_ =	sdelay $0x1  }
0x69: {  	s24 =	simm.s32 $0x4A80;
	v5 =	vadd.s32 v3, v5  }
0x6a: {  	[tilespmem:s24], [sflag:$0x1] =	stream.indirect_vreg.gather [hbm4b:s1+s19], $0x80, v6, vm0, $0xb8;
	[tilespmem:$0xC300] =	vst v63  }
0x6b: {  	s25 =	simm.s32 $0x5280  }
0x6c: {  	[tilespmem:s25], [sflag:$0x1] =	stream.indirect_vreg.gather [hbm4b:s7+s19], $0x80, v6, vm1, $0xb8;
	[tilespmem:$0xC300] =	vst v63  }
0x6d: {  	_ = 	snop  }
0x6e: {  	[tilespmem:s26], [sflag:$0x1] =	stream.indirect_vreg.gather [hbm4b:s1+s19], $0x80, v5, vm0, $0xb8;
	[tilespmem:$0xC300] =	vst v63  }
0x6f: {  	_ = 	snop  }
0x70: {  	[tilespmem:s28], [sflag:$0x1] =	stream.indirect_vreg.gather [hbm4b:s7+s19], $0x80, v5, vm1, $0xb8;
	[tilespmem:$0xC300] =	vst v63  }
0x71: {  	v5 =	vld [tilespmem:$0x40];
	_ =	sdelay $0x4  }
0x72: {  	v6 =	vshrl.u32 v5, $0x3  }
0x73: {  	v6 =	vmul.u32 $0x18, v6  }
0x74: {  	v5 =	vand.u32 $0x7, v5  }
0x75: {  	v5 =	vor.u32 v5, v6  }
0x76: {  	v6 =	vperm.xlane v5, v2;
	_ =	sdelay $0x1  }
0x77: {  	v6 =	vadd.s32 v3, v6;
	_ =	sdelay $0x1  }
0x78: {  	v5 =	vperm.xlane v5, v4;
	_ =	sdelay $0x1  }
0x79: {  	v5 =	vadd.s32 v3, v5  }
0x7a: {  	[tilespmem:s29], [sflag:$0x1] =	stream.indirect_vreg.gather [hbm4b:s1+s19], $0x80, v6, vm0, $0xb8;
	[tilespmem:$0xC300] =	vst v63  }
0x7b: {  	_ = 	snop  }
0x7c: {  	[tilespmem:s30], [sflag:$0x1] =	stream.indirect_vreg.gather [hbm4b:s7+s19], $0x80, v6, vm1, $0xb8;
	[tilespmem:$0xC300] =	vst v63  }
0x7d: {  	_ = 	snop  }
0x7e: {  	[tilespmem:s31], [sflag:$0x1] =	stream.indirect_vreg.gather [hbm4b:s1+s19], $0x80, v5, vm0, $0xb8;
	[tilespmem:$0xC300] =	vst v63  }
0x7f: {  	_ = 	snop  }
0x80: {  	[tilespmem:s0], [sflag:$0x1] =	stream.indirect_vreg.gather [hbm4b:s7+s19], $0x80, v5, vm1, $0xb8;
	[tilespmem:$0xC300] =	vst v63  }
0x81: {  	v5 =	vld [tilespmem:$0x50];
	_ =	sdelay $0x4  }
0x82: {  	v6 =	vshrl.u32 v5, $0x3  }
0x83: {  	v6 =	vmul.u32 $0x18, v6  }
0x84: {  	v5 =	vand.u32 $0x7, v5  }
0x85: {  	v5 =	vor.u32 v5, v6  }
0x86: {  	v6 =	vperm.xlane v5, v2;
	_ =	sdelay $0x1  }
0x87: {  	v6 =	vadd.s32 v3, v6;
	_ =	sdelay $0x1  }
0x88: {  	v5 =	vperm.xlane v5, v4;
	_ =	sdelay $0x1  }
0x89: {  	v5 =	vadd.s32 v3, v5  }
0x8a: {  	[tilespmem:s3], [sflag:$0x1] =	stream.indirect_vreg.gather [hbm4b:s1+s19], $0x80, v6, vm0, $0xb8;
	[tilespmem:$0xC300] =	vst v63  }
0x8b: {  	_ = 	snop  }
0x8c: {  	[tilespmem:s2], [sflag:$0x1] =	stream.indirect_vreg.gather [hbm4b:s7+s19], $0x80, v6, vm1, $0xb8;
	[tilespmem:$0xC300] =	vst v63  }
0x8d: {  	_ = 	snop  }
0x8e: {  	[tilespmem:s8], [sflag:$0x1] =	stream.indirect_vreg.gather [hbm4b:s1+s19], $0x80, v5, vm0, $0xb8;
	[tilespmem:$0xC300] =	vst v63  }
0x8f: {  	_ = 	snop  }
0x90: {  	[tilespmem:s9], [sflag:$0x1] =	stream.indirect_vreg.gather [hbm4b:s7+s19], $0x80, v5, vm1, $0xb8;
	[tilespmem:$0xC300] =	vst v63  }
0x91: {  	v5 =	vld [tilespmem:$0x60];
	_ =	sdelay $0x4  }
0x92: {  	v6 =	vshrl.u32 v5, $0x3  }
0x93: {  	v6 =	vmul.u32 $0x18, v6  }
0x94: {  	v5 =	vand.u32 $0x7, v5  }
0x95: {  	v5 =	vor.u32 v5, v6  }
0x96: {  	v6 =	vperm.xlane v5, v2;
	_ =	sdelay $0x1  }
0x97: {  	v6 =	vadd.s32 v3, v6;
	_ =	sdelay $0x1  }
0x98: {  	v5 =	vperm.xlane v5, v4;
	_ =	sdelay $0x1  }
0x99: {  	v5 =	vadd.s32 v3, v5  }
0x9a: {  	[tilespmem:s11], [sflag:$0x1] =	stream.indirect_vreg.gather [hbm4b:s1+s19], $0x80, v6, vm0, $0xb8;
	[tilespmem:$0xC300] =	vst v63  }
0x9b: {  	_ = 	snop  }
0x9c: {  	[tilespmem:s12], [sflag:$0x1] =	stream.indirect_vreg.gather [hbm4b:s7+s19], $0x80, v6, vm1, $0xb8;
	[tilespmem:$0xC300] =	vst v63  }
0x9d: {  	_ = 	snop  }
0x9e: {  	[tilespmem:s13], [sflag:$0x1] =	stream.indirect_vreg.gather [hbm4b:s1+s19], $0x80, v5, vm0, $0xb8;
	[tilespmem:$0xC300] =	vst v63  }
0x9f: {  	_ = 	snop  }
0xa0: {  	[tilespmem:s14], [sflag:$0x1] =	stream.indirect_vreg.gather [hbm4b:s7+s19], $0x80, v5, vm1, $0xb8;
	[tilespmem:$0xC300] =	vst v63  }
0xa1: {  	v5 =	vld [tilespmem:$0x70];
	_ =	sdelay $0x4  }
0xa2: {  	v6 =	vshrl.u32 v5, $0x3  }
0xa3: {  	v6 =	vmul.u32 $0x18, v6  }
0xa4: {  	v5 =	vand.u32 $0x7, v5  }
0xa5: {  	v5 =	vor.u32 v5, v6  }
0xa6: {  	v6 =	vperm.xlane v5, v2;
	_ =	sdelay $0x1  }
0xa7: {  	v6 =	vadd.s32 v3, v6;
	_ =	sdelay $0x1  }
0xa8: {  	v5 =	vperm.xlane v5, v4;
	_ =	sdelay $0x1  }
0xa9: {  	v5 =	vadd.s32 v3, v5  }
0xaa: {  	[tilespmem:s15], [sflag:$0x1] =	stream.indirect_vreg.gather [hbm4b:s1+s19], $0x80, v6, vm0, $0xb8;
	[tilespmem:$0xC300] =	vst v63  }
0xab: {  	_ = 	snop  }
0xac: {  	[tilespmem:s16], [sflag:$0x1] =	stream.indirect_vreg.gather [hbm4b:s7+s19], $0x80, v6, vm1, $0xb8;
	[tilespmem:$0xC300] =	vst v63  }
0xad: {  	_ = 	snop  }
0xae: {  	[tilespmem:s17], [sflag:$0x1] =	stream.indirect_vreg.gather [hbm4b:s1+s19], $0x80, v5, vm0, $0xb8;
	[tilespmem:$0xC300] =	vst v63  }
0xaf: {  	_ = 	snop  }
0xb0: {  	[tilespmem:s18], [sflag:$0x1] =	stream.indirect_vreg.gather [hbm4b:s7+s19], $0x80, v5, vm1, $0xb8;
	[tilespmem:$0xC300] =	vst v63  }
0xb1: {  	_ =	swait.ge [sflag:s10], $0xC000  }
0xb2: {  	[sflag:s10] =	ssyncset.done $0x0  }
0xb3: {  	[sflag:s10] =	ssyncadd.s32 $0xFFFF4000  }
0xb4: {  	s20 =	simm.s32 $0x180;
	v10 =	vld [tilespmem:$0xC280]  }
.LBB2_4:
0xb5: {  	v5 =	vld [tilespmem:s20+$0x0];
	_ =	sdelay $0x4  }
0xb6: {  	v5 =	vtrunc.f32 v5  }
0xb7: {  	v5 =	vcvt.f32.s32 v5;
	_ =	sdelay $0x1  }
0xb8: {  	v9 =	vshra.s32 v5, $0x4  }
0xb9: {  	(v2sf) =	vpush v9, $0x0;
	_ =	sdelay $0xe  }
0xba: {  	s21 =	spop (v2sf)  }
0xbb: {  	p1 =	slt.s32 s21, $0x12  }
0xbc: {  	v6 =	vld [tilespmem:s20+$0xFFFFFF80];
	s21 =	simm.s32 @!p1 $0x12  }
0xbd: {  	v8 =	vld [tilespmem:s20+$0x80];
	s22 =	sshll.u32 s21, $0x9;
	s23 =	sand.u32 $0x7, s21  }
0xbe: {  	v7 =	vld [tilespmem:s20+$0xFFFFFF00];
	s24 =	sand.u32 $0xFFFFF000, s22;
	s23 =	sshll.u32 s23, $0x6  }
0xbf: {  	s22 =	sshll.u32 s21, $0x4;
	s23 =	sor.u32 s23, s24  }
0xc0: {  	s21 =	sshra.s32 s19, $0x2;
	v11 =	vor.u32 s22, v0;
	s23 =	sshra.s32 s23, $0x2  }
0xc1: {  	v13 =	vbroadcast v6, $0x0;
	v12 =	vcvt.s32.f32 v11;
	s23 =	sadd.s32 s21, s23  }
0xc2: {  	v8 =	vtrunc.f32 v8;
	v14 =	vld [tilespmem:s23+$0x280]  }
0xc3: {  	v15 =	vbroadcast v7, $0x0;
	v12 =	vmul.f32 v12, v13  }
0xc4: {  	v8 =	vcvt.f32.s32 v8  }
0xc5: {  	v12 =	vsub.f32 v15, v12  }
0xc6: {  	v16 =	vbroadcast v5, $0x0;
	v17 =	vbroadcast v8, $0x0  }
0xc7: {  	v12 =	vsub.f32 v14, v12  }
0xc8: {  	vm2 =	vge.s32 v11, v16;
	vm3 =	vle.s32 v11, v17;
	s23 =	sadd.s32 $0x10, s22  }
0xc9: {  	vm2 =	vmand vm2, vm3;
	s24 =	sshll.u32 s23, $0x5;
	s25 =	sshll.u32 s23, $0x2;
	v11 =	vand.u32 $0x7FFFFFFF, v12  }
0xca: {  	s24 =	sand.u32 $0xFFFFF000, s24;
	s25 =	sand.u32 $0x1C0, s25;
	v11 =	vnsel vm2, $0x0, v11  }
0xcb: {  	s24 =	sor.u32 s25, s24;
	v10 =	vadd.f32 v11, v10  }
0xcc: {  	s24 =	sshra.s32 s24, $0x2;
	v11 =	vor.u32 s23, v0  }
0xcd: {  	s24 =	sadd.s32 s21, s24;
	v55 =	vcvt.s32.f32 v11;
	[tilespmem:$0xC280] =	vst v10  }
0xce: {  	v56 =	vld [tilespmem:s24+$0x280]  }
0xcf: {  	v12 =	vmul.f32 v55, v13;
	_ =	sdelay $0x1  }
0xd0: {  	v12 =	vsub.f32 v15, v12;
	_ =	sdelay $0x1  }
0xd1: {  	v12 =	vsub.f32 v56, v12  }
0xd2: {  	s23 =	sadd.s32 $0x20, s22;
	vm2 =	vge.s32 v11, v16;
	vm3 =	vle.s32 v11, v17  }
0xd3: {  	s25 =	sshll.u32 s23, $0x2;
	vm2 =	vmand vm2, vm3;
	s24 =	sshll.u32 s23, $0x5;
	v11 =	vand.u32 $0x7FFFFFFF, v12  }
0xd4: {  	s25 =	sand.u32 $0x1C0, s25;
	s24 =	sand.u32 $0xFFFFF000, s24;
	v11 =	vnsel vm2, $0x0, v11  }
0xd5: {  	s24 =	sor.u32 s25, s24;
	v10 =	vadd.f32 v11, v10  }
0xd6: {  	s24 =	sshra.s32 s24, $0x2;
	v11 =	vor.u32 s23, v0  }
0xd7: {  	s25 =	sadd.s32 s21, s24;
	v57 =	vcvt.s32.f32 v11;
	[tilespmem:$0xC280] =	vst v10  }
0xd8: {  	v58 =	vld [tilespmem:s25+$0x280]  }
0xd9: {  	v12 =	vmul.f32 v57, v13;
	_ =	sdelay $0x1  }
0xda: {  	v12 =	vsub.f32 v15, v12;
	_ =	sdelay $0x1  }
0xdb: {  	v12 =	vsub.f32 v58, v12  }
0xdc: {  	s23 =	sadd.s32 $0x30, s22;
	vm2 =	vge.s32 v11, v16;
	vm3 =	vle.s32 v11, v17  }
0xdd: {  	s24 =	sshll.u32 s23, $0x5;
	vm2 =	vmand vm2, vm3;
	s25 =	sshll.u32 s23, $0x2;
	v11 =	vand.u32 $0x7FFFFFFF, v12  }
0xde: {  	s24 =	sand.u32 $0xFFFFF000, s24;
	s25 =	sand.u32 $0x1C0, s25;
	v11 =	vnsel vm2, $0x0, v11  }
0xdf: {  	s24 =	sor.u32 s25, s24;
	v10 =	vadd.f32 v10, v11  }
0xe0: {  	s24 =	sshra.s32 s24, $0x2;
	v11 =	vor.u32 s23, v0  }
0xe1: {  	s24 =	sadd.s32 s21, s24;
	v59 =	vcvt.s32.f32 v11;
	[tilespmem:$0xC280] =	vst v10  }
0xe2: {  	v60 =	vld [tilespmem:s24+$0x280]  }
0xe3: {  	v12 =	vmul.f32 v59, v13;
	_ =	sdelay $0x1  }
0xe4: {  	v12 =	vsub.f32 v15, v12;
	_ =	sdelay $0x1  }
0xe5: {  	v12 =	vsub.f32 v60, v12  }
0xe6: {  	s23 =	sadd.s32 $0x40, s22;
	vm2 =	vge.s32 v11, v16;
	vm3 =	vle.s32 v11, v17  }
0xe7: {  	s25 =	sshll.u32 s23, $0x2;
	vm2 =	vmand vm2, vm3;
	s24 =	sshll.u32 s23, $0x5;
	v11 =	vand.u32 $0x7FFFFFFF, v12  }
0xe8: {  	s25 =	sand.u32 $0x1C0, s25;
	s24 =	sand.u32 $0xFFFFF000, s24;
	v11 =	vnsel vm2, $0x0, v11  }
0xe9: {  	s24 =	sor.u32 s25, s24;
	v10 =	vadd.f32 v10, v11  }
0xea: {  	s24 =	sshra.s32 s24, $0x2;
	v11 =	vor.u32 s23, v0  }
0xeb: {  	s25 =	sadd.s32 s21, s24;
	v61 =	vcvt.s32.f32 v11;
	[tilespmem:$0xC280] =	vst v10  }
0xec: {  	v62 =	vld [tilespmem:s25+$0x280]  }
0xed: {  	(v2sf) =	vpush v9, $0x1;
	v12 =	vmul.f32 v61, v13;
	_ =	sdelay $0x1  }
0xee: {  	v12 =	vsub.f32 v15, v12;
	_ =	sdelay $0x1  }
0xef: {  	v12 =	vsub.f32 v62, v12  }
0xf0: {  	s22 =	sadd.s32 $0x50, s22;
	vm2 =	vge.s32 v11, v16;
	vm3 =	vle.s32 v11, v17  }
0xf1: {  	s24 =	sshll.u32 s22, $0x5;
	vm2 =	vmand vm2, vm3;
	s25 =	sshll.u32 s22, $0x2;
	v11 =	vand.u32 $0x7FFFFFFF, v12  }
0xf2: {  	s23 =	sand.u32 $0xFFFFF000, s24;
	s24 =	sand.u32 $0x1C0, s25;
	v11 =	vnsel vm2, $0x0, v11  }
0xf3: {  	s23 =	sor.u32 s24, s23;
	v10 =	vadd.f32 v10, v11  }
0xf4: {  	s23 =	sshra.s32 s23, $0x2;
	v11 =	vor.u32 s22, v0  }
0xf5: {  	s23 =	sadd.s32 s21, s23;
	v63 =	vcvt.s32.f32 v11;
	[tilespmem:$0xC280] =	vst v10  }
0xf6: {  	v18 =	vld [tilespmem:s23+$0x280]  }
0xf7: {  	v12 =	vmul.f32 v63, v13;
	_ =	sdelay $0x1  }
0xf8: {  	v12 =	vsub.f32 v15, v12  }
0xf9: {  	s22 =	spop (v2sf)  }
0xfa: {  	p1 =	slt.s32 s22, $0x12;
	v12 =	vsub.f32 v18, v12  }
0xfb: {  	vm2 =	vge.s32 v11, v16;
	vm3 =	vle.s32 v11, v17;
	s22 =	simm.s32 @!p1 $0x12  }
0xfc: {  	vm2 =	vmand vm2, vm3;
	s24 =	sshll.u32 s22, $0x9;
	s25 =	sand.u32 $0x7, s22;
	v11 =	vand.u32 $0x7FFFFFFF, v12  }
0xfd: {  	s23 =	sand.u32 $0xFFFFF000, s24;
	s24 =	sshll.u32 s25, $0x6;
	v11 =	vnsel vm2, $0x0, v11  }
0xfe: {  	s22 =	sshll.u32 s22, $0x4;
	s23 =	sor.u32 s24, s23;
	v10 =	vadd.f32 v10, v11  }
0xff: {  	s23 =	sshra.s32 s23, $0x2;
	v11 =	vor.u32 s22, v0  }
0x100: {  	v20 =	vbroadcast v6, $0x1;
	s23 =	sadd.s32 s21, s23;
	v19 =	vcvt.s32.f32 v11;
	[tilespmem:$0xC280] =	vst v10  }
0x101: {  	v21 =	vld [tilespmem:s23+$0x300]  }
0x102: {  	v22 =	vbroadcast v7, $0x1;
	v12 =	vmul.f32 v19, v20;
	_ =	sdelay $0x1  }
0x103: {  	v12 =	vsub.f32 v22, v12  }
0x104: {  	v23 =	vbroadcast v5, $0x1;
	v24 =	vbroadcast v8, $0x1  }
0x105: {  	v12 =	vsub.f32 v21, v12  }
0x106: {  	vm2 =	vge.s32 v11, v23;
	vm3 =	vle.s32 v11, v24;
	s23 =	sadd.s32 $0x10, s22  }
0x107: {  	vm2 =	vmand vm2, vm3;
	s24 =	sshll.u32 s23, $0x5;
	s25 =	sshll.u32 s23, $0x2;
	v11 =	vand.u32 $0x7FFFFFFF, v12  }
0x108: {  	s24 =	sand.u32 $0xFFFFF000, s24;
	s25 =	sand.u32 $0x1C0, s25;
	v11 =	vnsel vm2, $0x0, v11  }
0x109: {  	s24 =	sor.u32 s25, s24;
	v10 =	vadd.f32 v10, v11  }
0x10a: {  	s24 =	sshra.s32 s24, $0x2;
	v11 =	vor.u32 s23, v0  }
0x10b: {  	s24 =	sadd.s32 s21, s24;
	v25 =	vcvt.s32.f32 v11;
	[tilespmem:$0xC280] =	vst v10  }
0x10c: {  	v26 =	vld [tilespmem:s24+$0x300]  }
0x10d: {  	v12 =	vmul.f32 v25, v20;
	_ =	sdelay $0x1  }
0x10e: {  	v12 =	vsub.f32 v22, v12;
	_ =	sdelay $0x1  }
0x10f: {  	v12 =	vsub.f32 v26, v12  }
0x110: {  	s23 =	sadd.s32 $0x20, s22;
	vm2 =	vge.s32 v11, v23;
	vm3 =	vle.s32 v11, v24  }
0x111: {  	s25 =	sshll.u32 s23, $0x2;
	vm2 =	vmand vm2, vm3;
	s24 =	sshll.u32 s23, $0x5;
	v11 =	vand.u32 $0x7FFFFFFF, v12  }
0x112: {  	s25 =	sand.u32 $0x1C0, s25;
	s24 =	sand.u32 $0xFFFFF000, s24;
	v11 =	vnsel vm2, $0x0, v11  }
0x113: {  	s24 =	sor.u32 s25, s24;
	v10 =	vadd.f32 v10, v11  }
0x114: {  	s24 =	sshra.s32 s24, $0x2;
	v11 =	vor.u32 s23, v0  }
0x115: {  	s25 =	sadd.s32 s21, s24;
	v27 =	vcvt.s32.f32 v11;
	[tilespmem:$0xC280] =	vst v10  }
0x116: {  	v28 =	vld [tilespmem:s25+$0x300]  }
0x117: {  	v12 =	vmul.f32 v27, v20;
	_ =	sdelay $0x1  }
0x118: {  	v12 =	vsub.f32 v22, v12;
	_ =	sdelay $0x1  }
0x119: {  	v12 =	vsub.f32 v28, v12  }
0x11a: {  	s23 =	sadd.s32 $0x30, s22;
	vm2 =	vge.s32 v11, v23;
	vm3 =	vle.s32 v11, v24  }
0x11b: {  	s24 =	sshll.u32 s23, $0x5;
	vm2 =	vmand vm2, vm3;
	s25 =	sshll.u32 s23, $0x2;
	v11 =	vand.u32 $0x7FFFFFFF, v12  }
0x11c: {  	s24 =	sand.u32 $0xFFFFF000, s24;
	s25 =	sand.u32 $0x1C0, s25;
	v11 =	vnsel vm2, $0x0, v11  }
0x11d: {  	s24 =	sor.u32 s25, s24;
	v10 =	vadd.f32 v11, v10  }
0x11e: {  	s24 =	sshra.s32 s24, $0x2;
	v11 =	vor.u32 s23, v0  }
0x11f: {  	s24 =	sadd.s32 s21, s24;
	v29 =	vcvt.s32.f32 v11;
	[tilespmem:$0xC280] =	vst v10  }
0x120: {  	v30 =	vld [tilespmem:s24+$0x300]  }
0x121: {  	v12 =	vmul.f32 v29, v20;
	_ =	sdelay $0x1  }
0x122: {  	v12 =	vsub.f32 v22, v12;
	_ =	sdelay $0x1  }
0x123: {  	v12 =	vsub.f32 v30, v12  }
0x124: {  	s23 =	sadd.s32 $0x40, s22;
	vm2 =	vge.s32 v11, v23;
	vm3 =	vle.s32 v11, v24  }
0x125: {  	s25 =	sshll.u32 s23, $0x2;
	vm2 =	vmand vm2, vm3;
	s24 =	sshll.u32 s23, $0x5;
	v11 =	vand.u32 $0x7FFFFFFF, v12  }
0x126: {  	s25 =	sand.u32 $0x1C0, s25;
	s24 =	sand.u32 $0xFFFFF000, s24;
	v11 =	vnsel vm2, $0x0, v11  }
0x127: {  	s24 =	sor.u32 s25, s24;
	v10 =	vadd.f32 v11, v10  }
0x128: {  	s24 =	sshra.s32 s24, $0x2;
	v11 =	vor.u32 s23, v0  }
0x129: {  	s25 =	sadd.s32 s21, s24;
	v31 =	vcvt.s32.f32 v11;
	[tilespmem:$0xC280] =	vst v10  }
0x12a: {  	v32 =	vld [tilespmem:s25+$0x300]  }
0x12b: {  	(v2sf) =	vpush v9, $0x2;
	v12 =	vmul.f32 v31, v20;
	_ =	sdelay $0x1  }
0x12c: {  	v12 =	vsub.f32 v22, v12;
	_ =	sdelay $0x1  }
0x12d: {  	v12 =	vsub.f32 v32, v12  }
0x12e: {  	s22 =	sadd.s32 $0x50, s22;
	vm2 =	vge.s32 v11, v23;
	vm3 =	vle.s32 v11, v24  }
0x12f: {  	s24 =	sshll.u32 s22, $0x5;
	vm2 =	vmand vm2, vm3;
	s25 =	sshll.u32 s22, $0x2;
	v11 =	vand.u32 $0x7FFFFFFF, v12  }
0x130: {  	s23 =	sand.u32 $0xFFFFF000, s24;
	s24 =	sand.u32 $0x1C0, s25;
	v11 =	vnsel vm2, $0x0, v11  }
0x131: {  	s23 =	sor.u32 s24, s23;
	v10 =	vadd.f32 v11, v10  }
0x132: {  	s23 =	sshra.s32 s23, $0x2;
	v11 =	vor.u32 s22, v0  }
0x133: {  	s23 =	sadd.s32 s21, s23;
	v33 =	vcvt.s32.f32 v11;
	[tilespmem:$0xC280] =	vst v10  }
0x134: {  	v34 =	vld [tilespmem:s23+$0x300]  }
0x135: {  	v12 =	vmul.f32 v33, v20;
	_ =	sdelay $0x1  }
0x136: {  	v12 =	vsub.f32 v22, v12  }
0x137: {  	s22 =	spop (v2sf)  }
0x138: {  	p1 =	slt.s32 s22, $0x12;
	v12 =	vsub.f32 v34, v12  }
0x139: {  	vm2 =	vge.s32 v11, v23;
	vm3 =	vle.s32 v11, v24;
	s22 =	simm.s32 @!p1 $0x12  }
0x13a: {  	vm2 =	vmand vm2, vm3;
	s24 =	sshll.u32 s22, $0x9;
	s25 =	sand.u32 $0x7, s22;
	v11 =	vand.u32 $0x7FFFFFFF, v12  }
0x13b: {  	s23 =	sand.u32 $0xFFFFF000, s24;
	s24 =	sshll.u32 s25, $0x6;
	v11 =	vnsel vm2, $0x0, v11  }
0x13c: {  	s22 =	sshll.u32 s22, $0x4;
	s23 =	sor.u32 s24, s23;
	v10 =	vadd.f32 v11, v10  }
0x13d: {  	s23 =	sshra.s32 s23, $0x2;
	v11 =	vor.u32 s22, v0  }
0x13e: {  	v36 =	vbroadcast v6, $0x2;
	s23 =	sadd.s32 s21, s23;
	v35 =	vcvt.s32.f32 v11;
	[tilespmem:$0xC280] =	vst v10  }
0x13f: {  	v37 =	vld [tilespmem:s23+$0x380]  }
0x140: {  	v38 =	vbroadcast v7, $0x2;
	v12 =	vmul.f32 v35, v36;
	_ =	sdelay $0x1  }
0x141: {  	v12 =	vsub.f32 v38, v12  }
0x142: {  	v39 =	vbroadcast v5, $0x2;
	v40 =	vbroadcast v8, $0x2  }
0x143: {  	v12 =	vsub.f32 v37, v12  }
0x144: {  	vm2 =	vge.s32 v11, v39;
	vm3 =	vle.s32 v11, v40;
	s23 =	sadd.s32 $0x10, s22  }
0x145: {  	vm2 =	vmand vm2, vm3;
	s24 =	sshll.u32 s23, $0x5;
	s25 =	sshll.u32 s23, $0x2;
	v11 =	vand.u32 $0x7FFFFFFF, v12  }
0x146: {  	s24 =	sand.u32 $0xFFFFF000, s24;
	s25 =	sand.u32 $0x1C0, s25;
	v11 =	vnsel vm2, $0x0, v11  }
0x147: {  	s24 =	sor.u32 s25, s24;
	v10 =	vadd.f32 v11, v10  }
0x148: {  	s24 =	sshra.s32 s24, $0x2;
	v11 =	vor.u32 s23, v0  }
0x149: {  	s24 =	sadd.s32 s21, s24;
	v41 =	vcvt.s32.f32 v11;
	[tilespmem:$0xC280] =	vst v10  }
0x14a: {  	v42 =	vld [tilespmem:s24+$0x380]  }
0x14b: {  	v12 =	vmul.f32 v41, v36;
	_ =	sdelay $0x1  }
0x14c: {  	v12 =	vsub.f32 v38, v12;
	_ =	sdelay $0x1  }
0x14d: {  	v12 =	vsub.f32 v42, v12  }
0x14e: {  	s23 =	sadd.s32 $0x20, s22;
	vm2 =	vge.s32 v11, v39;
	vm3 =	vle.s32 v11, v40  }
0x14f: {  	s25 =	sshll.u32 s23, $0x2;
	vm2 =	vmand vm2, vm3;
	s24 =	sshll.u32 s23, $0x5;
	v11 =	vand.u32 $0x7FFFFFFF, v12  }
0x150: {  	s25 =	sand.u32 $0x1C0, s25;
	s24 =	sand.u32 $0xFFFFF000, s24;
	v11 =	vnsel vm2, $0x0, v11  }
0x151: {  	s24 =	sor.u32 s25, s24;
	v10 =	vadd.f32 v11, v10  }
0x152: {  	s24 =	sshra.s32 s24, $0x2;
	v11 =	vor.u32 s23, v0  }
0x153: {  	s25 =	sadd.s32 s21, s24;
	v43 =	vcvt.s32.f32 v11;
	[tilespmem:$0xC280] =	vst v10  }
0x154: {  	v44 =	vld [tilespmem:s25+$0x380]  }
0x155: {  	v12 =	vmul.f32 v43, v36;
	_ =	sdelay $0x1  }
0x156: {  	v12 =	vsub.f32 v38, v12;
	_ =	sdelay $0x1  }
0x157: {  	v12 =	vsub.f32 v44, v12  }
0x158: {  	s23 =	sadd.s32 $0x30, s22;
	vm2 =	vge.s32 v11, v39;
	vm3 =	vle.s32 v11, v40  }
0x159: {  	s24 =	sshll.u32 s23, $0x5;
	vm2 =	vmand vm2, vm3;
	s25 =	sshll.u32 s23, $0x2;
	v11 =	vand.u32 $0x7FFFFFFF, v12  }
0x15a: {  	s24 =	sand.u32 $0xFFFFF000, s24;
	s25 =	sand.u32 $0x1C0, s25;
	v11 =	vnsel vm2, $0x0, v11  }
0x15b: {  	s24 =	sor.u32 s25, s24;
	v10 =	vadd.f32 v11, v10  }
0x15c: {  	s24 =	sshra.s32 s24, $0x2;
	v11 =	vor.u32 s23, v0  }
0x15d: {  	s24 =	sadd.s32 s21, s24;
	v45 =	vcvt.s32.f32 v11;
	[tilespmem:$0xC280] =	vst v10  }
0x15e: {  	v46 =	vld [tilespmem:s24+$0x380]  }
0x15f: {  	v12 =	vmul.f32 v45, v36;
	_ =	sdelay $0x1  }
0x160: {  	v12 =	vsub.f32 v38, v12;
	_ =	sdelay $0x1  }
0x161: {  	v12 =	vsub.f32 v46, v12  }
0x162: {  	s23 =	sadd.s32 $0x40, s22;
	vm2 =	vge.s32 v11, v39;
	vm3 =	vle.s32 v11, v40  }
0x163: {  	s25 =	sshll.u32 s23, $0x2;
	vm2 =	vmand vm2, vm3;
	s24 =	sshll.u32 s23, $0x5;
	v11 =	vand.u32 $0x7FFFFFFF, v12  }
0x164: {  	s25 =	sand.u32 $0x1C0, s25;
	s24 =	sand.u32 $0xFFFFF000, s24;
	v11 =	vnsel vm2, $0x0, v11  }
0x165: {  	s24 =	sor.u32 s25, s24;
	v10 =	vadd.f32 v11, v10  }
0x166: {  	s24 =	sshra.s32 s24, $0x2;
	v11 =	vor.u32 s23, v0  }
0x167: {  	s25 =	sadd.s32 s21, s24;
	v47 =	vcvt.s32.f32 v11;
	[tilespmem:$0xC280] =	vst v10  }
0x168: {  	v48 =	vld [tilespmem:s25+$0x380]  }
0x169: {  	(v2sf) =	vpush v9, $0x3;
	v12 =	vmul.f32 v47, v36;
	_ =	sdelay $0x1  }
0x16a: {  	v12 =	vsub.f32 v38, v12;
	_ =	sdelay $0x1  }
0x16b: {  	v12 =	vsub.f32 v48, v12  }
0x16c: {  	s22 =	sadd.s32 $0x50, s22;
	vm2 =	vge.s32 v11, v39;
	vm3 =	vle.s32 v11, v40  }
0x16d: {  	s24 =	sshll.u32 s22, $0x5;
	vm2 =	vmand vm2, vm3;
	s25 =	sshll.u32 s22, $0x2;
	v11 =	vand.u32 $0x7FFFFFFF, v12  }
0x16e: {  	s23 =	sand.u32 $0xFFFFF000, s24;
	s24 =	sand.u32 $0x1C0, s25;
	v11 =	vnsel vm2, $0x0, v11  }
0x16f: {  	s23 =	sor.u32 s24, s23;
	v10 =	vadd.f32 v11, v10  }
0x170: {  	s23 =	sshra.s32 s23, $0x2;
	v11 =	vor.u32 s22, v0  }
0x171: {  	s23 =	sadd.s32 s21, s23;
	v49 =	vcvt.s32.f32 v11;
	[tilespmem:$0xC280] =	vst v10  }
0x172: {  	v50 =	vld [tilespmem:s23+$0x380]  }
0x173: {  	v12 =	vmul.f32 v49, v36;
	_ =	sdelay $0x1  }
0x174: {  	v12 =	vsub.f32 v38, v12  }
0x175: {  	s22 =	spop (v2sf)  }
0x176: {  	p1 =	slt.s32 s22, $0x12;
	v12 =	vsub.f32 v50, v12  }
0x177: {  	vm2 =	vge.s32 v11, v39;
	vm3 =	vle.s32 v11, v40;
	s22 =	simm.s32 @!p1 $0x12  }
0x178: {  	vm2 =	vmand vm2, vm3;
	s24 =	sshll.u32 s22, $0x9;
	s25 =	sand.u32 $0x7, s22;
	v11 =	vand.u32 $0x7FFFFFFF, v12  }
0x179: {  	s23 =	sand.u32 $0xFFFFF000, s24;
	s24 =	sshll.u32 s25, $0x6;
	v11 =	vnsel vm2, $0x0, v11  }
0x17a: {  	s22 =	sshll.u32 s22, $0x4;
	s23 =	sor.u32 s24, s23;
	v10 =	vadd.f32 v11, v10  }
0x17b: {  	s23 =	sshra.s32 s23, $0x2;
	v11 =	vor.u32 s22, v0  }
0x17c: {  	v52 =	vbroadcast v6, $0x3;
	s23 =	sadd.s32 s21, s23;
	v51 =	vcvt.s32.f32 v11;
	[tilespmem:$0xC280] =	vst v10  }
0x17d: {  	v53 =	vld [tilespmem:s23+$0x400]  }
0x17e: {  	v54 =	vbroadcast v7, $0x3;
	v12 =	vmul.f32 v51, v52;
	_ =	sdelay $0x1  }
0x17f: {  	v12 =	vsub.f32 v54, v12  }
0x180: {  	v55 =	vbroadcast v5, $0x3;
	v56 =	vbroadcast v8, $0x3  }
0x181: {  	v12 =	vsub.f32 v53, v12  }
0x182: {  	vm2 =	vge.s32 v11, v55;
	vm3 =	vle.s32 v11, v56;
	s23 =	sadd.s32 $0x10, s22  }
0x183: {  	vm2 =	vmand vm2, vm3;
	s24 =	sshll.u32 s23, $0x5;
	s25 =	sshll.u32 s23, $0x2;
	v11 =	vand.u32 $0x7FFFFFFF, v12  }
0x184: {  	s24 =	sand.u32 $0xFFFFF000, s24;
	s25 =	sand.u32 $0x1C0, s25;
	v11 =	vnsel vm2, $0x0, v11  }
0x185: {  	s24 =	sor.u32 s25, s24;
	v10 =	vadd.f32 v11, v10  }
0x186: {  	s24 =	sshra.s32 s24, $0x2;
	v11 =	vor.u32 s23, v0  }
0x187: {  	s24 =	sadd.s32 s21, s24;
	v57 =	vcvt.s32.f32 v11;
	[tilespmem:$0xC280] =	vst v10  }
0x188: {  	v58 =	vld [tilespmem:s24+$0x400]  }
0x189: {  	v12 =	vmul.f32 v57, v52;
	_ =	sdelay $0x1  }
0x18a: {  	v12 =	vsub.f32 v54, v12;
	_ =	sdelay $0x1  }
0x18b: {  	v12 =	vsub.f32 v58, v12  }
0x18c: {  	s23 =	sadd.s32 $0x20, s22;
	vm2 =	vge.s32 v11, v55;
	vm3 =	vle.s32 v11, v56  }
0x18d: {  	s25 =	sshll.u32 s23, $0x2;
	vm2 =	vmand vm2, vm3;
	s24 =	sshll.u32 s23, $0x5;
	v11 =	vand.u32 $0x7FFFFFFF, v12  }
0x18e: {  	s25 =	sand.u32 $0x1C0, s25;
	s24 =	sand.u32 $0xFFFFF000, s24;
	v11 =	vnsel vm2, $0x0, v11  }
0x18f: {  	s24 =	sor.u32 s25, s24;
	v10 =	vadd.f32 v11, v10  }
0x190: {  	s24 =	sshra.s32 s24, $0x2;
	v11 =	vor.u32 s23, v0  }
0x191: {  	s25 =	sadd.s32 s21, s24;
	v59 =	vcvt.s32.f32 v11;
	[tilespmem:$0xC280] =	vst v10  }
0x192: {  	v60 =	vld [tilespmem:s25+$0x400]  }
0x193: {  	v12 =	vmul.f32 v59, v52;
	_ =	sdelay $0x1  }
0x194: {  	v12 =	vsub.f32 v54, v12;
	_ =	sdelay $0x1  }
0x195: {  	v12 =	vsub.f32 v60, v12  }
0x196: {  	s23 =	sadd.s32 $0x30, s22;
	vm2 =	vge.s32 v11, v55;
	vm3 =	vle.s32 v11, v56  }
0x197: {  	s24 =	sshll.u32 s23, $0x5;
	vm2 =	vmand vm2, vm3;
	s25 =	sshll.u32 s23, $0x2;
	v11 =	vand.u32 $0x7FFFFFFF, v12  }
0x198: {  	s24 =	sand.u32 $0xFFFFF000, s24;
	s25 =	sand.u32 $0x1C0, s25;
	v11 =	vnsel vm2, $0x0, v11  }
0x199: {  	s24 =	sor.u32 s25, s24;
	v10 =	vadd.f32 v11, v10  }
0x19a: {  	s24 =	sshra.s32 s24, $0x2;
	v11 =	vor.u32 s23, v0  }
0x19b: {  	s24 =	sadd.s32 s21, s24;
	v61 =	vcvt.s32.f32 v11;
	[tilespmem:$0xC280] =	vst v10  }
0x19c: {  	v62 =	vld [tilespmem:s24+$0x400]  }
0x19d: {  	v12 =	vmul.f32 v61, v52;
	_ =	sdelay $0x1  }
0x19e: {  	v12 =	vsub.f32 v54, v12;
	_ =	sdelay $0x1  }
0x19f: {  	v12 =	vsub.f32 v62, v12  }
0x1a0: {  	s23 =	sadd.s32 $0x40, s22;
	vm2 =	vge.s32 v11, v55;
	vm3 =	vle.s32 v11, v56  }
0x1a1: {  	s25 =	sshll.u32 s23, $0x2;
	vm2 =	vmand vm2, vm3;
	s24 =	sshll.u32 s23, $0x5;
	v11 =	vand.u32 $0x7FFFFFFF, v12  }
0x1a2: {  	s25 =	sand.u32 $0x1C0, s25;
	s24 =	sand.u32 $0xFFFFF000, s24;
	v11 =	vnsel vm2, $0x0, v11  }
0x1a3: {  	s24 =	sor.u32 s25, s24;
	v10 =	vadd.f32 v11, v10  }
0x1a4: {  	s24 =	sshra.s32 s24, $0x2;
	v11 =	vor.u32 s23, v0  }
0x1a5: {  	s25 =	sadd.s32 s21, s24;
	v63 =	vcvt.s32.f32 v11;
	[tilespmem:$0xC280] =	vst v10  }
0x1a6: {  	v18 =	vld [tilespmem:s25+$0x400]  }
0x1a7: {  	(v2sf) =	vpush v9, $0x4;
	v12 =	vmul.f32 v63, v52;
	_ =	sdelay $0x1  }
0x1a8: {  	v12 =	vsub.f32 v54, v12;
	_ =	sdelay $0x1  }
0x1a9: {  	v12 =	vsub.f32 v18, v12  }
0x1aa: {  	s22 =	sadd.s32 $0x50, s22;
	vm2 =	vge.s32 v11, v55;
	vm3 =	vle.s32 v11, v56  }
0x1ab: {  	s24 =	sshll.u32 s22, $0x5;
	vm2 =	vmand vm2, vm3;
	s25 =	sshll.u32 s22, $0x2;
	v11 =	vand.u32 $0x7FFFFFFF, v12  }
0x1ac: {  	s23 =	sand.u32 $0xFFFFF000, s24;
	s24 =	sand.u32 $0x1C0, s25;
	v11 =	vnsel vm2, $0x0, v11  }
0x1ad: {  	s23 =	sor.u32 s24, s23;
	v10 =	vadd.f32 v11, v10  }
0x1ae: {  	s23 =	sshra.s32 s23, $0x2;
	v11 =	vor.u32 s22, v0  }
0x1af: {  	s23 =	sadd.s32 s21, s23;
	v19 =	vcvt.s32.f32 v11;
	[tilespmem:$0xC280] =	vst v10  }
0x1b0: {  	v20 =	vld [tilespmem:s23+$0x400]  }
0x1b1: {  	v12 =	vmul.f32 v19, v52;
	_ =	sdelay $0x1  }
0x1b2: {  	v12 =	vsub.f32 v54, v12  }
0x1b3: {  	s22 =	spop (v2sf)  }
0x1b4: {  	p1 =	slt.s32 s22, $0x12;
	v12 =	vsub.f32 v20, v12  }
0x1b5: {  	vm2 =	vge.s32 v11, v55;
	vm3 =	vle.s32 v11, v56;
	s22 =	simm.s32 @!p1 $0x12  }
0x1b6: {  	vm2 =	vmand vm2, vm3;
	s24 =	sshll.u32 s22, $0x9;
	s25 =	sand.u32 $0x7, s22;
	v11 =	vand.u32 $0x7FFFFFFF, v12  }
0x1b7: {  	s23 =	sand.u32 $0xFFFFF000, s24;
	s24 =	sshll.u32 s25, $0x6;
	v11 =	vnsel vm2, $0x0, v11  }
0x1b8: {  	s22 =	sshll.u32 s22, $0x4;
	s23 =	sor.u32 s24, s23;
	v10 =	vadd.f32 v11, v10  }
0x1b9: {  	s23 =	sshra.s32 s23, $0x2;
	v11 =	vor.u32 s22, v0  }
0x1ba: {  	v22 =	vbroadcast v6, $0x4;
	s23 =	sadd.s32 s21, s23;
	v21 =	vcvt.s32.f32 v11;
	[tilespmem:$0xC280] =	vst v10  }
0x1bb: {  	v23 =	vld [tilespmem:s23+$0x480]  }
0x1bc: {  	v24 =	vbroadcast v7, $0x4;
	v12 =	vmul.f32 v21, v22;
	_ =	sdelay $0x1  }
0x1bd: {  	v12 =	vsub.f32 v24, v12  }
0x1be: {  	v25 =	vbroadcast v5, $0x4;
	v26 =	vbroadcast v8, $0x4  }
0x1bf: {  	v12 =	vsub.f32 v23, v12  }
0x1c0: {  	vm2 =	vge.s32 v11, v25;
	vm3 =	vle.s32 v11, v26;
	s23 =	sadd.s32 $0x10, s22  }
0x1c1: {  	vm2 =	vmand vm2, vm3;
	s24 =	sshll.u32 s23, $0x5;
	s25 =	sshll.u32 s23, $0x2;
	v11 =	vand.u32 $0x7FFFFFFF, v12  }
0x1c2: {  	s24 =	sand.u32 $0xFFFFF000, s24;
	s25 =	sand.u32 $0x1C0, s25;
	v11 =	vnsel vm2, $0x0, v11  }
0x1c3: {  	s24 =	sor.u32 s25, s24;
	v10 =	vadd.f32 v11, v10  }
0x1c4: {  	s24 =	sshra.s32 s24, $0x2;
	v11 =	vor.u32 s23, v0  }
0x1c5: {  	s24 =	sadd.s32 s21, s24;
	v27 =	vcvt.s32.f32 v11;
	[tilespmem:$0xC280] =	vst v10  }
0x1c6: {  	v28 =	vld [tilespmem:s24+$0x480]  }
0x1c7: {  	v12 =	vmul.f32 v27, v22;
	_ =	sdelay $0x1  }
0x1c8: {  	v12 =	vsub.f32 v24, v12;
	_ =	sdelay $0x1  }
0x1c9: {  	v12 =	vsub.f32 v28, v12  }
0x1ca: {  	s23 =	sadd.s32 $0x20, s22;
	vm2 =	vge.s32 v11, v25;
	vm3 =	vle.s32 v11, v26  }
0x1cb: {  	s25 =	sshll.u32 s23, $0x2;
	vm2 =	vmand vm2, vm3;
	s24 =	sshll.u32 s23, $0x5;
	v11 =	vand.u32 $0x7FFFFFFF, v12  }
0x1cc: {  	s25 =	sand.u32 $0x1C0, s25;
	s24 =	sand.u32 $0xFFFFF000, s24;
	v11 =	vnsel vm2, $0x0, v11  }
0x1cd: {  	s24 =	sor.u32 s25, s24;
	v10 =	vadd.f32 v11, v10  }
0x1ce: {  	s24 =	sshra.s32 s24, $0x2;
	v11 =	vor.u32 s23, v0  }
0x1cf: {  	s25 =	sadd.s32 s21, s24;
	v29 =	vcvt.s32.f32 v11;
	[tilespmem:$0xC280] =	vst v10  }
0x1d0: {  	v30 =	vld [tilespmem:s25+$0x480]  }
0x1d1: {  	v12 =	vmul.f32 v29, v22;
	_ =	sdelay $0x1  }
0x1d2: {  	v12 =	vsub.f32 v24, v12;
	_ =	sdelay $0x1  }
0x1d3: {  	v12 =	vsub.f32 v30, v12  }
0x1d4: {  	s23 =	sadd.s32 $0x30, s22;
	vm2 =	vge.s32 v11, v25;
	vm3 =	vle.s32 v11, v26  }
0x1d5: {  	s24 =	sshll.u32 s23, $0x5;
	vm2 =	vmand vm2, vm3;
	s25 =	sshll.u32 s23, $0x2;
	v11 =	vand.u32 $0x7FFFFFFF, v12  }
0x1d6: {  	s24 =	sand.u32 $0xFFFFF000, s24;
	s25 =	sand.u32 $0x1C0, s25;
	v11 =	vnsel vm2, $0x0, v11  }
0x1d7: {  	s24 =	sor.u32 s25, s24;
	v10 =	vadd.f32 v11, v10  }
0x1d8: {  	s24 =	sshra.s32 s24, $0x2;
	v11 =	vor.u32 s23, v0  }
0x1d9: {  	s24 =	sadd.s32 s21, s24;
	v31 =	vcvt.s32.f32 v11;
	[tilespmem:$0xC280] =	vst v10  }
0x1da: {  	v32 =	vld [tilespmem:s24+$0x480]  }
0x1db: {  	v12 =	vmul.f32 v31, v22;
	_ =	sdelay $0x1  }
0x1dc: {  	v12 =	vsub.f32 v24, v12;
	_ =	sdelay $0x1  }
0x1dd: {  	v12 =	vsub.f32 v32, v12  }
0x1de: {  	s23 =	sadd.s32 $0x40, s22;
	vm2 =	vge.s32 v11, v25;
	vm3 =	vle.s32 v11, v26  }
0x1df: {  	s25 =	sshll.u32 s23, $0x2;
	vm2 =	vmand vm2, vm3;
	s24 =	sshll.u32 s23, $0x5;
	v11 =	vand.u32 $0x7FFFFFFF, v12  }
0x1e0: {  	s25 =	sand.u32 $0x1C0, s25;
	s24 =	sand.u32 $0xFFFFF000, s24;
	v11 =	vnsel vm2, $0x0, v11  }
0x1e1: {  	s24 =	sor.u32 s25, s24;
	v10 =	vadd.f32 v11, v10  }
0x1e2: {  	s24 =	sshra.s32 s24, $0x2;
	v11 =	vor.u32 s23, v0  }
0x1e3: {  	s25 =	sadd.s32 s21, s24;
	v33 =	vcvt.s32.f32 v11;
	[tilespmem:$0xC280] =	vst v10  }
0x1e4: {  	v34 =	vld [tilespmem:s25+$0x480]  }
0x1e5: {  	(v2sf) =	vpush v9, $0x5;
	v12 =	vmul.f32 v33, v22;
	_ =	sdelay $0x1  }
0x1e6: {  	v12 =	vsub.f32 v24, v12;
	_ =	sdelay $0x1  }
0x1e7: {  	v12 =	vsub.f32 v34, v12  }
0x1e8: {  	s22 =	sadd.s32 $0x50, s22;
	vm2 =	vge.s32 v11, v25;
	vm3 =	vle.s32 v11, v26  }
0x1e9: {  	s24 =	sshll.u32 s22, $0x5;
	vm2 =	vmand vm2, vm3;
	s25 =	sshll.u32 s22, $0x2;
	v11 =	vand.u32 $0x7FFFFFFF, v12  }
0x1ea: {  	s23 =	sand.u32 $0xFFFFF000, s24;
	s24 =	sand.u32 $0x1C0, s25;
	v11 =	vnsel vm2, $0x0, v11  }
0x1eb: {  	s23 =	sor.u32 s24, s23;
	v10 =	vadd.f32 v11, v10  }
0x1ec: {  	s23 =	sshra.s32 s23, $0x2;
	v11 =	vor.u32 s22, v0  }
0x1ed: {  	s23 =	sadd.s32 s21, s23;
	v35 =	vcvt.s32.f32 v11;
	[tilespmem:$0xC280] =	vst v10  }
0x1ee: {  	v36 =	vld [tilespmem:s23+$0x480]  }
0x1ef: {  	v12 =	vmul.f32 v35, v22;
	_ =	sdelay $0x1  }
0x1f0: {  	v12 =	vsub.f32 v24, v12  }
0x1f1: {  	s22 =	spop (v2sf)  }
0x1f2: {  	p1 =	slt.s32 s22, $0x12;
	v12 =	vsub.f32 v36, v12  }
0x1f3: {  	vm2 =	vge.s32 v11, v25;
	vm3 =	vle.s32 v11, v26;
	s22 =	simm.s32 @!p1 $0x12  }
0x1f4: {  	vm2 =	vmand vm2, vm3;
	s24 =	sshll.u32 s22, $0x9;
	s25 =	sand.u32 $0x7, s22;
	v11 =	vand.u32 $0x7FFFFFFF, v12  }
0x1f5: {  	s23 =	sand.u32 $0xFFFFF000, s24;
	s24 =	sshll.u32 s25, $0x6;
	v11 =	vnsel vm2, $0x0, v11  }
0x1f6: {  	s22 =	sshll.u32 s22, $0x4;
	s23 =	sor.u32 s24, s23;
	v10 =	vadd.f32 v11, v10  }
0x1f7: {  	s23 =	sshra.s32 s23, $0x2;
	v11 =	vor.u32 s22, v0  }
0x1f8: {  	v38 =	vbroadcast v6, $0x5;
	s23 =	sadd.s32 s21, s23;
	v37 =	vcvt.s32.f32 v11;
	[tilespmem:$0xC280] =	vst v10  }
0x1f9: {  	v39 =	vld [tilespmem:s23+$0x500]  }
0x1fa: {  	v40 =	vbroadcast v7, $0x5;
	v12 =	vmul.f32 v37, v38;
	_ =	sdelay $0x1  }
0x1fb: {  	v12 =	vsub.f32 v40, v12  }
0x1fc: {  	v41 =	vbroadcast v5, $0x5;
	v42 =	vbroadcast v8, $0x5  }
0x1fd: {  	v12 =	vsub.f32 v39, v12  }
0x1fe: {  	vm2 =	vge.s32 v11, v41;
	vm3 =	vle.s32 v11, v42;
	s23 =	sadd.s32 $0x10, s22  }
0x1ff: {  	vm2 =	vmand vm2, vm3;
	s24 =	sshll.u32 s23, $0x5;
	s25 =	sshll.u32 s23, $0x2;
	v11 =	vand.u32 $0x7FFFFFFF, v12  }
0x200: {  	s24 =	sand.u32 $0xFFFFF000, s24;
	s25 =	sand.u32 $0x1C0, s25;
	v11 =	vnsel vm2, $0x0, v11  }
0x201: {  	s24 =	sor.u32 s25, s24;
	v10 =	vadd.f32 v11, v10  }
0x202: {  	s24 =	sshra.s32 s24, $0x2;
	v11 =	vor.u32 s23, v0  }
0x203: {  	s24 =	sadd.s32 s21, s24;
	v43 =	vcvt.s32.f32 v11;
	[tilespmem:$0xC280] =	vst v10  }
0x204: {  	v44 =	vld [tilespmem:s24+$0x500]  }
0x205: {  	v12 =	vmul.f32 v43, v38;
	_ =	sdelay $0x1  }
0x206: {  	v12 =	vsub.f32 v40, v12;
	_ =	sdelay $0x1  }
0x207: {  	v12 =	vsub.f32 v44, v12  }
0x208: {  	s23 =	sadd.s32 $0x20, s22;
	vm2 =	vge.s32 v11, v41;
	vm3 =	vle.s32 v11, v42  }
0x209: {  	s25 =	sshll.u32 s23, $0x2;
	vm2 =	vmand vm2, vm3;
	s24 =	sshll.u32 s23, $0x5;
	v11 =	vand.u32 $0x7FFFFFFF, v12  }
0x20a: {  	s25 =	sand.u32 $0x1C0, s25;
	s24 =	sand.u32 $0xFFFFF000, s24;
	v11 =	vnsel vm2, $0x0, v11  }
0x20b: {  	s24 =	sor.u32 s25, s24;
	v10 =	vadd.f32 v11, v10  }
0x20c: {  	s24 =	sshra.s32 s24, $0x2;
	v11 =	vor.u32 s23, v0  }
0x20d: {  	s25 =	sadd.s32 s21, s24;
	v45 =	vcvt.s32.f32 v11;
	[tilespmem:$0xC280] =	vst v10  }
0x20e: {  	v46 =	vld [tilespmem:s25+$0x500]  }
0x20f: {  	v12 =	vmul.f32 v45, v38;
	_ =	sdelay $0x1  }
0x210: {  	v12 =	vsub.f32 v40, v12;
	_ =	sdelay $0x1  }
0x211: {  	v12 =	vsub.f32 v46, v12  }
0x212: {  	s23 =	sadd.s32 $0x30, s22;
	vm2 =	vge.s32 v11, v41;
	vm3 =	vle.s32 v11, v42  }
0x213: {  	s24 =	sshll.u32 s23, $0x5;
	vm2 =	vmand vm2, vm3;
	s25 =	sshll.u32 s23, $0x2;
	v11 =	vand.u32 $0x7FFFFFFF, v12  }
0x214: {  	s24 =	sand.u32 $0xFFFFF000, s24;
	s25 =	sand.u32 $0x1C0, s25;
	v11 =	vnsel vm2, $0x0, v11  }
0x215: {  	s24 =	sor.u32 s25, s24;
	v10 =	vadd.f32 v11, v10  }
0x216: {  	s24 =	sshra.s32 s24, $0x2;
	v11 =	vor.u32 s23, v0  }
0x217: {  	s24 =	sadd.s32 s21, s24;
	v47 =	vcvt.s32.f32 v11;
	[tilespmem:$0xC280] =	vst v10  }
0x218: {  	v48 =	vld [tilespmem:s24+$0x500]  }
0x219: {  	v12 =	vmul.f32 v47, v38;
	_ =	sdelay $0x1  }
0x21a: {  	v12 =	vsub.f32 v40, v12;
	_ =	sdelay $0x1  }
0x21b: {  	v12 =	vsub.f32 v48, v12  }
0x21c: {  	s23 =	sadd.s32 $0x40, s22;
	vm2 =	vge.s32 v11, v41;
	vm3 =	vle.s32 v11, v42  }
0x21d: {  	s25 =	sshll.u32 s23, $0x2;
	vm2 =	vmand vm2, vm3;
	s24 =	sshll.u32 s23, $0x5;
	v11 =	vand.u32 $0x7FFFFFFF, v12  }
0x21e: {  	s25 =	sand.u32 $0x1C0, s25;
	s24 =	sand.u32 $0xFFFFF000, s24;
	v11 =	vnsel vm2, $0x0, v11  }
0x21f: {  	s24 =	sor.u32 s25, s24;
	v10 =	vadd.f32 v11, v10  }
0x220: {  	s24 =	sshra.s32 s24, $0x2;
	v11 =	vor.u32 s23, v0  }
0x221: {  	s25 =	sadd.s32 s21, s24;
	v49 =	vcvt.s32.f32 v11;
	[tilespmem:$0xC280] =	vst v10  }
0x222: {  	v50 =	vld [tilespmem:s25+$0x500]  }
0x223: {  	(v2sf) =	vpush v9, $0x6;
	v12 =	vmul.f32 v49, v38;
	_ =	sdelay $0x1  }
0x224: {  	v12 =	vsub.f32 v40, v12;
	_ =	sdelay $0x1  }
0x225: {  	v12 =	vsub.f32 v50, v12  }
0x226: {  	s22 =	sadd.s32 $0x50, s22;
	vm2 =	vge.s32 v11, v41;
	vm3 =	vle.s32 v11, v42  }
0x227: {  	s24 =	sshll.u32 s22, $0x5;
	vm2 =	vmand vm2, vm3;
	s25 =	sshll.u32 s22, $0x2;
	v11 =	vand.u32 $0x7FFFFFFF, v12  }
0x228: {  	s23 =	sand.u32 $0xFFFFF000, s24;
	s24 =	sand.u32 $0x1C0, s25;
	v11 =	vnsel vm2, $0x0, v11  }
0x229: {  	s23 =	sor.u32 s24, s23;
	v10 =	vadd.f32 v11, v10  }
0x22a: {  	s23 =	sshra.s32 s23, $0x2;
	v11 =	vor.u32 s22, v0  }
0x22b: {  	s23 =	sadd.s32 s21, s23;
	v51 =	vcvt.s32.f32 v11;
	[tilespmem:$0xC280] =	vst v10  }
0x22c: {  	v52 =	vld [tilespmem:s23+$0x500]  }
0x22d: {  	v12 =	vmul.f32 v51, v38;
	_ =	sdelay $0x1  }
0x22e: {  	v12 =	vsub.f32 v40, v12  }
0x22f: {  	s22 =	spop (v2sf)  }
0x230: {  	p1 =	slt.s32 s22, $0x12;
	v12 =	vsub.f32 v52, v12  }
0x231: {  	vm2 =	vge.s32 v11, v41;
	vm3 =	vle.s32 v11, v42;
	s22 =	simm.s32 @!p1 $0x12  }
0x232: {  	vm2 =	vmand vm2, vm3;
	s24 =	sshll.u32 s22, $0x9;
	s25 =	sand.u32 $0x7, s22;
	v11 =	vand.u32 $0x7FFFFFFF, v12  }
0x233: {  	s23 =	sand.u32 $0xFFFFF000, s24;
	s24 =	sshll.u32 s25, $0x6;
	v11 =	vnsel vm2, $0x0, v11  }
0x234: {  	s22 =	sshll.u32 s22, $0x4;
	s23 =	sor.u32 s24, s23;
	v10 =	vadd.f32 v11, v10  }
0x235: {  	s23 =	sshra.s32 s23, $0x2;
	v11 =	vor.u32 s22, v0  }
0x236: {  	v54 =	vbroadcast v6, $0x6;
	s23 =	sadd.s32 s21, s23;
	v53 =	vcvt.s32.f32 v11;
	[tilespmem:$0xC280] =	vst v10  }
0x237: {  	v55 =	vld [tilespmem:s23+$0x580]  }
0x238: {  	v56 =	vbroadcast v7, $0x6;
	v12 =	vmul.f32 v53, v54;
	_ =	sdelay $0x1  }
0x239: {  	v12 =	vsub.f32 v56, v12  }
0x23a: {  	v57 =	vbroadcast v5, $0x6;
	v58 =	vbroadcast v8, $0x6  }
0x23b: {  	v12 =	vsub.f32 v55, v12  }
0x23c: {  	vm2 =	vge.s32 v11, v57;
	vm3 =	vle.s32 v11, v58;
	s23 =	sadd.s32 $0x10, s22  }
0x23d: {  	vm2 =	vmand vm2, vm3;
	s24 =	sshll.u32 s23, $0x5;
	s25 =	sshll.u32 s23, $0x2;
	v11 =	vand.u32 $0x7FFFFFFF, v12  }
0x23e: {  	s24 =	sand.u32 $0xFFFFF000, s24;
	s25 =	sand.u32 $0x1C0, s25;
	v11 =	vnsel vm2, $0x0, v11  }
0x23f: {  	s24 =	sor.u32 s25, s24;
	v10 =	vadd.f32 v11, v10  }
0x240: {  	s24 =	sshra.s32 s24, $0x2;
	v11 =	vor.u32 s23, v0  }
0x241: {  	s24 =	sadd.s32 s21, s24;
	v59 =	vcvt.s32.f32 v11;
	[tilespmem:$0xC280] =	vst v10  }
0x242: {  	v60 =	vld [tilespmem:s24+$0x580]  }
0x243: {  	v12 =	vmul.f32 v59, v54;
	_ =	sdelay $0x1  }
0x244: {  	v12 =	vsub.f32 v56, v12;
	_ =	sdelay $0x1  }
0x245: {  	v12 =	vsub.f32 v60, v12  }
0x246: {  	s23 =	sadd.s32 $0x20, s22;
	vm2 =	vge.s32 v11, v57;
	vm3 =	vle.s32 v11, v58  }
0x247: {  	s25 =	sshll.u32 s23, $0x2;
	vm2 =	vmand vm2, vm3;
	s24 =	sshll.u32 s23, $0x5;
	v11 =	vand.u32 $0x7FFFFFFF, v12  }
0x248: {  	s25 =	sand.u32 $0x1C0, s25;
	s24 =	sand.u32 $0xFFFFF000, s24;
	v11 =	vnsel vm2, $0x0, v11  }
0x249: {  	s24 =	sor.u32 s25, s24;
	v10 =	vadd.f32 v11, v10  }
0x24a: {  	s24 =	sshra.s32 s24, $0x2;
	v11 =	vor.u32 s23, v0  }
0x24b: {  	s25 =	sadd.s32 s21, s24;
	v61 =	vcvt.s32.f32 v11;
	[tilespmem:$0xC280] =	vst v10  }
0x24c: {  	v62 =	vld [tilespmem:s25+$0x580]  }
0x24d: {  	v12 =	vmul.f32 v61, v54;
	_ =	sdelay $0x1  }
0x24e: {  	v12 =	vsub.f32 v56, v12;
	_ =	sdelay $0x1  }
0x24f: {  	v12 =	vsub.f32 v62, v12  }
0x250: {  	s23 =	sadd.s32 $0x30, s22;
	vm2 =	vge.s32 v11, v57;
	vm3 =	vle.s32 v11, v58  }
0x251: {  	s24 =	sshll.u32 s23, $0x5;
	vm2 =	vmand vm2, vm3;
	s25 =	sshll.u32 s23, $0x2;
	v11 =	vand.u32 $0x7FFFFFFF, v12  }
0x252: {  	s24 =	sand.u32 $0xFFFFF000, s24;
	s25 =	sand.u32 $0x1C0, s25;
	v11 =	vnsel vm2, $0x0, v11  }
0x253: {  	s24 =	sor.u32 s25, s24;
	v10 =	vadd.f32 v11, v10  }
0x254: {  	s24 =	sshra.s32 s24, $0x2;
	v11 =	vor.u32 s23, v0  }
0x255: {  	s24 =	sadd.s32 s21, s24;
	v63 =	vcvt.s32.f32 v11;
	[tilespmem:$0xC280] =	vst v10  }
0x256: {  	v18 =	vld [tilespmem:s24+$0x580]  }
0x257: {  	v12 =	vmul.f32 v63, v54;
	_ =	sdelay $0x1  }
0x258: {  	v12 =	vsub.f32 v56, v12;
	_ =	sdelay $0x1  }
0x259: {  	v12 =	vsub.f32 v18, v12  }
0x25a: {  	s23 =	sadd.s32 $0x40, s22;
	vm2 =	vge.s32 v11, v57;
	vm3 =	vle.s32 v11, v58  }
0x25b: {  	s25 =	sshll.u32 s23, $0x2;
	vm2 =	vmand vm2, vm3;
	s24 =	sshll.u32 s23, $0x5;
	v11 =	vand.u32 $0x7FFFFFFF, v12  }
0x25c: {  	s25 =	sand.u32 $0x1C0, s25;
	s24 =	sand.u32 $0xFFFFF000, s24;
	v11 =	vnsel vm2, $0x0, v11  }
0x25d: {  	s24 =	sor.u32 s25, s24;
	v10 =	vadd.f32 v11, v10  }
0x25e: {  	s24 =	sshra.s32 s24, $0x2;
	v11 =	vor.u32 s23, v0  }
0x25f: {  	s25 =	sadd.s32 s21, s24;
	v19 =	vcvt.s32.f32 v11;
	[tilespmem:$0xC280] =	vst v10  }
0x260: {  	v20 =	vld [tilespmem:s25+$0x580]  }
0x261: {  	(v2sf) =	vpush v9, $0x7;
	v12 =	vmul.f32 v19, v54;
	_ =	sdelay $0x1  }
0x262: {  	v12 =	vsub.f32 v56, v12;
	_ =	sdelay $0x1  }
0x263: {  	v12 =	vsub.f32 v20, v12  }
0x264: {  	s22 =	sadd.s32 $0x50, s22;
	vm2 =	vge.s32 v11, v57;
	vm3 =	vle.s32 v11, v58  }
0x265: {  	s24 =	sshll.u32 s22, $0x5;
	vm2 =	vmand vm2, vm3;
	s25 =	sshll.u32 s22, $0x2;
	v11 =	vand.u32 $0x7FFFFFFF, v12  }
0x266: {  	s23 =	sand.u32 $0xFFFFF000, s24;
	s24 =	sand.u32 $0x1C0, s25;
	v11 =	vnsel vm2, $0x0, v11  }
0x267: {  	s23 =	sor.u32 s24, s23;
	v10 =	vadd.f32 v11, v10  }
0x268: {  	s23 =	sshra.s32 s23, $0x2;
	v11 =	vor.u32 s22, v0  }
0x269: {  	s23 =	sadd.s32 s21, s23;
	v21 =	vcvt.s32.f32 v11;
	[tilespmem:$0xC280] =	vst v10  }
0x26a: {  	v22 =	vld [tilespmem:s23+$0x580]  }
0x26b: {  	v12 =	vmul.f32 v21, v54;
	_ =	sdelay $0x1  }
0x26c: {  	v12 =	vsub.f32 v56, v12  }
0x26d: {  	s22 =	spop (v2sf)  }
0x26e: {  	p1 =	slt.s32 s22, $0x12;
	v12 =	vsub.f32 v22, v12  }
0x26f: {  	vm2 =	vge.s32 v11, v57;
	vm3 =	vle.s32 v11, v58;
	s22 =	simm.s32 @!p1 $0x12  }
0x270: {  	vm2 =	vmand vm2, vm3;
	s24 =	sshll.u32 s22, $0x9;
	s25 =	sand.u32 $0x7, s22;
	v11 =	vand.u32 $0x7FFFFFFF, v12  }
0x271: {  	s23 =	sand.u32 $0xFFFFF000, s24;
	s24 =	sshll.u32 s25, $0x6;
	v11 =	vnsel vm2, $0x0, v11  }
0x272: {  	s22 =	sshll.u32 s22, $0x4;
	s23 =	sor.u32 s24, s23;
	v10 =	vadd.f32 v11, v10  }
0x273: {  	s23 =	sshra.s32 s23, $0x2;
	v11 =	vor.u32 s22, v0  }
0x274: {  	v24 =	vbroadcast v6, $0x7;
	s23 =	sadd.s32 s21, s23;
	v23 =	vcvt.s32.f32 v11;
	[tilespmem:$0xC280] =	vst v10  }
0x275: {  	v25 =	vld [tilespmem:s23+$0x600]  }
0x276: {  	v26 =	vbroadcast v7, $0x7;
	v12 =	vmul.f32 v23, v24;
	_ =	sdelay $0x1  }
0x277: {  	v12 =	vsub.f32 v26, v12  }
0x278: {  	v27 =	vbroadcast v5, $0x7;
	v28 =	vbroadcast v8, $0x7  }
0x279: {  	v12 =	vsub.f32 v25, v12  }
0x27a: {  	vm2 =	vge.s32 v11, v27;
	vm3 =	vle.s32 v11, v28;
	s23 =	sadd.s32 $0x10, s22  }
0x27b: {  	vm2 =	vmand vm2, vm3;
	s24 =	sshll.u32 s23, $0x5;
	s25 =	sshll.u32 s23, $0x2;
	v11 =	vand.u32 $0x7FFFFFFF, v12  }
0x27c: {  	s24 =	sand.u32 $0xFFFFF000, s24;
	s25 =	sand.u32 $0x1C0, s25;
	v11 =	vnsel vm2, $0x0, v11  }
0x27d: {  	s24 =	sor.u32 s25, s24;
	v10 =	vadd.f32 v11, v10  }
0x27e: {  	s24 =	sshra.s32 s24, $0x2;
	v11 =	vor.u32 s23, v0  }
0x27f: {  	s24 =	sadd.s32 s21, s24;
	v29 =	vcvt.s32.f32 v11;
	[tilespmem:$0xC280] =	vst v10  }
0x280: {  	v30 =	vld [tilespmem:s24+$0x600]  }
0x281: {  	v12 =	vmul.f32 v29, v24;
	_ =	sdelay $0x1  }
0x282: {  	v12 =	vsub.f32 v26, v12;
	_ =	sdelay $0x1  }
0x283: {  	v12 =	vsub.f32 v30, v12  }
0x284: {  	s23 =	sadd.s32 $0x20, s22;
	vm2 =	vge.s32 v11, v27;
	vm3 =	vle.s32 v11, v28  }
0x285: {  	s25 =	sshll.u32 s23, $0x2;
	vm2 =	vmand vm2, vm3;
	s24 =	sshll.u32 s23, $0x5;
	v11 =	vand.u32 $0x7FFFFFFF, v12  }
0x286: {  	s25 =	sand.u32 $0x1C0, s25;
	s24 =	sand.u32 $0xFFFFF000, s24;
	v11 =	vnsel vm2, $0x0, v11  }
0x287: {  	s24 =	sor.u32 s25, s24;
	v10 =	vadd.f32 v11, v10  }
0x288: {  	s24 =	sshra.s32 s24, $0x2;
	v11 =	vor.u32 s23, v0  }
0x289: {  	s25 =	sadd.s32 s21, s24;
	v31 =	vcvt.s32.f32 v11;
	[tilespmem:$0xC280] =	vst v10  }
0x28a: {  	v32 =	vld [tilespmem:s25+$0x600]  }
0x28b: {  	v12 =	vmul.f32 v31, v24;
	_ =	sdelay $0x1  }
0x28c: {  	v12 =	vsub.f32 v26, v12;
	_ =	sdelay $0x1  }
0x28d: {  	v12 =	vsub.f32 v32, v12  }
0x28e: {  	s23 =	sadd.s32 $0x30, s22;
	vm2 =	vge.s32 v11, v27;
	vm3 =	vle.s32 v11, v28  }
0x28f: {  	s24 =	sshll.u32 s23, $0x5;
	vm2 =	vmand vm2, vm3;
	s25 =	sshll.u32 s23, $0x2;
	v11 =	vand.u32 $0x7FFFFFFF, v12  }
0x290: {  	s24 =	sand.u32 $0xFFFFF000, s24;
	s25 =	sand.u32 $0x1C0, s25;
	v11 =	vnsel vm2, $0x0, v11  }
0x291: {  	s24 =	sor.u32 s25, s24;
	v10 =	vadd.f32 v11, v10  }
0x292: {  	s24 =	sshra.s32 s24, $0x2;
	v11 =	vor.u32 s23, v0  }
0x293: {  	s24 =	sadd.s32 s21, s24;
	v33 =	vcvt.s32.f32 v11;
	[tilespmem:$0xC280] =	vst v10  }
0x294: {  	v34 =	vld [tilespmem:s24+$0x600]  }
0x295: {  	v12 =	vmul.f32 v33, v24;
	_ =	sdelay $0x1  }
0x296: {  	v12 =	vsub.f32 v26, v12;
	_ =	sdelay $0x1  }
0x297: {  	v12 =	vsub.f32 v34, v12  }
0x298: {  	s23 =	sadd.s32 $0x40, s22;
	vm2 =	vge.s32 v11, v27;
	vm3 =	vle.s32 v11, v28  }
0x299: {  	s25 =	sshll.u32 s23, $0x2;
	vm2 =	vmand vm2, vm3;
	s24 =	sshll.u32 s23, $0x5;
	v11 =	vand.u32 $0x7FFFFFFF, v12  }
0x29a: {  	s25 =	sand.u32 $0x1C0, s25;
	s24 =	sand.u32 $0xFFFFF000, s24;
	v11 =	vnsel vm2, $0x0, v11  }
0x29b: {  	s24 =	sor.u32 s25, s24;
	v10 =	vadd.f32 v11, v10  }
0x29c: {  	s24 =	sshra.s32 s24, $0x2;
	v11 =	vor.u32 s23, v0  }
0x29d: {  	s25 =	sadd.s32 s21, s24;
	v35 =	vcvt.s32.f32 v11;
	[tilespmem:$0xC280] =	vst v10  }
0x29e: {  	v36 =	vld [tilespmem:s25+$0x600]  }
0x29f: {  	(v2sf) =	vpush v9, $0x8;
	v12 =	vmul.f32 v35, v24;
	_ =	sdelay $0x1  }
0x2a0: {  	v12 =	vsub.f32 v26, v12;
	_ =	sdelay $0x1  }
0x2a1: {  	v12 =	vsub.f32 v36, v12  }
0x2a2: {  	s22 =	sadd.s32 $0x50, s22;
	vm2 =	vge.s32 v11, v27;
	vm3 =	vle.s32 v11, v28  }
0x2a3: {  	s24 =	sshll.u32 s22, $0x5;
	vm2 =	vmand vm2, vm3;
	s25 =	sshll.u32 s22, $0x2;
	v11 =	vand.u32 $0x7FFFFFFF, v12  }
0x2a4: {  	s23 =	sand.u32 $0xFFFFF000, s24;
	s24 =	sand.u32 $0x1C0, s25;
	v11 =	vnsel vm2, $0x0, v11  }
0x2a5: {  	s23 =	sor.u32 s24, s23;
	v10 =	vadd.f32 v11, v10  }
0x2a6: {  	s23 =	sshra.s32 s23, $0x2;
	v11 =	vor.u32 s22, v0  }
0x2a7: {  	s23 =	sadd.s32 s21, s23;
	v37 =	vcvt.s32.f32 v11;
	[tilespmem:$0xC280] =	vst v10  }
0x2a8: {  	v38 =	vld [tilespmem:s23+$0x600]  }
0x2a9: {  	v12 =	vmul.f32 v37, v24;
	_ =	sdelay $0x1  }
0x2aa: {  	v12 =	vsub.f32 v26, v12  }
0x2ab: {  	s22 =	spop (v2sf)  }
0x2ac: {  	p1 =	slt.s32 s22, $0x12;
	v12 =	vsub.f32 v38, v12  }
0x2ad: {  	vm2 =	vge.s32 v11, v27;
	vm3 =	vle.s32 v11, v28;
	s22 =	simm.s32 @!p1 $0x12  }
0x2ae: {  	vm2 =	vmand vm2, vm3;
	s24 =	sshll.u32 s22, $0x9;
	s25 =	sand.u32 $0x7, s22;
	v11 =	vand.u32 $0x7FFFFFFF, v12  }
0x2af: {  	s23 =	sand.u32 $0xFFFFF000, s24;
	s24 =	sshll.u32 s25, $0x6;
	v11 =	vnsel vm2, $0x0, v11  }
0x2b0: {  	s22 =	sshll.u32 s22, $0x4;
	s23 =	sor.u32 s24, s23;
	v10 =	vadd.f32 v11, v10  }
0x2b1: {  	s23 =	sshra.s32 s23, $0x2;
	v11 =	vor.u32 s22, v0  }
0x2b2: {  	v40 =	vbroadcast v6, $0x8;
	s23 =	sadd.s32 s21, s23;
	v39 =	vcvt.s32.f32 v11;
	[tilespmem:$0xC280] =	vst v10  }
0x2b3: {  	v41 =	vld [tilespmem:s23+$0xE80]  }
0x2b4: {  	v42 =	vbroadcast v7, $0x8;
	v12 =	vmul.f32 v39, v40;
	_ =	sdelay $0x1  }
0x2b5: {  	v12 =	vsub.f32 v42, v12  }
0x2b6: {  	v43 =	vbroadcast v5, $0x8;
	v44 =	vbroadcast v8, $0x8  }
0x2b7: {  	v12 =	vsub.f32 v41, v12  }
0x2b8: {  	vm2 =	vge.s32 v11, v43;
	vm3 =	vle.s32 v11, v44;
	s23 =	sadd.s32 $0x10, s22  }
0x2b9: {  	vm2 =	vmand vm2, vm3;
	s24 =	sshll.u32 s23, $0x5;
	s25 =	sshll.u32 s23, $0x2;
	v11 =	vand.u32 $0x7FFFFFFF, v12  }
0x2ba: {  	s24 =	sand.u32 $0xFFFFF000, s24;
	s25 =	sand.u32 $0x1C0, s25;
	v11 =	vnsel vm2, $0x0, v11  }
0x2bb: {  	s24 =	sor.u32 s25, s24;
	v10 =	vadd.f32 v11, v10  }
0x2bc: {  	s24 =	sshra.s32 s24, $0x2;
	v11 =	vor.u32 s23, v0  }
0x2bd: {  	s24 =	sadd.s32 s21, s24;
	v45 =	vcvt.s32.f32 v11;
	[tilespmem:$0xC280] =	vst v10  }
0x2be: {  	v46 =	vld [tilespmem:s24+$0xE80]  }
0x2bf: {  	v12 =	vmul.f32 v45, v40;
	_ =	sdelay $0x1  }
0x2c0: {  	v12 =	vsub.f32 v42, v12;
	_ =	sdelay $0x1  }
0x2c1: {  	v12 =	vsub.f32 v46, v12  }
0x2c2: {  	s23 =	sadd.s32 $0x20, s22;
	vm2 =	vge.s32 v11, v43;
	vm3 =	vle.s32 v11, v44  }
0x2c3: {  	s25 =	sshll.u32 s23, $0x2;
	vm2 =	vmand vm2, vm3;
	s24 =	sshll.u32 s23, $0x5;
	v11 =	vand.u32 $0x7FFFFFFF, v12  }
0x2c4: {  	s25 =	sand.u32 $0x1C0, s25;
	s24 =	sand.u32 $0xFFFFF000, s24;
	v11 =	vnsel vm2, $0x0, v11  }
0x2c5: {  	s24 =	sor.u32 s25, s24;
	v10 =	vadd.f32 v11, v10  }
0x2c6: {  	s24 =	sshra.s32 s24, $0x2;
	v11 =	vor.u32 s23, v0  }
0x2c7: {  	s25 =	sadd.s32 s21, s24;
	v47 =	vcvt.s32.f32 v11;
	[tilespmem:$0xC280] =	vst v10  }
0x2c8: {  	v48 =	vld [tilespmem:s25+$0xE80]  }
0x2c9: {  	v12 =	vmul.f32 v47, v40;
	_ =	sdelay $0x1  }
0x2ca: {  	v12 =	vsub.f32 v42, v12;
	_ =	sdelay $0x1  }
0x2cb: {  	v12 =	vsub.f32 v48, v12  }
0x2cc: {  	s23 =	sadd.s32 $0x30, s22;
	vm2 =	vge.s32 v11, v43;
	vm3 =	vle.s32 v11, v44  }
0x2cd: {  	s24 =	sshll.u32 s23, $0x5;
	vm2 =	vmand vm2, vm3;
	s25 =	sshll.u32 s23, $0x2;
	v11 =	vand.u32 $0x7FFFFFFF, v12  }
0x2ce: {  	s24 =	sand.u32 $0xFFFFF000, s24;
	s25 =	sand.u32 $0x1C0, s25;
	v11 =	vnsel vm2, $0x0, v11  }
0x2cf: {  	s24 =	sor.u32 s25, s24;
	v10 =	vadd.f32 v11, v10  }
0x2d0: {  	s24 =	sshra.s32 s24, $0x2;
	v11 =	vor.u32 s23, v0  }
0x2d1: {  	s24 =	sadd.s32 s21, s24;
	v49 =	vcvt.s32.f32 v11;
	[tilespmem:$0xC280] =	vst v10  }
0x2d2: {  	v50 =	vld [tilespmem:s24+$0xE80]  }
0x2d3: {  	v12 =	vmul.f32 v49, v40;
	_ =	sdelay $0x1  }
0x2d4: {  	v12 =	vsub.f32 v42, v12;
	_ =	sdelay $0x1  }
0x2d5: {  	v12 =	vsub.f32 v50, v12  }
0x2d6: {  	s23 =	sadd.s32 $0x40, s22;
	vm2 =	vge.s32 v11, v43;
	vm3 =	vle.s32 v11, v44  }
0x2d7: {  	s25 =	sshll.u32 s23, $0x2;
	vm2 =	vmand vm2, vm3;
	s24 =	sshll.u32 s23, $0x5;
	v11 =	vand.u32 $0x7FFFFFFF, v12  }
0x2d8: {  	s25 =	sand.u32 $0x1C0, s25;
	s24 =	sand.u32 $0xFFFFF000, s24;
	v11 =	vnsel vm2, $0x0, v11  }
0x2d9: {  	s24 =	sor.u32 s25, s24;
	v10 =	vadd.f32 v11, v10  }
0x2da: {  	s24 =	sshra.s32 s24, $0x2;
	v11 =	vor.u32 s23, v0  }
0x2db: {  	s25 =	sadd.s32 s21, s24;
	v51 =	vcvt.s32.f32 v11;
	[tilespmem:$0xC280] =	vst v10  }
0x2dc: {  	v52 =	vld [tilespmem:s25+$0xE80]  }
0x2dd: {  	(v2sf) =	vpush v9, $0x9;
	v12 =	vmul.f32 v51, v40;
	_ =	sdelay $0x1  }
0x2de: {  	v12 =	vsub.f32 v42, v12;
	_ =	sdelay $0x1  }
0x2df: {  	v12 =	vsub.f32 v52, v12  }
0x2e0: {  	s22 =	sadd.s32 $0x50, s22;
	vm2 =	vge.s32 v11, v43;
	vm3 =	vle.s32 v11, v44  }
0x2e1: {  	s24 =	sshll.u32 s22, $0x5;
	vm2 =	vmand vm2, vm3;
	s25 =	sshll.u32 s22, $0x2;
	v11 =	vand.u32 $0x7FFFFFFF, v12  }
0x2e2: {  	s23 =	sand.u32 $0xFFFFF000, s24;
	s24 =	sand.u32 $0x1C0, s25;
	v11 =	vnsel vm2, $0x0, v11  }
0x2e3: {  	s23 =	sor.u32 s24, s23;
	v10 =	vadd.f32 v11, v10  }
0x2e4: {  	s23 =	sshra.s32 s23, $0x2;
	v11 =	vor.u32 s22, v0  }
0x2e5: {  	s23 =	sadd.s32 s21, s23;
	v53 =	vcvt.s32.f32 v11;
	[tilespmem:$0xC280] =	vst v10  }
0x2e6: {  	v54 =	vld [tilespmem:s23+$0xE80]  }
0x2e7: {  	v12 =	vmul.f32 v53, v40;
	_ =	sdelay $0x1  }
0x2e8: {  	v12 =	vsub.f32 v42, v12  }
0x2e9: {  	s22 =	spop (v2sf)  }
0x2ea: {  	p1 =	slt.s32 s22, $0x12;
	v12 =	vsub.f32 v54, v12  }
0x2eb: {  	vm2 =	vge.s32 v11, v43;
	vm3 =	vle.s32 v11, v44;
	s22 =	simm.s32 @!p1 $0x12  }
0x2ec: {  	vm2 =	vmand vm2, vm3;
	s24 =	sshll.u32 s22, $0x9;
	s25 =	sand.u32 $0x7, s22;
	v11 =	vand.u32 $0x7FFFFFFF, v12  }
0x2ed: {  	s23 =	sand.u32 $0xFFFFF000, s24;
	s24 =	sshll.u32 s25, $0x6;
	v11 =	vnsel vm2, $0x0, v11  }
0x2ee: {  	s22 =	sshll.u32 s22, $0x4;
	s23 =	sor.u32 s24, s23;
	v10 =	vadd.f32 v11, v10  }
0x2ef: {  	s23 =	sshra.s32 s23, $0x2;
	v11 =	vor.u32 s22, v0  }
0x2f0: {  	v56 =	vbroadcast v6, $0x9;
	s23 =	sadd.s32 s21, s23;
	v55 =	vcvt.s32.f32 v11;
	[tilespmem:$0xC280] =	vst v10  }
0x2f1: {  	v57 =	vld [tilespmem:s23+$0xF00]  }
0x2f2: {  	v58 =	vbroadcast v7, $0x9;
	v12 =	vmul.f32 v55, v56;
	_ =	sdelay $0x1  }
0x2f3: {  	v12 =	vsub.f32 v58, v12  }
0x2f4: {  	v59 =	vbroadcast v5, $0x9;
	v60 =	vbroadcast v8, $0x9  }
0x2f5: {  	v12 =	vsub.f32 v57, v12  }
0x2f6: {  	vm2 =	vge.s32 v11, v59;
	vm3 =	vle.s32 v11, v60;
	s23 =	sadd.s32 $0x10, s22  }
0x2f7: {  	vm2 =	vmand vm2, vm3;
	s24 =	sshll.u32 s23, $0x5;
	s25 =	sshll.u32 s23, $0x2;
	v11 =	vand.u32 $0x7FFFFFFF, v12  }
0x2f8: {  	s24 =	sand.u32 $0xFFFFF000, s24;
	s25 =	sand.u32 $0x1C0, s25;
	v11 =	vnsel vm2, $0x0, v11  }
0x2f9: {  	s24 =	sor.u32 s25, s24;
	v10 =	vadd.f32 v11, v10  }
0x2fa: {  	s24 =	sshra.s32 s24, $0x2;
	v11 =	vor.u32 s23, v0  }
0x2fb: {  	s24 =	sadd.s32 s21, s24;
	v61 =	vcvt.s32.f32 v11;
	[tilespmem:$0xC280] =	vst v10  }
0x2fc: {  	v62 =	vld [tilespmem:s24+$0xF00]  }
0x2fd: {  	v12 =	vmul.f32 v61, v56;
	_ =	sdelay $0x1  }
0x2fe: {  	v12 =	vsub.f32 v58, v12;
	_ =	sdelay $0x1  }
0x2ff: {  	v12 =	vsub.f32 v62, v12  }
0x300: {  	s23 =	sadd.s32 $0x20, s22;
	vm2 =	vge.s32 v11, v59;
	vm3 =	vle.s32 v11, v60  }
0x301: {  	s25 =	sshll.u32 s23, $0x2;
	vm2 =	vmand vm2, vm3;
	s24 =	sshll.u32 s23, $0x5;
	v11 =	vand.u32 $0x7FFFFFFF, v12  }
0x302: {  	s25 =	sand.u32 $0x1C0, s25;
	s24 =	sand.u32 $0xFFFFF000, s24;
	v11 =	vnsel vm2, $0x0, v11  }
0x303: {  	s24 =	sor.u32 s25, s24;
	v10 =	vadd.f32 v11, v10  }
0x304: {  	s24 =	sshra.s32 s24, $0x2;
	v11 =	vor.u32 s23, v0  }
0x305: {  	s25 =	sadd.s32 s21, s24;
	v63 =	vcvt.s32.f32 v11;
	[tilespmem:$0xC280] =	vst v10  }
0x306: {  	v18 =	vld [tilespmem:s25+$0xF00]  }
0x307: {  	v12 =	vmul.f32 v63, v56;
	_ =	sdelay $0x1  }
0x308: {  	v12 =	vsub.f32 v58, v12;
	_ =	sdelay $0x1  }
0x309: {  	v12 =	vsub.f32 v18, v12  }
0x30a: {  	s23 =	sadd.s32 $0x30, s22;
	vm2 =	vge.s32 v11, v59;
	vm3 =	vle.s32 v11, v60  }
0x30b: {  	s24 =	sshll.u32 s23, $0x5;
	vm2 =	vmand vm2, vm3;
	s25 =	sshll.u32 s23, $0x2;
	v11 =	vand.u32 $0x7FFFFFFF, v12  }
0x30c: {  	s24 =	sand.u32 $0xFFFFF000, s24;
	s25 =	sand.u32 $0x1C0, s25;
	v11 =	vnsel vm2, $0x0, v11  }
0x30d: {  	s24 =	sor.u32 s25, s24;
	v10 =	vadd.f32 v11, v10  }
0x30e: {  	s24 =	sshra.s32 s24, $0x2;
	v11 =	vor.u32 s23, v0  }
0x30f: {  	s24 =	sadd.s32 s21, s24;
	v19 =	vcvt.s32.f32 v11;
	[tilespmem:$0xC280] =	vst v10  }
0x310: {  	v20 =	vld [tilespmem:s24+$0xF00]  }
0x311: {  	v12 =	vmul.f32 v19, v56;
	_ =	sdelay $0x1  }
0x312: {  	v12 =	vsub.f32 v58, v12;
	_ =	sdelay $0x1  }
0x313: {  	v12 =	vsub.f32 v20, v12  }
0x314: {  	s23 =	sadd.s32 $0x40, s22;
	vm2 =	vge.s32 v11, v59;
	vm3 =	vle.s32 v11, v60  }
0x315: {  	s25 =	sshll.u32 s23, $0x2;
	vm2 =	vmand vm2, vm3;
	s24 =	sshll.u32 s23, $0x5;
	v11 =	vand.u32 $0x7FFFFFFF, v12  }
0x316: {  	s25 =	sand.u32 $0x1C0, s25;
	s24 =	sand.u32 $0xFFFFF000, s24;
	v11 =	vnsel vm2, $0x0, v11  }
0x317: {  	s24 =	sor.u32 s25, s24;
	v10 =	vadd.f32 v11, v10  }
0x318: {  	s24 =	sshra.s32 s24, $0x2;
	v11 =	vor.u32 s23, v0  }
0x319: {  	s25 =	sadd.s32 s21, s24;
	v21 =	vcvt.s32.f32 v11;
	[tilespmem:$0xC280] =	vst v10  }
0x31a: {  	v22 =	vld [tilespmem:s25+$0xF00]  }
0x31b: {  	(v2sf) =	vpush v9, $0xA;
	v12 =	vmul.f32 v21, v56;
	_ =	sdelay $0x1  }
0x31c: {  	v12 =	vsub.f32 v58, v12;
	_ =	sdelay $0x1  }
0x31d: {  	v12 =	vsub.f32 v22, v12  }
0x31e: {  	s22 =	sadd.s32 $0x50, s22;
	vm2 =	vge.s32 v11, v59;
	vm3 =	vle.s32 v11, v60  }
0x31f: {  	s24 =	sshll.u32 s22, $0x5;
	vm2 =	vmand vm2, vm3;
	s25 =	sshll.u32 s22, $0x2;
	v11 =	vand.u32 $0x7FFFFFFF, v12  }
0x320: {  	s23 =	sand.u32 $0xFFFFF000, s24;
	s24 =	sand.u32 $0x1C0, s25;
	v11 =	vnsel vm2, $0x0, v11  }
0x321: {  	s23 =	sor.u32 s24, s23;
	v10 =	vadd.f32 v11, v10  }
0x322: {  	s23 =	sshra.s32 s23, $0x2;
	v11 =	vor.u32 s22, v0  }
0x323: {  	s23 =	sadd.s32 s21, s23;
	v23 =	vcvt.s32.f32 v11;
	[tilespmem:$0xC280] =	vst v10  }
0x324: {  	v24 =	vld [tilespmem:s23+$0xF00]  }
0x325: {  	v12 =	vmul.f32 v23, v56;
	_ =	sdelay $0x1  }
0x326: {  	v12 =	vsub.f32 v58, v12  }
0x327: {  	s22 =	spop (v2sf)  }
0x328: {  	p1 =	slt.s32 s22, $0x12;
	v12 =	vsub.f32 v24, v12  }
0x329: {  	vm2 =	vge.s32 v11, v59;
	vm3 =	vle.s32 v11, v60;
	s22 =	simm.s32 @!p1 $0x12  }
0x32a: {  	vm2 =	vmand vm2, vm3;
	s24 =	sshll.u32 s22, $0x9;
	s25 =	sand.u32 $0x7, s22;
	v11 =	vand.u32 $0x7FFFFFFF, v12  }
0x32b: {  	s23 =	sand.u32 $0xFFFFF000, s24;
	s24 =	sshll.u32 s25, $0x6;
	v11 =	vnsel vm2, $0x0, v11  }
0x32c: {  	s22 =	sshll.u32 s22, $0x4;
	s23 =	sor.u32 s24, s23;
	v10 =	vadd.f32 v11, v10  }
0x32d: {  	s23 =	sshra.s32 s23, $0x2;
	v11 =	vor.u32 s22, v0  }
0x32e: {  	v26 =	vbroadcast v6, $0xA;
	s23 =	sadd.s32 s21, s23;
	v25 =	vcvt.s32.f32 v11;
	[tilespmem:$0xC280] =	vst v10  }
0x32f: {  	v27 =	vld [tilespmem:s23+$0xF80]  }
0x330: {  	v28 =	vbroadcast v7, $0xA;
	v12 =	vmul.f32 v25, v26;
	_ =	sdelay $0x1  }
0x331: {  	v12 =	vsub.f32 v28, v12  }
0x332: {  	v29 =	vbroadcast v5, $0xA;
	v30 =	vbroadcast v8, $0xA  }
0x333: {  	v12 =	vsub.f32 v27, v12  }
0x334: {  	vm2 =	vge.s32 v11, v29;
	vm3 =	vle.s32 v11, v30;
	s23 =	sadd.s32 $0x10, s22  }
0x335: {  	vm2 =	vmand vm2, vm3;
	s24 =	sshll.u32 s23, $0x5;
	s25 =	sshll.u32 s23, $0x2;
	v11 =	vand.u32 $0x7FFFFFFF, v12  }
0x336: {  	s24 =	sand.u32 $0xFFFFF000, s24;
	s25 =	sand.u32 $0x1C0, s25;
	v11 =	vnsel vm2, $0x0, v11  }
0x337: {  	s24 =	sor.u32 s25, s24;
	v10 =	vadd.f32 v11, v10  }
0x338: {  	s24 =	sshra.s32 s24, $0x2;
	v11 =	vor.u32 s23, v0  }
0x339: {  	s24 =	sadd.s32 s21, s24;
	v31 =	vcvt.s32.f32 v11;
	[tilespmem:$0xC280] =	vst v10  }
0x33a: {  	v32 =	vld [tilespmem:s24+$0xF80]  }
0x33b: {  	v12 =	vmul.f32 v31, v26;
	_ =	sdelay $0x1  }
0x33c: {  	v12 =	vsub.f32 v28, v12;
	_ =	sdelay $0x1  }
0x33d: {  	v12 =	vsub.f32 v32, v12  }
0x33e: {  	s23 =	sadd.s32 $0x20, s22;
	vm2 =	vge.s32 v11, v29;
	vm3 =	vle.s32 v11, v30  }
0x33f: {  	s25 =	sshll.u32 s23, $0x2;
	vm2 =	vmand vm2, vm3;
	s24 =	sshll.u32 s23, $0x5;
	v11 =	vand.u32 $0x7FFFFFFF, v12  }
0x340: {  	s25 =	sand.u32 $0x1C0, s25;
	s24 =	sand.u32 $0xFFFFF000, s24;
	v11 =	vnsel vm2, $0x0, v11  }
0x341: {  	s24 =	sor.u32 s25, s24;
	v10 =	vadd.f32 v11, v10  }
0x342: {  	s24 =	sshra.s32 s24, $0x2;
	v11 =	vor.u32 s23, v0  }
0x343: {  	s25 =	sadd.s32 s21, s24;
	v33 =	vcvt.s32.f32 v11;
	[tilespmem:$0xC280] =	vst v10  }
0x344: {  	v34 =	vld [tilespmem:s25+$0xF80]  }
0x345: {  	v12 =	vmul.f32 v33, v26;
	_ =	sdelay $0x1  }
0x346: {  	v12 =	vsub.f32 v28, v12;
	_ =	sdelay $0x1  }
0x347: {  	v12 =	vsub.f32 v34, v12  }
0x348: {  	s23 =	sadd.s32 $0x30, s22;
	vm2 =	vge.s32 v11, v29;
	vm3 =	vle.s32 v11, v30  }
0x349: {  	s24 =	sshll.u32 s23, $0x5;
	vm2 =	vmand vm2, vm3;
	s25 =	sshll.u32 s23, $0x2;
	v11 =	vand.u32 $0x7FFFFFFF, v12  }
0x34a: {  	s24 =	sand.u32 $0xFFFFF000, s24;
	s25 =	sand.u32 $0x1C0, s25;
	v11 =	vnsel vm2, $0x0, v11  }
0x34b: {  	s24 =	sor.u32 s25, s24;
	v10 =	vadd.f32 v11, v10  }
0x34c: {  	s24 =	sshra.s32 s24, $0x2;
	v11 =	vor.u32 s23, v0  }
0x34d: {  	s24 =	sadd.s32 s21, s24;
	v35 =	vcvt.s32.f32 v11;
	[tilespmem:$0xC280] =	vst v10  }
0x34e: {  	v36 =	vld [tilespmem:s24+$0xF80]  }
0x34f: {  	v12 =	vmul.f32 v35, v26;
	_ =	sdelay $0x1  }
0x350: {  	v12 =	vsub.f32 v28, v12;
	_ =	sdelay $0x1  }
0x351: {  	v12 =	vsub.f32 v36, v12  }
0x352: {  	s23 =	sadd.s32 $0x40, s22;
	vm2 =	vge.s32 v11, v29;
	vm3 =	vle.s32 v11, v30  }
0x353: {  	s25 =	sshll.u32 s23, $0x2;
	vm2 =	vmand vm2, vm3;
	s24 =	sshll.u32 s23, $0x5;
	v11 =	vand.u32 $0x7FFFFFFF, v12  }
0x354: {  	s25 =	sand.u32 $0x1C0, s25;
	s24 =	sand.u32 $0xFFFFF000, s24;
	v11 =	vnsel vm2, $0x0, v11  }
0x355: {  	s24 =	sor.u32 s25, s24;
	v10 =	vadd.f32 v11, v10  }
0x356: {  	s24 =	sshra.s32 s24, $0x2;
	v11 =	vor.u32 s23, v0  }
0x357: {  	s25 =	sadd.s32 s21, s24;
	v37 =	vcvt.s32.f32 v11;
	[tilespmem:$0xC280] =	vst v10  }
0x358: {  	v38 =	vld [tilespmem:s25+$0xF80]  }
0x359: {  	(v2sf) =	vpush v9, $0xB;
	v12 =	vmul.f32 v37, v26;
	_ =	sdelay $0x1  }
0x35a: {  	v12 =	vsub.f32 v28, v12;
	_ =	sdelay $0x1  }
0x35b: {  	v12 =	vsub.f32 v38, v12  }
0x35c: {  	s22 =	sadd.s32 $0x50, s22;
	vm2 =	vge.s32 v11, v29;
	vm3 =	vle.s32 v11, v30  }
0x35d: {  	s24 =	sshll.u32 s22, $0x5;
	vm2 =	vmand vm2, vm3;
	s25 =	sshll.u32 s22, $0x2;
	v11 =	vand.u32 $0x7FFFFFFF, v12  }
0x35e: {  	s23 =	sand.u32 $0xFFFFF000, s24;
	s24 =	sand.u32 $0x1C0, s25;
	v11 =	vnsel vm2, $0x0, v11  }
0x35f: {  	s23 =	sor.u32 s24, s23;
	v10 =	vadd.f32 v11, v10  }
0x360: {  	s23 =	sshra.s32 s23, $0x2;
	v11 =	vor.u32 s22, v0  }
0x361: {  	s23 =	sadd.s32 s21, s23;
	v39 =	vcvt.s32.f32 v11;
	[tilespmem:$0xC280] =	vst v10  }
0x362: {  	v40 =	vld [tilespmem:s23+$0xF80]  }
0x363: {  	v12 =	vmul.f32 v39, v26;
	_ =	sdelay $0x1  }
0x364: {  	v12 =	vsub.f32 v28, v12  }
0x365: {  	s22 =	spop (v2sf)  }
0x366: {  	p1 =	slt.s32 s22, $0x12;
	v12 =	vsub.f32 v40, v12  }
0x367: {  	vm2 =	vge.s32 v11, v29;
	vm3 =	vle.s32 v11, v30;
	s22 =	simm.s32 @!p1 $0x12  }
0x368: {  	vm2 =	vmand vm2, vm3;
	s24 =	sshll.u32 s22, $0x9;
	s25 =	sand.u32 $0x7, s22;
	v11 =	vand.u32 $0x7FFFFFFF, v12  }
0x369: {  	s23 =	sand.u32 $0xFFFFF000, s24;
	s24 =	sshll.u32 s25, $0x6;
	v11 =	vnsel vm2, $0x0, v11  }
0x36a: {  	s22 =	sshll.u32 s22, $0x4;
	s23 =	sor.u32 s24, s23;
	v10 =	vadd.f32 v11, v10  }
0x36b: {  	s23 =	sshra.s32 s23, $0x2;
	v11 =	vor.u32 s22, v0  }
0x36c: {  	v42 =	vbroadcast v6, $0xB;
	s23 =	sadd.s32 s21, s23;
	v41 =	vcvt.s32.f32 v11;
	[tilespmem:$0xC280] =	vst v10  }
0x36d: {  	v43 =	vld [tilespmem:s23+$0x1000]  }
0x36e: {  	v44 =	vbroadcast v7, $0xB;
	v12 =	vmul.f32 v41, v42;
	_ =	sdelay $0x1  }
0x36f: {  	v12 =	vsub.f32 v44, v12  }
0x370: {  	v45 =	vbroadcast v5, $0xB;
	v46 =	vbroadcast v8, $0xB  }
0x371: {  	v12 =	vsub.f32 v43, v12  }
0x372: {  	vm2 =	vge.s32 v11, v45;
	vm3 =	vle.s32 v11, v46;
	s23 =	sadd.s32 $0x10, s22  }
0x373: {  	vm2 =	vmand vm2, vm3;
	s24 =	sshll.u32 s23, $0x5;
	s25 =	sshll.u32 s23, $0x2;
	v11 =	vand.u32 $0x7FFFFFFF, v12  }
0x374: {  	s24 =	sand.u32 $0xFFFFF000, s24;
	s25 =	sand.u32 $0x1C0, s25;
	v11 =	vnsel vm2, $0x0, v11  }
0x375: {  	s24 =	sor.u32 s25, s24;
	v10 =	vadd.f32 v11, v10  }
0x376: {  	s24 =	sshra.s32 s24, $0x2;
	v11 =	vor.u32 s23, v0  }
0x377: {  	s24 =	sadd.s32 s21, s24;
	v47 =	vcvt.s32.f32 v11;
	[tilespmem:$0xC280] =	vst v10  }
0x378: {  	v48 =	vld [tilespmem:s24+$0x1000]  }
0x379: {  	v12 =	vmul.f32 v47, v42;
	_ =	sdelay $0x1  }
0x37a: {  	v12 =	vsub.f32 v44, v12;
	_ =	sdelay $0x1  }
0x37b: {  	v12 =	vsub.f32 v48, v12  }
0x37c: {  	s23 =	sadd.s32 $0x20, s22;
	vm2 =	vge.s32 v11, v45;
	vm3 =	vle.s32 v11, v46  }
0x37d: {  	s25 =	sshll.u32 s23, $0x2;
	vm2 =	vmand vm2, vm3;
	s24 =	sshll.u32 s23, $0x5;
	v11 =	vand.u32 $0x7FFFFFFF, v12  }
0x37e: {  	s25 =	sand.u32 $0x1C0, s25;
	s24 =	sand.u32 $0xFFFFF000, s24;
	v11 =	vnsel vm2, $0x0, v11  }
0x37f: {  	s24 =	sor.u32 s25, s24;
	v10 =	vadd.f32 v11, v10  }
0x380: {  	s24 =	sshra.s32 s24, $0x2;
	v11 =	vor.u32 s23, v0  }
0x381: {  	s25 =	sadd.s32 s21, s24;
	v49 =	vcvt.s32.f32 v11;
	[tilespmem:$0xC280] =	vst v10  }
0x382: {  	v50 =	vld [tilespmem:s25+$0x1000]  }
0x383: {  	v12 =	vmul.f32 v49, v42;
	_ =	sdelay $0x1  }
0x384: {  	v12 =	vsub.f32 v44, v12;
	_ =	sdelay $0x1  }
0x385: {  	v12 =	vsub.f32 v50, v12  }
0x386: {  	s23 =	sadd.s32 $0x30, s22;
	vm2 =	vge.s32 v11, v45;
	vm3 =	vle.s32 v11, v46  }
0x387: {  	s24 =	sshll.u32 s23, $0x5;
	vm2 =	vmand vm2, vm3;
	s25 =	sshll.u32 s23, $0x2;
	v11 =	vand.u32 $0x7FFFFFFF, v12  }
0x388: {  	s24 =	sand.u32 $0xFFFFF000, s24;
	s25 =	sand.u32 $0x1C0, s25;
	v11 =	vnsel vm2, $0x0, v11  }
0x389: {  	s24 =	sor.u32 s25, s24;
	v10 =	vadd.f32 v11, v10  }
0x38a: {  	s24 =	sshra.s32 s24, $0x2;
	v11 =	vor.u32 s23, v0  }
0x38b: {  	s24 =	sadd.s32 s21, s24;
	v51 =	vcvt.s32.f32 v11;
	[tilespmem:$0xC280] =	vst v10  }
0x38c: {  	v52 =	vld [tilespmem:s24+$0x1000]  }
0x38d: {  	v12 =	vmul.f32 v51, v42;
	_ =	sdelay $0x1  }
0x38e: {  	v12 =	vsub.f32 v44, v12;
	_ =	sdelay $0x1  }
0x38f: {  	v12 =	vsub.f32 v52, v12  }
0x390: {  	s23 =	sadd.s32 $0x40, s22;
	vm2 =	vge.s32 v11, v45;
	vm3 =	vle.s32 v11, v46  }
0x391: {  	s25 =	sshll.u32 s23, $0x2;
	vm2 =	vmand vm2, vm3;
	s24 =	sshll.u32 s23, $0x5;
	v11 =	vand.u32 $0x7FFFFFFF, v12  }
0x392: {  	s25 =	sand.u32 $0x1C0, s25;
	s24 =	sand.u32 $0xFFFFF000, s24;
	v11 =	vnsel vm2, $0x0, v11  }
0x393: {  	s24 =	sor.u32 s25, s24;
	v10 =	vadd.f32 v11, v10  }
0x394: {  	s24 =	sshra.s32 s24, $0x2;
	v11 =	vor.u32 s23, v0  }
0x395: {  	s25 =	sadd.s32 s21, s24;
	v53 =	vcvt.s32.f32 v11;
	[tilespmem:$0xC280] =	vst v10  }
0x396: {  	v54 =	vld [tilespmem:s25+$0x1000]  }
0x397: {  	(v2sf) =	vpush v9, $0xC;
	v12 =	vmul.f32 v53, v42;
	_ =	sdelay $0x1  }
0x398: {  	v12 =	vsub.f32 v44, v12;
	_ =	sdelay $0x1  }
0x399: {  	v12 =	vsub.f32 v54, v12  }
0x39a: {  	s22 =	sadd.s32 $0x50, s22;
	vm2 =	vge.s32 v11, v45;
	vm3 =	vle.s32 v11, v46  }
0x39b: {  	s24 =	sshll.u32 s22, $0x5;
	vm2 =	vmand vm2, vm3;
	s25 =	sshll.u32 s22, $0x2;
	v11 =	vand.u32 $0x7FFFFFFF, v12  }
0x39c: {  	s23 =	sand.u32 $0xFFFFF000, s24;
	s24 =	sand.u32 $0x1C0, s25;
	v11 =	vnsel vm2, $0x0, v11  }
0x39d: {  	s23 =	sor.u32 s24, s23;
	v10 =	vadd.f32 v11, v10  }
0x39e: {  	s23 =	sshra.s32 s23, $0x2;
	v11 =	vor.u32 s22, v0  }
0x39f: {  	s23 =	sadd.s32 s21, s23;
	v55 =	vcvt.s32.f32 v11;
	[tilespmem:$0xC280] =	vst v10  }
0x3a0: {  	v56 =	vld [tilespmem:s23+$0x1000]  }
0x3a1: {  	v12 =	vmul.f32 v55, v42;
	_ =	sdelay $0x1  }
0x3a2: {  	v12 =	vsub.f32 v44, v12  }
0x3a3: {  	s22 =	spop (v2sf)  }
0x3a4: {  	p1 =	slt.s32 s22, $0x12;
	v12 =	vsub.f32 v56, v12  }
0x3a5: {  	vm2 =	vge.s32 v11, v45;
	vm3 =	vle.s32 v11, v46;
	s22 =	simm.s32 @!p1 $0x12  }
0x3a6: {  	vm2 =	vmand vm2, vm3;
	s24 =	sshll.u32 s22, $0x9;
	s25 =	sand.u32 $0x7, s22;
	v11 =	vand.u32 $0x7FFFFFFF, v12  }
0x3a7: {  	s23 =	sand.u32 $0xFFFFF000, s24;
	s24 =	sshll.u32 s25, $0x6;
	v11 =	vnsel vm2, $0x0, v11  }
0x3a8: {  	s22 =	sshll.u32 s22, $0x4;
	s23 =	sor.u32 s24, s23;
	v10 =	vadd.f32 v11, v10  }
0x3a9: {  	s23 =	sshra.s32 s23, $0x2;
	v11 =	vor.u32 s22, v0  }
0x3aa: {  	v58 =	vbroadcast v6, $0xC;
	s23 =	sadd.s32 s21, s23;
	v57 =	vcvt.s32.f32 v11;
	[tilespmem:$0xC280] =	vst v10  }
0x3ab: {  	v59 =	vld [tilespmem:s23+$0x1080]  }
0x3ac: {  	v60 =	vbroadcast v7, $0xC;
	v12 =	vmul.f32 v57, v58;
	_ =	sdelay $0x1  }
0x3ad: {  	v12 =	vsub.f32 v60, v12  }
0x3ae: {  	v61 =	vbroadcast v5, $0xC;
	v62 =	vbroadcast v8, $0xC  }
0x3af: {  	v12 =	vsub.f32 v59, v12  }
0x3b0: {  	vm2 =	vge.s32 v11, v61;
	vm3 =	vle.s32 v11, v62;
	s23 =	sadd.s32 $0x10, s22  }
0x3b1: {  	vm2 =	vmand vm2, vm3;
	s24 =	sshll.u32 s23, $0x5;
	s25 =	sshll.u32 s23, $0x2;
	v11 =	vand.u32 $0x7FFFFFFF, v12  }
0x3b2: {  	s24 =	sand.u32 $0xFFFFF000, s24;
	s25 =	sand.u32 $0x1C0, s25;
	v11 =	vnsel vm2, $0x0, v11  }
0x3b3: {  	s24 =	sor.u32 s25, s24;
	v10 =	vadd.f32 v11, v10  }
0x3b4: {  	s24 =	sshra.s32 s24, $0x2;
	v11 =	vor.u32 s23, v0  }
0x3b5: {  	s24 =	sadd.s32 s21, s24;
	v63 =	vcvt.s32.f32 v11;
	[tilespmem:$0xC280] =	vst v10  }
0x3b6: {  	v18 =	vld [tilespmem:s24+$0x1080]  }
0x3b7: {  	v12 =	vmul.f32 v63, v58;
	_ =	sdelay $0x1  }
0x3b8: {  	v12 =	vsub.f32 v60, v12;
	_ =	sdelay $0x1  }
0x3b9: {  	v12 =	vsub.f32 v18, v12  }
0x3ba: {  	s23 =	sadd.s32 $0x20, s22;
	vm2 =	vge.s32 v11, v61;
	vm3 =	vle.s32 v11, v62  }
0x3bb: {  	s25 =	sshll.u32 s23, $0x2;
	vm2 =	vmand vm2, vm3;
	s24 =	sshll.u32 s23, $0x5;
	v11 =	vand.u32 $0x7FFFFFFF, v12  }
0x3bc: {  	s25 =	sand.u32 $0x1C0, s25;
	s24 =	sand.u32 $0xFFFFF000, s24;
	v11 =	vnsel vm2, $0x0, v11  }
0x3bd: {  	s24 =	sor.u32 s25, s24;
	v10 =	vadd.f32 v11, v10  }
0x3be: {  	s24 =	sshra.s32 s24, $0x2;
	v11 =	vor.u32 s23, v0  }
0x3bf: {  	s25 =	sadd.s32 s21, s24;
	v19 =	vcvt.s32.f32 v11;
	[tilespmem:$0xC280] =	vst v10  }
0x3c0: {  	v20 =	vld [tilespmem:s25+$0x1080]  }
0x3c1: {  	v12 =	vmul.f32 v19, v58;
	_ =	sdelay $0x1  }
0x3c2: {  	v12 =	vsub.f32 v60, v12;
	_ =	sdelay $0x1  }
0x3c3: {  	v12 =	vsub.f32 v20, v12  }
0x3c4: {  	s23 =	sadd.s32 $0x30, s22;
	vm2 =	vge.s32 v11, v61;
	vm3 =	vle.s32 v11, v62  }
0x3c5: {  	s24 =	sshll.u32 s23, $0x5;
	vm2 =	vmand vm2, vm3;
	s25 =	sshll.u32 s23, $0x2;
	v11 =	vand.u32 $0x7FFFFFFF, v12  }
0x3c6: {  	s24 =	sand.u32 $0xFFFFF000, s24;
	s25 =	sand.u32 $0x1C0, s25;
	v11 =	vnsel vm2, $0x0, v11  }
0x3c7: {  	s24 =	sor.u32 s25, s24;
	v10 =	vadd.f32 v11, v10  }
0x3c8: {  	s24 =	sshra.s32 s24, $0x2;
	v11 =	vor.u32 s23, v0  }
0x3c9: {  	s24 =	sadd.s32 s21, s24;
	v21 =	vcvt.s32.f32 v11;
	[tilespmem:$0xC280] =	vst v10  }
0x3ca: {  	v22 =	vld [tilespmem:s24+$0x1080]  }
0x3cb: {  	v12 =	vmul.f32 v21, v58;
	_ =	sdelay $0x1  }
0x3cc: {  	v12 =	vsub.f32 v60, v12;
	_ =	sdelay $0x1  }
0x3cd: {  	v12 =	vsub.f32 v22, v12  }
0x3ce: {  	s23 =	sadd.s32 $0x40, s22;
	vm2 =	vge.s32 v11, v61;
	vm3 =	vle.s32 v11, v62  }
0x3cf: {  	s25 =	sshll.u32 s23, $0x2;
	vm2 =	vmand vm2, vm3;
	s24 =	sshll.u32 s23, $0x5;
	v11 =	vand.u32 $0x7FFFFFFF, v12  }
0x3d0: {  	s25 =	sand.u32 $0x1C0, s25;
	s24 =	sand.u32 $0xFFFFF000, s24;
	v11 =	vnsel vm2, $0x0, v11  }
0x3d1: {  	s24 =	sor.u32 s25, s24;
	v10 =	vadd.f32 v11, v10  }
0x3d2: {  	s24 =	sshra.s32 s24, $0x2;
	v11 =	vor.u32 s23, v0  }
0x3d3: {  	s25 =	sadd.s32 s21, s24;
	v23 =	vcvt.s32.f32 v11;
	[tilespmem:$0xC280] =	vst v10  }
0x3d4: {  	v24 =	vld [tilespmem:s25+$0x1080]  }
0x3d5: {  	(v2sf) =	vpush v9, $0xD;
	v12 =	vmul.f32 v23, v58;
	_ =	sdelay $0x1  }
0x3d6: {  	v12 =	vsub.f32 v60, v12;
	_ =	sdelay $0x1  }
0x3d7: {  	v12 =	vsub.f32 v24, v12  }
0x3d8: {  	s22 =	sadd.s32 $0x50, s22;
	vm2 =	vge.s32 v11, v61;
	vm3 =	vle.s32 v11, v62  }
0x3d9: {  	s24 =	sshll.u32 s22, $0x5;
	vm2 =	vmand vm2, vm3;
	s25 =	sshll.u32 s22, $0x2;
	v11 =	vand.u32 $0x7FFFFFFF, v12  }
0x3da: {  	s23 =	sand.u32 $0xFFFFF000, s24;
	s24 =	sand.u32 $0x1C0, s25;
	v11 =	vnsel vm2, $0x0, v11  }
0x3db: {  	s23 =	sor.u32 s24, s23;
	v10 =	vadd.f32 v11, v10  }
0x3dc: {  	s23 =	sshra.s32 s23, $0x2;
	v11 =	vor.u32 s22, v0  }
0x3dd: {  	s23 =	sadd.s32 s21, s23;
	v25 =	vcvt.s32.f32 v11;
	[tilespmem:$0xC280] =	vst v10  }
0x3de: {  	v26 =	vld [tilespmem:s23+$0x1080]  }
0x3df: {  	v12 =	vmul.f32 v25, v58;
	_ =	sdelay $0x1  }
0x3e0: {  	v12 =	vsub.f32 v60, v12  }
0x3e1: {  	s22 =	spop (v2sf)  }
0x3e2: {  	p1 =	slt.s32 s22, $0x12;
	v12 =	vsub.f32 v26, v12  }
0x3e3: {  	vm2 =	vge.s32 v11, v61;
	vm3 =	vle.s32 v11, v62;
	s22 =	simm.s32 @!p1 $0x12  }
0x3e4: {  	vm2 =	vmand vm2, vm3;
	s24 =	sshll.u32 s22, $0x9;
	s25 =	sand.u32 $0x7, s22;
	v11 =	vand.u32 $0x7FFFFFFF, v12  }
0x3e5: {  	s23 =	sand.u32 $0xFFFFF000, s24;
	s24 =	sshll.u32 s25, $0x6;
	v11 =	vnsel vm2, $0x0, v11  }
0x3e6: {  	s22 =	sshll.u32 s22, $0x4;
	s23 =	sor.u32 s24, s23;
	v10 =	vadd.f32 v11, v10  }
0x3e7: {  	s23 =	sshra.s32 s23, $0x2;
	v11 =	vor.u32 s22, v0  }
0x3e8: {  	v28 =	vbroadcast v6, $0xD;
	s23 =	sadd.s32 s21, s23;
	v27 =	vcvt.s32.f32 v11;
	[tilespmem:$0xC280] =	vst v10  }
0x3e9: {  	v29 =	vld [tilespmem:s23+$0x1100]  }
0x3ea: {  	v30 =	vbroadcast v7, $0xD;
	v12 =	vmul.f32 v27, v28;
	_ =	sdelay $0x1  }
0x3eb: {  	v12 =	vsub.f32 v30, v12  }
0x3ec: {  	v31 =	vbroadcast v5, $0xD;
	v32 =	vbroadcast v8, $0xD  }
0x3ed: {  	v12 =	vsub.f32 v29, v12  }
0x3ee: {  	vm2 =	vge.s32 v11, v31;
	vm3 =	vle.s32 v11, v32;
	s23 =	sadd.s32 $0x10, s22  }
0x3ef: {  	vm2 =	vmand vm2, vm3;
	s24 =	sshll.u32 s23, $0x5;
	s25 =	sshll.u32 s23, $0x2;
	v11 =	vand.u32 $0x7FFFFFFF, v12  }
0x3f0: {  	s24 =	sand.u32 $0xFFFFF000, s24;
	s25 =	sand.u32 $0x1C0, s25;
	v11 =	vnsel vm2, $0x0, v11  }
0x3f1: {  	s24 =	sor.u32 s25, s24;
	v10 =	vadd.f32 v11, v10  }
0x3f2: {  	s24 =	sshra.s32 s24, $0x2;
	v11 =	vor.u32 s23, v0  }
0x3f3: {  	s24 =	sadd.s32 s21, s24;
	v33 =	vcvt.s32.f32 v11;
	[tilespmem:$0xC280] =	vst v10  }
0x3f4: {  	v34 =	vld [tilespmem:s24+$0x1100]  }
0x3f5: {  	v12 =	vmul.f32 v33, v28;
	_ =	sdelay $0x1  }
0x3f6: {  	v12 =	vsub.f32 v30, v12;
	_ =	sdelay $0x1  }
0x3f7: {  	v12 =	vsub.f32 v34, v12  }
0x3f8: {  	s23 =	sadd.s32 $0x20, s22;
	vm2 =	vge.s32 v11, v31;
	vm3 =	vle.s32 v11, v32  }
0x3f9: {  	s25 =	sshll.u32 s23, $0x2;
	vm2 =	vmand vm2, vm3;
	s24 =	sshll.u32 s23, $0x5;
	v11 =	vand.u32 $0x7FFFFFFF, v12  }
0x3fa: {  	s25 =	sand.u32 $0x1C0, s25;
	s24 =	sand.u32 $0xFFFFF000, s24;
	v11 =	vnsel vm2, $0x0, v11  }
0x3fb: {  	s24 =	sor.u32 s25, s24;
	v10 =	vadd.f32 v11, v10  }
0x3fc: {  	s24 =	sshra.s32 s24, $0x2;
	v11 =	vor.u32 s23, v0  }
0x3fd: {  	s25 =	sadd.s32 s21, s24;
	v35 =	vcvt.s32.f32 v11;
	[tilespmem:$0xC280] =	vst v10  }
0x3fe: {  	v36 =	vld [tilespmem:s25+$0x1100]  }
0x3ff: {  	v12 =	vmul.f32 v35, v28;
	_ =	sdelay $0x1  }
0x400: {  	v12 =	vsub.f32 v30, v12;
	_ =	sdelay $0x1  }
0x401: {  	v12 =	vsub.f32 v36, v12  }
0x402: {  	s23 =	sadd.s32 $0x30, s22;
	vm2 =	vge.s32 v11, v31;
	vm3 =	vle.s32 v11, v32  }
0x403: {  	s24 =	sshll.u32 s23, $0x5;
	vm2 =	vmand vm2, vm3;
	s25 =	sshll.u32 s23, $0x2;
	v11 =	vand.u32 $0x7FFFFFFF, v12  }
0x404: {  	s24 =	sand.u32 $0xFFFFF000, s24;
	s25 =	sand.u32 $0x1C0, s25;
	v11 =	vnsel vm2, $0x0, v11  }
0x405: {  	s24 =	sor.u32 s25, s24;
	v10 =	vadd.f32 v11, v10  }
0x406: {  	s24 =	sshra.s32 s24, $0x2;
	v11 =	vor.u32 s23, v0  }
0x407: {  	s24 =	sadd.s32 s21, s24;
	v37 =	vcvt.s32.f32 v11;
	[tilespmem:$0xC280] =	vst v10  }
0x408: {  	v38 =	vld [tilespmem:s24+$0x1100]  }
0x409: {  	v12 =	vmul.f32 v37, v28;
	_ =	sdelay $0x1  }
0x40a: {  	v12 =	vsub.f32 v30, v12;
	_ =	sdelay $0x1  }
0x40b: {  	v12 =	vsub.f32 v38, v12  }
0x40c: {  	s23 =	sadd.s32 $0x40, s22;
	vm2 =	vge.s32 v11, v31;
	vm3 =	vle.s32 v11, v32  }
0x40d: {  	s25 =	sshll.u32 s23, $0x2;
	vm2 =	vmand vm2, vm3;
	s24 =	sshll.u32 s23, $0x5;
	v11 =	vand.u32 $0x7FFFFFFF, v12  }
0x40e: {  	s25 =	sand.u32 $0x1C0, s25;
	s24 =	sand.u32 $0xFFFFF000, s24;
	v11 =	vnsel vm2, $0x0, v11  }
0x40f: {  	s24 =	sor.u32 s25, s24;
	v10 =	vadd.f32 v11, v10  }
0x410: {  	s24 =	sshra.s32 s24, $0x2;
	v11 =	vor.u32 s23, v0  }
0x411: {  	s25 =	sadd.s32 s21, s24;
	v39 =	vcvt.s32.f32 v11;
	[tilespmem:$0xC280] =	vst v10  }
0x412: {  	v40 =	vld [tilespmem:s25+$0x1100]  }
0x413: {  	(v2sf) =	vpush v9, $0xE;
	v12 =	vmul.f32 v39, v28;
	_ =	sdelay $0x1  }
0x414: {  	v12 =	vsub.f32 v30, v12;
	_ =	sdelay $0x1  }
0x415: {  	v12 =	vsub.f32 v40, v12  }
0x416: {  	s22 =	sadd.s32 $0x50, s22;
	vm2 =	vge.s32 v11, v31;
	vm3 =	vle.s32 v11, v32  }
0x417: {  	s24 =	sshll.u32 s22, $0x5;
	vm2 =	vmand vm2, vm3;
	s25 =	sshll.u32 s22, $0x2;
	v11 =	vand.u32 $0x7FFFFFFF, v12  }
0x418: {  	s23 =	sand.u32 $0xFFFFF000, s24;
	s24 =	sand.u32 $0x1C0, s25;
	v11 =	vnsel vm2, $0x0, v11  }
0x419: {  	s23 =	sor.u32 s24, s23;
	v10 =	vadd.f32 v11, v10  }
0x41a: {  	s23 =	sshra.s32 s23, $0x2;
	v11 =	vor.u32 s22, v0  }
0x41b: {  	s23 =	sadd.s32 s21, s23;
	v41 =	vcvt.s32.f32 v11;
	[tilespmem:$0xC280] =	vst v10  }
0x41c: {  	v42 =	vld [tilespmem:s23+$0x1100]  }
0x41d: {  	v12 =	vmul.f32 v41, v28;
	_ =	sdelay $0x1  }
0x41e: {  	v12 =	vsub.f32 v30, v12  }
0x41f: {  	s22 =	spop (v2sf)  }
0x420: {  	p1 =	slt.s32 s22, $0x12;
	v12 =	vsub.f32 v42, v12  }
0x421: {  	vm2 =	vge.s32 v11, v31;
	vm3 =	vle.s32 v11, v32;
	s22 =	simm.s32 @!p1 $0x12  }
0x422: {  	vm2 =	vmand vm2, vm3;
	s24 =	sshll.u32 s22, $0x9;
	s25 =	sand.u32 $0x7, s22;
	v11 =	vand.u32 $0x7FFFFFFF, v12  }
0x423: {  	s23 =	sand.u32 $0xFFFFF000, s24;
	s24 =	sshll.u32 s25, $0x6;
	v11 =	vnsel vm2, $0x0, v11  }
0x424: {  	s22 =	sshll.u32 s22, $0x4;
	s23 =	sor.u32 s24, s23;
	v10 =	vadd.f32 v11, v10  }
0x425: {  	s23 =	sshra.s32 s23, $0x2;
	v11 =	vor.u32 s22, v0  }
0x426: {  	v44 =	vbroadcast v6, $0xE;
	s23 =	sadd.s32 s21, s23;
	v43 =	vcvt.s32.f32 v11;
	[tilespmem:$0xC280] =	vst v10  }
0x427: {  	v45 =	vld [tilespmem:s23+$0x1180]  }
0x428: {  	v46 =	vbroadcast v7, $0xE;
	v12 =	vmul.f32 v43, v44;
	_ =	sdelay $0x1  }
0x429: {  	v12 =	vsub.f32 v46, v12  }
0x42a: {  	v47 =	vbroadcast v5, $0xE;
	v48 =	vbroadcast v8, $0xE  }
0x42b: {  	v12 =	vsub.f32 v45, v12  }
0x42c: {  	vm2 =	vge.s32 v11, v47;
	vm3 =	vle.s32 v11, v48;
	s23 =	sadd.s32 $0x10, s22  }
0x42d: {  	vm2 =	vmand vm2, vm3;
	s24 =	sshll.u32 s23, $0x5;
	s25 =	sshll.u32 s23, $0x2;
	v11 =	vand.u32 $0x7FFFFFFF, v12  }
0x42e: {  	s24 =	sand.u32 $0xFFFFF000, s24;
	s25 =	sand.u32 $0x1C0, s25;
	v11 =	vnsel vm2, $0x0, v11  }
0x42f: {  	s24 =	sor.u32 s25, s24;
	v10 =	vadd.f32 v11, v10  }
0x430: {  	s24 =	sshra.s32 s24, $0x2;
	v11 =	vor.u32 s23, v0  }
0x431: {  	s24 =	sadd.s32 s21, s24;
	v49 =	vcvt.s32.f32 v11;
	[tilespmem:$0xC280] =	vst v10  }
0x432: {  	v50 =	vld [tilespmem:s24+$0x1180]  }
0x433: {  	v12 =	vmul.f32 v49, v44;
	_ =	sdelay $0x1  }
0x434: {  	v12 =	vsub.f32 v46, v12;
	_ =	sdelay $0x1  }
0x435: {  	v12 =	vsub.f32 v50, v12  }
0x436: {  	s23 =	sadd.s32 $0x20, s22;
	vm2 =	vge.s32 v11, v47;
	vm3 =	vle.s32 v11, v48  }
0x437: {  	s25 =	sshll.u32 s23, $0x2;
	vm2 =	vmand vm2, vm3;
	s24 =	sshll.u32 s23, $0x5;
	v11 =	vand.u32 $0x7FFFFFFF, v12  }
0x438: {  	s25 =	sand.u32 $0x1C0, s25;
	s24 =	sand.u32 $0xFFFFF000, s24;
	v11 =	vnsel vm2, $0x0, v11  }
0x439: {  	s24 =	sor.u32 s25, s24;
	v10 =	vadd.f32 v11, v10  }
0x43a: {  	s24 =	sshra.s32 s24, $0x2;
	v11 =	vor.u32 s23, v0  }
0x43b: {  	s25 =	sadd.s32 s21, s24;
	v51 =	vcvt.s32.f32 v11;
	[tilespmem:$0xC280] =	vst v10  }
0x43c: {  	v52 =	vld [tilespmem:s25+$0x1180]  }
0x43d: {  	v12 =	vmul.f32 v51, v44;
	_ =	sdelay $0x1  }
0x43e: {  	v12 =	vsub.f32 v46, v12;
	_ =	sdelay $0x1  }
0x43f: {  	v12 =	vsub.f32 v52, v12  }
0x440: {  	s23 =	sadd.s32 $0x30, s22;
	vm2 =	vge.s32 v11, v47;
	vm3 =	vle.s32 v11, v48  }
0x441: {  	s24 =	sshll.u32 s23, $0x5;
	vm2 =	vmand vm2, vm3;
	s25 =	sshll.u32 s23, $0x2;
	v11 =	vand.u32 $0x7FFFFFFF, v12  }
0x442: {  	s24 =	sand.u32 $0xFFFFF000, s24;
	s25 =	sand.u32 $0x1C0, s25;
	v11 =	vnsel vm2, $0x0, v11  }
0x443: {  	s24 =	sor.u32 s25, s24;
	v10 =	vadd.f32 v11, v10  }
0x444: {  	s24 =	sshra.s32 s24, $0x2;
	v11 =	vor.u32 s23, v0  }
0x445: {  	s24 =	sadd.s32 s21, s24;
	v53 =	vcvt.s32.f32 v11;
	[tilespmem:$0xC280] =	vst v10  }
0x446: {  	v54 =	vld [tilespmem:s24+$0x1180]  }
0x447: {  	v12 =	vmul.f32 v53, v44;
	_ =	sdelay $0x1  }
0x448: {  	v12 =	vsub.f32 v46, v12;
	_ =	sdelay $0x1  }
0x449: {  	v12 =	vsub.f32 v54, v12  }
0x44a: {  	s23 =	sadd.s32 $0x40, s22;
	vm2 =	vge.s32 v11, v47;
	vm3 =	vle.s32 v11, v48  }
0x44b: {  	s25 =	sshll.u32 s23, $0x2;
	vm2 =	vmand vm2, vm3;
	s24 =	sshll.u32 s23, $0x5;
	v11 =	vand.u32 $0x7FFFFFFF, v12  }
0x44c: {  	s25 =	sand.u32 $0x1C0, s25;
	s24 =	sand.u32 $0xFFFFF000, s24;
	v11 =	vnsel vm2, $0x0, v11  }
0x44d: {  	s24 =	sor.u32 s25, s24;
	v10 =	vadd.f32 v11, v10  }
0x44e: {  	s24 =	sshra.s32 s24, $0x2;
	v11 =	vor.u32 s23, v0  }
0x44f: {  	s25 =	sadd.s32 s21, s24;
	v55 =	vcvt.s32.f32 v11;
	[tilespmem:$0xC280] =	vst v10  }
0x450: {  	v56 =	vld [tilespmem:s25+$0x1180]  }
0x451: {  	(v2sf) =	vpush v9, $0xF;
	v9 =	vmul.f32 v55, v44;
	_ =	sdelay $0x1  }
0x452: {  	v9 =	vsub.f32 v46, v9;
	_ =	sdelay $0x1  }
0x453: {  	v9 =	vsub.f32 v56, v9  }
0x454: {  	s22 =	sadd.s32 $0x50, s22;
	vm2 =	vge.s32 v11, v47;
	vm3 =	vle.s32 v11, v48  }
0x455: {  	s24 =	sshll.u32 s22, $0x5;
	vm2 =	vmand vm2, vm3;
	s25 =	sshll.u32 s22, $0x2;
	v9 =	vand.u32 $0x7FFFFFFF, v9  }
0x456: {  	s23 =	sand.u32 $0xFFFFF000, s24;
	s24 =	sand.u32 $0x1C0, s25;
	v9 =	vnsel vm2, $0x0, v9  }
0x457: {  	s23 =	sor.u32 s24, s23;
	v9 =	vadd.f32 v9, v10  }
0x458: {  	s23 =	sshra.s32 s23, $0x2;
	v10 =	vor.u32 s22, v0  }
0x459: {  	s23 =	sadd.s32 s21, s23;
	v11 =	vcvt.s32.f32 v10;
	[tilespmem:$0xC280] =	vst v9  }
0x45a: {  	v57 =	vld [tilespmem:s23+$0x1180]  }
0x45b: {  	v11 =	vmul.f32 v11, v44;
	_ =	sdelay $0x1  }
0x45c: {  	v11 =	vsub.f32 v46, v11  }
0x45d: {  	s22 =	spop (v2sf)  }
0x45e: {  	p1 =	slt.s32 s22, $0x12;
	v11 =	vsub.f32 v57, v11  }
0x45f: {  	vm2 =	vge.s32 v10, v47;
	vm3 =	vle.s32 v10, v48;
	s22 =	simm.s32 @!p1 $0x12  }
0x460: {  	vm2 =	vmand vm2, vm3;
	s24 =	sshll.u32 s22, $0x9;
	s25 =	sand.u32 $0x7, s22;
	v10 =	vand.u32 $0x7FFFFFFF, v11  }
0x461: {  	s23 =	sand.u32 $0xFFFFF000, s24;
	s24 =	sshll.u32 s25, $0x6;
	v10 =	vnsel vm2, $0x0, v10  }
0x462: {  	s22 =	sshll.u32 s22, $0x4;
	s23 =	sor.u32 s24, s23;
	v9 =	vadd.f32 v10, v9  }
0x463: {  	s23 =	sshra.s32 s23, $0x2;
	v10 =	vor.u32 s22, v0  }
0x464: {  	v6 =	vbroadcast v6, $0xF;
	s23 =	sadd.s32 s21, s23;
	v11 =	vcvt.s32.f32 v10;
	[tilespmem:$0xC280] =	vst v9  }
0x465: {  	v58 =	vld [tilespmem:s23+$0x1200]  }
0x466: {  	v7 =	vbroadcast v7, $0xF;
	v11 =	vmul.f32 v11, v6;
	_ =	sdelay $0x1  }
0x467: {  	v11 =	vsub.f32 v7, v11  }
0x468: {  	v5 =	vbroadcast v5, $0xF;
	v8 =	vbroadcast v8, $0xF  }
0x469: {  	v11 =	vsub.f32 v58, v11  }
0x46a: {  	vm2 =	vge.s32 v10, v5;
	vm3 =	vle.s32 v10, v8;
	s23 =	sadd.s32 $0x10, s22  }
0x46b: {  	vm2 =	vmand vm2, vm3;
	s24 =	sshll.u32 s23, $0x5;
	s25 =	sshll.u32 s23, $0x2;
	v10 =	vand.u32 $0x7FFFFFFF, v11  }
0x46c: {  	s24 =	sand.u32 $0xFFFFF000, s24;
	s25 =	sand.u32 $0x1C0, s25;
	v10 =	vnsel vm2, $0x0, v10  }
0x46d: {  	s24 =	sor.u32 s25, s24;
	v9 =	vadd.f32 v10, v9  }
0x46e: {  	s24 =	sshra.s32 s24, $0x2;
	v10 =	vor.u32 s23, v0  }
0x46f: {  	s24 =	sadd.s32 s21, s24;
	v11 =	vcvt.s32.f32 v10;
	[tilespmem:$0xC280] =	vst v9  }
0x470: {  	v59 =	vld [tilespmem:s24+$0x1200]  }
0x471: {  	v11 =	vmul.f32 v11, v6;
	_ =	sdelay $0x1  }
0x472: {  	v11 =	vsub.f32 v7, v11;
	_ =	sdelay $0x1  }
0x473: {  	v11 =	vsub.f32 v59, v11  }
0x474: {  	s23 =	sadd.s32 $0x20, s22;
	vm2 =	vge.s32 v10, v5;
	vm3 =	vle.s32 v10, v8  }
0x475: {  	s25 =	sshll.u32 s23, $0x2;
	vm2 =	vmand vm2, vm3;
	s24 =	sshll.u32 s23, $0x5;
	v10 =	vand.u32 $0x7FFFFFFF, v11  }
0x476: {  	s25 =	sand.u32 $0x1C0, s25;
	s24 =	sand.u32 $0xFFFFF000, s24;
	v10 =	vnsel vm2, $0x0, v10  }
0x477: {  	s24 =	sor.u32 s25, s24;
	v9 =	vadd.f32 v10, v9  }
0x478: {  	s24 =	sshra.s32 s24, $0x2;
	v10 =	vor.u32 s23, v0  }
0x479: {  	s25 =	sadd.s32 s21, s24;
	v11 =	vcvt.s32.f32 v10;
	[tilespmem:$0xC280] =	vst v9  }
0x47a: {  	v60 =	vld [tilespmem:s25+$0x1200]  }
0x47b: {  	v11 =	vmul.f32 v11, v6;
	_ =	sdelay $0x1  }
0x47c: {  	v11 =	vsub.f32 v7, v11;
	_ =	sdelay $0x1  }
0x47d: {  	v11 =	vsub.f32 v60, v11  }
0x47e: {  	s23 =	sadd.s32 $0x30, s22;
	vm2 =	vge.s32 v10, v5;
	vm3 =	vle.s32 v10, v8  }
0x47f: {  	s24 =	sshll.u32 s23, $0x5;
	vm2 =	vmand vm2, vm3;
	s25 =	sshll.u32 s23, $0x2;
	v10 =	vand.u32 $0x7FFFFFFF, v11  }
0x480: {  	s24 =	sand.u32 $0xFFFFF000, s24;
	s25 =	sand.u32 $0x1C0, s25;
	v10 =	vnsel vm2, $0x0, v10  }
0x481: {  	s24 =	sor.u32 s25, s24;
	v9 =	vadd.f32 v10, v9  }
0x482: {  	s24 =	sshra.s32 s24, $0x2;
	v10 =	vor.u32 s23, v0  }
0x483: {  	s24 =	sadd.s32 s21, s24;
	v11 =	vcvt.s32.f32 v10;
	[tilespmem:$0xC280] =	vst v9  }
0x484: {  	v61 =	vld [tilespmem:s24+$0x1200]  }
0x485: {  	v11 =	vmul.f32 v11, v6;
	_ =	sdelay $0x1  }
0x486: {  	v11 =	vsub.f32 v7, v11;
	_ =	sdelay $0x1  }
0x487: {  	v11 =	vsub.f32 v61, v11  }
0x488: {  	s23 =	sadd.s32 $0x40, s22;
	vm2 =	vge.s32 v10, v5;
	vm3 =	vle.s32 v10, v8  }
0x489: {  	s25 =	sshll.u32 s23, $0x2;
	vm2 =	vmand vm2, vm3;
	s24 =	sshll.u32 s23, $0x5;
	v10 =	vand.u32 $0x7FFFFFFF, v11  }
0x48a: {  	s25 =	sand.u32 $0x1C0, s25;
	s24 =	sand.u32 $0xFFFFF000, s24;
	v10 =	vnsel vm2, $0x0, v10  }
0x48b: {  	s24 =	sor.u32 s25, s24;
	v9 =	vadd.f32 v10, v9  }
0x48c: {  	s24 =	sshra.s32 s24, $0x2;
	v10 =	vor.u32 s23, v0  }
0x48d: {  	s25 =	sadd.s32 s21, s24;
	v11 =	vcvt.s32.f32 v10;
	[tilespmem:$0xC280] =	vst v9  }
0x48e: {  	v62 =	vld [tilespmem:s25+$0x1200]  }
0x48f: {  	v11 =	vmul.f32 v11, v6;
	_ =	sdelay $0x1  }
0x490: {  	v11 =	vsub.f32 v7, v11;
	_ =	sdelay $0x1  }
0x491: {  	v11 =	vsub.f32 v62, v11  }
0x492: {  	s22 =	sadd.s32 $0x50, s22;
	vm2 =	vge.s32 v10, v5;
	vm3 =	vle.s32 v10, v8  }
0x493: {  	s24 =	sshll.u32 s22, $0x5;
	vm2 =	vmand vm2, vm3;
	s25 =	sshll.u32 s22, $0x2;
	v10 =	vand.u32 $0x7FFFFFFF, v11  }
0x494: {  	s23 =	sand.u32 $0xFFFFF000, s24;
	s24 =	sand.u32 $0x1C0, s25;
	v10 =	vnsel vm2, $0x0, v10  }
0x495: {  	s23 =	sor.u32 s24, s23;
	v9 =	vadd.f32 v10, v9  }
0x496: {  	s23 =	sshra.s32 s23, $0x2;
	v10 =	vor.u32 s22, v0  }
0x497: {  	s21 =	sadd.s32 s21, s23;
	v11 =	vcvt.s32.f32 v10;
	[tilespmem:$0xC280] =	vst v9  }
0x498: {  	v63 =	vld [tilespmem:s21+$0x1200]  }
0x499: {  	v6 =	vmul.f32 v11, v6;
	_ =	sdelay $0x1  }
0x49a: {  	v6 =	vsub.f32 v7, v6;
	_ =	sdelay $0x1  }
0x49b: {  	v6 =	vsub.f32 v63, v6  }
0x49c: {  	p1 =	sne.s32 s19, $0x2A000;
	vm2 =	vge.s32 v10, v5;
	vm3 =	vle.s32 v10, v8  }
.Ltmp5:
0x49d: {  	vm2 =	vmand vm2, vm3;
	v5 =	vand.u32 $0x7FFFFFFF, v6;
	(pc) =	sbr.rel @p1 .LBB2_4-.Ltmp5, $3  }
0x49e: {  	v5 =	vnsel vm2, $0x0, v5  }
0x49f: {  	v10 =	vadd.f32 v5, v9;
	_ =	sdelay $0x1  }
0x4a0: {  	s20 =	sadd.s32 $0x10, s20;
	s19 =	sadd.s32 $0x6000, s19;
	[tilespmem:$0xC280] =	vst v10  }
.Ltmp6:
0x4a1: {  	_ = 	snop;
	(pc) =	sbr.rel .LBB2_5-.Ltmp6, $1  }
0x4a2: {  	_ =	sdelay $0x3  }
.LBB2_7:
0x4a3: {  	_ =	sfence.sel $0x180000  }
0x4a4: {  	[bflag:$0x0] =	sbarrier.arrive $0xFFFF  }
0x4a5: {  	_ =	strace $0x90000047  }
0x4a6: {  	s0 =	stileid.u32;
	[bflag:$0x2] =	sbarrier.arrive $0xFFFF  }
0x4a7: {  	p0 =	sne.s32 s0, $0x0;
	s0 =	rddreg [dreg:$0x2]  }
0x4a8: {  	s0 =	sadd.s32 @!p0 $0x100000, s0  }
0x4a9: {  	[sflag:s0] =	ssyncadd.tile.s32 @!p0 $0x1;
	_ =	shalt  }
.Lfunc_end2:
_tile_overlayer_lowered:
.L_overlay_start_2:
0x4aa: {  	(tag) =	ssettag $0x2  }
0x4ab: {  	s0 =	rddreg [dreg:$0x0];
	s2 =	stileid.u32  }
0x4ac: {  	s1 =	rddreg [dreg:$0x1];
	p0 =	sne.s32 s2, $0x0  }
0x4ad: {  	s3 =	rddreg [dreg:$0x2];
	[bflag:$0x3] =	sbarrier.arrive $0xFFFF;
	s2 =	simm.s32 @!p0 $0x1C01  }
0x4ae: {  	[timem:s3], [sflag:s2] =	dma.local @!p0 [hbm:s0], s1  }
0x4af: {  	s0 =	simm.s32 @!p0 $0x1  }
0x4b0: {  	_ =	swait.ge @!p0 [sflag:s0], s1  }
0x4b1: {  	s1 =	ssub.s32 @!p0 $0x0, s1;
	[sflag:s0] =	ssyncset.done @!p0 $0x0  }
0x4b2: {  	[sflag:s0] =	ssyncadd.s32 @!p0 s1  }
0x4b3: {  	[bflag:$0x3] =	sbarrier.arrive $0xFFFF  }
0x4b4: {  	_ =	shalt  }

</sc_bundles>
